<compile_context>
chip_gen: v7x
topology: tpu7x:2x2x1
jax: 0.10.2.dev20260603
libtpu: 0.0.44.dev20260713+nightly
codegen_flags: <defaults>
</compile_context>

<pallas_src>
import functools
import jax
import jax.numpy as jnp
import numpy as np
from jax import lax
from jax.experimental import pallas as pl
from jax.experimental.pallas import tpu as pltpu
from jax.experimental.pallas import tpu_sc as plsc

DIM = 128
NUM_ENT = 10000
NUM_REL = 200
N_TRIPLES = 160000
BSZ = 16
MAX_ACTIVE = 400
THRES = 0.7
L = 16
ENT_CHUNKS = NUM_ENT // L
SLOT_CHUNKS = MAX_ACTIVE // L
CAP = 512
NEG = np.float32(-3.0e38)

def _lanes():
  return lax.broadcasted_iota(jnp.int32, (L,), 0)


def _select_and_gather(src_v, r0_v, r1_v, kbf_hbm, act_v, c_v, s0_v, nb_v,
                       tri_v, sem,
                       sub_v, obj_v, rel_v, lesub_v, epsub_v, valid_v,
                       with_ep):
  lane = _lanes()
  zero_chunk = jnp.zeros((L,), jnp.int32)

  def zero_act(c, _):
    for u in range(8):
      act_v[pl.ds((c * 8 + u) * L, L)] = zero_chunk
    return 0

  lax.fori_loop(0, CAP // L // 8, zero_act, 0)

  head = src_v[pl.ds(0, L)]
  src_v[pl.ds(0, L)] = jnp.where(lane == 0, -1.0, head)

  nb_v[pl.ds(0, L)] = zero_chunk

  GRP = 8
  NGRP = ENT_CHUNKS // GRP

  def compact_chunk(c, _):
    v = src_v[pl.ds(c * L, L)]
    m = v > THRES

    @pl.when(jnp.any(m))
    def _():
      mi = m.astype(jnp.int32)
      na0 = nb_v[pl.ds(0, L)][0]
      cnt = plsc.all_reduce_population_count(m)
      pos = na0 + plsc.cumsum(mi) - 1
      plsc.store_scatter(act_v, [pos], c * L + lane, mask=m)
      nb_v[pl.ds(0, L)] = na0 + cnt

    return 0

  def group_body(g, _):
    base = g * GRP
    ms = [src_v[pl.ds((base + u) * L, L)] > THRES for u in range(GRP)]
    acc = ms[0]
    for u in range(1, GRP):
      acc = acc | ms[u]

    @pl.when(jnp.any(acc))
    def _():
      lax.fori_loop(base, base + GRP, compact_chunk, 0)

    return 0

  lax.fori_loop(0, NGRP, group_body, 0)
  lax.fori_loop(NGRP * GRP, ENT_CHUNKS, compact_chunk, 0)
  na = nb_v[pl.ds(0, L)][0]

  @pl.when(na == 0)
  def _():
    def fb_body(c, carry):
      best, bestidx = carry
      v = src_v[pl.ds(c * L, L)]
      cmax = jnp.max(v)
      carg = jnp.min(jnp.where(v == cmax, c * L + lane, np.int32(2 ** 30)))
      better = cmax > best
      return (jnp.where(better, cmax, best),
              jnp.where(better, carg, bestidx))

    _, bestidx = lax.fori_loop(0, ENT_CHUNKS, fb_body, (NEG, np.int32(1)))
    act_v[pl.ds(0, L)] = jnp.full((L,), bestidx, jnp.int32)

  k = jnp.maximum(na, 1)
  nk = lax.div(k + (L - 1), L)

  def rng_body(j, tot):
    gi = j * L + lane
    lm = gi < k
    e = act_v[pl.ds(j * L, L)]
    r0 = plsc.load_gather(r0_v, [e])
    r1 = plsc.load_gather(r1_v, [e])
    ln = jnp.where(lm, r1 - r0, 0)
    inc = plsc.cumsum(ln)
    cex = tot + inc - ln
    room = jnp.maximum(MAX_ACTIVE - cex, 0)
    cl = jnp.minimum(ln, room)
    c_v[pl.ds(j * L, L)] = cex
    s0_v[pl.ds(j * L, L)] = r0
    nb_v[pl.ds(j * L, L)] = lax.div(cl + (L - 1), L)
    return tot + jnp.max(inc)

  total = lax.fori_loop(0, nk, rng_body, np.int32(0))
  count = jnp.minimum(total, MAX_ACTIVE)

  def ent_body(j, nd):
    nb = nb_v[pl.ds(j, L)][0]
    c0 = c_v[pl.ds(j, L)][0]
    s0 = s0_v[pl.ds(j, L)][0]

    def blk(q, nd2):
      pltpu.async_copy(kbf_hbm.at[pl.ds((s0 + q * L) * 8, 128)],
                       tri_v.at[pl.ds((c0 + q * L) * 8, 128)], sem)
      return nd2 + 1

    return lax.fori_loop(0, nb, blk, nd)

  ndma = lax.fori_loop(0, k, ent_body, np.int32(0))

  def drain(_, x):
    pltpu.make_async_copy(kbf_hbm.at[pl.ds(0, 128)],
                          tri_v.at[pl.ds(0, 128)], sem).wait()
    return x

  lax.fori_loop(0, ndma, drain, 0)

  def col_body(s, _):
    p = (s * L + lane) * 8
    sub = jnp.clip(plsc.load_gather(tri_v, [p]), 0, NUM_ENT - 1)
    obj = jnp.clip(plsc.load_gather(tri_v, [p + 1]), 0, NUM_ENT - 1)
    rel = jnp.clip(plsc.load_gather(tri_v, [p + 2]), 0, NUM_REL - 1)
    sub_v[pl.ds(s * L, L)] = sub
    obj_v[pl.ds(s * L, L)] = obj
    rel_v[pl.ds(s * L, L)] = rel
    sv = plsc.load_gather(src_v, [sub])
    if with_ep:
      epsub_v[pl.ds(s * L, L)] = sv
      lesub_v[pl.ds(s * L, L)] = jnp.minimum(sv, 1.0)
    else:
      lesub_v[pl.ds(s * L, L)] = sv
    valid_v[pl.ds(s * L, L)] = ((s * L + lane) < count).astype(jnp.float32)
    return 0

  lax.fori_loop(0, SLOT_CHUNKS, col_body, 0)


def _scatter_ep(ep_v, objrow_v, objprow_v):
  zf = jnp.zeros((L,), jnp.float32)

  def zb(c, _):
    for u in range(5):
      ep_v[pl.ds((c * 5 + u) * L, L)] = zf
    return 0

  lax.fori_loop(0, ENT_CHUNKS // 5, zb, 0)

  def sc_body(s, _):
    o = objrow_v[pl.ds(s * L, L)]
    p = objprow_v[pl.ds(s * L, L)]
    plsc.addupdate_scatter(ep_v, [o], p)
    return 0

  lax.fori_loop(0, SLOT_CHUNKS, sc_body, 0)


@functools.lru_cache(maxsize=1)
def _build_sc_kernels():
  mesh = plsc.VectorSubcoreMesh(core_axis_name="c", subcore_axis_name="s")
  cp = pltpu.CompilerParams(needs_layout_passes=False)
  sel_scratch = [
      pltpu.VMEM((NUM_ENT,), jnp.float32),
      pltpu.VMEM((NUM_ENT,), jnp.int32),
      pltpu.VMEM((NUM_ENT,), jnp.int32),
      pltpu.VMEM((CAP,), jnp.int32),
      pltpu.VMEM((CAP,), jnp.int32),
      pltpu.VMEM((CAP,), jnp.int32),
      pltpu.VMEM((CAP,), jnp.int32),
      pltpu.VMEM((CAP * 8,), jnp.int32),
      pltpu.VMEM((MAX_ACTIVE,), jnp.int32),
      pltpu.VMEM((MAX_ACTIVE,), jnp.int32),
      pltpu.VMEM((MAX_ACTIVE,), jnp.int32),
      pltpu.VMEM((MAX_ACTIVE,), jnp.float32),
      pltpu.VMEM((MAX_ACTIVE,), jnp.float32),
      pltpu.VMEM((MAX_ACTIVE,), jnp.float32),
      pltpu.VMEM((MAX_ACTIVE,), jnp.float32),
      pltpu.SemaphoreType.DMA,
  ]
  rows_i = jax.ShapeDtypeStruct((BSZ, MAX_ACTIVE), jnp.int32)
  rows_f = jax.ShapeDtypeStruct((BSZ, MAX_ACTIVE), jnp.float32)

  def out_rows(i, pairs):
    for vec, hbm in pairs:
      pltpu.sync_copy(vec, hbm.at[i])

  @functools.partial(
      pl.kernel, mesh=mesh,
      out_type=(rows_i, rows_i, rows_i, rows_f, rows_f),
      scratch_types=sel_scratch, compiler_params=cp)
  def sc1(start_hbm, r0_hbm, r1_hbm, kbf_hbm,
          sub_o, obj_o, rel_o, lesub_o, valid_o,
          src_v, r0_v, r1_v, act_v, c_v, s0_v, nb_v, tri_v,
          sub_v, obj_v, rel_v, lesub_v, epsub_v, objprow_v, valid_v, sem):
    wid = lax.axis_index("s") * 2 + lax.axis_index("c")

    @pl.when(wid < BSZ)
    def _():
      cp0 = pltpu.async_copy(r0_hbm, r0_v, sem)
      cp1 = pltpu.async_copy(r1_hbm, r1_v, sem)
      pltpu.sync_copy(start_hbm.at[wid], src_v)
      cp0.wait()
      cp1.wait()
      _select_and_gather(src_v, r0_v, r1_v, kbf_hbm, act_v, c_v, s0_v, nb_v,
                         tri_v, sem,
                         sub_v, obj_v, rel_v, lesub_v, epsub_v, valid_v,
                         with_ep=False)
      out_rows(wid, [(sub_v, sub_o), (obj_v, obj_o), (rel_v, rel_o),
                     (lesub_v, lesub_o), (valid_v, valid_o)])

  @functools.partial(
      pl.kernel, mesh=mesh,
      out_type=(rows_i, rows_i, rows_i, rows_f, rows_f, rows_f),
      scratch_types=sel_scratch + [pltpu.VMEM((MAX_ACTIVE,), jnp.int32)],
      compiler_params=cp)
  def sc2(obj_hbm, objp_hbm, r0_hbm, r1_hbm, kbf_hbm,
          sub_o, obj_o, rel_o, lesub_o, epsub_o, valid_o,
          src_v, r0_v, r1_v, act_v, c_v, s0_v, nb_v, tri_v,
          sub_v, obj_v, rel_v, lesub_v, epsub_v, objprow_v, valid_v, sem,
          pobj_v):
    wid = lax.axis_index("s") * 2 + lax.axis_index("c")

    @pl.when(wid < BSZ)
    def _():
      cp0 = pltpu.async_copy(r0_hbm, r0_v, sem)
      cp1 = pltpu.async_copy(r1_hbm, r1_v, sem)
      pltpu.sync_copy(obj_hbm.at[wid], pobj_v)
      pltpu.sync_copy(objp_hbm.at[wid], objprow_v)
      _scatter_ep(src_v, pobj_v, objprow_v)
      cp0.wait()
      cp1.wait()
      _select_and_gather(src_v, r0_v, r1_v, kbf_hbm, act_v, c_v, s0_v, nb_v,
                         tri_v, sem,
                         sub_v, obj_v, rel_v, lesub_v, epsub_v, valid_v,
                         with_ep=True)
      out_rows(wid, [(sub_v, sub_o), (obj_v, obj_o), (rel_v, rel_o),
                     (lesub_v, lesub_o), (epsub_v, epsub_o),
                     (valid_v, valid_o)])

  @functools.partial(
      pl.kernel, mesh=mesh,
      out_type=jax.ShapeDtypeStruct((BSZ, NUM_ENT), jnp.float32),
      scratch_types=[
          pltpu.VMEM((NUM_ENT,), jnp.float32),
          pltpu.VMEM((MAX_ACTIVE,), jnp.int32),
          pltpu.VMEM((MAX_ACTIVE,), jnp.float32),
      ], compiler_params=cp)
  def sc3(obj_hbm, objp_hbm, out_hbm, ep_v, objrow_v, objprow_v):
    wid = lax.axis_index("s") * 2 + lax.axis_index("c")

    @pl.when(wid < BSZ)
    def _():
      pltpu.sync_copy(obj_hbm.at[wid], objrow_v)
      pltpu.sync_copy(objp_hbm.at[wid], objprow_v)
      _scatter_ep(ep_v, objrow_v, objprow_v)

      def norm_body(c, _):
        for u in range(5):
          o = (c * 5 + u) * L
          ep_v[pl.ds(o, L)] = jnp.minimum(ep_v[pl.ds(o, L)], 1.0)
        return 0

      lax.fori_loop(0, ENT_CHUNKS // 5, norm_body, 0)
      pltpu.sync_copy(ep_v, out_hbm.at[wid])

  return sc1, sc2, sc3


def _gates(gi, gh):
  i_r, i_z, i_n = gi[:, :DIM], gi[:, DIM:2 * DIM], gi[:, 2 * DIM:]
  h_r, h_z, h_n = gh[:, :DIM], gh[:, DIM:2 * DIM], gh[:, 2 * DIM:]
  r = jax.nn.sigmoid(i_r + h_r)
  z = jax.nn.sigmoid(i_z + h_z)
  n = jnp.tanh(i_n + r * h_n)
  return z, n


def _tc1_body(rel_ref, lesub_ref, valid_ref, q1h_ref,
              rel_emb_ref, W_ih_ref, b_ih_ref, b_hh_ref,
              sw_ref, sb_ref, clsw_ref, clsb_ref,
              objp_ref, feat_ref):
  rel = rel_ref[0, 0]
  oh = (rel[:, None] ==
        lax.broadcasted_iota(jnp.int32, (MAX_ACTIVE, NUM_REL), 1)
        ).astype(jnp.float32)
  rel_feat = jnp.dot(oh, rel_emb_ref[...],
                     preferred_element_type=jnp.float32)
  gi = jnp.dot(rel_feat, W_ih_ref[...],
               preferred_element_type=jnp.float32) + b_ih_ref[...]
  gh = jnp.broadcast_to(b_hh_ref[...], (MAX_ACTIVE, 3 * DIM))
  z, n = _gates(gi, gh)
  trans = (1.0 - z) * n
  qe = jnp.dot(q1h_ref[0], rel_emb_ref[...],
               preferred_element_type=jnp.float32)
  cq = jnp.tanh(jnp.dot(qe, sw_ref[...],
                        preferred_element_type=jnp.float32) + sb_ref[...])
  logit = jnp.sum(trans * cq * clsw_ref[...], axis=1) + clsb_ref[0, 0]
  prob = jax.nn.sigmoid(logit)
  obj_p = lesub_ref[0, 0] * prob * valid_ref[0, 0]
  objp_ref[0, 0] = obj_p
  feat_ref[0] = trans * obj_p[:, None]


def _tc2_body(rel_ref, sub_ref, lesub_ref, epsub_ref, valid_ref,
              pobj_ref, pfeat_ref, q1h_ref,
              rel_emb_ref, W_ih_ref, W_hh_ref, b_ih_ref, b_hh_ref,
              sw_ref, sb_ref, clsw_ref, clsb_ref,
              objp_ref):
  rel = rel_ref[0, 0]
  oh = (rel[:, None] ==
        lax.broadcasted_iota(jnp.int32, (MAX_ACTIVE, NUM_REL), 1)
        ).astype(jnp.float32)
  rel_feat = jnp.dot(oh, rel_emb_ref[...],
                     preferred_element_type=jnp.float32)
  gi = jnp.dot(rel_feat, W_ih_ref[...],
               preferred_element_type=jnp.float32) + b_ih_ref[...]
  mask = (sub_ref[0, 0][:, None] == pobj_ref[0, 0][None, :]
          ).astype(jnp.float32)
  S = jnp.dot(mask, pfeat_ref[0], preferred_element_type=jnp.float32)
  h = S / (epsub_ref[0, 0][:, None] + 1e-6)
  gh = jnp.dot(h, W_hh_ref[...],
               preferred_element_type=jnp.float32) + b_hh_ref[...]
  z, n = _gates(gi, gh)
  trans = (1.0 - z) * n + z * h
  qe = jnp.dot(q1h_ref[0], rel_emb_ref[...],
               preferred_element_type=jnp.float32)
  cq = jnp.tanh(jnp.dot(qe, sw_ref[...],
                        preferred_element_type=jnp.float32) + sb_ref[...])
  logit = jnp.sum(trans * cq * clsw_ref[...], axis=1) + clsb_ref[0, 0]
  prob = jax.nn.sigmoid(logit)
  objp_ref[0, 0] = lesub_ref[0, 0] * prob * valid_ref[0, 0]


def _i3(x):
  return x.reshape(BSZ, 1, MAX_ACTIVE)


_B3 = lambda: pl.BlockSpec((1, 1, MAX_ACTIVE), lambda i: (i, 0, 0))
_BQ = lambda: pl.BlockSpec((1, 1, NUM_REL), lambda i: (i, 0, 0))
_BW = lambda shape: pl.BlockSpec(shape, lambda i: tuple(0 for _ in shape))


def kernel(start, query, kb_triple, kb_range, rel_emb, step_W, step_b,
           cls_W, cls_b, W_ih, W_hh, b_ih, b_hh):
  f32 = jnp.float32
  kbf = jnp.pad(kb_triple.astype(jnp.int32), ((0, 16), (0, 5))).reshape(-1)
  r0 = kb_range[:, 0].astype(jnp.int32)
  r1 = kb_range[:, 1].astype(jnp.int32)
  q1h = (query[:, None].astype(jnp.int32) ==
         jnp.arange(NUM_REL, dtype=jnp.int32)[None, :]).astype(f32)
  q1h = q1h.reshape(BSZ, 1, NUM_REL)
  b_ih2 = b_ih.reshape(1, 3 * DIM).astype(f32)
  b_hh2 = b_hh.reshape(1, 3 * DIM).astype(f32)
  clsw = cls_W.reshape(1, DIM).astype(f32)
  clsb = cls_b.reshape(1, 1).astype(f32)
  sb = step_b.reshape(2, 1, DIM).astype(f32)
  _sc1, _sc2, _sc3 = _build_sc_kernels()

  sub1, obj1, rel1, lesub1, valid1 = _sc1(start.astype(f32), r0, r1, kbf)

  tc1 = pl.pallas_call(
      _tc1_body,
      grid=(BSZ,),
      in_specs=[_B3(), _B3(), _B3(), _BQ(),
                _BW((NUM_REL, DIM)), _BW((DIM, 3 * DIM)), _BW((1, 3 * DIM)),
                _BW((1, 3 * DIM)), _BW((DIM, DIM)), _BW((1, DIM)),
                _BW((1, DIM)), _BW((1, 1))],
      out_specs=[_B3(), pl.BlockSpec((1, MAX_ACTIVE, DIM), lambda i: (i, 0, 0))],
      out_shape=[jax.ShapeDtypeStruct((BSZ, 1, MAX_ACTIVE), f32),
                 jax.ShapeDtypeStruct((BSZ, MAX_ACTIVE, DIM), f32)],
  )
  objp1, feat1 = tc1(_i3(rel1), _i3(lesub1), _i3(valid1), q1h,
                     rel_emb.astype(f32), W_ih.astype(f32).T, b_ih2, b_hh2,
                     step_W[0].astype(f32), sb[0], clsw, clsb)

  sub2, obj2, rel2, lesub2, epsub2, valid2 = _sc2(
      obj1, objp1.reshape(BSZ, MAX_ACTIVE), r0, r1, kbf)

  tc2 = pl.pallas_call(
      _tc2_body,
      grid=(BSZ,),
      in_specs=[_B3(), _B3(), _B3(), _B3(), _B3(), _B3(),
                pl.BlockSpec((1, MAX_ACTIVE, DIM), lambda i: (i, 0, 0)), _BQ(),
                _BW((NUM_REL, DIM)), _BW((DIM, 3 * DIM)), _BW((DIM, 3 * DIM)),
                _BW((1, 3 * DIM)), _BW((1, 3 * DIM)),
                _BW((DIM, DIM)), _BW((1, DIM)), _BW((1, DIM)), _BW((1, 1))],
      out_specs=[_B3()],
      out_shape=[jax.ShapeDtypeStruct((BSZ, 1, MAX_ACTIVE), f32)],
  )
  (objp2,) = tc2(_i3(rel2), _i3(sub2), _i3(lesub2), _i3(epsub2), _i3(valid2),
                 _i3(obj1), feat1, q1h,
                 rel_emb.astype(f32), W_ih.astype(f32).T, W_hh.astype(f32).T,
                 b_ih2, b_hh2, step_W[1].astype(f32), sb[1], clsw, clsb)

  return _sc3(obj2, objp2.reshape(BSZ, MAX_ACTIVE))

# --- scband reference (transcript-rebuilt; emitter-appended) ---
"""Pipeline reference for scband-transfer-net-89395449299190 (READ-ONLY COPY).

The authoritative reference and input builder live on the scoring server;
editing this copy changes nothing except your own understanding.
"""

import jax, jax.numpy as jnp
import numpy as np

DIM = 128
NUM_STEPS = 2
NUM_ENT = 10000
NUM_REL = 200
N_TRIPLES = 160000
BSZ = 16
ENT_ACT_THRES = 0.7
MAX_ACTIVE = 400


def _gru_step(x, h, W_ih, W_hh, b_ih, b_hh):
    # PyTorch GRU cell, one step: x [n, D] input, h [n, D] hidden
    gi = x @ W_ih.T + b_ih
    gh = h @ W_hh.T + b_hh
    i_r, i_z, i_n = jnp.split(gi, 3, axis=-1)
    h_r, h_z, h_n = jnp.split(gh, 3, axis=-1)
    r = jax.nn.sigmoid(i_r + h_r)
    z = jax.nn.sigmoid(i_z + h_z)
    n = jnp.tanh(i_n + r * h_n)
    return (1.0 - z) * n + z * h


def setup_inputs(seed: int = 0):
    rng = np.random.default_rng(0)
    # KB triples sorted by subject; every entity has at least one outgoing triple
    sub = np.concatenate([np.arange(NUM_ENT), rng.integers(0, NUM_ENT, N_TRIPLES - NUM_ENT)])
    sub = np.sort(sub).astype(np.int64)
    obj = rng.integers(0, NUM_ENT, N_TRIPLES).astype(np.int64)
    rel = rng.integers(0, NUM_REL, N_TRIPLES).astype(np.int64)
    kb_triple = np.stack([sub, obj, rel], axis=1)
    ar = np.arange(NUM_ENT)
    kb_range = np.stack([np.searchsorted(sub, ar, 'left'),
                         np.searchsorted(sub, ar, 'right')], axis=1).astype(np.int64)
    start_idx = rng.integers(1, NUM_ENT, BSZ)
    start = np.zeros((BSZ, NUM_ENT), np.float32)
    start[np.arange(BSZ), start_idx] = 1.0
    query = rng.integers(0, NUM_REL, BSZ).astype(np.int64)

    key = jax.random.key(seed)
    ks = jax.random.split(key, 8)
    std = 1.0 / np.sqrt(DIM)
    kai = np.sqrt(2.0 / DIM)
    return {
        'start': jnp.asarray(start),
        'query': jnp.asarray(query),
        'kb_triple': jnp.asarray(kb_triple),
        'kb_range': jnp.asarray(kb_range),
        'rel_emb': jax.random.normal(ks[0], (NUM_REL, DIM), jnp.float32) * std,
        'step_W': jax.random.normal(ks[1], (NUM_STEPS, DIM, DIM), jnp.float32) * kai,
        'step_b': jnp.zeros((NUM_STEPS, DIM), jnp.float32),
        'cls_W': jax.random.normal(ks[2], (DIM, 1), jnp.float32) * kai,
        'cls_b': jnp.zeros((1,), jnp.float32),
        'W_ih': jax.random.normal(ks[3], (3 * DIM, DIM), jnp.float32) * std,
        'W_hh': jax.random.normal(ks[4], (3 * DIM, DIM), jnp.float32) * std,
        'b_ih': jnp.zeros((3 * DIM,), jnp.float32),
        'b_hh': jnp.zeros((3 * DIM,), jnp.float32),
    }


def _active_triple_idx(le, kb_range):
    # per-example active-entity selection, fixed-shape masked form
    act = (le > ENT_ACT_THRES).at[0].set(False)
    has = jnp.any(act)
    pad0 = jnp.argmax(le)
    le_no0 = jnp.where(jnp.arange(NUM_ENT) == 0, -jnp.inf, le)
    pad = jnp.where(pad0 == 0, jnp.argmax(le_no0), pad0)
    fallback = jnp.zeros((NUM_ENT,), jnp.bool_).at[pad].set(True)
    active = jnp.where(has, act, fallback).astype(jnp.int32)
    # disjoint ascending subject ranges -> membership mask via boundary scatter + cumsum
    delta = jnp.zeros((N_TRIPLES + 1,), jnp.int32)
    delta = delta.at[kb_range[:, 0]].add(active).at[kb_range[:, 1]].add(-active)
    tri_mask = jnp.cumsum(delta)[:N_TRIPLES] > 0
    pos = jnp.cumsum(tri_mask.astype(jnp.int32)) - 1
    write = tri_mask & (pos < MAX_ACTIVE)
    idx = jnp.zeros((MAX_ACTIVE,), kb_range.dtype).at[
        jnp.where(write, pos, MAX_ACTIVE)].set(jnp.arange(N_TRIPLES, dtype=kb_range.dtype))
    count = jnp.minimum(pos[-1] + 1, MAX_ACTIVE)
    valid = jnp.arange(MAX_ACTIVE) < count
    return idx, valid


def reference(start, query, kb_triple, kb_range, rel_emb, step_W, step_b,
              cls_W, cls_b, W_ih, W_hh, b_ih, b_hh):
    # eval-mode forward (training-time direct-link masking disabled); returns e_score
    bsz = start.shape[0]
    last_e = start
    q_emb = rel_emb[query]  # embedding lookup
    hist_emb = jnp.zeros((bsz, NUM_ENT, DIM), jnp.float32)
    for t in range(NUM_STEPS):
        cq_t = jnp.tanh(q_emb @ step_W[t] + step_b[t])
        e_stack, hist_stack = [], []
        for i in range(bsz):
            idx, valid = _active_triple_idx(last_e[i], kb_range)
            triples = kb_triple[idx]
            sub, obj, rel = triples[:, 0], triples[:, 1], triples[:, 2]
            sub_feat = hist_emb[i][sub]                      # gather
            rel_feat = rel_emb[rel]                          # gather
            trans_feat = _gru_step(rel_feat, sub_feat, W_ih, W_hh, b_ih, b_hh)
            trans_prob = jax.nn.sigmoid((trans_feat * cq_t[i:i + 1]) @ cls_W + cls_b)[:, 0]
            obj_p = last_e[i][sub] * trans_prob * valid.astype(jnp.float32)
            obj_ep = jnp.zeros((NUM_ENT,), jnp.float32).at[obj].add(obj_p)      # scatter-add
            obj_feat = trans_feat * obj_p[:, None]
            new_hist = jnp.zeros((NUM_ENT, DIM), jnp.float32).at[obj].add(obj_feat)
            new_hist = new_hist / (obj_ep[:, None] + 1e-06)
            e_stack.append(obj_ep)
            hist_stack.append(new_hist)
        last_e = jnp.stack(e_stack, axis=0)
        hist_emb = jnp.stack(hist_stack, axis=0)
        m = (last_e > 1.0).astype(jnp.float32)
        z = jax.lax.stop_gradient(m * last_e + (1.0 - m))
        last_e = last_e / z
    return last_e

if __name__ == "__main__":
    import jax
    _d = setup_inputs()
    print(jax.jit(kernel)(*tuple(_d.values())))

</pallas_src>

<mosaic_0001>
#map = affine_map<(d0, d1) -> (0, 0)>
#map1 = affine_map<(d0, d1) -> (0)>
module attributes {stable_mosaic.version = 14 : i64} {
  func.func @sc1(%arg0: i32, %arg1: i32, %arg2: memref<16x10000xf32, #tpu.memory_space<hbm>>, %arg3: memref<10000xi32, #tpu.memory_space<hbm>>, %arg4: memref<10000xi32, #tpu.memory_space<hbm>>, %arg5: memref<1280128xi32, #tpu.memory_space<hbm>>, %arg6: memref<16x400xi32, #tpu.memory_space<hbm>>, %arg7: memref<16x400xi32, #tpu.memory_space<hbm>>, %arg8: memref<16x400xi32, #tpu.memory_space<hbm>>, %arg9: memref<16x400xf32, #tpu.memory_space<hbm>>, %arg10: memref<16x400xf32, #tpu.memory_space<hbm>>, %arg11: memref<10000xf32, #tpu.memory_space<vmem>>, %arg12: memref<10000xi32, #tpu.memory_space<vmem>>, %arg13: memref<10000xi32, #tpu.memory_space<vmem>>, %arg14: memref<512xi32, #tpu.memory_space<vmem>>, %arg15: memref<512xi32, #tpu.memory_space<vmem>>, %arg16: memref<512xi32, #tpu.memory_space<vmem>>, %arg17: memref<512xi32, #tpu.memory_space<vmem>>, %arg18: memref<4096xi32, #tpu.memory_space<vmem>>, %arg19: memref<400xi32, #tpu.memory_space<vmem>>, %arg20: memref<400xi32, #tpu.memory_space<vmem>>, %arg21: memref<400xi32, #tpu.memory_space<vmem>>, %arg22: memref<400xf32, #tpu.memory_space<vmem>>, %arg23: memref<400xf32, #tpu.memory_space<vmem>>, %arg24: memref<400xf32, #tpu.memory_space<vmem>>, %arg25: memref<400xf32, #tpu.memory_space<vmem>>, %arg26: memref<!tpu.dma_semaphore, #tpu.memory_space<semaphore_mem>>) attributes {dimension_semantics = [#tpu.dimension_semantics<core_parallel>, #tpu.dimension_semantics<subcore_parallel>], iteration_bounds = array<i64: 2, 16>, scalar_prefetch = 0 : i64, scratch_operands = 16 : i64, tpu.core_type = #tpu.core_type<sc_vector_subcore>, window_params = [{transform_indices = #map}, {transform_indices = #map1}, {transform_indices = #map1}, {transform_indices = #map1}, {transform_indices = #map}, {transform_indices = #map}, {transform_indices = #map}, {transform_indices = #map}, {transform_indices = #map}]} {
    %mul3A = arith.constant 2 : i32
    %mul3A_0 = arith.muli %arg1, %mul3A : i32
    %add3A = arith.addi %mul3A_0, %arg0 : i32
    %lt3A = arith.constant 16 : i32
    %lt3A_1 = arith.cmpi slt, %add3A, %lt3A : i32
    %convert_element_type3A = arith.extui %lt3A_1 : i1 to i32
    %cond3A = arith.constant 0 : i32
    %cond3A_2 = arith.cmpi ne, %convert_element_type3A, %cond3A : i32
    scf.if %cond3A_2 {
      tpu.enqueue_dma source(%arg3 : memref<10000xi32, #tpu.memory_space<hbm>>) target(%arg12 : memref<10000xi32, #tpu.memory_space<vmem>>) target_semaphore(%arg26 : memref<!tpu.dma_semaphore, #tpu.memory_space<semaphore_mem>>)
      tpu.enqueue_dma source(%arg4 : memref<10000xi32, #tpu.memory_space<hbm>>) target(%arg13 : memref<10000xi32, #tpu.memory_space<vmem>>) target_semaphore(%arg26 : memref<!tpu.dma_semaphore, #tpu.memory_space<semaphore_mem>>)
      "tpu.region"() ({
        %run_scoped3A = tpu.sem_alloc : memref<!tpu.dma_semaphore, #tpu.memory_space<semaphore_mem>>
        %dma_start3A = arith.constant 0 : i32
        %dma_start3A_99 = tpu.memref_slice %arg2[%add3A, %dma_start3A] : memref<16x10000xf32, #tpu.memory_space<hbm>> -> memref<1x10000xf32, #tpu.memory_space<hbm>>
        %dma_start3A_100 = tpu.memref_squeeze %dma_start3A_99 : memref<1x10000xf32, #tpu.memory_space<hbm>> -> memref<10000xf32, #tpu.memory_space<hbm>>
        %dma_start3A_101 = arith.constant 0 : i32
        %dma_start3A_102 = tpu.memref_slice %arg2[%add3A, %dma_start3A_101] : memref<16x10000xf32, #tpu.memory_space<hbm>> -> memref<1x10000xf32, #tpu.memory_space<hbm>>
        %dma_start3A_103 = tpu.memref_squeeze %dma_start3A_102 : memref<1x10000xf32, #tpu.memory_space<hbm>> -> memref<10000xf32, #tpu.memory_space<hbm>>
        tpu.enqueue_dma source(%dma_start3A_103 : memref<10000xf32, #tpu.memory_space<hbm>>) target(%arg11 : memref<10000xf32, #tpu.memory_space<vmem>>) target_semaphore(%run_scoped3A : memref<!tpu.dma_semaphore, #tpu.memory_space<semaphore_mem>>)
        %dma_wait3A = arith.constant 0 : i32
        %dma_wait3A_104 = tpu.memref_slice %arg2[%add3A, %dma_wait3A] : memref<16x10000xf32, #tpu.memory_space<hbm>> -> memref<1x10000xf32, #tpu.memory_space<hbm>>
        %dma_wait3A_105 = tpu.memref_squeeze %dma_wait3A_104 : memref<1x10000xf32, #tpu.memory_space<hbm>> -> memref<10000xf32, #tpu.memory_space<hbm>>
        %dma_wait3A_106 = arith.constant 0 : i32
        %dma_wait3A_107 = tpu.memref_slice %arg2[%add3A, %dma_wait3A_106] : memref<16x10000xf32, #tpu.memory_space<hbm>> -> memref<1x10000xf32, #tpu.memory_space<hbm>>
        %dma_wait3A_108 = tpu.memref_squeeze %dma_wait3A_107 : memref<1x10000xf32, #tpu.memory_space<hbm>> -> memref<10000xf32, #tpu.memory_space<hbm>>
        tpu.wait_dma2 semaphore(%run_scoped3A : memref<!tpu.dma_semaphore, #tpu.memory_space<semaphore_mem>>) src(%dma_wait3A_108 : memref<10000xf32, #tpu.memory_space<hbm>>) dst(%arg11 : memref<10000xf32, #tpu.memory_space<vmem>>)
        tpu.yield
      }) : () -> ()
      tpu.wait_dma2 semaphore(%arg26 : memref<!tpu.dma_semaphore, #tpu.memory_space<semaphore_mem>>) src(%arg3 : memref<10000xi32, #tpu.memory_space<hbm>>) dst(%arg12 : memref<10000xi32, #tpu.memory_space<vmem>>)
      tpu.wait_dma2 semaphore(%arg26 : memref<!tpu.dma_semaphore, #tpu.memory_space<semaphore_mem>>) src(%arg4 : memref<10000xi32, #tpu.memory_space<hbm>>) dst(%arg13 : memref<10000xi32, #tpu.memory_space<vmem>>)
      %iota3A = tpu.iota {dimensions = array<i32: 0>} : vector<16xi32>
      %broadcast_in_dim3A = arith.constant 0 : i32
      %broadcast_in_dim3A_3 = vector.broadcast %broadcast_in_dim3A : i32 to vector<16xi32>
      %scan3A = arith.constant 0 : i32
      %scan3A_4 = arith.constant 0 : i32
      %scan3A_5 = arith.constant 4 : i32
      %scan3A_6 = arith.addi %scan3A_4, %scan3A_5 : i32
      %scan3A_7 = arith.constant 1 : i32
      %scan3A_8 = scf.for %scan3A_99 = %scan3A_4 to %scan3A_6 step %scan3A_7 iter_args(%scan3A_100 = %scan3A) -> (i32)  : i32 {
        %mul3A_101 = arith.constant 8 : i32
        %mul3A_102 = arith.muli %scan3A_99, %mul3A_101 : i32
        %add3A_103 = arith.constant 0 : i32
        %add3A_104 = arith.addi %mul3A_102, %add3A_103 : i32
        %mul3A_105 = arith.constant 16 : i32
        %mul3A_106 = arith.muli %add3A_104, %mul3A_105 : i32
        %swap3A_107 = arith.index_cast %mul3A_106 : i32 to index
        %swap3A_108 = tpu.vector_load %arg14[%swap3A_107] {strides = array<i32>} : memref<512xi32, #tpu.memory_space<vmem>>, vector<16xi32>,
        tpu.vector_store %arg14[%swap3A_107], %broadcast_in_dim3A_3 {strides = array<i32>} : memref<512xi32, #tpu.memory_space<vmem>>, vector<16xi32>,
        %mul3A_109 = arith.constant 8 : i32
        %mul3A_110 = arith.muli %scan3A_99, %mul3A_109 : i32
        %add3A_111 = arith.constant 1 : i32
        %add3A_112 = arith.addi %mul3A_110, %add3A_111 : i32
        %mul3A_113 = arith.constant 16 : i32
        %mul3A_114 = arith.muli %add3A_112, %mul3A_113 : i32
        %swap3A_115 = arith.index_cast %mul3A_114 : i32 to index
        %swap3A_116 = tpu.vector_load %arg14[%swap3A_115] {strides = array<i32>} : memref<512xi32, #tpu.memory_space<vmem>>, vector<16xi32>,
        tpu.vector_store %arg14[%swap3A_115], %broadcast_in_dim3A_3 {strides = array<i32>} : memref<512xi32, #tpu.memory_space<vmem>>, vector<16xi32>,
        %mul3A_117 = arith.constant 8 : i32
        %mul3A_118 = arith.muli %scan3A_99, %mul3A_117 : i32
        %add3A_119 = arith.constant 2 : i32
        %add3A_120 = arith.addi %mul3A_118, %add3A_119 : i32
        %mul3A_121 = arith.constant 16 : i32
        %mul3A_122 = arith.muli %add3A_120, %mul3A_121 : i32
        %swap3A_123 = arith.index_cast %mul3A_122 : i32 to index
        %swap3A_124 = tpu.vector_load %arg14[%swap3A_123] {strides = array<i32>} : memref<512xi32, #tpu.memory_space<vmem>>, vector<16xi32>,
        tpu.vector_store %arg14[%swap3A_123], %broadcast_in_dim3A_3 {strides = array<i32>} : memref<512xi32, #tpu.memory_space<vmem>>, vector<16xi32>,
        %mul3A_125 = arith.constant 8 : i32
        %mul3A_126 = arith.muli %scan3A_99, %mul3A_125 : i32
        %add3A_127 = arith.constant 3 : i32
        %add3A_128 = arith.addi %mul3A_126, %add3A_127 : i32
        %mul3A_129 = arith.constant 16 : i32
        %mul3A_130 = arith.muli %add3A_128, %mul3A_129 : i32
        %swap3A_131 = arith.index_cast %mul3A_130 : i32 to index
        %swap3A_132 = tpu.vector_load %arg14[%swap3A_131] {strides = array<i32>} : memref<512xi32, #tpu.memory_space<vmem>>, vector<16xi32>,
        tpu.vector_store %arg14[%swap3A_131], %broadcast_in_dim3A_3 {strides = array<i32>} : memref<512xi32, #tpu.memory_space<vmem>>, vector<16xi32>,
        %mul3A_133 = arith.constant 8 : i32
        %mul3A_134 = arith.muli %scan3A_99, %mul3A_133 : i32
        %add3A_135 = arith.constant 4 : i32
        %add3A_136 = arith.addi %mul3A_134, %add3A_135 : i32
        %mul3A_137 = arith.constant 16 : i32
        %mul3A_138 = arith.muli %add3A_136, %mul3A_137 : i32
        %swap3A_139 = arith.index_cast %mul3A_138 : i32 to index
        %swap3A_140 = tpu.vector_load %arg14[%swap3A_139] {strides = array<i32>} : memref<512xi32, #tpu.memory_space<vmem>>, vector<16xi32>,
        tpu.vector_store %arg14[%swap3A_139], %broadcast_in_dim3A_3 {strides = array<i32>} : memref<512xi32, #tpu.memory_space<vmem>>, vector<16xi32>,
        %mul3A_141 = arith.constant 8 : i32
        %mul3A_142 = arith.muli %scan3A_99, %mul3A_141 : i32
        %add3A_143 = arith.constant 5 : i32
        %add3A_144 = arith.addi %mul3A_142, %add3A_143 : i32
        %mul3A_145 = arith.constant 16 : i32
        %mul3A_146 = arith.muli %add3A_144, %mul3A_145 : i32
        %swap3A_147 = arith.index_cast %mul3A_146 : i32 to index
        %swap3A_148 = tpu.vector_load %arg14[%swap3A_147] {strides = array<i32>} : memref<512xi32, #tpu.memory_space<vmem>>, vector<16xi32>,
        tpu.vector_store %arg14[%swap3A_147], %broadcast_in_dim3A_3 {strides = array<i32>} : memref<512xi32, #tpu.memory_space<vmem>>, vector<16xi32>,
        %mul3A_149 = arith.constant 8 : i32
        %mul3A_150 = arith.muli %scan3A_99, %mul3A_149 : i32
        %add3A_151 = arith.constant 6 : i32
        %add3A_152 = arith.addi %mul3A_150, %add3A_151 : i32
        %mul3A_153 = arith.constant 16 : i32
        %mul3A_154 = arith.muli %add3A_152, %mul3A_153 : i32
        %swap3A_155 = arith.index_cast %mul3A_154 : i32 to index
        %swap3A_156 = tpu.vector_load %arg14[%swap3A_155] {strides = array<i32>} : memref<512xi32, #tpu.memory_space<vmem>>, vector<16xi32>,
        tpu.vector_store %arg14[%swap3A_155], %broadcast_in_dim3A_3 {strides = array<i32>} : memref<512xi32, #tpu.memory_space<vmem>>, vector<16xi32>,
        %mul3A_157 = arith.constant 8 : i32
        %mul3A_158 = arith.muli %scan3A_99, %mul3A_157 : i32
        %add3A_159 = arith.constant 7 : i32
        %add3A_160 = arith.addi %mul3A_158, %add3A_159 : i32
        %mul3A_161 = arith.constant 16 : i32
        %mul3A_162 = arith.muli %add3A_160, %mul3A_161 : i32
        %swap3A_163 = arith.index_cast %mul3A_162 : i32 to index
        %swap3A_164 = tpu.vector_load %arg14[%swap3A_163] {strides = array<i32>} : memref<512xi32, #tpu.memory_space<vmem>>, vector<16xi32>,
        tpu.vector_store %arg14[%swap3A_163], %broadcast_in_dim3A_3 {strides = array<i32>} : memref<512xi32, #tpu.memory_space<vmem>>, vector<16xi32>,
        %scan3A_165 = arith.constant 0 : i32
        scf.yield %scan3A_165 : i32
      }
      %scan3A_9 = arith.constant 4 : i32
      %get3A = arith.constant 0 : index
      %get3A_10 = tpu.vector_load %arg11[%get3A] {strides = array<i32>} : memref<10000xf32, #tpu.memory_space<vmem>>, vector<16xf32>,
      %eq3A = arith.constant 0 : i32
      %eq3A_11 = vector.broadcast %eq3A : i32 to vector<16xi32>
      %eq3A_12 = arith.cmpi eq, %iota3A, %eq3A_11 : vector<16xi32>
      %jit3A = arith.constant -1.000000e+00 : f32
      %broadcast_in_dim3A_13 = vector.broadcast %jit3A : f32 to vector<16xf32>
      %select_n3A = arith.select %eq3A_12, %broadcast_in_dim3A_13, %get3A_10 : vector<16xi1>, vector<16xf32>
      %swap3A = arith.constant 0 : index
      %swap3A_14 = tpu.vector_load %arg11[%swap3A] {strides = array<i32>} : memref<10000xf32, #tpu.memory_space<vmem>>, vector<16xf32>,
      tpu.vector_store %arg11[%swap3A], %select_n3A {strides = array<i32>} : memref<10000xf32, #tpu.memory_space<vmem>>, vector<16xf32>,
      %swap3A_15 = arith.constant 0 : index
      %swap3A_16 = tpu.vector_load %arg17[%swap3A_15] {strides = array<i32>} : memref<512xi32, #tpu.memory_space<vmem>>, vector<16xi32>,
      tpu.vector_store %arg17[%swap3A_15], %broadcast_in_dim3A_3 {strides = array<i32>} : memref<512xi32, #tpu.memory_space<vmem>>, vector<16xi32>,
      %scan3A_17 = arith.constant 0 : i32
      %scan3A_18 = arith.constant 0 : i32
      %scan3A_19 = arith.constant 78 : i32
      %scan3A_20 = arith.addi %scan3A_18, %scan3A_19 : i32
      %scan3A_21 = arith.constant 1 : i32
      %scan3A_22 = scf.for %scan3A_99 = %scan3A_18 to %scan3A_20 step %scan3A_21 iter_args(%scan3A_100 = %scan3A_17) -> (i32)  : i32 {
        %mul3A_101 = arith.constant 8 : i32
        %mul3A_102 = arith.muli %scan3A_99, %mul3A_101 : i32
        %add3A_103 = arith.constant 0 : i32
        %add3A_104 = arith.addi %mul3A_102, %add3A_103 : i32
        %mul3A_105 = arith.constant 16 : i32
        %mul3A_106 = arith.muli %add3A_104, %mul3A_105 : i32
        %get3A_107 = arith.index_cast %mul3A_106 : i32 to index
        %get3A_108 = tpu.vector_load %arg11[%get3A_107] {strides = array<i32>} : memref<10000xf32, #tpu.memory_space<vmem>>, vector<16xf32>,
        %gt3A_109 = arith.constant 0.699999988 : f32
        %gt3A_110 = vector.broadcast %gt3A_109 : f32 to vector<16xf32>
        %gt3A_111 = arith.cmpf ogt, %get3A_108, %gt3A_110 : vector<16xf32>
        %add3A_112 = arith.constant 1 : i32
        %add3A_113 = arith.addi %mul3A_102, %add3A_112 : i32
        %mul3A_114 = arith.constant 16 : i32
        %mul3A_115 = arith.muli %add3A_113, %mul3A_114 : i32
        %get3A_116 = arith.index_cast %mul3A_115 : i32 to index
        %get3A_117 = tpu.vector_load %arg11[%get3A_116] {strides = array<i32>} : memref<10000xf32, #tpu.memory_space<vmem>>, vector<16xf32>,
        %gt3A_118 = arith.constant 0.699999988 : f32
        %gt3A_119 = vector.broadcast %gt3A_118 : f32 to vector<16xf32>
        %gt3A_120 = arith.cmpf ogt, %get3A_117, %gt3A_119 : vector<16xf32>
        %add3A_121 = arith.constant 2 : i32
        %add3A_122 = arith.addi %mul3A_102, %add3A_121 : i32
        %mul3A_123 = arith.constant 16 : i32
        %mul3A_124 = arith.muli %add3A_122, %mul3A_123 : i32
        %get3A_125 = arith.index_cast %mul3A_124 : i32 to index
        %get3A_126 = tpu.vector_load %arg11[%get3A_125] {strides = array<i32>} : memref<10000xf32, #tpu.memory_space<vmem>>, vector<16xf32>,
        %gt3A_127 = arith.constant 0.699999988 : f32
        %gt3A_128 = vector.broadcast %gt3A_127 : f32 to vector<16xf32>
        %gt3A_129 = arith.cmpf ogt, %get3A_126, %gt3A_128 : vector<16xf32>
        %add3A_130 = arith.constant 3 : i32
        %add3A_131 = arith.addi %mul3A_102, %add3A_130 : i32
        %mul3A_132 = arith.constant 16 : i32
        %mul3A_133 = arith.muli %add3A_131, %mul3A_132 : i32
        %get3A_134 = arith.index_cast %mul3A_133 : i32 to index
        %get3A_135 = tpu.vector_load %arg11[%get3A_134] {strides = array<i32>} : memref<10000xf32, #tpu.memory_space<vmem>>, vector<16xf32>,
        %gt3A_136 = arith.constant 0.699999988 : f32
        %gt3A_137 = vector.broadcast %gt3A_136 : f32 to vector<16xf32>
        %gt3A_138 = arith.cmpf ogt, %get3A_135, %gt3A_137 : vector<16xf32>
        %add3A_139 = arith.constant 4 : i32
        %add3A_140 = arith.addi %mul3A_102, %add3A_139 : i32
        %mul3A_141 = arith.constant 16 : i32
        %mul3A_142 = arith.muli %add3A_140, %mul3A_141 : i32
        %get3A_143 = arith.index_cast %mul3A_142 : i32 to index
        %get3A_144 = tpu.vector_load %arg11[%get3A_143] {strides = array<i32>} : memref<10000xf32, #tpu.memory_space<vmem>>, vector<16xf32>,
        %gt3A_145 = arith.constant 0.699999988 : f32
        %gt3A_146 = vector.broadcast %gt3A_145 : f32 to vector<16xf32>
        %gt3A_147 = arith.cmpf ogt, %get3A_144, %gt3A_146 : vector<16xf32>
        %add3A_148 = arith.constant 5 : i32
        %add3A_149 = arith.addi %mul3A_102, %add3A_148 : i32
        %mul3A_150 = arith.constant 16 : i32
        %mul3A_151 = arith.muli %add3A_149, %mul3A_150 : i32
        %get3A_152 = arith.index_cast %mul3A_151 : i32 to index
        %get3A_153 = tpu.vector_load %arg11[%get3A_152] {strides = array<i32>} : memref<10000xf32, #tpu.memory_space<vmem>>, vector<16xf32>,
        %gt3A_154 = arith.constant 0.699999988 : f32
        %gt3A_155 = vector.broadcast %gt3A_154 : f32 to vector<16xf32>
        %gt3A_156 = arith.cmpf ogt, %get3A_153, %gt3A_155 : vector<16xf32>
        %add3A_157 = arith.constant 6 : i32
        %add3A_158 = arith.addi %mul3A_102, %add3A_157 : i32
        %mul3A_159 = arith.constant 16 : i32
        %mul3A_160 = arith.muli %add3A_158, %mul3A_159 : i32
        %get3A_161 = arith.index_cast %mul3A_160 : i32 to index
        %get3A_162 = tpu.vector_load %arg11[%get3A_161] {strides = array<i32>} : memref<10000xf32, #tpu.memory_space<vmem>>, vector<16xf32>,
        %gt3A_163 = arith.constant 0.699999988 : f32
        %gt3A_164 = vector.broadcast %gt3A_163 : f32 to vector<16xf32>
        %gt3A_165 = arith.cmpf ogt, %get3A_162, %gt3A_164 : vector<16xf32>
        %add3A_166 = arith.constant 7 : i32
        %add3A_167 = arith.addi %mul3A_102, %add3A_166 : i32
        %mul3A_168 = arith.constant 16 : i32
        %mul3A_169 = arith.muli %add3A_167, %mul3A_168 : i32
        %get3A_170 = arith.index_cast %mul3A_169 : i32 to index
        %get3A_171 = tpu.vector_load %arg11[%get3A_170] {strides = array<i32>} : memref<10000xf32, #tpu.memory_space<vmem>>, vector<16xf32>,
        %gt3A_172 = arith.constant 0.699999988 : f32
        %gt3A_173 = vector.broadcast %gt3A_172 : f32 to vector<16xf32>
        %gt3A_174 = arith.cmpf ogt, %get3A_171, %gt3A_173 : vector<16xf32>
        %or3A = arith.ori %gt3A_111, %gt3A_120 : vector<16xi1>
        %or3A_175 = arith.ori %or3A, %gt3A_129 : vector<16xi1>
        %or3A_176 = arith.ori %or3A_175, %gt3A_138 : vector<16xi1>
        %or3A_177 = arith.ori %or3A_176, %gt3A_147 : vector<16xi1>
        %or3A_178 = arith.ori %or3A_177, %gt3A_156 : vector<16xi1>
        %or3A_179 = arith.ori %or3A_178, %gt3A_165 : vector<16xi1>
        %or3A_180 = arith.ori %or3A_179, %gt3A_174 : vector<16xi1>
        %reduce_or3A_181 = arith.constant 1.000000e+00 : f32
        %reduce_or3A_182 = arith.constant 0.000000e+00 : f32
        %reduce_or3A_183 = vector.broadcast %reduce_or3A_181 : f32 to vector<16xf32>
        %reduce_or3A_184 = vector.broadcast %reduce_or3A_182 : f32 to vector<16xf32>
        %reduce_or3A_185 = arith.select %or3A_180, %reduce_or3A_183, %reduce_or3A_184 : vector<16xi1>, vector<16xf32>
        %reduce_or3A_186 = arith.constant true
        %reduce_or3A_187 = vector.broadcast %reduce_or3A_186 : i1 to vector<16xi1>
        %reduce_or3A_188 = tpu.scan <max>, %reduce_or3A_185 masked %reduce_or3A_187 : vector<16xf32>, vector<16xi1> -> vector<16xf32>
        %reduce_or3A_189 = vector.extract %reduce_or3A_188[15] : f32 from vector<16xf32>
        %reduce_or3A_190 = arith.constant 0.000000e+00 : f32
        %reduce_or3A_191 = arith.cmpf ogt, %reduce_or3A_189, %reduce_or3A_190 : f32
        %convert_element_type3A_192 = arith.extui %reduce_or3A_191 : i1 to i32
        %cond3A_193 = arith.constant 0 : i32
        %cond3A_194 = arith.cmpi ne, %convert_element_type3A_192, %cond3A_193 : i32
        scf.if %cond3A_194 {
          %add3A_196 = arith.constant 8 : i32
          %add3A_197 = arith.addi %mul3A_102, %add3A_196 : i32
          %while3A_198 = arith.constant 0 : i32
          %while3A_199 = arith.subi %add3A_197, %mul3A_102 : i32
          %while3A_200 = arith.addi %mul3A_102, %while3A_199 : i32
          %while3A_201 = arith.constant 1 : i32
          %while3A_202 = arith.divsi %while3A_199, %while3A_201 : i32
          %while3A_203 = arith.muli %while3A_202, %while3A_201 : i32
          %while3A_204 = arith.addi %mul3A_102, %while3A_203 : i32
          %while3A_205 = arith.constant 1 : i32
          %while3A_206 = scf.for %while3A_209 = %mul3A_102 to %while3A_204 step %while3A_205 iter_args(%while3A_210 = %while3A_198) -> (i32)  : i32 {
            %mul3A_211 = arith.constant 16 : i32
            %mul3A_212 = arith.muli %while3A_209, %mul3A_211 : i32
            %get3A_213 = arith.index_cast %mul3A_212 : i32 to index
            %get3A_214 = tpu.vector_load %arg11[%get3A_213] {strides = array<i32>} : memref<10000xf32, #tpu.memory_space<vmem>>, vector<16xf32>,
            %gt3A_215 = arith.constant 0.699999988 : f32
            %gt3A_216 = vector.broadcast %gt3A_215 : f32 to vector<16xf32>
            %gt3A_217 = arith.cmpf ogt, %get3A_214, %gt3A_216 : vector<16xf32>
            %reduce_or3A_218 = arith.constant 1.000000e+00 : f32
            %reduce_or3A_219 = arith.constant 0.000000e+00 : f32
            %reduce_or3A_220 = vector.broadcast %reduce_or3A_218 : f32 to vector<16xf32>
            %reduce_or3A_221 = vector.broadcast %reduce_or3A_219 : f32 to vector<16xf32>
            %reduce_or3A_222 = arith.select %gt3A_217, %reduce_or3A_220, %reduce_or3A_221 : vector<16xi1>, vector<16xf32>
            %reduce_or3A_223 = arith.constant true
            %reduce_or3A_224 = vector.broadcast %reduce_or3A_223 : i1 to vector<16xi1>
            %reduce_or3A_225 = tpu.scan <max>, %reduce_or3A_222 masked %reduce_or3A_224 : vector<16xf32>, vector<16xi1> -> vector<16xf32>
            %reduce_or3A_226 = vector.extract %reduce_or3A_225[15] : f32 from vector<16xf32>
            %reduce_or3A_227 = arith.constant 0.000000e+00 : f32
            %reduce_or3A_228 = arith.cmpf ogt, %reduce_or3A_226, %reduce_or3A_227 : f32
            %convert_element_type3A_229 = arith.extui %reduce_or3A_228 : i1 to i32
            %cond3A_230 = arith.constant 0 : i32
            %cond3A_231 = arith.cmpi ne, %convert_element_type3A_229, %cond3A_230 : i32
            scf.if %cond3A_231 {
              %convert_element_type3A_233 = arith.extui %gt3A_217 : vector<16xi1> to vector<16xi32>
              %get3A_234 = arith.constant 0 : index
              %get3A_235 = tpu.vector_load %arg17[%get3A_234] {strides = array<i32>} : memref<512xi32, #tpu.memory_space<vmem>>, vector<16xi32>,
              %slice3A_236 = vector.extract_strided_slice %get3A_235 {offsets = [0], sizes = [1], strides = [1]} : vector<16xi32> to vector<1xi32>
              %squeeze3A_237 = vector.extract %slice3A_236[0] : i32 from vector<1xi32>
              %all_reduce_population_count3A = tpu.all_reduce %gt3A_217 {dim = 0 : i64, kind = #tpu.reduction_kind<sum>} : vector<16xi1> -> vector<16xi32>
              %broadcast_in_dim3A_238 = arith.constant true
              %broadcast_in_dim3A_239 = vector.broadcast %broadcast_in_dim3A_238 : i1 to vector<16xi1>
              %masked_cumsum3A = tpu.scan <sum>, %convert_element_type3A_233 masked %broadcast_in_dim3A_239 : vector<16xi32>, vector<16xi1> -> vector<16xi32>
              %add3A_240 = vector.broadcast %squeeze3A_237 : i32 to vector<16xi32>
              %add3A_241 = arith.addi %add3A_240, %masked_cumsum3A : vector<16xi32>
              %sub3A = arith.constant 1 : i32
              %sub3A_242 = vector.broadcast %sub3A : i32 to vector<16xi32>
              %sub3A_243 = arith.subi %add3A_241, %sub3A_242 : vector<16xi32>
              %mul3A_244 = arith.constant 16 : i32
              %mul3A_245 = arith.muli %while3A_209, %mul3A_244 : i32
              %add3A_246 = vector.broadcast %mul3A_245 : i32 to vector<16xi32>
              %add3A_247 = arith.addi %add3A_246, %iota3A : vector<16xi32>
              tpu.vector_store_idx %arg14[%sub3A_243], %add3A_247 masked %gt3A_217 : memref<512xi32, #tpu.memory_space<vmem>>[vector<16xi32>], vector<16xi32>, vector<16xi1>
              %add3A_248 = vector.broadcast %squeeze3A_237 : i32 to vector<16xi32>
              %add3A_249 = arith.addi %add3A_248, %all_reduce_population_count3A : vector<16xi32>
              %swap3A_250 = arith.constant 0 : index
              %swap3A_251 = tpu.vector_load %arg17[%swap3A_250] {strides = array<i32>} : memref<512xi32, #tpu.memory_space<vmem>>, vector<16xi32>,
              tpu.vector_store %arg17[%swap3A_250], %add3A_249 {strides = array<i32>} : memref<512xi32, #tpu.memory_space<vmem>>, vector<16xi32>,
            } else {
            }
            %while3A_232 = arith.constant 0 : i32
            scf.yield %while3A_232 : i32
          }
          %while3A_207 = arith.constant 1 : i32
          %while3A_208 = scf.for %while3A_209 = %while3A_204 to %while3A_200 step %while3A_207 iter_args(%while3A_210 = %while3A_206) -> (i32)  : i32 {
            %mul3A_211 = arith.constant 16 : i32
            %mul3A_212 = arith.muli %while3A_209, %mul3A_211 : i32
            %get3A_213 = arith.index_cast %mul3A_212 : i32 to index
            %get3A_214 = tpu.vector_load %arg11[%get3A_213] {strides = array<i32>} : memref<10000xf32, #tpu.memory_space<vmem>>, vector<16xf32>,
            %gt3A_215 = arith.constant 0.699999988 : f32
            %gt3A_216 = vector.broadcast %gt3A_215 : f32 to vector<16xf32>
            %gt3A_217 = arith.cmpf ogt, %get3A_214, %gt3A_216 : vector<16xf32>
            %reduce_or3A_218 = arith.constant 1.000000e+00 : f32
            %reduce_or3A_219 = arith.constant 0.000000e+00 : f32
            %reduce_or3A_220 = vector.broadcast %reduce_or3A_218 : f32 to vector<16xf32>
            %reduce_or3A_221 = vector.broadcast %reduce_or3A_219 : f32 to vector<16xf32>
            %reduce_or3A_222 = arith.select %gt3A_217, %reduce_or3A_220, %reduce_or3A_221 : vector<16xi1>, vector<16xf32>
            %reduce_or3A_223 = arith.constant true
            %reduce_or3A_224 = vector.broadcast %reduce_or3A_223 : i1 to vector<16xi1>
            %reduce_or3A_225 = tpu.scan <max>, %reduce_or3A_222 masked %reduce_or3A_224 : vector<16xf32>, vector<16xi1> -> vector<16xf32>
            %reduce_or3A_226 = vector.extract %reduce_or3A_225[15] : f32 from vector<16xf32>
            %reduce_or3A_227 = arith.constant 0.000000e+00 : f32
            %reduce_or3A_228 = arith.cmpf ogt, %reduce_or3A_226, %reduce_or3A_227 : f32
            %convert_element_type3A_229 = arith.extui %reduce_or3A_228 : i1 to i32
            %cond3A_230 = arith.constant 0 : i32
            %cond3A_231 = arith.cmpi ne, %convert_element_type3A_229, %cond3A_230 : i32
            scf.if %cond3A_231 {
              %convert_element_type3A_233 = arith.extui %gt3A_217 : vector<16xi1> to vector<16xi32>
              %get3A_234 = arith.constant 0 : index
              %get3A_235 = tpu.vector_load %arg17[%get3A_234] {strides = array<i32>} : memref<512xi32, #tpu.memory_space<vmem>>, vector<16xi32>,
              %slice3A_236 = vector.extract_strided_slice %get3A_235 {offsets = [0], sizes = [1], strides = [1]} : vector<16xi32> to vector<1xi32>
              %squeeze3A_237 = vector.extract %slice3A_236[0] : i32 from vector<1xi32>
              %all_reduce_population_count3A = tpu.all_reduce %gt3A_217 {dim = 0 : i64, kind = #tpu.reduction_kind<sum>} : vector<16xi1> -> vector<16xi32>
              %broadcast_in_dim3A_238 = arith.constant true
              %broadcast_in_dim3A_239 = vector.broadcast %broadcast_in_dim3A_238 : i1 to vector<16xi1>
              %masked_cumsum3A = tpu.scan <sum>, %convert_element_type3A_233 masked %broadcast_in_dim3A_239 : vector<16xi32>, vector<16xi1> -> vector<16xi32>
              %add3A_240 = vector.broadcast %squeeze3A_237 : i32 to vector<16xi32>
              %add3A_241 = arith.addi %add3A_240, %masked_cumsum3A : vector<16xi32>
              %sub3A = arith.constant 1 : i32
              %sub3A_242 = vector.broadcast %sub3A : i32 to vector<16xi32>
              %sub3A_243 = arith.subi %add3A_241, %sub3A_242 : vector<16xi32>
              %mul3A_244 = arith.constant 16 : i32
              %mul3A_245 = arith.muli %while3A_209, %mul3A_244 : i32
              %add3A_246 = vector.broadcast %mul3A_245 : i32 to vector<16xi32>
              %add3A_247 = arith.addi %add3A_246, %iota3A : vector<16xi32>
              tpu.vector_store_idx %arg14[%sub3A_243], %add3A_247 masked %gt3A_217 : memref<512xi32, #tpu.memory_space<vmem>>[vector<16xi32>], vector<16xi32>, vector<16xi1>
              %add3A_248 = vector.broadcast %squeeze3A_237 : i32 to vector<16xi32>
              %add3A_249 = arith.addi %add3A_248, %all_reduce_population_count3A : vector<16xi32>
              %swap3A_250 = arith.constant 0 : index
              %swap3A_251 = tpu.vector_load %arg17[%swap3A_250] {strides = array<i32>} : memref<512xi32, #tpu.memory_space<vmem>>, vector<16xi32>,
              tpu.vector_store %arg17[%swap3A_250], %add3A_249 {strides = array<i32>} : memref<512xi32, #tpu.memory_space<vmem>>, vector<16xi32>,
            } else {
            }
            %while3A_232 = arith.constant 0 : i32
            scf.yield %while3A_232 : i32
          }
        } else {
        }
        %scan3A_195 = arith.constant 0 : i32
        scf.yield %scan3A_195 : i32
      }
      %scan3A_23 = arith.constant 78 : i32
      %scan3A_24 = arith.constant 0 : i32
      %scan3A_25 = arith.constant 624 : i32
      %mul3A_26 = arith.constant 16 : i32
      %mul3A_27 = arith.muli %scan3A_25, %mul3A_26 : i32
      %get3A_28 = arith.index_cast %mul3A_27 : i32 to index
      %get3A_29 = tpu.vector_load %arg11[%get3A_28] {strides = array<i32>} : memref<10000xf32, #tpu.memory_space<vmem>>, vector<16xf32>,
      %gt3A = arith.constant 0.699999988 : f32
      %gt3A_30 = vector.broadcast %gt3A : f32 to vector<16xf32>
      %gt3A_31 = arith.cmpf ogt, %get3A_29, %gt3A_30 : vector<16xf32>
      %reduce_or3A = arith.constant 1.000000e+00 : f32
      %reduce_or3A_32 = arith.constant 0.000000e+00 : f32
      %reduce_or3A_33 = vector.broadcast %reduce_or3A : f32 to vector<16xf32>
      %reduce_or3A_34 = vector.broadcast %reduce_or3A_32 : f32 to vector<16xf32>
      %reduce_or3A_35 = arith.select %gt3A_31, %reduce_or3A_33, %reduce_or3A_34 : vector<16xi1>, vector<16xf32>
      %reduce_or3A_36 = arith.constant true
      %reduce_or3A_37 = vector.broadcast %reduce_or3A_36 : i1 to vector<16xi1>
      %reduce_or3A_38 = tpu.scan <max>, %reduce_or3A_35 masked %reduce_or3A_37 : vector<16xf32>, vector<16xi1> -> vector<16xf32>
      %reduce_or3A_39 = vector.extract %reduce_or3A_38[15] : f32 from vector<16xf32>
      %reduce_or3A_40 = arith.constant 0.000000e+00 : f32
      %reduce_or3A_41 = arith.cmpf ogt, %reduce_or3A_39, %reduce_or3A_40 : f32
      %convert_element_type3A_42 = arith.extui %reduce_or3A_41 : i1 to i32
      %cond3A_43 = arith.constant 0 : i32
      %cond3A_44 = arith.cmpi ne, %convert_element_type3A_42, %cond3A_43 : i32
      scf.if %cond3A_44 {
        %convert_element_type3A_99 = arith.extui %gt3A_31 : vector<16xi1> to vector<16xi32>
        %get3A_100 = arith.constant 0 : index
        %get3A_101 = tpu.vector_load %arg17[%get3A_100] {strides = array<i32>} : memref<512xi32, #tpu.memory_space<vmem>>, vector<16xi32>,
        %slice3A_102 = vector.extract_strided_slice %get3A_101 {offsets = [0], sizes = [1], strides = [1]} : vector<16xi32> to vector<1xi32>
        %squeeze3A_103 = vector.extract %slice3A_102[0] : i32 from vector<1xi32>
        %all_reduce_population_count3A = tpu.all_reduce %gt3A_31 {dim = 0 : i64, kind = #tpu.reduction_kind<sum>} : vector<16xi1> -> vector<16xi32>
        %broadcast_in_dim3A_104 = arith.constant true
        %broadcast_in_dim3A_105 = vector.broadcast %broadcast_in_dim3A_104 : i1 to vector<16xi1>
        %masked_cumsum3A = tpu.scan <sum>, %convert_element_type3A_99 masked %broadcast_in_dim3A_105 : vector<16xi32>, vector<16xi1> -> vector<16xi32>
        %add3A_106 = vector.broadcast %squeeze3A_103 : i32 to vector<16xi32>
        %add3A_107 = arith.addi %add3A_106, %masked_cumsum3A : vector<16xi32>
        %sub3A = arith.constant 1 : i32
        %sub3A_108 = vector.broadcast %sub3A : i32 to vector<16xi32>
        %sub3A_109 = arith.subi %add3A_107, %sub3A_108 : vector<16xi32>
        %mul3A_110 = arith.constant 16 : i32
        %mul3A_111 = arith.muli %scan3A_25, %mul3A_110 : i32
        %add3A_112 = vector.broadcast %mul3A_111 : i32 to vector<16xi32>
        %add3A_113 = arith.addi %add3A_112, %iota3A : vector<16xi32>
        tpu.vector_store_idx %arg14[%sub3A_109], %add3A_113 masked %gt3A_31 : memref<512xi32, #tpu.memory_space<vmem>>[vector<16xi32>], vector<16xi32>, vector<16xi1>
        %add3A_114 = vector.broadcast %squeeze3A_103 : i32 to vector<16xi32>
        %add3A_115 = arith.addi %add3A_114, %all_reduce_population_count3A : vector<16xi32>
        %swap3A_116 = arith.constant 0 : index
        %swap3A_117 = tpu.vector_load %arg17[%swap3A_116] {strides = array<i32>} : memref<512xi32, #tpu.memory_space<vmem>>, vector<16xi32>,
        tpu.vector_store %arg17[%swap3A_116], %add3A_115 {strides = array<i32>} : memref<512xi32, #tpu.memory_space<vmem>>, vector<16xi32>,
      } else {
      }
      %scan3A_45 = arith.constant 0 : i32
      %scan3A_46 = arith.constant 1 : i32
      %get3A_47 = arith.constant 0 : index
      %get3A_48 = tpu.vector_load %arg17[%get3A_47] {strides = array<i32>} : memref<512xi32, #tpu.memory_space<vmem>>, vector<16xi32>,
      %slice3A = vector.extract_strided_slice %get3A_48 {offsets = [0], sizes = [1], strides = [1]} : vector<16xi32> to vector<1xi32>
      %squeeze3A = vector.extract %slice3A[0] : i32 from vector<1xi32>
      %eq3A_49 = arith.constant 0 : i32
      %eq3A_50 = arith.cmpi eq, %squeeze3A, %eq3A_49 : i32
      %convert_element_type3A_51 = arith.extui %eq3A_50 : i1 to i32
      %cond3A_52 = arith.constant 0 : i32
      %cond3A_53 = arith.cmpi ne, %convert_element_type3A_51, %cond3A_52 : i32
      scf.if %cond3A_53 {
        %scan3A_99 = arith.constant -3.000000e+38 : f32
        %scan3A_100 = arith.constant 1 : i32
        %scan3A_101 = arith.constant 0 : i32
        %scan3A_102 = arith.constant 625 : i32
        %scan3A_103 = arith.addi %scan3A_101, %scan3A_102 : i32
        %scan3A_104 = arith.constant 1 : i32
        %scan3A_105:2 = scf.for %scan3A_110 = %scan3A_101 to %scan3A_103 step %scan3A_104 iter_args(%scan3A_111 = %scan3A_99, %scan3A_112 = %scan3A_100) -> (f32, i32)  : i32 {
          %mul3A_113 = arith.constant 16 : i32
          %mul3A_114 = arith.muli %scan3A_110, %mul3A_113 : i32
          %get3A_115 = arith.index_cast %mul3A_114 : i32 to index
          %get3A_116 = tpu.vector_load %arg11[%get3A_115] {strides = array<i32>} : memref<10000xf32, #tpu.memory_space<vmem>>, vector<16xf32>,
          %reduce_max3A = arith.constant true
          %reduce_max3A_117 = vector.broadcast %reduce_max3A : i1 to vector<16xi1>
          %reduce_max3A_118 = tpu.scan <max>, %get3A_116 masked %reduce_max3A_117 : vector<16xf32>, vector<16xi1> -> vector<16xf32>
          %reduce_max3A_119 = vector.extract %reduce_max3A_118[15] : f32 from vector<16xf32>
          %eq3A_120 = vector.broadcast %reduce_max3A_119 : f32 to vector<16xf32>
          %eq3A_121 = arith.cmpf oeq, %get3A_116, %eq3A_120 : vector<16xf32>
          %mul3A_122 = arith.constant 16 : i32
          %mul3A_123 = arith.muli %scan3A_110, %mul3A_122 : i32
          %add3A_124 = vector.broadcast %mul3A_123 : i32 to vector<16xi32>
          %add3A_125 = arith.addi %add3A_124, %iota3A : vector<16xi32>
          %jit3A_126 = arith.constant 1073741824 : i32
          %broadcast_in_dim3A_127 = vector.broadcast %jit3A_126 : i32 to vector<16xi32>
          %select_n3A_128 = arith.select %eq3A_121, %add3A_125, %broadcast_in_dim3A_127 : vector<16xi1>, vector<16xi32>
          %reduce_min3A = arith.constant true
          %reduce_min3A_129 = vector.broadcast %reduce_min3A : i1 to vector<16xi1>
          %reduce_min3A_130 = arith.constant -2147483648 : i32
          %reduce_min3A_131 = vector.broadcast %reduce_min3A_130 : i32 to vector<16xi32>
          %reduce_min3A_132 = arith.xori %select_n3A_128, %reduce_min3A_131 : vector<16xi32>
          %reduce_min3A_133 = tpu.scan <min>, %reduce_min3A_132 masked %reduce_min3A_129 : vector<16xi32>, vector<16xi1> -> vector<16xi32>
          %reduce_min3A_134 = arith.xori %reduce_min3A_133, %reduce_min3A_131 : vector<16xi32>
          %reduce_min3A_135 = vector.extract %reduce_min3A_134[15] : i32 from vector<16xi32>
          %gt3A_136 = arith.cmpf ogt, %reduce_max3A_119, %scan3A_111 : f32
          %select_n3A_137 = arith.select %gt3A_136, %reduce_max3A_119, %scan3A_111 : f32
          %select_n3A_138 = arith.select %gt3A_136, %reduce_min3A_135, %scan3A_112 : i32
          scf.yield %select_n3A_137, %select_n3A_138 : f32, i32
        }
        %scan3A_106 = arith.constant 625 : i32
        %broadcast_in_dim3A_107 = vector.broadcast %scan3A_105#1 : i32 to vector<16xi32>
        %swap3A_108 = arith.constant 0 : index
        %swap3A_109 = tpu.vector_load %arg14[%swap3A_108] {strides = array<i32>} : memref<512xi32, #tpu.memory_space<vmem>>, vector<16xi32>,
        tpu.vector_store %arg14[%swap3A_108], %broadcast_in_dim3A_107 {strides = array<i32>} : memref<512xi32, #tpu.memory_space<vmem>>, vector<16xi32>,
      } else {
      }
      %max3A = arith.constant 1 : i32
      %max3A_54 = arith.maxsi %squeeze3A, %max3A : i32
      %add3A_55 = arith.constant 15 : i32
      %add3A_56 = arith.addi %max3A_54, %add3A_55 : i32
      %div3A = arith.constant 16 : i32
      %div3A_57 = arith.divsi %add3A_56, %div3A : i32
      %while3A = arith.constant 0 : i32
      %while3A_58 = arith.constant 0 : i32
      %while3A_59 = arith.subi %div3A_57, %while3A : i32
      %while3A_60 = arith.addi %while3A, %while3A_59 : i32
      %while3A_61 = arith.constant 1 : i32
      %while3A_62 = arith.divsi %while3A_59, %while3A_61 : i32
      %while3A_63 = arith.muli %while3A_62, %while3A_61 : i32
      %while3A_64 = arith.addi %while3A, %while3A_63 : i32
      %while3A_65 = arith.constant 1 : i32
      %while3A_66 = scf.for %while3A_99 = %while3A to %while3A_64 step %while3A_65 iter_args(%while3A_100 = %while3A_58) -> (i32)  : i32 {
        %mul3A_101 = arith.constant 16 : i32
        %mul3A_102 = arith.muli %while3A_99, %mul3A_101 : i32
        %add3A_103 = vector.broadcast %mul3A_102 : i32 to vector<16xi32>
        %add3A_104 = arith.addi %add3A_103, %iota3A : vector<16xi32>
        %lt3A_105 = vector.broadcast %max3A_54 : i32 to vector<16xi32>
        %lt3A_106 = arith.cmpi slt, %add3A_104, %lt3A_105 : vector<16xi32>
        %mul3A_107 = arith.constant 16 : i32
        %mul3A_108 = arith.muli %while3A_99, %mul3A_107 : i32
        %get3A_109 = arith.index_cast %mul3A_108 : i32 to index
        %get3A_110 = tpu.vector_load %arg14[%get3A_109] {strides = array<i32>} : memref<512xi32, #tpu.memory_space<vmem>>, vector<16xi32>,
        %gather3A = tpu.vector_load_idx %arg12[%get3A_110] : memref<10000xi32, #tpu.memory_space<vmem>>[vector<16xi32>], vector<16xi32>,
        %gather3A_111 = tpu.vector_load_idx %arg13[%get3A_110] : memref<10000xi32, #tpu.memory_space<vmem>>[vector<16xi32>], vector<16xi32>,
        %sub3A = arith.subi %gather3A_111, %gather3A : vector<16xi32>
        %jit3A_112 = arith.constant 0 : i32
        %broadcast_in_dim3A_113 = vector.broadcast %jit3A_112 : i32 to vector<16xi32>
        %select_n3A_114 = arith.select %lt3A_106, %sub3A, %broadcast_in_dim3A_113 : vector<16xi1>, vector<16xi32>
        %broadcast_in_dim3A_115 = arith.constant true
        %broadcast_in_dim3A_116 = vector.broadcast %broadcast_in_dim3A_115 : i1 to vector<16xi1>
        %masked_cumsum3A = tpu.scan <sum>, %select_n3A_114 masked %broadcast_in_dim3A_116 : vector<16xi32>, vector<16xi1> -> vector<16xi32>
        %add3A_117 = vector.broadcast %while3A_100 : i32 to vector<16xi32>
        %add3A_118 = arith.addi %add3A_117, %masked_cumsum3A : vector<16xi32>
        %sub3A_119 = arith.subi %add3A_118, %select_n3A_114 : vector<16xi32>
        %sub3A_120 = arith.constant 400 : i32
        %sub3A_121 = vector.broadcast %sub3A_120 : i32 to vector<16xi32>
        %sub3A_122 = arith.subi %sub3A_121, %sub3A_119 : vector<16xi32>
        %max3A_123 = arith.constant 0 : i32
        %max3A_124 = vector.broadcast %max3A_123 : i32 to vector<16xi32>
        %max3A_125 = arith.maxsi %sub3A_122, %max3A_124 : vector<16xi32>
        %min3A_126 = arith.minsi %select_n3A_114, %max3A_125 : vector<16xi32>
        %mul3A_127 = arith.constant 16 : i32
        %mul3A_128 = arith.muli %while3A_99, %mul3A_127 : i32
        %swap3A_129 = arith.index_cast %mul3A_128 : i32 to index
        %swap3A_130 = tpu.vector_load %arg15[%swap3A_129] {strides = array<i32>} : memref<512xi32, #tpu.memory_space<vmem>>, vector<16xi32>,
        tpu.vector_store %arg15[%swap3A_129], %sub3A_119 {strides = array<i32>} : memref<512xi32, #tpu.memory_space<vmem>>, vector<16xi32>,
        %mul3A_131 = arith.constant 16 : i32
        %mul3A_132 = arith.muli %while3A_99, %mul3A_131 : i32
        %swap3A_133 = arith.index_cast %mul3A_132 : i32 to index
        %swap3A_134 = tpu.vector_load %arg16[%swap3A_133] {strides = array<i32>} : memref<512xi32, #tpu.memory_space<vmem>>, vector<16xi32>,
        tpu.vector_store %arg16[%swap3A_133], %gather3A {strides = array<i32>} : memref<512xi32, #tpu.memory_space<vmem>>, vector<16xi32>,
        %add3A_135 = arith.constant 15 : i32
        %add3A_136 = vector.broadcast %add3A_135 : i32 to vector<16xi32>
        %add3A_137 = arith.addi %min3A_126, %add3A_136 : vector<16xi32>
        %div3A_138 = arith.constant 16 : i32
        %div3A_139 = vector.broadcast %div3A_138 : i32 to vector<16xi32>
        %div3A_140 = arith.divsi %add3A_137, %div3A_139 : vector<16xi32>
        %mul3A_141 = arith.constant 16 : i32
        %mul3A_142 = arith.muli %while3A_99, %mul3A_141 : i32
        %swap3A_143 = arith.index_cast %mul3A_142 : i32 to index
        %swap3A_144 = tpu.vector_load %arg17[%swap3A_143] {strides = array<i32>} : memref<512xi32, #tpu.memory_space<vmem>>, vector<16xi32>,
        tpu.vector_store %arg17[%swap3A_143], %div3A_140 {strides = array<i32>} : memref<512xi32, #tpu.memory_space<vmem>>, vector<16xi32>,
        %reduce_max3A = arith.constant true
        %reduce_max3A_145 = vector.broadcast %reduce_max3A : i1 to vector<16xi1>
        %reduce_max3A_146 = arith.constant -2147483648 : i32
        %reduce_max3A_147 = vector.broadcast %reduce_max3A_146 : i32 to vector<16xi32>
        %reduce_max3A_148 = arith.xori %masked_cumsum3A, %reduce_max3A_147 : vector<16xi32>
        %reduce_max3A_149 = tpu.scan <max>, %reduce_max3A_148 masked %reduce_max3A_145 : vector<16xi32>, vector<16xi1> -> vector<16xi32>
        %reduce_max3A_150 = arith.xori %reduce_max3A_149, %reduce_max3A_147 : vector<16xi32>
        %reduce_max3A_151 = vector.extract %reduce_max3A_150[15] : i32 from vector<16xi32>
        %add3A_152 = arith.addi %while3A_100, %reduce_max3A_151 : i32
        scf.yield %add3A_152 : i32
      }
      %while3A_67 = arith.constant 1 : i32
      %while3A_68 = scf.for %while3A_99 = %while3A_64 to %while3A_60 step %while3A_67 iter_args(%while3A_100 = %while3A_66) -> (i32)  : i32 {
        %mul3A_101 = arith.constant 16 : i32
        %mul3A_102 = arith.muli %while3A_99, %mul3A_101 : i32
        %add3A_103 = vector.broadcast %mul3A_102 : i32 to vector<16xi32>
        %add3A_104 = arith.addi %add3A_103, %iota3A : vector<16xi32>
        %lt3A_105 = vector.broadcast %max3A_54 : i32 to vector<16xi32>
        %lt3A_106 = arith.cmpi slt, %add3A_104, %lt3A_105 : vector<16xi32>
        %mul3A_107 = arith.constant 16 : i32
        %mul3A_108 = arith.muli %while3A_99, %mul3A_107 : i32
        %get3A_109 = arith.index_cast %mul3A_108 : i32 to index
        %get3A_110 = tpu.vector_load %arg14[%get3A_109] {strides = array<i32>} : memref<512xi32, #tpu.memory_space<vmem>>, vector<16xi32>,
        %gather3A = tpu.vector_load_idx %arg12[%get3A_110] : memref<10000xi32, #tpu.memory_space<vmem>>[vector<16xi32>], vector<16xi32>,
        %gather3A_111 = tpu.vector_load_idx %arg13[%get3A_110] : memref<10000xi32, #tpu.memory_space<vmem>>[vector<16xi32>], vector<16xi32>,
        %sub3A = arith.subi %gather3A_111, %gather3A : vector<16xi32>
        %jit3A_112 = arith.constant 0 : i32
        %broadcast_in_dim3A_113 = vector.broadcast %jit3A_112 : i32 to vector<16xi32>
        %select_n3A_114 = arith.select %lt3A_106, %sub3A, %broadcast_in_dim3A_113 : vector<16xi1>, vector<16xi32>
        %broadcast_in_dim3A_115 = arith.constant true
        %broadcast_in_dim3A_116 = vector.broadcast %broadcast_in_dim3A_115 : i1 to vector<16xi1>
        %masked_cumsum3A = tpu.scan <sum>, %select_n3A_114 masked %broadcast_in_dim3A_116 : vector<16xi32>, vector<16xi1> -> vector<16xi32>
        %add3A_117 = vector.broadcast %while3A_100 : i32 to vector<16xi32>
        %add3A_118 = arith.addi %add3A_117, %masked_cumsum3A : vector<16xi32>
        %sub3A_119 = arith.subi %add3A_118, %select_n3A_114 : vector<16xi32>
        %sub3A_120 = arith.constant 400 : i32
        %sub3A_121 = vector.broadcast %sub3A_120 : i32 to vector<16xi32>
        %sub3A_122 = arith.subi %sub3A_121, %sub3A_119 : vector<16xi32>
        %max3A_123 = arith.constant 0 : i32
        %max3A_124 = vector.broadcast %max3A_123 : i32 to vector<16xi32>
        %max3A_125 = arith.maxsi %sub3A_122, %max3A_124 : vector<16xi32>
        %min3A_126 = arith.minsi %select_n3A_114, %max3A_125 : vector<16xi32>
        %mul3A_127 = arith.constant 16 : i32
        %mul3A_128 = arith.muli %while3A_99, %mul3A_127 : i32
        %swap3A_129 = arith.index_cast %mul3A_128 : i32 to index
        %swap3A_130 = tpu.vector_load %arg15[%swap3A_129] {strides = array<i32>} : memref<512xi32, #tpu.memory_space<vmem>>, vector<16xi32>,
        tpu.vector_store %arg15[%swap3A_129], %sub3A_119 {strides = array<i32>} : memref<512xi32, #tpu.memory_space<vmem>>, vector<16xi32>,
        %mul3A_131 = arith.constant 16 : i32
        %mul3A_132 = arith.muli %while3A_99, %mul3A_131 : i32
        %swap3A_133 = arith.index_cast %mul3A_132 : i32 to index
        %swap3A_134 = tpu.vector_load %arg16[%swap3A_133] {strides = array<i32>} : memref<512xi32, #tpu.memory_space<vmem>>, vector<16xi32>,
        tpu.vector_store %arg16[%swap3A_133], %gather3A {strides = array<i32>} : memref<512xi32, #tpu.memory_space<vmem>>, vector<16xi32>,
        %add3A_135 = arith.constant 15 : i32
        %add3A_136 = vector.broadcast %add3A_135 : i32 to vector<16xi32>
        %add3A_137 = arith.addi %min3A_126, %add3A_136 : vector<16xi32>
        %div3A_138 = arith.constant 16 : i32
        %div3A_139 = vector.broadcast %div3A_138 : i32 to vector<16xi32>
        %div3A_140 = arith.divsi %add3A_137, %div3A_139 : vector<16xi32>
        %mul3A_141 = arith.constant 16 : i32
        %mul3A_142 = arith.muli %while3A_99, %mul3A_141 : i32
        %swap3A_143 = arith.index_cast %mul3A_142 : i32 to index
        %swap3A_144 = tpu.vector_load %arg17[%swap3A_143] {strides = array<i32>} : memref<512xi32, #tpu.memory_space<vmem>>, vector<16xi32>,
        tpu.vector_store %arg17[%swap3A_143], %div3A_140 {strides = array<i32>} : memref<512xi32, #tpu.memory_space<vmem>>, vector<16xi32>,
        %reduce_max3A = arith.constant true
        %reduce_max3A_145 = vector.broadcast %reduce_max3A : i1 to vector<16xi1>
        %reduce_max3A_146 = arith.constant -2147483648 : i32
        %reduce_max3A_147 = vector.broadcast %reduce_max3A_146 : i32 to vector<16xi32>
        %reduce_max3A_148 = arith.xori %masked_cumsum3A, %reduce_max3A_147 : vector<16xi32>
        %reduce_max3A_149 = tpu.scan <max>, %reduce_max3A_148 masked %reduce_max3A_145 : vector<16xi32>, vector<16xi1> -> vector<16xi32>
        %reduce_max3A_150 = arith.xori %reduce_max3A_149, %reduce_max3A_147 : vector<16xi32>
        %reduce_max3A_151 = vector.extract %reduce_max3A_150[15] : i32 from vector<16xi32>
        %add3A_152 = arith.addi %while3A_100, %reduce_max3A_151 : i32
        scf.yield %add3A_152 : i32
      }
      %min3A = arith.constant 400 : i32
      %min3A_69 = arith.minsi %while3A_68, %min3A : i32
      %while3A_70 = arith.constant 0 : i32
      %while3A_71 = arith.constant 0 : i32
      %while3A_72 = arith.subi %max3A_54, %while3A_70 : i32
      %while3A_73 = arith.addi %while3A_70, %while3A_72 : i32
      %while3A_74 = arith.constant 1 : i32
      %while3A_75 = arith.divsi %while3A_72, %while3A_74 : i32
      %while3A_76 = arith.muli %while3A_75, %while3A_74 : i32
      %while3A_77 = arith.addi %while3A_70, %while3A_76 : i32
      %while3A_78 = arith.constant 1 : i32
      %while3A_79 = scf.for %while3A_99 = %while3A_70 to %while3A_77 step %while3A_78 iter_args(%while3A_100 = %while3A_71) -> (i32)  : i32 {
        %get3A_101 = arith.index_cast %while3A_99 : i32 to index
        %get3A_102 = tpu.vector_load %arg17[%get3A_101] {strides = array<i32>} : memref<512xi32, #tpu.memory_space<vmem>>, vector<16xi32>,
        %slice3A_103 = vector.extract_strided_slice %get3A_102 {offsets = [0], sizes = [1], strides = [1]} : vector<16xi32> to vector<1xi32>
        %squeeze3A_104 = vector.extract %slice3A_103[0] : i32 from vector<1xi32>
        %get3A_105 = arith.index_cast %while3A_99 : i32 to index
        %get3A_106 = tpu.vector_load %arg15[%get3A_105] {strides = array<i32>} : memref<512xi32, #tpu.memory_space<vmem>>, vector<16xi32>,
        %slice3A_107 = vector.extract_strided_slice %get3A_106 {offsets = [0], sizes = [1], strides = [1]} : vector<16xi32> to vector<1xi32>
        %squeeze3A_108 = vector.extract %slice3A_107[0] : i32 from vector<1xi32>
        %get3A_109 = arith.index_cast %while3A_99 : i32 to index
        %get3A_110 = tpu.vector_load %arg16[%get3A_109] {strides = array<i32>} : memref<512xi32, #tpu.memory_space<vmem>>, vector<16xi32>,
        %slice3A_111 = vector.extract_strided_slice %get3A_110 {offsets = [0], sizes = [1], strides = [1]} : vector<16xi32> to vector<1xi32>
        %squeeze3A_112 = vector.extract %slice3A_111[0] : i32 from vector<1xi32>
        %while3A_113 = arith.constant 0 : i32
        %while3A_114 = arith.subi %squeeze3A_104, %while3A_113 : i32
        %while3A_115 = arith.addi %while3A_113, %while3A_114 : i32
        %while3A_116 = arith.constant 1 : i32
        %while3A_117 = arith.divsi %while3A_114, %while3A_116 : i32
        %while3A_118 = arith.muli %while3A_117, %while3A_116 : i32
        %while3A_119 = arith.addi %while3A_113, %while3A_118 : i32
        %while3A_120 = arith.constant 1 : i32
        %while3A_121 = scf.for %while3A_124 = %while3A_113 to %while3A_119 step %while3A_120 iter_args(%while3A_125 = %while3A_100) -> (i32)  : i32 {
          %mul3A_126 = arith.constant 16 : i32
          %mul3A_127 = arith.muli %while3A_124, %mul3A_126 : i32
          %add3A_128 = arith.addi %squeeze3A_112, %mul3A_127 : i32
          %mul3A_129 = arith.constant 8 : i32
          %mul3A_130 = arith.muli %add3A_128, %mul3A_129 : i32
          %mul3A_131 = arith.constant 16 : i32
          %mul3A_132 = arith.muli %while3A_124, %mul3A_131 : i32
          %add3A_133 = arith.addi %squeeze3A_108, %mul3A_132 : i32
          %mul3A_134 = arith.constant 8 : i32
          %mul3A_135 = arith.muli %add3A_133, %mul3A_134 : i32
          %dma_start3A = tpu.memref_slice %arg18[%mul3A_135] : memref<4096xi32, #tpu.memory_space<vmem>> -> memref<128xi32, #tpu.memory_space<vmem>>
          %dma_start3A_136 = tpu.memref_slice %arg5[%mul3A_130] : memref<1280128xi32, #tpu.memory_space<hbm>> -> memref<128xi32, #tpu.memory_space<hbm>>
          %dma_start3A_137 = tpu.memref_slice %arg18[%mul3A_135] : memref<4096xi32, #tpu.memory_space<vmem>> -> memref<128xi32, #tpu.memory_space<vmem>>
          %dma_start3A_138 = tpu.memref_slice %arg5[%mul3A_130] : memref<1280128xi32, #tpu.memory_space<hbm>> -> memref<128xi32, #tpu.memory_space<hbm>>
          tpu.enqueue_dma source(%dma_start3A_138 : memref<128xi32, #tpu.memory_space<hbm>>) target(%dma_start3A_137 : memref<128xi32, #tpu.memory_space<vmem>>) target_semaphore(%arg26 : memref<!tpu.dma_semaphore, #tpu.memory_space<semaphore_mem>>)
          %add3A_139 = arith.constant 1 : i32
          %add3A_140 = arith.addi %while3A_125, %add3A_139 : i32
          scf.yield %add3A_140 : i32
        }
        %while3A_122 = arith.constant 1 : i32
        %while3A_123 = scf.for %while3A_124 = %while3A_119 to %while3A_115 step %while3A_122 iter_args(%while3A_125 = %while3A_121) -> (i32)  : i32 {
          %mul3A_126 = arith.constant 16 : i32
          %mul3A_127 = arith.muli %while3A_124, %mul3A_126 : i32
          %add3A_128 = arith.addi %squeeze3A_112, %mul3A_127 : i32
          %mul3A_129 = arith.constant 8 : i32
          %mul3A_130 = arith.muli %add3A_128, %mul3A_129 : i32
          %mul3A_131 = arith.constant 16 : i32
          %mul3A_132 = arith.muli %while3A_124, %mul3A_131 : i32
          %add3A_133 = arith.addi %squeeze3A_108, %mul3A_132 : i32
          %mul3A_134 = arith.constant 8 : i32
          %mul3A_135 = arith.muli %add3A_133, %mul3A_134 : i32
          %dma_start3A = tpu.memref_slice %arg18[%mul3A_135] : memref<4096xi32, #tpu.memory_space<vmem>> -> memref<128xi32, #tpu.memory_space<vmem>>
          %dma_start3A_136 = tpu.memref_slice %arg5[%mul3A_130] : memref<1280128xi32, #tpu.memory_space<hbm>> -> memref<128xi32, #tpu.memory_space<hbm>>
          %dma_start3A_137 = tpu.memref_slice %arg18[%mul3A_135] : memref<4096xi32, #tpu.memory_space<vmem>> -> memref<128xi32, #tpu.memory_space<vmem>>
          %dma_start3A_138 = tpu.memref_slice %arg5[%mul3A_130] : memref<1280128xi32, #tpu.memory_space<hbm>> -> memref<128xi32, #tpu.memory_space<hbm>>
          tpu.enqueue_dma source(%dma_start3A_138 : memref<128xi32, #tpu.memory_space<hbm>>) target(%dma_start3A_137 : memref<128xi32, #tpu.memory_space<vmem>>) target_semaphore(%arg26 : memref<!tpu.dma_semaphore, #tpu.memory_space<semaphore_mem>>)
          %add3A_139 = arith.constant 1 : i32
          %add3A_140 = arith.addi %while3A_125, %add3A_139 : i32
          scf.yield %add3A_140 : i32
        }
        scf.yield %while3A_123 : i32
      }
      %while3A_80 = arith.constant 1 : i32
      %while3A_81 = scf.for %while3A_99 = %while3A_77 to %while3A_73 step %while3A_80 iter_args(%while3A_100 = %while3A_79) -> (i32)  : i32 {
        %get3A_101 = arith.index_cast %while3A_99 : i32 to index
        %get3A_102 = tpu.vector_load %arg17[%get3A_101] {strides = array<i32>} : memref<512xi32, #tpu.memory_space<vmem>>, vector<16xi32>,
        %slice3A_103 = vector.extract_strided_slice %get3A_102 {offsets = [0], sizes = [1], strides = [1]} : vector<16xi32> to vector<1xi32>
        %squeeze3A_104 = vector.extract %slice3A_103[0] : i32 from vector<1xi32>
        %get3A_105 = arith.index_cast %while3A_99 : i32 to index
        %get3A_106 = tpu.vector_load %arg15[%get3A_105] {strides = array<i32>} : memref<512xi32, #tpu.memory_space<vmem>>, vector<16xi32>,
        %slice3A_107 = vector.extract_strided_slice %get3A_106 {offsets = [0], sizes = [1], strides = [1]} : vector<16xi32> to vector<1xi32>
        %squeeze3A_108 = vector.extract %slice3A_107[0] : i32 from vector<1xi32>
        %get3A_109 = arith.index_cast %while3A_99 : i32 to index
        %get3A_110 = tpu.vector_load %arg16[%get3A_109] {strides = array<i32>} : memref<512xi32, #tpu.memory_space<vmem>>, vector<16xi32>,
        %slice3A_111 = vector.extract_strided_slice %get3A_110 {offsets = [0], sizes = [1], strides = [1]} : vector<16xi32> to vector<1xi32>
        %squeeze3A_112 = vector.extract %slice3A_111[0] : i32 from vector<1xi32>
        %while3A_113 = arith.constant 0 : i32
        %while3A_114 = arith.subi %squeeze3A_104, %while3A_113 : i32
        %while3A_115 = arith.addi %while3A_113, %while3A_114 : i32
        %while3A_116 = arith.constant 1 : i32
        %while3A_117 = arith.divsi %while3A_114, %while3A_116 : i32
        %while3A_118 = arith.muli %while3A_117, %while3A_116 : i32
        %while3A_119 = arith.addi %while3A_113, %while3A_118 : i32
        %while3A_120 = arith.constant 1 : i32
        %while3A_121 = scf.for %while3A_124 = %while3A_113 to %while3A_119 step %while3A_120 iter_args(%while3A_125 = %while3A_100) -> (i32)  : i32 {
          %mul3A_126 = arith.constant 16 : i32
          %mul3A_127 = arith.muli %while3A_124, %mul3A_126 : i32
          %add3A_128 = arith.addi %squeeze3A_112, %mul3A_127 : i32
          %mul3A_129 = arith.constant 8 : i32
          %mul3A_130 = arith.muli %add3A_128, %mul3A_129 : i32
          %mul3A_131 = arith.constant 16 : i32
          %mul3A_132 = arith.muli %while3A_124, %mul3A_131 : i32
          %add3A_133 = arith.addi %squeeze3A_108, %mul3A_132 : i32
          %mul3A_134 = arith.constant 8 : i32
          %mul3A_135 = arith.muli %add3A_133, %mul3A_134 : i32
          %dma_start3A = tpu.memref_slice %arg18[%mul3A_135] : memref<4096xi32, #tpu.memory_space<vmem>> -> memref<128xi32, #tpu.memory_space<vmem>>
          %dma_start3A_136 = tpu.memref_slice %arg5[%mul3A_130] : memref<1280128xi32, #tpu.memory_space<hbm>> -> memref<128xi32, #tpu.memory_space<hbm>>
          %dma_start3A_137 = tpu.memref_slice %arg18[%mul3A_135] : memref<4096xi32, #tpu.memory_space<vmem>> -> memref<128xi32, #tpu.memory_space<vmem>>
          %dma_start3A_138 = tpu.memref_slice %arg5[%mul3A_130] : memref<1280128xi32, #tpu.memory_space<hbm>> -> memref<128xi32, #tpu.memory_space<hbm>>
          tpu.enqueue_dma source(%dma_start3A_138 : memref<128xi32, #tpu.memory_space<hbm>>) target(%dma_start3A_137 : memref<128xi32, #tpu.memory_space<vmem>>) target_semaphore(%arg26 : memref<!tpu.dma_semaphore, #tpu.memory_space<semaphore_mem>>)
          %add3A_139 = arith.constant 1 : i32
          %add3A_140 = arith.addi %while3A_125, %add3A_139 : i32
          scf.yield %add3A_140 : i32
        }
        %while3A_122 = arith.constant 1 : i32
        %while3A_123 = scf.for %while3A_124 = %while3A_119 to %while3A_115 step %while3A_122 iter_args(%while3A_125 = %while3A_121) -> (i32)  : i32 {
          %mul3A_126 = arith.constant 16 : i32
          %mul3A_127 = arith.muli %while3A_124, %mul3A_126 : i32
          %add3A_128 = arith.addi %squeeze3A_112, %mul3A_127 : i32
          %mul3A_129 = arith.constant 8 : i32
          %mul3A_130 = arith.muli %add3A_128, %mul3A_129 : i32
          %mul3A_131 = arith.constant 16 : i32
          %mul3A_132 = arith.muli %while3A_124, %mul3A_131 : i32
          %add3A_133 = arith.addi %squeeze3A_108, %mul3A_132 : i32
          %mul3A_134 = arith.constant 8 : i32
          %mul3A_135 = arith.muli %add3A_133, %mul3A_134 : i32
          %dma_start3A = tpu.memref_slice %arg18[%mul3A_135] : memref<4096xi32, #tpu.memory_space<vmem>> -> memref<128xi32, #tpu.memory_space<vmem>>
          %dma_start3A_136 = tpu.memref_slice %arg5[%mul3A_130] : memref<1280128xi32, #tpu.memory_space<hbm>> -> memref<128xi32, #tpu.memory_space<hbm>>
          %dma_start3A_137 = tpu.memref_slice %arg18[%mul3A_135] : memref<4096xi32, #tpu.memory_space<vmem>> -> memref<128xi32, #tpu.memory_space<vmem>>
          %dma_start3A_138 = tpu.memref_slice %arg5[%mul3A_130] : memref<1280128xi32, #tpu.memory_space<hbm>> -> memref<128xi32, #tpu.memory_space<hbm>>
          tpu.enqueue_dma source(%dma_start3A_138 : memref<128xi32, #tpu.memory_space<hbm>>) target(%dma_start3A_137 : memref<128xi32, #tpu.memory_space<vmem>>) target_semaphore(%arg26 : memref<!tpu.dma_semaphore, #tpu.memory_space<semaphore_mem>>)
          %add3A_139 = arith.constant 1 : i32
          %add3A_140 = arith.addi %while3A_125, %add3A_139 : i32
          scf.yield %add3A_140 : i32
        }
        scf.yield %while3A_123 : i32
      }
      %while3A_82 = arith.constant 0 : i32
      %while3A_83 = arith.constant 0 : i32
      %while3A_84 = arith.subi %while3A_81, %while3A_83 : i32
      %while3A_85 = arith.addi %while3A_83, %while3A_84 : i32
      %while3A_86 = arith.constant 1 : i32
      %while3A_87 = arith.divsi %while3A_84, %while3A_86 : i32
      %while3A_88 = arith.muli %while3A_87, %while3A_86 : i32
      %while3A_89 = arith.addi %while3A_83, %while3A_88 : i32
      %while3A_90 = arith.constant 1 : i32
      scf.for %while3A_99 = %while3A_83 to %while3A_89 step %while3A_90  : i32 {
        %dma_wait3A = arith.constant 0 : i32
        %dma_wait3A_100 = tpu.memref_slice %arg18[%dma_wait3A] : memref<4096xi32, #tpu.memory_space<vmem>> -> memref<128xi32, #tpu.memory_space<vmem>>
        %dma_wait3A_101 = arith.constant 0 : i32
        %dma_wait3A_102 = tpu.memref_slice %arg5[%dma_wait3A_101] : memref<1280128xi32, #tpu.memory_space<hbm>> -> memref<128xi32, #tpu.memory_space<hbm>>
        %dma_wait3A_103 = arith.constant 0 : i32
        %dma_wait3A_104 = tpu.memref_slice %arg18[%dma_wait3A_103] : memref<4096xi32, #tpu.memory_space<vmem>> -> memref<128xi32, #tpu.memory_space<vmem>>
        %dma_wait3A_105 = arith.constant 0 : i32
        %dma_wait3A_106 = tpu.memref_slice %arg5[%dma_wait3A_105] : memref<1280128xi32, #tpu.memory_space<hbm>> -> memref<128xi32, #tpu.memory_space<hbm>>
        tpu.wait_dma2 semaphore(%arg26 : memref<!tpu.dma_semaphore, #tpu.memory_space<semaphore_mem>>) src(%dma_wait3A_106 : memref<128xi32, #tpu.memory_space<hbm>>) dst(%dma_wait3A_104 : memref<128xi32, #tpu.memory_space<vmem>>)
      }
      %while3A_91 = arith.constant 1 : i32
      scf.for %while3A_99 = %while3A_89 to %while3A_85 step %while3A_91  : i32 {
        %dma_wait3A = arith.constant 0 : i32
        %dma_wait3A_100 = tpu.memref_slice %arg18[%dma_wait3A] : memref<4096xi32, #tpu.memory_space<vmem>> -> memref<128xi32, #tpu.memory_space<vmem>>
        %dma_wait3A_101 = arith.constant 0 : i32
        %dma_wait3A_102 = tpu.memref_slice %arg5[%dma_wait3A_101] : memref<1280128xi32, #tpu.memory_space<hbm>> -> memref<128xi32, #tpu.memory_space<hbm>>
        %dma_wait3A_103 = arith.constant 0 : i32
        %dma_wait3A_104 = tpu.memref_slice %arg18[%dma_wait3A_103] : memref<4096xi32, #tpu.memory_space<vmem>> -> memref<128xi32, #tpu.memory_space<vmem>>
        %dma_wait3A_105 = arith.constant 0 : i32
        %dma_wait3A_106 = tpu.memref_slice %arg5[%dma_wait3A_105] : memref<1280128xi32, #tpu.memory_space<hbm>> -> memref<128xi32, #tpu.memory_space<hbm>>
        tpu.wait_dma2 semaphore(%arg26 : memref<!tpu.dma_semaphore, #tpu.memory_space<semaphore_mem>>) src(%dma_wait3A_106 : memref<128xi32, #tpu.memory_space<hbm>>) dst(%dma_wait3A_104 : memref<128xi32, #tpu.memory_space<vmem>>)
      }
      %scan3A_92 = arith.constant 0 : i32
      %scan3A_93 = arith.constant 0 : i32
      %scan3A_94 = arith.constant 25 : i32
      %scan3A_95 = arith.addi %scan3A_93, %scan3A_94 : i32
      %scan3A_96 = arith.constant 1 : i32
      %scan3A_97 = scf.for %scan3A_99 = %scan3A_93 to %scan3A_95 step %scan3A_96 iter_args(%scan3A_100 = %scan3A_92) -> (i32)  : i32 {
        %mul3A_101 = arith.constant 16 : i32
        %mul3A_102 = arith.muli %scan3A_99, %mul3A_101 : i32
        %add3A_103 = vector.broadcast %mul3A_102 : i32 to vector<16xi32>
        %add3A_104 = arith.addi %add3A_103, %iota3A : vector<16xi32>
        %mul3A_105 = arith.constant 8 : i32
        %mul3A_106 = vector.broadcast %mul3A_105 : i32 to vector<16xi32>
        %mul3A_107 = arith.muli %add3A_104, %mul3A_106 : vector<16xi32>
        %gather3A = tpu.vector_load_idx %arg18[%mul3A_107] : memref<4096xi32, #tpu.memory_space<vmem>>[vector<16xi32>], vector<16xi32>,
        %jit3A_108 = arith.constant 0 : i32
        %jit3A_109 = arith.constant 9999 : i32
        %max3A_110 = vector.broadcast %jit3A_108 : i32 to vector<16xi32>
        %max3A_111 = arith.maxsi %max3A_110, %gather3A : vector<16xi32>
        %min3A_112 = vector.broadcast %jit3A_109 : i32 to vector<16xi32>
        %min3A_113 = arith.minsi %min3A_112, %max3A_111 : vector<16xi32>
        %add3A_114 = arith.constant 1 : i32
        %add3A_115 = vector.broadcast %add3A_114 : i32 to vector<16xi32>
        %add3A_116 = arith.addi %mul3A_107, %add3A_115 : vector<16xi32>
        %gather3A_117 = tpu.vector_load_idx %arg18[%add3A_116] : memref<4096xi32, #tpu.memory_space<vmem>>[vector<16xi32>], vector<16xi32>,
        %jit3A_118 = arith.constant 0 : i32
        %jit3A_119 = arith.constant 9999 : i32
        %max3A_120 = vector.broadcast %jit3A_118 : i32 to vector<16xi32>
        %max3A_121 = arith.maxsi %max3A_120, %gather3A_117 : vector<16xi32>
        %min3A_122 = vector.broadcast %jit3A_119 : i32 to vector<16xi32>
        %min3A_123 = arith.minsi %min3A_122, %max3A_121 : vector<16xi32>
        %add3A_124 = arith.constant 2 : i32
        %add3A_125 = vector.broadcast %add3A_124 : i32 to vector<16xi32>
        %add3A_126 = arith.addi %mul3A_107, %add3A_125 : vector<16xi32>
        %gather3A_127 = tpu.vector_load_idx %arg18[%add3A_126] : memref<4096xi32, #tpu.memory_space<vmem>>[vector<16xi32>], vector<16xi32>,
        %jit3A_128 = arith.constant 0 : i32
        %jit3A_129 = arith.constant 199 : i32
        %max3A_130 = vector.broadcast %jit3A_128 : i32 to vector<16xi32>
        %max3A_131 = arith.maxsi %max3A_130, %gather3A_127 : vector<16xi32>
        %min3A_132 = vector.broadcast %jit3A_129 : i32 to vector<16xi32>
        %min3A_133 = arith.minsi %min3A_132, %max3A_131 : vector<16xi32>
        %mul3A_134 = arith.constant 16 : i32
        %mul3A_135 = arith.muli %scan3A_99, %mul3A_134 : i32
        %swap3A_136 = arith.index_cast %mul3A_135 : i32 to index
        %swap3A_137 = tpu.vector_load %arg19[%swap3A_136] {strides = array<i32>} : memref<400xi32, #tpu.memory_space<vmem>>, vector<16xi32>,
        tpu.vector_store %arg19[%swap3A_136], %min3A_113 {strides = array<i32>} : memref<400xi32, #tpu.memory_space<vmem>>, vector<16xi32>,
        %mul3A_138 = arith.constant 16 : i32
        %mul3A_139 = arith.muli %scan3A_99, %mul3A_138 : i32
        %swap3A_140 = arith.index_cast %mul3A_139 : i32 to index
        %swap3A_141 = tpu.vector_load %arg20[%swap3A_140] {strides = array<i32>} : memref<400xi32, #tpu.memory_space<vmem>>, vector<16xi32>,
        tpu.vector_store %arg20[%swap3A_140], %min3A_123 {strides = array<i32>} : memref<400xi32, #tpu.memory_space<vmem>>, vector<16xi32>,
        %mul3A_142 = arith.constant 16 : i32
        %mul3A_143 = arith.muli %scan3A_99, %mul3A_142 : i32
        %swap3A_144 = arith.index_cast %mul3A_143 : i32 to index
        %swap3A_145 = tpu.vector_load %arg21[%swap3A_144] {strides = array<i32>} : memref<400xi32, #tpu.memory_space<vmem>>, vector<16xi32>,
        tpu.vector_store %arg21[%swap3A_144], %min3A_133 {strides = array<i32>} : memref<400xi32, #tpu.memory_space<vmem>>, vector<16xi32>,
        %gather3A_146 = tpu.vector_load_idx %arg11[%min3A_113] : memref<10000xf32, #tpu.memory_space<vmem>>[vector<16xi32>], vector<16xf32>,
        %mul3A_147 = arith.constant 16 : i32
        %mul3A_148 = arith.muli %scan3A_99, %mul3A_147 : i32
        %swap3A_149 = arith.index_cast %mul3A_148 : i32 to index
        %swap3A_150 = tpu.vector_load %arg22[%swap3A_149] {strides = array<i32>} : memref<400xf32, #tpu.memory_space<vmem>>, vector<16xf32>,
        tpu.vector_store %arg22[%swap3A_149], %gather3A_146 {strides = array<i32>} : memref<400xf32, #tpu.memory_space<vmem>>, vector<16xf32>,
        %mul3A_151 = arith.constant 16 : i32
        %mul3A_152 = arith.muli %scan3A_99, %mul3A_151 : i32
        %add3A_153 = vector.broadcast %mul3A_152 : i32 to vector<16xi32>
        %add3A_154 = arith.addi %add3A_153, %iota3A : vector<16xi32>
        %lt3A_155 = vector.broadcast %min3A_69 : i32 to vector<16xi32>
        %lt3A_156 = arith.cmpi slt, %add3A_154, %lt3A_155 : vector<16xi32>
        %convert_element_type3A_157 = arith.extui %lt3A_156 : vector<16xi1> to vector<16xi32>
        %convert_element_type3A_158 = arith.sitofp %convert_element_type3A_157 : vector<16xi32> to vector<16xf32>
        %mul3A_159 = arith.constant 16 : i32
        %mul3A_160 = arith.muli %scan3A_99, %mul3A_159 : i32
        %swap3A_161 = arith.index_cast %mul3A_160 : i32 to index
        %swap3A_162 = tpu.vector_load %arg25[%swap3A_161] {strides = array<i32>} : memref<400xf32, #tpu.memory_space<vmem>>, vector<16xf32>,
        tpu.vector_store %arg25[%swap3A_161], %convert_element_type3A_158 {strides = array<i32>} : memref<400xf32, #tpu.memory_space<vmem>>, vector<16xf32>,
        %scan3A_163 = arith.constant 0 : i32
        scf.yield %scan3A_163 : i32
      }
      %scan3A_98 = arith.constant 25 : i32
      "tpu.region"() ({
        %run_scoped3A = tpu.sem_alloc : memref<!tpu.dma_semaphore, #tpu.memory_space<semaphore_mem>>
        %dma_start3A = arith.constant 0 : i32
        %dma_start3A_99 = tpu.memref_slice %arg6[%add3A, %dma_start3A] : memref<16x400xi32, #tpu.memory_space<hbm>> -> memref<1x400xi32, #tpu.memory_space<hbm>>
        %dma_start3A_100 = tpu.memref_squeeze %dma_start3A_99 : memref<1x400xi32, #tpu.memory_space<hbm>> -> memref<400xi32, #tpu.memory_space<hbm>>
        %dma_start3A_101 = arith.constant 0 : i32
        %dma_start3A_102 = tpu.memref_slice %arg6[%add3A, %dma_start3A_101] : memref<16x400xi32, #tpu.memory_space<hbm>> -> memref<1x400xi32, #tpu.memory_space<hbm>>
        %dma_start3A_103 = tpu.memref_squeeze %dma_start3A_102 : memref<1x400xi32, #tpu.memory_space<hbm>> -> memref<400xi32, #tpu.memory_space<hbm>>
        tpu.enqueue_dma source(%arg19 : memref<400xi32, #tpu.memory_space<vmem>>) target(%dma_start3A_103 : memref<400xi32, #tpu.memory_space<hbm>>) target_semaphore(%run_scoped3A : memref<!tpu.dma_semaphore, #tpu.memory_space<semaphore_mem>>)
        %dma_wait3A = arith.constant 0 : i32
        %dma_wait3A_104 = tpu.memref_slice %arg6[%add3A, %dma_wait3A] : memref<16x400xi32, #tpu.memory_space<hbm>> -> memref<1x400xi32, #tpu.memory_space<hbm>>
        %dma_wait3A_105 = tpu.memref_squeeze %dma_wait3A_104 : memref<1x400xi32, #tpu.memory_space<hbm>> -> memref<400xi32, #tpu.memory_space<hbm>>
        %dma_wait3A_106 = arith.constant 0 : i32
        %dma_wait3A_107 = tpu.memref_slice %arg6[%add3A, %dma_wait3A_106] : memref<16x400xi32, #tpu.memory_space<hbm>> -> memref<1x400xi32, #tpu.memory_space<hbm>>
        %dma_wait3A_108 = tpu.memref_squeeze %dma_wait3A_107 : memref<1x400xi32, #tpu.memory_space<hbm>> -> memref<400xi32, #tpu.memory_space<hbm>>
        tpu.wait_dma2 semaphore(%run_scoped3A : memref<!tpu.dma_semaphore, #tpu.memory_space<semaphore_mem>>) src(%arg19 : memref<400xi32, #tpu.memory_space<vmem>>) dst(%dma_wait3A_108 : memref<400xi32, #tpu.memory_space<hbm>>)
        tpu.yield
      }) : () -> ()
      "tpu.region"() ({
        %run_scoped3A = tpu.sem_alloc : memref<!tpu.dma_semaphore, #tpu.memory_space<semaphore_mem>>
        %dma_start3A = arith.constant 0 : i32
        %dma_start3A_99 = tpu.memref_slice %arg7[%add3A, %dma_start3A] : memref<16x400xi32, #tpu.memory_space<hbm>> -> memref<1x400xi32, #tpu.memory_space<hbm>>
        %dma_start3A_100 = tpu.memref_squeeze %dma_start3A_99 : memref<1x400xi32, #tpu.memory_space<hbm>> -> memref<400xi32, #tpu.memory_space<hbm>>
        %dma_start3A_101 = arith.constant 0 : i32
        %dma_start3A_102 = tpu.memref_slice %arg7[%add3A, %dma_start3A_101] : memref<16x400xi32, #tpu.memory_space<hbm>> -> memref<1x400xi32, #tpu.memory_space<hbm>>
        %dma_start3A_103 = tpu.memref_squeeze %dma_start3A_102 : memref<1x400xi32, #tpu.memory_space<hbm>> -> memref<400xi32, #tpu.memory_space<hbm>>
        tpu.enqueue_dma source(%arg20 : memref<400xi32, #tpu.memory_space<vmem>>) target(%dma_start3A_103 : memref<400xi32, #tpu.memory_space<hbm>>) target_semaphore(%run_scoped3A : memref<!tpu.dma_semaphore, #tpu.memory_space<semaphore_mem>>)
        %dma_wait3A = arith.constant 0 : i32
        %dma_wait3A_104 = tpu.memref_slice %arg7[%add3A, %dma_wait3A] : memref<16x400xi32, #tpu.memory_space<hbm>> -> memref<1x400xi32, #tpu.memory_space<hbm>>
        %dma_wait3A_105 = tpu.memref_squeeze %dma_wait3A_104 : memref<1x400xi32, #tpu.memory_space<hbm>> -> memref<400xi32, #tpu.memory_space<hbm>>
        %dma_wait3A_106 = arith.constant 0 : i32
        %dma_wait3A_107 = tpu.memref_slice %arg7[%add3A, %dma_wait3A_106] : memref<16x400xi32, #tpu.memory_space<hbm>> -> memref<1x400xi32, #tpu.memory_space<hbm>>
        %dma_wait3A_108 = tpu.memref_squeeze %dma_wait3A_107 : memref<1x400xi32, #tpu.memory_space<hbm>> -> memref<400xi32, #tpu.memory_space<hbm>>
        tpu.wait_dma2 semaphore(%run_scoped3A : memref<!tpu.dma_semaphore, #tpu.memory_space<semaphore_mem>>) src(%arg20 : memref<400xi32, #tpu.memory_space<vmem>>) dst(%dma_wait3A_108 : memref<400xi32, #tpu.memory_space<hbm>>)
        tpu.yield
      }) : () -> ()
      "tpu.region"() ({
        %run_scoped3A = tpu.sem_alloc : memref<!tpu.dma_semaphore, #tpu.memory_space<semaphore_mem>>
        %dma_start3A = arith.constant 0 : i32
        %dma_start3A_99 = tpu.memref_slice %arg8[%add3A, %dma_start3A] : memref<16x400xi32, #tpu.memory_space<hbm>> -> memref<1x400xi32, #tpu.memory_space<hbm>>
        %dma_start3A_100 = tpu.memref_squeeze %dma_start3A_99 : memref<1x400xi32, #tpu.memory_space<hbm>> -> memref<400xi32, #tpu.memory_space<hbm>>
        %dma_start3A_101 = arith.constant 0 : i32
        %dma_start3A_102 = tpu.memref_slice %arg8[%add3A, %dma_start3A_101] : memref<16x400xi32, #tpu.memory_space<hbm>> -> memref<1x400xi32, #tpu.memory_space<hbm>>
        %dma_start3A_103 = tpu.memref_squeeze %dma_start3A_102 : memref<1x400xi32, #tpu.memory_space<hbm>> -> memref<400xi32, #tpu.memory_space<hbm>>
        tpu.enqueue_dma source(%arg21 : memref<400xi32, #tpu.memory_space<vmem>>) target(%dma_start3A_103 : memref<400xi32, #tpu.memory_space<hbm>>) target_semaphore(%run_scoped3A : memref<!tpu.dma_semaphore, #tpu.memory_space<semaphore_mem>>)
        %dma_wait3A = arith.constant 0 : i32
        %dma_wait3A_104 = tpu.memref_slice %arg8[%add3A, %dma_wait3A] : memref<16x400xi32, #tpu.memory_space<hbm>> -> memref<1x400xi32, #tpu.memory_space<hbm>>
        %dma_wait3A_105 = tpu.memref_squeeze %dma_wait3A_104 : memref<1x400xi32, #tpu.memory_space<hbm>> -> memref<400xi32, #tpu.memory_space<hbm>>
        %dma_wait3A_106 = arith.constant 0 : i32
        %dma_wait3A_107 = tpu.memref_slice %arg8[%add3A, %dma_wait3A_106] : memref<16x400xi32, #tpu.memory_space<hbm>> -> memref<1x400xi32, #tpu.memory_space<hbm>>
        %dma_wait3A_108 = tpu.memref_squeeze %dma_wait3A_107 : memref<1x400xi32, #tpu.memory_space<hbm>> -> memref<400xi32, #tpu.memory_space<hbm>>
        tpu.wait_dma2 semaphore(%run_scoped3A : memref<!tpu.dma_semaphore, #tpu.memory_space<semaphore_mem>>) src(%arg21 : memref<400xi32, #tpu.memory_space<vmem>>) dst(%dma_wait3A_108 : memref<400xi32, #tpu.memory_space<hbm>>)
        tpu.yield
      }) : () -> ()
      "tpu.region"() ({
        %run_scoped3A = tpu.sem_alloc : memref<!tpu.dma_semaphore, #tpu.memory_space<semaphore_mem>>
        %dma_start3A = arith.constant 0 : i32
        %dma_start3A_99 = tpu.memref_slice %arg9[%add3A, %dma_start3A] : memref<16x400xf32, #tpu.memory_space<hbm>> -> memref<1x400xf32, #tpu.memory_space<hbm>>
        %dma_start3A_100 = tpu.memref_squeeze %dma_start3A_99 : memref<1x400xf32, #tpu.memory_space<hbm>> -> memref<400xf32, #tpu.memory_space<hbm>>
        %dma_start3A_101 = arith.constant 0 : i32
        %dma_start3A_102 = tpu.memref_slice %arg9[%add3A, %dma_start3A_101] : memref<16x400xf32, #tpu.memory_space<hbm>> -> memref<1x400xf32, #tpu.memory_space<hbm>>
        %dma_start3A_103 = tpu.memref_squeeze %dma_start3A_102 : memref<1x400xf32, #tpu.memory_space<hbm>> -> memref<400xf32, #tpu.memory_space<hbm>>
        tpu.enqueue_dma source(%arg22 : memref<400xf32, #tpu.memory_space<vmem>>) target(%dma_start3A_103 : memref<400xf32, #tpu.memory_space<hbm>>) target_semaphore(%run_scoped3A : memref<!tpu.dma_semaphore, #tpu.memory_space<semaphore_mem>>)
        %dma_wait3A = arith.constant 0 : i32
        %dma_wait3A_104 = tpu.memref_slice %arg9[%add3A, %dma_wait3A] : memref<16x400xf32, #tpu.memory_space<hbm>> -> memref<1x400xf32, #tpu.memory_space<hbm>>
        %dma_wait3A_105 = tpu.memref_squeeze %dma_wait3A_104 : memref<1x400xf32, #tpu.memory_space<hbm>> -> memref<400xf32, #tpu.memory_space<hbm>>
        %dma_wait3A_106 = arith.constant 0 : i32
        %dma_wait3A_107 = tpu.memref_slice %arg9[%add3A, %dma_wait3A_106] : memref<16x400xf32, #tpu.memory_space<hbm>> -> memref<1x400xf32, #tpu.memory_space<hbm>>
        %dma_wait3A_108 = tpu.memref_squeeze %dma_wait3A_107 : memref<1x400xf32, #tpu.memory_space<hbm>> -> memref<400xf32, #tpu.memory_space<hbm>>
        tpu.wait_dma2 semaphore(%run_scoped3A : memref<!tpu.dma_semaphore, #tpu.memory_space<semaphore_mem>>) src(%arg22 : memref<400xf32, #tpu.memory_space<vmem>>) dst(%dma_wait3A_108 : memref<400xf32, #tpu.memory_space<hbm>>)
        tpu.yield
      }) : () -> ()
      "tpu.region"() ({
        %run_scoped3A = tpu.sem_alloc : memref<!tpu.dma_semaphore, #tpu.memory_space<semaphore_mem>>
        %dma_start3A = arith.constant 0 : i32
        %dma_start3A_99 = tpu.memref_slice %arg10[%add3A, %dma_start3A] : memref<16x400xf32, #tpu.memory_space<hbm>> -> memref<1x400xf32, #tpu.memory_space<hbm>>
        %dma_start3A_100 = tpu.memref_squeeze %dma_start3A_99 : memref<1x400xf32, #tpu.memory_space<hbm>> -> memref<400xf32, #tpu.memory_space<hbm>>
        %dma_start3A_101 = arith.constant 0 : i32
        %dma_start3A_102 = tpu.memref_slice %arg10[%add3A, %dma_start3A_101] : memref<16x400xf32, #tpu.memory_space<hbm>> -> memref<1x400xf32, #tpu.memory_space<hbm>>
        %dma_start3A_103 = tpu.memref_squeeze %dma_start3A_102 : memref<1x400xf32, #tpu.memory_space<hbm>> -> memref<400xf32, #tpu.memory_space<hbm>>
        tpu.enqueue_dma source(%arg25 : memref<400xf32, #tpu.memory_space<vmem>>) target(%dma_start3A_103 : memref<400xf32, #tpu.memory_space<hbm>>) target_semaphore(%run_scoped3A : memref<!tpu.dma_semaphore, #tpu.memory_space<semaphore_mem>>)
        %dma_wait3A = arith.constant 0 : i32
        %dma_wait3A_104 = tpu.memref_slice %arg10[%add3A, %dma_wait3A] : memref<16x400xf32, #tpu.memory_space<hbm>> -> memref<1x400xf32, #tpu.memory_space<hbm>>
        %dma_wait3A_105 = tpu.memref_squeeze %dma_wait3A_104 : memref<1x400xf32, #tpu.memory_space<hbm>> -> memref<400xf32, #tpu.memory_space<hbm>>
        %dma_wait3A_106 = arith.constant 0 : i32
        %dma_wait3A_107 = tpu.memref_slice %arg10[%add3A, %dma_wait3A_106] : memref<16x400xf32, #tpu.memory_space<hbm>> -> memref<1x400xf32, #tpu.memory_space<hbm>>
        %dma_wait3A_108 = tpu.memref_squeeze %dma_wait3A_107 : memref<1x400xf32, #tpu.memory_space<hbm>> -> memref<400xf32, #tpu.memory_space<hbm>>
        tpu.wait_dma2 semaphore(%run_scoped3A : memref<!tpu.dma_semaphore, #tpu.memory_space<semaphore_mem>>) src(%arg25 : memref<400xf32, #tpu.memory_space<vmem>>) dst(%dma_wait3A_108 : memref<400xf32, #tpu.memory_space<hbm>>)
        tpu.yield
      }) : () -> ()
    } else {
    }
    return
  }
}

#map = affine_map<(d0, d1) -> (0, 0)>
module attributes {stable_mosaic.version = 14 : i64} {
  func.func @sc3(%arg0: i32, %arg1: i32, %arg2: memref<16x400xi32, #tpu.memory_space<hbm>>, %arg3: memref<16x400xf32, #tpu.memory_space<hbm>>, %arg4: memref<16x10000xf32, #tpu.memory_space<hbm>>, %arg5: memref<10000xf32, #tpu.memory_space<vmem>>, %arg6: memref<400xi32, #tpu.memory_space<vmem>>, %arg7: memref<400xf32, #tpu.memory_space<vmem>>) attributes {dimension_semantics = [#tpu.dimension_semantics<core_parallel>, #tpu.dimension_semantics<subcore_parallel>], iteration_bounds = array<i64: 2, 16>, scalar_prefetch = 0 : i64, scratch_operands = 3 : i64, tpu.core_type = #tpu.core_type<sc_vector_subcore>, window_params = [{transform_indices = #map}, {transform_indices = #map}, {transform_indices = #map}]} {
    %mul3A = arith.constant 2 : i32
    %mul3A_0 = arith.muli %arg1, %mul3A : i32
    %add3A = arith.addi %mul3A_0, %arg0 : i32
    %lt3A = arith.constant 16 : i32
    %lt3A_1 = arith.cmpi slt, %add3A, %lt3A : i32
    %convert_element_type3A = arith.extui %lt3A_1 : i1 to i32
    %cond3A = arith.constant 0 : i32
    %cond3A_2 = arith.cmpi ne, %convert_element_type3A, %cond3A : i32
    scf.if %cond3A_2 {
      "tpu.region"() ({
        %run_scoped3A = tpu.sem_alloc : memref<!tpu.dma_semaphore, #tpu.memory_space<semaphore_mem>>
        %dma_start3A = arith.constant 0 : i32
        %dma_start3A_24 = tpu.memref_slice %arg2[%add3A, %dma_start3A] : memref<16x400xi32, #tpu.memory_space<hbm>> -> memref<1x400xi32, #tpu.memory_space<hbm>>
        %dma_start3A_25 = tpu.memref_squeeze %dma_start3A_24 : memref<1x400xi32, #tpu.memory_space<hbm>> -> memref<400xi32, #tpu.memory_space<hbm>>
        %dma_start3A_26 = arith.constant 0 : i32
        %dma_start3A_27 = tpu.memref_slice %arg2[%add3A, %dma_start3A_26] : memref<16x400xi32, #tpu.memory_space<hbm>> -> memref<1x400xi32, #tpu.memory_space<hbm>>
        %dma_start3A_28 = tpu.memref_squeeze %dma_start3A_27 : memref<1x400xi32, #tpu.memory_space<hbm>> -> memref<400xi32, #tpu.memory_space<hbm>>
        tpu.enqueue_dma source(%dma_start3A_28 : memref<400xi32, #tpu.memory_space<hbm>>) target(%arg6 : memref<400xi32, #tpu.memory_space<vmem>>) target_semaphore(%run_scoped3A : memref<!tpu.dma_semaphore, #tpu.memory_space<semaphore_mem>>)
        %dma_wait3A = arith.constant 0 : i32
        %dma_wait3A_29 = tpu.memref_slice %arg2[%add3A, %dma_wait3A] : memref<16x400xi32, #tpu.memory_space<hbm>> -> memref<1x400xi32, #tpu.memory_space<hbm>>
        %dma_wait3A_30 = tpu.memref_squeeze %dma_wait3A_29 : memref<1x400xi32, #tpu.memory_space<hbm>> -> memref<400xi32, #tpu.memory_space<hbm>>
        %dma_wait3A_31 = arith.constant 0 : i32
        %dma_wait3A_32 = tpu.memref_slice %arg2[%add3A, %dma_wait3A_31] : memref<16x400xi32, #tpu.memory_space<hbm>> -> memref<1x400xi32, #tpu.memory_space<hbm>>
        %dma_wait3A_33 = tpu.memref_squeeze %dma_wait3A_32 : memref<1x400xi32, #tpu.memory_space<hbm>> -> memref<400xi32, #tpu.memory_space<hbm>>
        tpu.wait_dma2 semaphore(%run_scoped3A : memref<!tpu.dma_semaphore, #tpu.memory_space<semaphore_mem>>) src(%dma_wait3A_33 : memref<400xi32, #tpu.memory_space<hbm>>) dst(%arg6 : memref<400xi32, #tpu.memory_space<vmem>>)
        tpu.yield
      }) : () -> ()
      "tpu.region"() ({
        %run_scoped3A = tpu.sem_alloc : memref<!tpu.dma_semaphore, #tpu.memory_space<semaphore_mem>>
        %dma_start3A = arith.constant 0 : i32
        %dma_start3A_24 = tpu.memref_slice %arg3[%add3A, %dma_start3A] : memref<16x400xf32, #tpu.memory_space<hbm>> -> memref<1x400xf32, #tpu.memory_space<hbm>>
        %dma_start3A_25 = tpu.memref_squeeze %dma_start3A_24 : memref<1x400xf32, #tpu.memory_space<hbm>> -> memref<400xf32, #tpu.memory_space<hbm>>
        %dma_start3A_26 = arith.constant 0 : i32
        %dma_start3A_27 = tpu.memref_slice %arg3[%add3A, %dma_start3A_26] : memref<16x400xf32, #tpu.memory_space<hbm>> -> memref<1x400xf32, #tpu.memory_space<hbm>>
        %dma_start3A_28 = tpu.memref_squeeze %dma_start3A_27 : memref<1x400xf32, #tpu.memory_space<hbm>> -> memref<400xf32, #tpu.memory_space<hbm>>
        tpu.enqueue_dma source(%dma_start3A_28 : memref<400xf32, #tpu.memory_space<hbm>>) target(%arg7 : memref<400xf32, #tpu.memory_space<vmem>>) target_semaphore(%run_scoped3A : memref<!tpu.dma_semaphore, #tpu.memory_space<semaphore_mem>>)
        %dma_wait3A = arith.constant 0 : i32
        %dma_wait3A_29 = tpu.memref_slice %arg3[%add3A, %dma_wait3A] : memref<16x400xf32, #tpu.memory_space<hbm>> -> memref<1x400xf32, #tpu.memory_space<hbm>>
        %dma_wait3A_30 = tpu.memref_squeeze %dma_wait3A_29 : memref<1x400xf32, #tpu.memory_space<hbm>> -> memref<400xf32, #tpu.memory_space<hbm>>
        %dma_wait3A_31 = arith.constant 0 : i32
        %dma_wait3A_32 = tpu.memref_slice %arg3[%add3A, %dma_wait3A_31] : memref<16x400xf32, #tpu.memory_space<hbm>> -> memref<1x400xf32, #tpu.memory_space<hbm>>
        %dma_wait3A_33 = tpu.memref_squeeze %dma_wait3A_32 : memref<1x400xf32, #tpu.memory_space<hbm>> -> memref<400xf32, #tpu.memory_space<hbm>>
        tpu.wait_dma2 semaphore(%run_scoped3A : memref<!tpu.dma_semaphore, #tpu.memory_space<semaphore_mem>>) src(%dma_wait3A_33 : memref<400xf32, #tpu.memory_space<hbm>>) dst(%arg7 : memref<400xf32, #tpu.memory_space<vmem>>)
        tpu.yield
      }) : () -> ()
      %broadcast_in_dim3A = arith.constant 0.000000e+00 : f32
      %broadcast_in_dim3A_3 = vector.broadcast %broadcast_in_dim3A : f32 to vector<16xf32>
      %scan3A = arith.constant 0 : i32
      %scan3A_4 = arith.constant 0 : i32
      %scan3A_5 = arith.constant 125 : i32
      %scan3A_6 = arith.addi %scan3A_4, %scan3A_5 : i32
      %scan3A_7 = arith.constant 1 : i32
      %scan3A_8 = scf.for %scan3A_24 = %scan3A_4 to %scan3A_6 step %scan3A_7 iter_args(%scan3A_25 = %scan3A) -> (i32)  : i32 {
        %mul3A_26 = arith.constant 5 : i32
        %mul3A_27 = arith.muli %scan3A_24, %mul3A_26 : i32
        %add3A_28 = arith.constant 0 : i32
        %add3A_29 = arith.addi %mul3A_27, %add3A_28 : i32
        %mul3A_30 = arith.constant 16 : i32
        %mul3A_31 = arith.muli %add3A_29, %mul3A_30 : i32
        %swap3A = arith.index_cast %mul3A_31 : i32 to index
        %swap3A_32 = tpu.vector_load %arg5[%swap3A] {strides = array<i32>} : memref<10000xf32, #tpu.memory_space<vmem>>, vector<16xf32>,
        tpu.vector_store %arg5[%swap3A], %broadcast_in_dim3A_3 {strides = array<i32>} : memref<10000xf32, #tpu.memory_space<vmem>>, vector<16xf32>,
        %mul3A_33 = arith.constant 5 : i32
        %mul3A_34 = arith.muli %scan3A_24, %mul3A_33 : i32
        %add3A_35 = arith.constant 1 : i32
        %add3A_36 = arith.addi %mul3A_34, %add3A_35 : i32
        %mul3A_37 = arith.constant 16 : i32
        %mul3A_38 = arith.muli %add3A_36, %mul3A_37 : i32
        %swap3A_39 = arith.index_cast %mul3A_38 : i32 to index
        %swap3A_40 = tpu.vector_load %arg5[%swap3A_39] {strides = array<i32>} : memref<10000xf32, #tpu.memory_space<vmem>>, vector<16xf32>,
        tpu.vector_store %arg5[%swap3A_39], %broadcast_in_dim3A_3 {strides = array<i32>} : memref<10000xf32, #tpu.memory_space<vmem>>, vector<16xf32>,
        %mul3A_41 = arith.constant 5 : i32
        %mul3A_42 = arith.muli %scan3A_24, %mul3A_41 : i32
        %add3A_43 = arith.constant 2 : i32
        %add3A_44 = arith.addi %mul3A_42, %add3A_43 : i32
        %mul3A_45 = arith.constant 16 : i32
        %mul3A_46 = arith.muli %add3A_44, %mul3A_45 : i32
        %swap3A_47 = arith.index_cast %mul3A_46 : i32 to index
        %swap3A_48 = tpu.vector_load %arg5[%swap3A_47] {strides = array<i32>} : memref<10000xf32, #tpu.memory_space<vmem>>, vector<16xf32>,
        tpu.vector_store %arg5[%swap3A_47], %broadcast_in_dim3A_3 {strides = array<i32>} : memref<10000xf32, #tpu.memory_space<vmem>>, vector<16xf32>,
        %mul3A_49 = arith.constant 5 : i32
        %mul3A_50 = arith.muli %scan3A_24, %mul3A_49 : i32
        %add3A_51 = arith.constant 3 : i32
        %add3A_52 = arith.addi %mul3A_50, %add3A_51 : i32
        %mul3A_53 = arith.constant 16 : i32
        %mul3A_54 = arith.muli %add3A_52, %mul3A_53 : i32
        %swap3A_55 = arith.index_cast %mul3A_54 : i32 to index
        %swap3A_56 = tpu.vector_load %arg5[%swap3A_55] {strides = array<i32>} : memref<10000xf32, #tpu.memory_space<vmem>>, vector<16xf32>,
        tpu.vector_store %arg5[%swap3A_55], %broadcast_in_dim3A_3 {strides = array<i32>} : memref<10000xf32, #tpu.memory_space<vmem>>, vector<16xf32>,
        %mul3A_57 = arith.constant 5 : i32
        %mul3A_58 = arith.muli %scan3A_24, %mul3A_57 : i32
        %add3A_59 = arith.constant 4 : i32
        %add3A_60 = arith.addi %mul3A_58, %add3A_59 : i32
        %mul3A_61 = arith.constant 16 : i32
        %mul3A_62 = arith.muli %add3A_60, %mul3A_61 : i32
        %swap3A_63 = arith.index_cast %mul3A_62 : i32 to index
        %swap3A_64 = tpu.vector_load %arg5[%swap3A_63] {strides = array<i32>} : memref<10000xf32, #tpu.memory_space<vmem>>, vector<16xf32>,
        tpu.vector_store %arg5[%swap3A_63], %broadcast_in_dim3A_3 {strides = array<i32>} : memref<10000xf32, #tpu.memory_space<vmem>>, vector<16xf32>,
        %scan3A_65 = arith.constant 0 : i32
        scf.yield %scan3A_65 : i32
      }
      %scan3A_9 = arith.constant 125 : i32
      %scan3A_10 = arith.constant 0 : i32
      %scan3A_11 = arith.constant 0 : i32
      %scan3A_12 = arith.constant 25 : i32
      %scan3A_13 = arith.addi %scan3A_11, %scan3A_12 : i32
      %scan3A_14 = arith.constant 1 : i32
      %scan3A_15 = scf.for %scan3A_24 = %scan3A_11 to %scan3A_13 step %scan3A_14 iter_args(%scan3A_25 = %scan3A_10) -> (i32)  : i32 {
        %mul3A_26 = arith.constant 16 : i32
        %mul3A_27 = arith.muli %scan3A_24, %mul3A_26 : i32
        %get3A = arith.index_cast %mul3A_27 : i32 to index
        %get3A_28 = tpu.vector_load %arg6[%get3A] {strides = array<i32>} : memref<400xi32, #tpu.memory_space<vmem>>, vector<16xi32>,
        %mul3A_29 = arith.constant 16 : i32
        %mul3A_30 = arith.muli %scan3A_24, %mul3A_29 : i32
        %get3A_31 = arith.index_cast %mul3A_30 : i32 to index
        %get3A_32 = tpu.vector_load %arg7[%get3A_31] {strides = array<i32>} : memref<400xf32, #tpu.memory_space<vmem>>, vector<16xf32>,
        tpu.vector_store_idx %arg5[%get3A_28], %get3A_32 {add = true} : memref<10000xf32, #tpu.memory_space<vmem>>[vector<16xi32>], vector<16xf32>,
        %scan3A_33 = arith.constant 0 : i32
        scf.yield %scan3A_33 : i32
      }
      %scan3A_16 = arith.constant 25 : i32
      %scan3A_17 = arith.constant 0 : i32
      %scan3A_18 = arith.constant 0 : i32
      %scan3A_19 = arith.constant 125 : i32
      %scan3A_20 = arith.addi %scan3A_18, %scan3A_19 : i32
      %scan3A_21 = arith.constant 1 : i32
      %scan3A_22 = scf.for %scan3A_24 = %scan3A_18 to %scan3A_20 step %scan3A_21 iter_args(%scan3A_25 = %scan3A_17) -> (i32)  : i32 {
        %mul3A_26 = arith.constant 5 : i32
        %mul3A_27 = arith.muli %scan3A_24, %mul3A_26 : i32
        %add3A_28 = arith.constant 0 : i32
        %add3A_29 = arith.addi %mul3A_27, %add3A_28 : i32
        %mul3A_30 = arith.constant 16 : i32
        %mul3A_31 = arith.muli %add3A_29, %mul3A_30 : i32
        %get3A = arith.index_cast %mul3A_31 : i32 to index
        %get3A_32 = tpu.vector_load %arg5[%get3A] {strides = array<i32>} : memref<10000xf32, #tpu.memory_space<vmem>>, vector<16xf32>,
        %min3A = arith.constant 1.000000e+00 : f32
        %min3A_33 = vector.broadcast %min3A : f32 to vector<16xf32>
        %min3A_34 = arith.minimumf %get3A_32, %min3A_33 : vector<16xf32>
        %swap3A = arith.index_cast %mul3A_31 : i32 to index
        %swap3A_35 = tpu.vector_load %arg5[%swap3A] {strides = array<i32>} : memref<10000xf32, #tpu.memory_space<vmem>>, vector<16xf32>,
        tpu.vector_store %arg5[%swap3A], %min3A_34 {strides = array<i32>} : memref<10000xf32, #tpu.memory_space<vmem>>, vector<16xf32>,
        %mul3A_36 = arith.constant 5 : i32
        %mul3A_37 = arith.muli %scan3A_24, %mul3A_36 : i32
        %add3A_38 = arith.constant 1 : i32
        %add3A_39 = arith.addi %mul3A_37, %add3A_38 : i32
        %mul3A_40 = arith.constant 16 : i32
        %mul3A_41 = arith.muli %add3A_39, %mul3A_40 : i32
        %get3A_42 = arith.index_cast %mul3A_41 : i32 to index
        %get3A_43 = tpu.vector_load %arg5[%get3A_42] {strides = array<i32>} : memref<10000xf32, #tpu.memory_space<vmem>>, vector<16xf32>,
        %min3A_44 = arith.constant 1.000000e+00 : f32
        %min3A_45 = vector.broadcast %min3A_44 : f32 to vector<16xf32>
        %min3A_46 = arith.minimumf %get3A_43, %min3A_45 : vector<16xf32>
        %swap3A_47 = arith.index_cast %mul3A_41 : i32 to index
        %swap3A_48 = tpu.vector_load %arg5[%swap3A_47] {strides = array<i32>} : memref<10000xf32, #tpu.memory_space<vmem>>, vector<16xf32>,
        tpu.vector_store %arg5[%swap3A_47], %min3A_46 {strides = array<i32>} : memref<10000xf32, #tpu.memory_space<vmem>>, vector<16xf32>,
        %mul3A_49 = arith.constant 5 : i32
        %mul3A_50 = arith.muli %scan3A_24, %mul3A_49 : i32
        %add3A_51 = arith.constant 2 : i32
        %add3A_52 = arith.addi %mul3A_50, %add3A_51 : i32
        %mul3A_53 = arith.constant 16 : i32
        %mul3A_54 = arith.muli %add3A_52, %mul3A_53 : i32
        %get3A_55 = arith.index_cast %mul3A_54 : i32 to index
        %get3A_56 = tpu.vector_load %arg5[%get3A_55] {strides = array<i32>} : memref<10000xf32, #tpu.memory_space<vmem>>, vector<16xf32>,
        %min3A_57 = arith.constant 1.000000e+00 : f32
        %min3A_58 = vector.broadcast %min3A_57 : f32 to vector<16xf32>
        %min3A_59 = arith.minimumf %get3A_56, %min3A_58 : vector<16xf32>
        %swap3A_60 = arith.index_cast %mul3A_54 : i32 to index
        %swap3A_61 = tpu.vector_load %arg5[%swap3A_60] {strides = array<i32>} : memref<10000xf32, #tpu.memory_space<vmem>>, vector<16xf32>,
        tpu.vector_store %arg5[%swap3A_60], %min3A_59 {strides = array<i32>} : memref<10000xf32, #tpu.memory_space<vmem>>, vector<16xf32>,
        %mul3A_62 = arith.constant 5 : i32
        %mul3A_63 = arith.muli %scan3A_24, %mul3A_62 : i32
        %add3A_64 = arith.constant 3 : i32
        %add3A_65 = arith.addi %mul3A_63, %add3A_64 : i32
        %mul3A_66 = arith.constant 16 : i32
        %mul3A_67 = arith.muli %add3A_65, %mul3A_66 : i32
        %get3A_68 = arith.index_cast %mul3A_67 : i32 to index
        %get3A_69 = tpu.vector_load %arg5[%get3A_68] {strides = array<i32>} : memref<10000xf32, #tpu.memory_space<vmem>>, vector<16xf32>,
        %min3A_70 = arith.constant 1.000000e+00 : f32
        %min3A_71 = vector.broadcast %min3A_70 : f32 to vector<16xf32>
        %min3A_72 = arith.minimumf %get3A_69, %min3A_71 : vector<16xf32>
        %swap3A_73 = arith.index_cast %mul3A_67 : i32 to index
        %swap3A_74 = tpu.vector_load %arg5[%swap3A_73] {strides = array<i32>} : memref<10000xf32, #tpu.memory_space<vmem>>, vector<16xf32>,
        tpu.vector_store %arg5[%swap3A_73], %min3A_72 {strides = array<i32>} : memref<10000xf32, #tpu.memory_space<vmem>>, vector<16xf32>,
        %mul3A_75 = arith.constant 5 : i32
        %mul3A_76 = arith.muli %scan3A_24, %mul3A_75 : i32
        %add3A_77 = arith.constant 4 : i32
        %add3A_78 = arith.addi %mul3A_76, %add3A_77 : i32
        %mul3A_79 = arith.constant 16 : i32
        %mul3A_80 = arith.muli %add3A_78, %mul3A_79 : i32
        %get3A_81 = arith.index_cast %mul3A_80 : i32 to index
        %get3A_82 = tpu.vector_load %arg5[%get3A_81] {strides = array<i32>} : memref<10000xf32, #tpu.memory_space<vmem>>, vector<16xf32>,
        %min3A_83 = arith.constant 1.000000e+00 : f32
        %min3A_84 = vector.broadcast %min3A_83 : f32 to vector<16xf32>
        %min3A_85 = arith.minimumf %get3A_82, %min3A_84 : vector<16xf32>
        %swap3A_86 = arith.index_cast %mul3A_80 : i32 to index
        %swap3A_87 = tpu.vector_load %arg5[%swap3A_86] {strides = array<i32>} : memref<10000xf32, #tpu.memory_space<vmem>>, vector<16xf32>,
        tpu.vector_store %arg5[%swap3A_86], %min3A_85 {strides = array<i32>} : memref<10000xf32, #tpu.memory_space<vmem>>, vector<16xf32>,
        %scan3A_88 = arith.constant 0 : i32
        scf.yield %scan3A_88 : i32
      }
      %scan3A_23 = arith.constant 125 : i32
      "tpu.region"() ({
        %run_scoped3A = tpu.sem_alloc : memref<!tpu.dma_semaphore, #tpu.memory_space<semaphore_mem>>
        %dma_start3A = arith.constant 0 : i32
        %dma_start3A_24 = tpu.memref_slice %arg4[%add3A, %dma_start3A] : memref<16x10000xf32, #tpu.memory_space<hbm>> -> memref<1x10000xf32, #tpu.memory_space<hbm>>
        %dma_start3A_25 = tpu.memref_squeeze %dma_start3A_24 : memref<1x10000xf32, #tpu.memory_space<hbm>> -> memref<10000xf32, #tpu.memory_space<hbm>>
        %dma_start3A_26 = arith.constant 0 : i32
        %dma_start3A_27 = tpu.memref_slice %arg4[%add3A, %dma_start3A_26] : memref<16x10000xf32, #tpu.memory_space<hbm>> -> memref<1x10000xf32, #tpu.memory_space<hbm>>
        %dma_start3A_28 = tpu.memref_squeeze %dma_start3A_27 : memref<1x10000xf32, #tpu.memory_space<hbm>> -> memref<10000xf32, #tpu.memory_space<hbm>>
        tpu.enqueue_dma source(%arg5 : memref<10000xf32, #tpu.memory_space<vmem>>) target(%dma_start3A_28 : memref<10000xf32, #tpu.memory_space<hbm>>) target_semaphore(%run_scoped3A : memref<!tpu.dma_semaphore, #tpu.memory_space<semaphore_mem>>)
        %dma_wait3A = arith.constant 0 : i32
        %dma_wait3A_29 = tpu.memref_slice %arg4[%add3A, %dma_wait3A] : memref<16x10000xf32, #tpu.memory_space<hbm>> -> memref<1x10000xf32, #tpu.memory_space<hbm>>
        %dma_wait3A_30 = tpu.memref_squeeze %dma_wait3A_29 : memref<1x10000xf32, #tpu.memory_space<hbm>> -> memref<10000xf32, #tpu.memory_space<hbm>>
        %dma_wait3A_31 = arith.constant 0 : i32
        %dma_wait3A_32 = tpu.memref_slice %arg4[%add3A, %dma_wait3A_31] : memref<16x10000xf32, #tpu.memory_space<hbm>> -> memref<1x10000xf32, #tpu.memory_space<hbm>>
        %dma_wait3A_33 = tpu.memref_squeeze %dma_wait3A_32 : memref<1x10000xf32, #tpu.memory_space<hbm>> -> memref<10000xf32, #tpu.memory_space<hbm>>
        tpu.wait_dma2 semaphore(%run_scoped3A : memref<!tpu.dma_semaphore, #tpu.memory_space<semaphore_mem>>) src(%arg5 : memref<10000xf32, #tpu.memory_space<vmem>>) dst(%dma_wait3A_33 : memref<10000xf32, #tpu.memory_space<hbm>>)
        tpu.yield
      }) : () -> ()
    } else {
    }
    return
  }
}

#map = affine_map<(d0, d1) -> (0, 0)>
#map1 = affine_map<(d0, d1) -> (0)>
module attributes {stable_mosaic.version = 14 : i64} {
  func.func @sc2(%arg0: i32, %arg1: i32, %arg2: memref<16x400xi32, #tpu.memory_space<hbm>>, %arg3: memref<16x400xf32, #tpu.memory_space<hbm>>, %arg4: memref<10000xi32, #tpu.memory_space<hbm>>, %arg5: memref<10000xi32, #tpu.memory_space<hbm>>, %arg6: memref<1280128xi32, #tpu.memory_space<hbm>>, %arg7: memref<16x400xi32, #tpu.memory_space<hbm>>, %arg8: memref<16x400xi32, #tpu.memory_space<hbm>>, %arg9: memref<16x400xi32, #tpu.memory_space<hbm>>, %arg10: memref<16x400xf32, #tpu.memory_space<hbm>>, %arg11: memref<16x400xf32, #tpu.memory_space<hbm>>, %arg12: memref<16x400xf32, #tpu.memory_space<hbm>>, %arg13: memref<10000xf32, #tpu.memory_space<vmem>>, %arg14: memref<10000xi32, #tpu.memory_space<vmem>>, %arg15: memref<10000xi32, #tpu.memory_space<vmem>>, %arg16: memref<512xi32, #tpu.memory_space<vmem>>, %arg17: memref<512xi32, #tpu.memory_space<vmem>>, %arg18: memref<512xi32, #tpu.memory_space<vmem>>, %arg19: memref<512xi32, #tpu.memory_space<vmem>>, %arg20: memref<4096xi32, #tpu.memory_space<vmem>>, %arg21: memref<400xi32, #tpu.memory_space<vmem>>, %arg22: memref<400xi32, #tpu.memory_space<vmem>>, %arg23: memref<400xi32, #tpu.memory_space<vmem>>, %arg24: memref<400xf32, #tpu.memory_space<vmem>>, %arg25: memref<400xf32, #tpu.memory_space<vmem>>, %arg26: memref<400xf32, #tpu.memory_space<vmem>>, %arg27: memref<400xf32, #tpu.memory_space<vmem>>, %arg28: memref<!tpu.dma_semaphore, #tpu.memory_space<semaphore_mem>>, %arg29: memref<400xi32, #tpu.memory_space<vmem>>) attributes {dimension_semantics = [#tpu.dimension_semantics<core_parallel>, #tpu.dimension_semantics<subcore_parallel>], iteration_bounds = array<i64: 2, 16>, scalar_prefetch = 0 : i64, scratch_operands = 17 : i64, tpu.core_type = #tpu.core_type<sc_vector_subcore>, window_params = [{transform_indices = #map}, {transform_indices = #map}, {transform_indices = #map1}, {transform_indices = #map1}, {transform_indices = #map1}, {transform_indices = #map}, {transform_indices = #map}, {transform_indices = #map}, {transform_indices = #map}, {transform_indices = #map}, {transform_indices = #map}]} {
    %mul3A = arith.constant 2 : i32
    %mul3A_0 = arith.muli %arg1, %mul3A : i32
    %add3A = arith.addi %mul3A_0, %arg0 : i32
    %lt3A = arith.constant 16 : i32
    %lt3A_1 = arith.cmpi slt, %add3A, %lt3A : i32
    %convert_element_type3A = arith.extui %lt3A_1 : i1 to i32
    %cond3A = arith.constant 0 : i32
    %cond3A_2 = arith.cmpi ne, %convert_element_type3A, %cond3A : i32
    scf.if %cond3A_2 {
      tpu.enqueue_dma source(%arg4 : memref<10000xi32, #tpu.memory_space<hbm>>) target(%arg14 : memref<10000xi32, #tpu.memory_space<vmem>>) target_semaphore(%arg28 : memref<!tpu.dma_semaphore, #tpu.memory_space<semaphore_mem>>)
      tpu.enqueue_dma source(%arg5 : memref<10000xi32, #tpu.memory_space<hbm>>) target(%arg15 : memref<10000xi32, #tpu.memory_space<vmem>>) target_semaphore(%arg28 : memref<!tpu.dma_semaphore, #tpu.memory_space<semaphore_mem>>)
      "tpu.region"() ({
        %run_scoped3A = tpu.sem_alloc : memref<!tpu.dma_semaphore, #tpu.memory_space<semaphore_mem>>
        %dma_start3A = arith.constant 0 : i32
        %dma_start3A_115 = tpu.memref_slice %arg2[%add3A, %dma_start3A] : memref<16x400xi32, #tpu.memory_space<hbm>> -> memref<1x400xi32, #tpu.memory_space<hbm>>
        %dma_start3A_116 = tpu.memref_squeeze %dma_start3A_115 : memref<1x400xi32, #tpu.memory_space<hbm>> -> memref<400xi32, #tpu.memory_space<hbm>>
        %dma_start3A_117 = arith.constant 0 : i32
        %dma_start3A_118 = tpu.memref_slice %arg2[%add3A, %dma_start3A_117] : memref<16x400xi32, #tpu.memory_space<hbm>> -> memref<1x400xi32, #tpu.memory_space<hbm>>
        %dma_start3A_119 = tpu.memref_squeeze %dma_start3A_118 : memref<1x400xi32, #tpu.memory_space<hbm>> -> memref<400xi32, #tpu.memory_space<hbm>>
        tpu.enqueue_dma source(%dma_start3A_119 : memref<400xi32, #tpu.memory_space<hbm>>) target(%arg29 : memref<400xi32, #tpu.memory_space<vmem>>) target_semaphore(%run_scoped3A : memref<!tpu.dma_semaphore, #tpu.memory_space<semaphore_mem>>)
        %dma_wait3A = arith.constant 0 : i32
        %dma_wait3A_120 = tpu.memref_slice %arg2[%add3A, %dma_wait3A] : memref<16x400xi32, #tpu.memory_space<hbm>> -> memref<1x400xi32, #tpu.memory_space<hbm>>
        %dma_wait3A_121 = tpu.memref_squeeze %dma_wait3A_120 : memref<1x400xi32, #tpu.memory_space<hbm>> -> memref<400xi32, #tpu.memory_space<hbm>>
        %dma_wait3A_122 = arith.constant 0 : i32
        %dma_wait3A_123 = tpu.memref_slice %arg2[%add3A, %dma_wait3A_122] : memref<16x400xi32, #tpu.memory_space<hbm>> -> memref<1x400xi32, #tpu.memory_space<hbm>>
        %dma_wait3A_124 = tpu.memref_squeeze %dma_wait3A_123 : memref<1x400xi32, #tpu.memory_space<hbm>> -> memref<400xi32, #tpu.memory_space<hbm>>
        tpu.wait_dma2 semaphore(%run_scoped3A : memref<!tpu.dma_semaphore, #tpu.memory_space<semaphore_mem>>) src(%dma_wait3A_124 : memref<400xi32, #tpu.memory_space<hbm>>) dst(%arg29 : memref<400xi32, #tpu.memory_space<vmem>>)
        tpu.yield
      }) : () -> ()
      "tpu.region"() ({
        %run_scoped3A = tpu.sem_alloc : memref<!tpu.dma_semaphore, #tpu.memory_space<semaphore_mem>>
        %dma_start3A = arith.constant 0 : i32
        %dma_start3A_115 = tpu.memref_slice %arg3[%add3A, %dma_start3A] : memref<16x400xf32, #tpu.memory_space<hbm>> -> memref<1x400xf32, #tpu.memory_space<hbm>>
        %dma_start3A_116 = tpu.memref_squeeze %dma_start3A_115 : memref<1x400xf32, #tpu.memory_space<hbm>> -> memref<400xf32, #tpu.memory_space<hbm>>
        %dma_start3A_117 = arith.constant 0 : i32
        %dma_start3A_118 = tpu.memref_slice %arg3[%add3A, %dma_start3A_117] : memref<16x400xf32, #tpu.memory_space<hbm>> -> memref<1x400xf32, #tpu.memory_space<hbm>>
        %dma_start3A_119 = tpu.memref_squeeze %dma_start3A_118 : memref<1x400xf32, #tpu.memory_space<hbm>> -> memref<400xf32, #tpu.memory_space<hbm>>
        tpu.enqueue_dma source(%dma_start3A_119 : memref<400xf32, #tpu.memory_space<hbm>>) target(%arg26 : memref<400xf32, #tpu.memory_space<vmem>>) target_semaphore(%run_scoped3A : memref<!tpu.dma_semaphore, #tpu.memory_space<semaphore_mem>>)
        %dma_wait3A = arith.constant 0 : i32
        %dma_wait3A_120 = tpu.memref_slice %arg3[%add3A, %dma_wait3A] : memref<16x400xf32, #tpu.memory_space<hbm>> -> memref<1x400xf32, #tpu.memory_space<hbm>>
        %dma_wait3A_121 = tpu.memref_squeeze %dma_wait3A_120 : memref<1x400xf32, #tpu.memory_space<hbm>> -> memref<400xf32, #tpu.memory_space<hbm>>
        %dma_wait3A_122 = arith.constant 0 : i32
        %dma_wait3A_123 = tpu.memref_slice %arg3[%add3A, %dma_wait3A_122] : memref<16x400xf32, #tpu.memory_space<hbm>> -> memref<1x400xf32, #tpu.memory_space<hbm>>
        %dma_wait3A_124 = tpu.memref_squeeze %dma_wait3A_123 : memref<1x400xf32, #tpu.memory_space<hbm>> -> memref<400xf32, #tpu.memory_space<hbm>>
        tpu.wait_dma2 semaphore(%run_scoped3A : memref<!tpu.dma_semaphore, #tpu.memory_space<semaphore_mem>>) src(%dma_wait3A_124 : memref<400xf32, #tpu.memory_space<hbm>>) dst(%arg26 : memref<400xf32, #tpu.memory_space<vmem>>)
        tpu.yield
      }) : () -> ()
      %broadcast_in_dim3A = arith.constant 0.000000e+00 : f32
      %broadcast_in_dim3A_3 = vector.broadcast %broadcast_in_dim3A : f32 to vector<16xf32>
      %scan3A = arith.constant 0 : i32
      %scan3A_4 = arith.constant 0 : i32
      %scan3A_5 = arith.constant 125 : i32
      %scan3A_6 = arith.addi %scan3A_4, %scan3A_5 : i32
      %scan3A_7 = arith.constant 1 : i32
      %scan3A_8 = scf.for %scan3A_115 = %scan3A_4 to %scan3A_6 step %scan3A_7 iter_args(%scan3A_116 = %scan3A) -> (i32)  : i32 {
        %mul3A_117 = arith.constant 5 : i32
        %mul3A_118 = arith.muli %scan3A_115, %mul3A_117 : i32
        %add3A_119 = arith.constant 0 : i32
        %add3A_120 = arith.addi %mul3A_118, %add3A_119 : i32
        %mul3A_121 = arith.constant 16 : i32
        %mul3A_122 = arith.muli %add3A_120, %mul3A_121 : i32
        %swap3A_123 = arith.index_cast %mul3A_122 : i32 to index
        %swap3A_124 = tpu.vector_load %arg13[%swap3A_123] {strides = array<i32>} : memref<10000xf32, #tpu.memory_space<vmem>>, vector<16xf32>,
        tpu.vector_store %arg13[%swap3A_123], %broadcast_in_dim3A_3 {strides = array<i32>} : memref<10000xf32, #tpu.memory_space<vmem>>, vector<16xf32>,
        %mul3A_125 = arith.constant 5 : i32
        %mul3A_126 = arith.muli %scan3A_115, %mul3A_125 : i32
        %add3A_127 = arith.constant 1 : i32
        %add3A_128 = arith.addi %mul3A_126, %add3A_127 : i32
        %mul3A_129 = arith.constant 16 : i32
        %mul3A_130 = arith.muli %add3A_128, %mul3A_129 : i32
        %swap3A_131 = arith.index_cast %mul3A_130 : i32 to index
        %swap3A_132 = tpu.vector_load %arg13[%swap3A_131] {strides = array<i32>} : memref<10000xf32, #tpu.memory_space<vmem>>, vector<16xf32>,
        tpu.vector_store %arg13[%swap3A_131], %broadcast_in_dim3A_3 {strides = array<i32>} : memref<10000xf32, #tpu.memory_space<vmem>>, vector<16xf32>,
        %mul3A_133 = arith.constant 5 : i32
        %mul3A_134 = arith.muli %scan3A_115, %mul3A_133 : i32
        %add3A_135 = arith.constant 2 : i32
        %add3A_136 = arith.addi %mul3A_134, %add3A_135 : i32
        %mul3A_137 = arith.constant 16 : i32
        %mul3A_138 = arith.muli %add3A_136, %mul3A_137 : i32
        %swap3A_139 = arith.index_cast %mul3A_138 : i32 to index
        %swap3A_140 = tpu.vector_load %arg13[%swap3A_139] {strides = array<i32>} : memref<10000xf32, #tpu.memory_space<vmem>>, vector<16xf32>,
        tpu.vector_store %arg13[%swap3A_139], %broadcast_in_dim3A_3 {strides = array<i32>} : memref<10000xf32, #tpu.memory_space<vmem>>, vector<16xf32>,
        %mul3A_141 = arith.constant 5 : i32
        %mul3A_142 = arith.muli %scan3A_115, %mul3A_141 : i32
        %add3A_143 = arith.constant 3 : i32
        %add3A_144 = arith.addi %mul3A_142, %add3A_143 : i32
        %mul3A_145 = arith.constant 16 : i32
        %mul3A_146 = arith.muli %add3A_144, %mul3A_145 : i32
        %swap3A_147 = arith.index_cast %mul3A_146 : i32 to index
        %swap3A_148 = tpu.vector_load %arg13[%swap3A_147] {strides = array<i32>} : memref<10000xf32, #tpu.memory_space<vmem>>, vector<16xf32>,
        tpu.vector_store %arg13[%swap3A_147], %broadcast_in_dim3A_3 {strides = array<i32>} : memref<10000xf32, #tpu.memory_space<vmem>>, vector<16xf32>,
        %mul3A_149 = arith.constant 5 : i32
        %mul3A_150 = arith.muli %scan3A_115, %mul3A_149 : i32
        %add3A_151 = arith.constant 4 : i32
        %add3A_152 = arith.addi %mul3A_150, %add3A_151 : i32
        %mul3A_153 = arith.constant 16 : i32
        %mul3A_154 = arith.muli %add3A_152, %mul3A_153 : i32
        %swap3A_155 = arith.index_cast %mul3A_154 : i32 to index
        %swap3A_156 = tpu.vector_load %arg13[%swap3A_155] {strides = array<i32>} : memref<10000xf32, #tpu.memory_space<vmem>>, vector<16xf32>,
        tpu.vector_store %arg13[%swap3A_155], %broadcast_in_dim3A_3 {strides = array<i32>} : memref<10000xf32, #tpu.memory_space<vmem>>, vector<16xf32>,
        %scan3A_157 = arith.constant 0 : i32
        scf.yield %scan3A_157 : i32
      }
      %scan3A_9 = arith.constant 125 : i32
      %scan3A_10 = arith.constant 0 : i32
      %scan3A_11 = arith.constant 0 : i32
      %scan3A_12 = arith.constant 25 : i32
      %scan3A_13 = arith.addi %scan3A_11, %scan3A_12 : i32
      %scan3A_14 = arith.constant 1 : i32
      %scan3A_15 = scf.for %scan3A_115 = %scan3A_11 to %scan3A_13 step %scan3A_14 iter_args(%scan3A_116 = %scan3A_10) -> (i32)  : i32 {
        %mul3A_117 = arith.constant 16 : i32
        %mul3A_118 = arith.muli %scan3A_115, %mul3A_117 : i32
        %get3A_119 = arith.index_cast %mul3A_118 : i32 to index
        %get3A_120 = tpu.vector_load %arg29[%get3A_119] {strides = array<i32>} : memref<400xi32, #tpu.memory_space<vmem>>, vector<16xi32>,
        %mul3A_121 = arith.constant 16 : i32
        %mul3A_122 = arith.muli %scan3A_115, %mul3A_121 : i32
        %get3A_123 = arith.index_cast %mul3A_122 : i32 to index
        %get3A_124 = tpu.vector_load %arg26[%get3A_123] {strides = array<i32>} : memref<400xf32, #tpu.memory_space<vmem>>, vector<16xf32>,
        tpu.vector_store_idx %arg13[%get3A_120], %get3A_124 {add = true} : memref<10000xf32, #tpu.memory_space<vmem>>[vector<16xi32>], vector<16xf32>,
        %scan3A_125 = arith.constant 0 : i32
        scf.yield %scan3A_125 : i32
      }
      %scan3A_16 = arith.constant 25 : i32
      tpu.wait_dma2 semaphore(%arg28 : memref<!tpu.dma_semaphore, #tpu.memory_space<semaphore_mem>>) src(%arg4 : memref<10000xi32, #tpu.memory_space<hbm>>) dst(%arg14 : memref<10000xi32, #tpu.memory_space<vmem>>)
      tpu.wait_dma2 semaphore(%arg28 : memref<!tpu.dma_semaphore, #tpu.memory_space<semaphore_mem>>) src(%arg5 : memref<10000xi32, #tpu.memory_space<hbm>>) dst(%arg15 : memref<10000xi32, #tpu.memory_space<vmem>>)
      %iota3A = tpu.iota {dimensions = array<i32: 0>} : vector<16xi32>
      %broadcast_in_dim3A_17 = arith.constant 0 : i32
      %broadcast_in_dim3A_18 = vector.broadcast %broadcast_in_dim3A_17 : i32 to vector<16xi32>
      %scan3A_19 = arith.constant 0 : i32
      %scan3A_20 = arith.constant 0 : i32
      %scan3A_21 = arith.constant 4 : i32
      %scan3A_22 = arith.addi %scan3A_20, %scan3A_21 : i32
      %scan3A_23 = arith.constant 1 : i32
      %scan3A_24 = scf.for %scan3A_115 = %scan3A_20 to %scan3A_22 step %scan3A_23 iter_args(%scan3A_116 = %scan3A_19) -> (i32)  : i32 {
        %mul3A_117 = arith.constant 8 : i32
        %mul3A_118 = arith.muli %scan3A_115, %mul3A_117 : i32
        %add3A_119 = arith.constant 0 : i32
        %add3A_120 = arith.addi %mul3A_118, %add3A_119 : i32
        %mul3A_121 = arith.constant 16 : i32
        %mul3A_122 = arith.muli %add3A_120, %mul3A_121 : i32
        %swap3A_123 = arith.index_cast %mul3A_122 : i32 to index
        %swap3A_124 = tpu.vector_load %arg16[%swap3A_123] {strides = array<i32>} : memref<512xi32, #tpu.memory_space<vmem>>, vector<16xi32>,
        tpu.vector_store %arg16[%swap3A_123], %broadcast_in_dim3A_18 {strides = array<i32>} : memref<512xi32, #tpu.memory_space<vmem>>, vector<16xi32>,
        %mul3A_125 = arith.constant 8 : i32
        %mul3A_126 = arith.muli %scan3A_115, %mul3A_125 : i32
        %add3A_127 = arith.constant 1 : i32
        %add3A_128 = arith.addi %mul3A_126, %add3A_127 : i32
        %mul3A_129 = arith.constant 16 : i32
        %mul3A_130 = arith.muli %add3A_128, %mul3A_129 : i32
        %swap3A_131 = arith.index_cast %mul3A_130 : i32 to index
        %swap3A_132 = tpu.vector_load %arg16[%swap3A_131] {strides = array<i32>} : memref<512xi32, #tpu.memory_space<vmem>>, vector<16xi32>,
        tpu.vector_store %arg16[%swap3A_131], %broadcast_in_dim3A_18 {strides = array<i32>} : memref<512xi32, #tpu.memory_space<vmem>>, vector<16xi32>,
        %mul3A_133 = arith.constant 8 : i32
        %mul3A_134 = arith.muli %scan3A_115, %mul3A_133 : i32
        %add3A_135 = arith.constant 2 : i32
        %add3A_136 = arith.addi %mul3A_134, %add3A_135 : i32
        %mul3A_137 = arith.constant 16 : i32
        %mul3A_138 = arith.muli %add3A_136, %mul3A_137 : i32
        %swap3A_139 = arith.index_cast %mul3A_138 : i32 to index
        %swap3A_140 = tpu.vector_load %arg16[%swap3A_139] {strides = array<i32>} : memref<512xi32, #tpu.memory_space<vmem>>, vector<16xi32>,
        tpu.vector_store %arg16[%swap3A_139], %broadcast_in_dim3A_18 {strides = array<i32>} : memref<512xi32, #tpu.memory_space<vmem>>, vector<16xi32>,
        %mul3A_141 = arith.constant 8 : i32
        %mul3A_142 = arith.muli %scan3A_115, %mul3A_141 : i32
        %add3A_143 = arith.constant 3 : i32
        %add3A_144 = arith.addi %mul3A_142, %add3A_143 : i32
        %mul3A_145 = arith.constant 16 : i32
        %mul3A_146 = arith.muli %add3A_144, %mul3A_145 : i32
        %swap3A_147 = arith.index_cast %mul3A_146 : i32 to index
        %swap3A_148 = tpu.vector_load %arg16[%swap3A_147] {strides = array<i32>} : memref<512xi32, #tpu.memory_space<vmem>>, vector<16xi32>,
        tpu.vector_store %arg16[%swap3A_147], %broadcast_in_dim3A_18 {strides = array<i32>} : memref<512xi32, #tpu.memory_space<vmem>>, vector<16xi32>,
        %mul3A_149 = arith.constant 8 : i32
        %mul3A_150 = arith.muli %scan3A_115, %mul3A_149 : i32
        %add3A_151 = arith.constant 4 : i32
        %add3A_152 = arith.addi %mul3A_150, %add3A_151 : i32
        %mul3A_153 = arith.constant 16 : i32
        %mul3A_154 = arith.muli %add3A_152, %mul3A_153 : i32
        %swap3A_155 = arith.index_cast %mul3A_154 : i32 to index
        %swap3A_156 = tpu.vector_load %arg16[%swap3A_155] {strides = array<i32>} : memref<512xi32, #tpu.memory_space<vmem>>, vector<16xi32>,
        tpu.vector_store %arg16[%swap3A_155], %broadcast_in_dim3A_18 {strides = array<i32>} : memref<512xi32, #tpu.memory_space<vmem>>, vector<16xi32>,
        %mul3A_157 = arith.constant 8 : i32
        %mul3A_158 = arith.muli %scan3A_115, %mul3A_157 : i32
        %add3A_159 = arith.constant 5 : i32
        %add3A_160 = arith.addi %mul3A_158, %add3A_159 : i32
        %mul3A_161 = arith.constant 16 : i32
        %mul3A_162 = arith.muli %add3A_160, %mul3A_161 : i32
        %swap3A_163 = arith.index_cast %mul3A_162 : i32 to index
        %swap3A_164 = tpu.vector_load %arg16[%swap3A_163] {strides = array<i32>} : memref<512xi32, #tpu.memory_space<vmem>>, vector<16xi32>,
        tpu.vector_store %arg16[%swap3A_163], %broadcast_in_dim3A_18 {strides = array<i32>} : memref<512xi32, #tpu.memory_space<vmem>>, vector<16xi32>,
        %mul3A_165 = arith.constant 8 : i32
        %mul3A_166 = arith.muli %scan3A_115, %mul3A_165 : i32
        %add3A_167 = arith.constant 6 : i32
        %add3A_168 = arith.addi %mul3A_166, %add3A_167 : i32
        %mul3A_169 = arith.constant 16 : i32
        %mul3A_170 = arith.muli %add3A_168, %mul3A_169 : i32
        %swap3A_171 = arith.index_cast %mul3A_170 : i32 to index
        %swap3A_172 = tpu.vector_load %arg16[%swap3A_171] {strides = array<i32>} : memref<512xi32, #tpu.memory_space<vmem>>, vector<16xi32>,
        tpu.vector_store %arg16[%swap3A_171], %broadcast_in_dim3A_18 {strides = array<i32>} : memref<512xi32, #tpu.memory_space<vmem>>, vector<16xi32>,
        %mul3A_173 = arith.constant 8 : i32
        %mul3A_174 = arith.muli %scan3A_115, %mul3A_173 : i32
        %add3A_175 = arith.constant 7 : i32
        %add3A_176 = arith.addi %mul3A_174, %add3A_175 : i32
        %mul3A_177 = arith.constant 16 : i32
        %mul3A_178 = arith.muli %add3A_176, %mul3A_177 : i32
        %swap3A_179 = arith.index_cast %mul3A_178 : i32 to index
        %swap3A_180 = tpu.vector_load %arg16[%swap3A_179] {strides = array<i32>} : memref<512xi32, #tpu.memory_space<vmem>>, vector<16xi32>,
        tpu.vector_store %arg16[%swap3A_179], %broadcast_in_dim3A_18 {strides = array<i32>} : memref<512xi32, #tpu.memory_space<vmem>>, vector<16xi32>,
        %scan3A_181 = arith.constant 0 : i32
        scf.yield %scan3A_181 : i32
      }
      %scan3A_25 = arith.constant 4 : i32
      %get3A = arith.constant 0 : index
      %get3A_26 = tpu.vector_load %arg13[%get3A] {strides = array<i32>} : memref<10000xf32, #tpu.memory_space<vmem>>, vector<16xf32>,
      %eq3A = arith.constant 0 : i32
      %eq3A_27 = vector.broadcast %eq3A : i32 to vector<16xi32>
      %eq3A_28 = arith.cmpi eq, %iota3A, %eq3A_27 : vector<16xi32>
      %jit3A = arith.constant -1.000000e+00 : f32
      %broadcast_in_dim3A_29 = vector.broadcast %jit3A : f32 to vector<16xf32>
      %select_n3A = arith.select %eq3A_28, %broadcast_in_dim3A_29, %get3A_26 : vector<16xi1>, vector<16xf32>
      %swap3A = arith.constant 0 : index
      %swap3A_30 = tpu.vector_load %arg13[%swap3A] {strides = array<i32>} : memref<10000xf32, #tpu.memory_space<vmem>>, vector<16xf32>,
      tpu.vector_store %arg13[%swap3A], %select_n3A {strides = array<i32>} : memref<10000xf32, #tpu.memory_space<vmem>>, vector<16xf32>,
      %swap3A_31 = arith.constant 0 : index
      %swap3A_32 = tpu.vector_load %arg19[%swap3A_31] {strides = array<i32>} : memref<512xi32, #tpu.memory_space<vmem>>, vector<16xi32>,
      tpu.vector_store %arg19[%swap3A_31], %broadcast_in_dim3A_18 {strides = array<i32>} : memref<512xi32, #tpu.memory_space<vmem>>, vector<16xi32>,
      %scan3A_33 = arith.constant 0 : i32
      %scan3A_34 = arith.constant 0 : i32
      %scan3A_35 = arith.constant 78 : i32
      %scan3A_36 = arith.addi %scan3A_34, %scan3A_35 : i32
      %scan3A_37 = arith.constant 1 : i32
      %scan3A_38 = scf.for %scan3A_115 = %scan3A_34 to %scan3A_36 step %scan3A_37 iter_args(%scan3A_116 = %scan3A_33) -> (i32)  : i32 {
        %mul3A_117 = arith.constant 8 : i32
        %mul3A_118 = arith.muli %scan3A_115, %mul3A_117 : i32
        %add3A_119 = arith.constant 0 : i32
        %add3A_120 = arith.addi %mul3A_118, %add3A_119 : i32
        %mul3A_121 = arith.constant 16 : i32
        %mul3A_122 = arith.muli %add3A_120, %mul3A_121 : i32
        %get3A_123 = arith.index_cast %mul3A_122 : i32 to index
        %get3A_124 = tpu.vector_load %arg13[%get3A_123] {strides = array<i32>} : memref<10000xf32, #tpu.memory_space<vmem>>, vector<16xf32>,
        %gt3A_125 = arith.constant 0.699999988 : f32
        %gt3A_126 = vector.broadcast %gt3A_125 : f32 to vector<16xf32>
        %gt3A_127 = arith.cmpf ogt, %get3A_124, %gt3A_126 : vector<16xf32>
        %add3A_128 = arith.constant 1 : i32
        %add3A_129 = arith.addi %mul3A_118, %add3A_128 : i32
        %mul3A_130 = arith.constant 16 : i32
        %mul3A_131 = arith.muli %add3A_129, %mul3A_130 : i32
        %get3A_132 = arith.index_cast %mul3A_131 : i32 to index
        %get3A_133 = tpu.vector_load %arg13[%get3A_132] {strides = array<i32>} : memref<10000xf32, #tpu.memory_space<vmem>>, vector<16xf32>,
        %gt3A_134 = arith.constant 0.699999988 : f32
        %gt3A_135 = vector.broadcast %gt3A_134 : f32 to vector<16xf32>
        %gt3A_136 = arith.cmpf ogt, %get3A_133, %gt3A_135 : vector<16xf32>
        %add3A_137 = arith.constant 2 : i32
        %add3A_138 = arith.addi %mul3A_118, %add3A_137 : i32
        %mul3A_139 = arith.constant 16 : i32
        %mul3A_140 = arith.muli %add3A_138, %mul3A_139 : i32
        %get3A_141 = arith.index_cast %mul3A_140 : i32 to index
        %get3A_142 = tpu.vector_load %arg13[%get3A_141] {strides = array<i32>} : memref<10000xf32, #tpu.memory_space<vmem>>, vector<16xf32>,
        %gt3A_143 = arith.constant 0.699999988 : f32
        %gt3A_144 = vector.broadcast %gt3A_143 : f32 to vector<16xf32>
        %gt3A_145 = arith.cmpf ogt, %get3A_142, %gt3A_144 : vector<16xf32>
        %add3A_146 = arith.constant 3 : i32
        %add3A_147 = arith.addi %mul3A_118, %add3A_146 : i32
        %mul3A_148 = arith.constant 16 : i32
        %mul3A_149 = arith.muli %add3A_147, %mul3A_148 : i32
        %get3A_150 = arith.index_cast %mul3A_149 : i32 to index
        %get3A_151 = tpu.vector_load %arg13[%get3A_150] {strides = array<i32>} : memref<10000xf32, #tpu.memory_space<vmem>>, vector<16xf32>,
        %gt3A_152 = arith.constant 0.699999988 : f32
        %gt3A_153 = vector.broadcast %gt3A_152 : f32 to vector<16xf32>
        %gt3A_154 = arith.cmpf ogt, %get3A_151, %gt3A_153 : vector<16xf32>
        %add3A_155 = arith.constant 4 : i32
        %add3A_156 = arith.addi %mul3A_118, %add3A_155 : i32
        %mul3A_157 = arith.constant 16 : i32
        %mul3A_158 = arith.muli %add3A_156, %mul3A_157 : i32
        %get3A_159 = arith.index_cast %mul3A_158 : i32 to index
        %get3A_160 = tpu.vector_load %arg13[%get3A_159] {strides = array<i32>} : memref<10000xf32, #tpu.memory_space<vmem>>, vector<16xf32>,
        %gt3A_161 = arith.constant 0.699999988 : f32
        %gt3A_162 = vector.broadcast %gt3A_161 : f32 to vector<16xf32>
        %gt3A_163 = arith.cmpf ogt, %get3A_160, %gt3A_162 : vector<16xf32>
        %add3A_164 = arith.constant 5 : i32
        %add3A_165 = arith.addi %mul3A_118, %add3A_164 : i32
        %mul3A_166 = arith.constant 16 : i32
        %mul3A_167 = arith.muli %add3A_165, %mul3A_166 : i32
        %get3A_168 = arith.index_cast %mul3A_167 : i32 to index
        %get3A_169 = tpu.vector_load %arg13[%get3A_168] {strides = array<i32>} : memref<10000xf32, #tpu.memory_space<vmem>>, vector<16xf32>,
        %gt3A_170 = arith.constant 0.699999988 : f32
        %gt3A_171 = vector.broadcast %gt3A_170 : f32 to vector<16xf32>
        %gt3A_172 = arith.cmpf ogt, %get3A_169, %gt3A_171 : vector<16xf32>
        %add3A_173 = arith.constant 6 : i32
        %add3A_174 = arith.addi %mul3A_118, %add3A_173 : i32
        %mul3A_175 = arith.constant 16 : i32
        %mul3A_176 = arith.muli %add3A_174, %mul3A_175 : i32
        %get3A_177 = arith.index_cast %mul3A_176 : i32 to index
        %get3A_178 = tpu.vector_load %arg13[%get3A_177] {strides = array<i32>} : memref<10000xf32, #tpu.memory_space<vmem>>, vector<16xf32>,
        %gt3A_179 = arith.constant 0.699999988 : f32
        %gt3A_180 = vector.broadcast %gt3A_179 : f32 to vector<16xf32>
        %gt3A_181 = arith.cmpf ogt, %get3A_178, %gt3A_180 : vector<16xf32>
        %add3A_182 = arith.constant 7 : i32
        %add3A_183 = arith.addi %mul3A_118, %add3A_182 : i32
        %mul3A_184 = arith.constant 16 : i32
        %mul3A_185 = arith.muli %add3A_183, %mul3A_184 : i32
        %get3A_186 = arith.index_cast %mul3A_185 : i32 to index
        %get3A_187 = tpu.vector_load %arg13[%get3A_186] {strides = array<i32>} : memref<10000xf32, #tpu.memory_space<vmem>>, vector<16xf32>,
        %gt3A_188 = arith.constant 0.699999988 : f32
        %gt3A_189 = vector.broadcast %gt3A_188 : f32 to vector<16xf32>
        %gt3A_190 = arith.cmpf ogt, %get3A_187, %gt3A_189 : vector<16xf32>
        %or3A = arith.ori %gt3A_127, %gt3A_136 : vector<16xi1>
        %or3A_191 = arith.ori %or3A, %gt3A_145 : vector<16xi1>
        %or3A_192 = arith.ori %or3A_191, %gt3A_154 : vector<16xi1>
        %or3A_193 = arith.ori %or3A_192, %gt3A_163 : vector<16xi1>
        %or3A_194 = arith.ori %or3A_193, %gt3A_172 : vector<16xi1>
        %or3A_195 = arith.ori %or3A_194, %gt3A_181 : vector<16xi1>
        %or3A_196 = arith.ori %or3A_195, %gt3A_190 : vector<16xi1>
        %reduce_or3A_197 = arith.constant 1.000000e+00 : f32
        %reduce_or3A_198 = arith.constant 0.000000e+00 : f32
        %reduce_or3A_199 = vector.broadcast %reduce_or3A_197 : f32 to vector<16xf32>
        %reduce_or3A_200 = vector.broadcast %reduce_or3A_198 : f32 to vector<16xf32>
        %reduce_or3A_201 = arith.select %or3A_196, %reduce_or3A_199, %reduce_or3A_200 : vector<16xi1>, vector<16xf32>
        %reduce_or3A_202 = arith.constant true
        %reduce_or3A_203 = vector.broadcast %reduce_or3A_202 : i1 to vector<16xi1>
        %reduce_or3A_204 = tpu.scan <max>, %reduce_or3A_201 masked %reduce_or3A_203 : vector<16xf32>, vector<16xi1> -> vector<16xf32>
        %reduce_or3A_205 = vector.extract %reduce_or3A_204[15] : f32 from vector<16xf32>
        %reduce_or3A_206 = arith.constant 0.000000e+00 : f32
        %reduce_or3A_207 = arith.cmpf ogt, %reduce_or3A_205, %reduce_or3A_206 : f32
        %convert_element_type3A_208 = arith.extui %reduce_or3A_207 : i1 to i32
        %cond3A_209 = arith.constant 0 : i32
        %cond3A_210 = arith.cmpi ne, %convert_element_type3A_208, %cond3A_209 : i32
        scf.if %cond3A_210 {
          %add3A_212 = arith.constant 8 : i32
          %add3A_213 = arith.addi %mul3A_118, %add3A_212 : i32
          %while3A_214 = arith.constant 0 : i32
          %while3A_215 = arith.subi %add3A_213, %mul3A_118 : i32
          %while3A_216 = arith.addi %mul3A_118, %while3A_215 : i32
          %while3A_217 = arith.constant 1 : i32
          %while3A_218 = arith.divsi %while3A_215, %while3A_217 : i32
          %while3A_219 = arith.muli %while3A_218, %while3A_217 : i32
          %while3A_220 = arith.addi %mul3A_118, %while3A_219 : i32
          %while3A_221 = arith.constant 1 : i32
          %while3A_222 = scf.for %while3A_225 = %mul3A_118 to %while3A_220 step %while3A_221 iter_args(%while3A_226 = %while3A_214) -> (i32)  : i32 {
            %mul3A_227 = arith.constant 16 : i32
            %mul3A_228 = arith.muli %while3A_225, %mul3A_227 : i32
            %get3A_229 = arith.index_cast %mul3A_228 : i32 to index
            %get3A_230 = tpu.vector_load %arg13[%get3A_229] {strides = array<i32>} : memref<10000xf32, #tpu.memory_space<vmem>>, vector<16xf32>,
            %gt3A_231 = arith.constant 0.699999988 : f32
            %gt3A_232 = vector.broadcast %gt3A_231 : f32 to vector<16xf32>
            %gt3A_233 = arith.cmpf ogt, %get3A_230, %gt3A_232 : vector<16xf32>
            %reduce_or3A_234 = arith.constant 1.000000e+00 : f32
            %reduce_or3A_235 = arith.constant 0.000000e+00 : f32
            %reduce_or3A_236 = vector.broadcast %reduce_or3A_234 : f32 to vector<16xf32>
            %reduce_or3A_237 = vector.broadcast %reduce_or3A_235 : f32 to vector<16xf32>
            %reduce_or3A_238 = arith.select %gt3A_233, %reduce_or3A_236, %reduce_or3A_237 : vector<16xi1>, vector<16xf32>
            %reduce_or3A_239 = arith.constant true
            %reduce_or3A_240 = vector.broadcast %reduce_or3A_239 : i1 to vector<16xi1>
            %reduce_or3A_241 = tpu.scan <max>, %reduce_or3A_238 masked %reduce_or3A_240 : vector<16xf32>, vector<16xi1> -> vector<16xf32>
            %reduce_or3A_242 = vector.extract %reduce_or3A_241[15] : f32 from vector<16xf32>
            %reduce_or3A_243 = arith.constant 0.000000e+00 : f32
            %reduce_or3A_244 = arith.cmpf ogt, %reduce_or3A_242, %reduce_or3A_243 : f32
            %convert_element_type3A_245 = arith.extui %reduce_or3A_244 : i1 to i32
            %cond3A_246 = arith.constant 0 : i32
            %cond3A_247 = arith.cmpi ne, %convert_element_type3A_245, %cond3A_246 : i32
            scf.if %cond3A_247 {
              %convert_element_type3A_249 = arith.extui %gt3A_233 : vector<16xi1> to vector<16xi32>
              %get3A_250 = arith.constant 0 : index
              %get3A_251 = tpu.vector_load %arg19[%get3A_250] {strides = array<i32>} : memref<512xi32, #tpu.memory_space<vmem>>, vector<16xi32>,
              %slice3A_252 = vector.extract_strided_slice %get3A_251 {offsets = [0], sizes = [1], strides = [1]} : vector<16xi32> to vector<1xi32>
              %squeeze3A_253 = vector.extract %slice3A_252[0] : i32 from vector<1xi32>
              %all_reduce_population_count3A = tpu.all_reduce %gt3A_233 {dim = 0 : i64, kind = #tpu.reduction_kind<sum>} : vector<16xi1> -> vector<16xi32>
              %broadcast_in_dim3A_254 = arith.constant true
              %broadcast_in_dim3A_255 = vector.broadcast %broadcast_in_dim3A_254 : i1 to vector<16xi1>
              %masked_cumsum3A = tpu.scan <sum>, %convert_element_type3A_249 masked %broadcast_in_dim3A_255 : vector<16xi32>, vector<16xi1> -> vector<16xi32>
              %add3A_256 = vector.broadcast %squeeze3A_253 : i32 to vector<16xi32>
              %add3A_257 = arith.addi %add3A_256, %masked_cumsum3A : vector<16xi32>
              %sub3A = arith.constant 1 : i32
              %sub3A_258 = vector.broadcast %sub3A : i32 to vector<16xi32>
              %sub3A_259 = arith.subi %add3A_257, %sub3A_258 : vector<16xi32>
              %mul3A_260 = arith.constant 16 : i32
              %mul3A_261 = arith.muli %while3A_225, %mul3A_260 : i32
              %add3A_262 = vector.broadcast %mul3A_261 : i32 to vector<16xi32>
              %add3A_263 = arith.addi %add3A_262, %iota3A : vector<16xi32>
              tpu.vector_store_idx %arg16[%sub3A_259], %add3A_263 masked %gt3A_233 : memref<512xi32, #tpu.memory_space<vmem>>[vector<16xi32>], vector<16xi32>, vector<16xi1>
              %add3A_264 = vector.broadcast %squeeze3A_253 : i32 to vector<16xi32>
              %add3A_265 = arith.addi %add3A_264, %all_reduce_population_count3A : vector<16xi32>
              %swap3A_266 = arith.constant 0 : index
              %swap3A_267 = tpu.vector_load %arg19[%swap3A_266] {strides = array<i32>} : memref<512xi32, #tpu.memory_space<vmem>>, vector<16xi32>,
              tpu.vector_store %arg19[%swap3A_266], %add3A_265 {strides = array<i32>} : memref<512xi32, #tpu.memory_space<vmem>>, vector<16xi32>,
            } else {
            }
            %while3A_248 = arith.constant 0 : i32
            scf.yield %while3A_248 : i32
          }
          %while3A_223 = arith.constant 1 : i32
          %while3A_224 = scf.for %while3A_225 = %while3A_220 to %while3A_216 step %while3A_223 iter_args(%while3A_226 = %while3A_222) -> (i32)  : i32 {
            %mul3A_227 = arith.constant 16 : i32
            %mul3A_228 = arith.muli %while3A_225, %mul3A_227 : i32
            %get3A_229 = arith.index_cast %mul3A_228 : i32 to index
            %get3A_230 = tpu.vector_load %arg13[%get3A_229] {strides = array<i32>} : memref<10000xf32, #tpu.memory_space<vmem>>, vector<16xf32>,
            %gt3A_231 = arith.constant 0.699999988 : f32
            %gt3A_232 = vector.broadcast %gt3A_231 : f32 to vector<16xf32>
            %gt3A_233 = arith.cmpf ogt, %get3A_230, %gt3A_232 : vector<16xf32>
            %reduce_or3A_234 = arith.constant 1.000000e+00 : f32
            %reduce_or3A_235 = arith.constant 0.000000e+00 : f32
            %reduce_or3A_236 = vector.broadcast %reduce_or3A_234 : f32 to vector<16xf32>
            %reduce_or3A_237 = vector.broadcast %reduce_or3A_235 : f32 to vector<16xf32>
            %reduce_or3A_238 = arith.select %gt3A_233, %reduce_or3A_236, %reduce_or3A_237 : vector<16xi1>, vector<16xf32>
            %reduce_or3A_239 = arith.constant true
            %reduce_or3A_240 = vector.broadcast %reduce_or3A_239 : i1 to vector<16xi1>
            %reduce_or3A_241 = tpu.scan <max>, %reduce_or3A_238 masked %reduce_or3A_240 : vector<16xf32>, vector<16xi1> -> vector<16xf32>
            %reduce_or3A_242 = vector.extract %reduce_or3A_241[15] : f32 from vector<16xf32>
            %reduce_or3A_243 = arith.constant 0.000000e+00 : f32
            %reduce_or3A_244 = arith.cmpf ogt, %reduce_or3A_242, %reduce_or3A_243 : f32
            %convert_element_type3A_245 = arith.extui %reduce_or3A_244 : i1 to i32
            %cond3A_246 = arith.constant 0 : i32
            %cond3A_247 = arith.cmpi ne, %convert_element_type3A_245, %cond3A_246 : i32
            scf.if %cond3A_247 {
              %convert_element_type3A_249 = arith.extui %gt3A_233 : vector<16xi1> to vector<16xi32>
              %get3A_250 = arith.constant 0 : index
              %get3A_251 = tpu.vector_load %arg19[%get3A_250] {strides = array<i32>} : memref<512xi32, #tpu.memory_space<vmem>>, vector<16xi32>,
              %slice3A_252 = vector.extract_strided_slice %get3A_251 {offsets = [0], sizes = [1], strides = [1]} : vector<16xi32> to vector<1xi32>
              %squeeze3A_253 = vector.extract %slice3A_252[0] : i32 from vector<1xi32>
              %all_reduce_population_count3A = tpu.all_reduce %gt3A_233 {dim = 0 : i64, kind = #tpu.reduction_kind<sum>} : vector<16xi1> -> vector<16xi32>
              %broadcast_in_dim3A_254 = arith.constant true
              %broadcast_in_dim3A_255 = vector.broadcast %broadcast_in_dim3A_254 : i1 to vector<16xi1>
              %masked_cumsum3A = tpu.scan <sum>, %convert_element_type3A_249 masked %broadcast_in_dim3A_255 : vector<16xi32>, vector<16xi1> -> vector<16xi32>
              %add3A_256 = vector.broadcast %squeeze3A_253 : i32 to vector<16xi32>
              %add3A_257 = arith.addi %add3A_256, %masked_cumsum3A : vector<16xi32>
              %sub3A = arith.constant 1 : i32
              %sub3A_258 = vector.broadcast %sub3A : i32 to vector<16xi32>
              %sub3A_259 = arith.subi %add3A_257, %sub3A_258 : vector<16xi32>
              %mul3A_260 = arith.constant 16 : i32
              %mul3A_261 = arith.muli %while3A_225, %mul3A_260 : i32
              %add3A_262 = vector.broadcast %mul3A_261 : i32 to vector<16xi32>
              %add3A_263 = arith.addi %add3A_262, %iota3A : vector<16xi32>
              tpu.vector_store_idx %arg16[%sub3A_259], %add3A_263 masked %gt3A_233 : memref<512xi32, #tpu.memory_space<vmem>>[vector<16xi32>], vector<16xi32>, vector<16xi1>
              %add3A_264 = vector.broadcast %squeeze3A_253 : i32 to vector<16xi32>
              %add3A_265 = arith.addi %add3A_264, %all_reduce_population_count3A : vector<16xi32>
              %swap3A_266 = arith.constant 0 : index
              %swap3A_267 = tpu.vector_load %arg19[%swap3A_266] {strides = array<i32>} : memref<512xi32, #tpu.memory_space<vmem>>, vector<16xi32>,
              tpu.vector_store %arg19[%swap3A_266], %add3A_265 {strides = array<i32>} : memref<512xi32, #tpu.memory_space<vmem>>, vector<16xi32>,
            } else {
            }
            %while3A_248 = arith.constant 0 : i32
            scf.yield %while3A_248 : i32
          }
        } else {
        }
        %scan3A_211 = arith.constant 0 : i32
        scf.yield %scan3A_211 : i32
      }
      %scan3A_39 = arith.constant 78 : i32
      %scan3A_40 = arith.constant 0 : i32
      %scan3A_41 = arith.constant 624 : i32
      %mul3A_42 = arith.constant 16 : i32
      %mul3A_43 = arith.muli %scan3A_41, %mul3A_42 : i32
      %get3A_44 = arith.index_cast %mul3A_43 : i32 to index
      %get3A_45 = tpu.vector_load %arg13[%get3A_44] {strides = array<i32>} : memref<10000xf32, #tpu.memory_space<vmem>>, vector<16xf32>,
      %gt3A = arith.constant 0.699999988 : f32
      %gt3A_46 = vector.broadcast %gt3A : f32 to vector<16xf32>
      %gt3A_47 = arith.cmpf ogt, %get3A_45, %gt3A_46 : vector<16xf32>
      %reduce_or3A = arith.constant 1.000000e+00 : f32
      %reduce_or3A_48 = arith.constant 0.000000e+00 : f32
      %reduce_or3A_49 = vector.broadcast %reduce_or3A : f32 to vector<16xf32>
      %reduce_or3A_50 = vector.broadcast %reduce_or3A_48 : f32 to vector<16xf32>
      %reduce_or3A_51 = arith.select %gt3A_47, %reduce_or3A_49, %reduce_or3A_50 : vector<16xi1>, vector<16xf32>
      %reduce_or3A_52 = arith.constant true
      %reduce_or3A_53 = vector.broadcast %reduce_or3A_52 : i1 to vector<16xi1>
      %reduce_or3A_54 = tpu.scan <max>, %reduce_or3A_51 masked %reduce_or3A_53 : vector<16xf32>, vector<16xi1> -> vector<16xf32>
      %reduce_or3A_55 = vector.extract %reduce_or3A_54[15] : f32 from vector<16xf32>
      %reduce_or3A_56 = arith.constant 0.000000e+00 : f32
      %reduce_or3A_57 = arith.cmpf ogt, %reduce_or3A_55, %reduce_or3A_56 : f32
      %convert_element_type3A_58 = arith.extui %reduce_or3A_57 : i1 to i32
      %cond3A_59 = arith.constant 0 : i32
      %cond3A_60 = arith.cmpi ne, %convert_element_type3A_58, %cond3A_59 : i32
      scf.if %cond3A_60 {
        %convert_element_type3A_115 = arith.extui %gt3A_47 : vector<16xi1> to vector<16xi32>
        %get3A_116 = arith.constant 0 : index
        %get3A_117 = tpu.vector_load %arg19[%get3A_116] {strides = array<i32>} : memref<512xi32, #tpu.memory_space<vmem>>, vector<16xi32>,
        %slice3A_118 = vector.extract_strided_slice %get3A_117 {offsets = [0], sizes = [1], strides = [1]} : vector<16xi32> to vector<1xi32>
        %squeeze3A_119 = vector.extract %slice3A_118[0] : i32 from vector<1xi32>
        %all_reduce_population_count3A = tpu.all_reduce %gt3A_47 {dim = 0 : i64, kind = #tpu.reduction_kind<sum>} : vector<16xi1> -> vector<16xi32>
        %broadcast_in_dim3A_120 = arith.constant true
        %broadcast_in_dim3A_121 = vector.broadcast %broadcast_in_dim3A_120 : i1 to vector<16xi1>
        %masked_cumsum3A = tpu.scan <sum>, %convert_element_type3A_115 masked %broadcast_in_dim3A_121 : vector<16xi32>, vector<16xi1> -> vector<16xi32>
        %add3A_122 = vector.broadcast %squeeze3A_119 : i32 to vector<16xi32>
        %add3A_123 = arith.addi %add3A_122, %masked_cumsum3A : vector<16xi32>
        %sub3A = arith.constant 1 : i32
        %sub3A_124 = vector.broadcast %sub3A : i32 to vector<16xi32>
        %sub3A_125 = arith.subi %add3A_123, %sub3A_124 : vector<16xi32>
        %mul3A_126 = arith.constant 16 : i32
        %mul3A_127 = arith.muli %scan3A_41, %mul3A_126 : i32
        %add3A_128 = vector.broadcast %mul3A_127 : i32 to vector<16xi32>
        %add3A_129 = arith.addi %add3A_128, %iota3A : vector<16xi32>
        tpu.vector_store_idx %arg16[%sub3A_125], %add3A_129 masked %gt3A_47 : memref<512xi32, #tpu.memory_space<vmem>>[vector<16xi32>], vector<16xi32>, vector<16xi1>
        %add3A_130 = vector.broadcast %squeeze3A_119 : i32 to vector<16xi32>
        %add3A_131 = arith.addi %add3A_130, %all_reduce_population_count3A : vector<16xi32>
        %swap3A_132 = arith.constant 0 : index
        %swap3A_133 = tpu.vector_load %arg19[%swap3A_132] {strides = array<i32>} : memref<512xi32, #tpu.memory_space<vmem>>, vector<16xi32>,
        tpu.vector_store %arg19[%swap3A_132], %add3A_131 {strides = array<i32>} : memref<512xi32, #tpu.memory_space<vmem>>, vector<16xi32>,
      } else {
      }
      %scan3A_61 = arith.constant 0 : i32
      %scan3A_62 = arith.constant 1 : i32
      %get3A_63 = arith.constant 0 : index
      %get3A_64 = tpu.vector_load %arg19[%get3A_63] {strides = array<i32>} : memref<512xi32, #tpu.memory_space<vmem>>, vector<16xi32>,
      %slice3A = vector.extract_strided_slice %get3A_64 {offsets = [0], sizes = [1], strides = [1]} : vector<16xi32> to vector<1xi32>
      %squeeze3A = vector.extract %slice3A[0] : i32 from vector<1xi32>
      %eq3A_65 = arith.constant 0 : i32
      %eq3A_66 = arith.cmpi eq, %squeeze3A, %eq3A_65 : i32
      %convert_element_type3A_67 = arith.extui %eq3A_66 : i1 to i32
      %cond3A_68 = arith.constant 0 : i32
      %cond3A_69 = arith.cmpi ne, %convert_element_type3A_67, %cond3A_68 : i32
      scf.if %cond3A_69 {
        %scan3A_115 = arith.constant -3.000000e+38 : f32
        %scan3A_116 = arith.constant 1 : i32
        %scan3A_117 = arith.constant 0 : i32
        %scan3A_118 = arith.constant 625 : i32
        %scan3A_119 = arith.addi %scan3A_117, %scan3A_118 : i32
        %scan3A_120 = arith.constant 1 : i32
        %scan3A_121:2 = scf.for %scan3A_126 = %scan3A_117 to %scan3A_119 step %scan3A_120 iter_args(%scan3A_127 = %scan3A_115, %scan3A_128 = %scan3A_116) -> (f32, i32)  : i32 {
          %mul3A_129 = arith.constant 16 : i32
          %mul3A_130 = arith.muli %scan3A_126, %mul3A_129 : i32
          %get3A_131 = arith.index_cast %mul3A_130 : i32 to index
          %get3A_132 = tpu.vector_load %arg13[%get3A_131] {strides = array<i32>} : memref<10000xf32, #tpu.memory_space<vmem>>, vector<16xf32>,
          %reduce_max3A = arith.constant true
          %reduce_max3A_133 = vector.broadcast %reduce_max3A : i1 to vector<16xi1>
          %reduce_max3A_134 = tpu.scan <max>, %get3A_132 masked %reduce_max3A_133 : vector<16xf32>, vector<16xi1> -> vector<16xf32>
          %reduce_max3A_135 = vector.extract %reduce_max3A_134[15] : f32 from vector<16xf32>
          %eq3A_136 = vector.broadcast %reduce_max3A_135 : f32 to vector<16xf32>
          %eq3A_137 = arith.cmpf oeq, %get3A_132, %eq3A_136 : vector<16xf32>
          %mul3A_138 = arith.constant 16 : i32
          %mul3A_139 = arith.muli %scan3A_126, %mul3A_138 : i32
          %add3A_140 = vector.broadcast %mul3A_139 : i32 to vector<16xi32>
          %add3A_141 = arith.addi %add3A_140, %iota3A : vector<16xi32>
          %jit3A_142 = arith.constant 1073741824 : i32
          %broadcast_in_dim3A_143 = vector.broadcast %jit3A_142 : i32 to vector<16xi32>
          %select_n3A_144 = arith.select %eq3A_137, %add3A_141, %broadcast_in_dim3A_143 : vector<16xi1>, vector<16xi32>
          %reduce_min3A = arith.constant true
          %reduce_min3A_145 = vector.broadcast %reduce_min3A : i1 to vector<16xi1>
          %reduce_min3A_146 = arith.constant -2147483648 : i32
          %reduce_min3A_147 = vector.broadcast %reduce_min3A_146 : i32 to vector<16xi32>
          %reduce_min3A_148 = arith.xori %select_n3A_144, %reduce_min3A_147 : vector<16xi32>
          %reduce_min3A_149 = tpu.scan <min>, %reduce_min3A_148 masked %reduce_min3A_145 : vector<16xi32>, vector<16xi1> -> vector<16xi32>
          %reduce_min3A_150 = arith.xori %reduce_min3A_149, %reduce_min3A_147 : vector<16xi32>
          %reduce_min3A_151 = vector.extract %reduce_min3A_150[15] : i32 from vector<16xi32>
          %gt3A_152 = arith.cmpf ogt, %reduce_max3A_135, %scan3A_127 : f32
          %select_n3A_153 = arith.select %gt3A_152, %reduce_max3A_135, %scan3A_127 : f32
          %select_n3A_154 = arith.select %gt3A_152, %reduce_min3A_151, %scan3A_128 : i32
          scf.yield %select_n3A_153, %select_n3A_154 : f32, i32
        }
        %scan3A_122 = arith.constant 625 : i32
        %broadcast_in_dim3A_123 = vector.broadcast %scan3A_121#1 : i32 to vector<16xi32>
        %swap3A_124 = arith.constant 0 : index
        %swap3A_125 = tpu.vector_load %arg16[%swap3A_124] {strides = array<i32>} : memref<512xi32, #tpu.memory_space<vmem>>, vector<16xi32>,
        tpu.vector_store %arg16[%swap3A_124], %broadcast_in_dim3A_123 {strides = array<i32>} : memref<512xi32, #tpu.memory_space<vmem>>, vector<16xi32>,
      } else {
      }
      %max3A = arith.constant 1 : i32
      %max3A_70 = arith.maxsi %squeeze3A, %max3A : i32
      %add3A_71 = arith.constant 15 : i32
      %add3A_72 = arith.addi %max3A_70, %add3A_71 : i32
      %div3A = arith.constant 16 : i32
      %div3A_73 = arith.divsi %add3A_72, %div3A : i32
      %while3A = arith.constant 0 : i32
      %while3A_74 = arith.constant 0 : i32
      %while3A_75 = arith.subi %div3A_73, %while3A : i32
      %while3A_76 = arith.addi %while3A, %while3A_75 : i32
      %while3A_77 = arith.constant 1 : i32
      %while3A_78 = arith.divsi %while3A_75, %while3A_77 : i32
      %while3A_79 = arith.muli %while3A_78, %while3A_77 : i32
      %while3A_80 = arith.addi %while3A, %while3A_79 : i32
      %while3A_81 = arith.constant 1 : i32
      %while3A_82 = scf.for %while3A_115 = %while3A to %while3A_80 step %while3A_81 iter_args(%while3A_116 = %while3A_74) -> (i32)  : i32 {
        %mul3A_117 = arith.constant 16 : i32
        %mul3A_118 = arith.muli %while3A_115, %mul3A_117 : i32
        %add3A_119 = vector.broadcast %mul3A_118 : i32 to vector<16xi32>
        %add3A_120 = arith.addi %add3A_119, %iota3A : vector<16xi32>
        %lt3A_121 = vector.broadcast %max3A_70 : i32 to vector<16xi32>
        %lt3A_122 = arith.cmpi slt, %add3A_120, %lt3A_121 : vector<16xi32>
        %mul3A_123 = arith.constant 16 : i32
        %mul3A_124 = arith.muli %while3A_115, %mul3A_123 : i32
        %get3A_125 = arith.index_cast %mul3A_124 : i32 to index
        %get3A_126 = tpu.vector_load %arg16[%get3A_125] {strides = array<i32>} : memref<512xi32, #tpu.memory_space<vmem>>, vector<16xi32>,
        %gather3A = tpu.vector_load_idx %arg14[%get3A_126] : memref<10000xi32, #tpu.memory_space<vmem>>[vector<16xi32>], vector<16xi32>,
        %gather3A_127 = tpu.vector_load_idx %arg15[%get3A_126] : memref<10000xi32, #tpu.memory_space<vmem>>[vector<16xi32>], vector<16xi32>,
        %sub3A = arith.subi %gather3A_127, %gather3A : vector<16xi32>
        %jit3A_128 = arith.constant 0 : i32
        %broadcast_in_dim3A_129 = vector.broadcast %jit3A_128 : i32 to vector<16xi32>
        %select_n3A_130 = arith.select %lt3A_122, %sub3A, %broadcast_in_dim3A_129 : vector<16xi1>, vector<16xi32>
        %broadcast_in_dim3A_131 = arith.constant true
        %broadcast_in_dim3A_132 = vector.broadcast %broadcast_in_dim3A_131 : i1 to vector<16xi1>
        %masked_cumsum3A = tpu.scan <sum>, %select_n3A_130 masked %broadcast_in_dim3A_132 : vector<16xi32>, vector<16xi1> -> vector<16xi32>
        %add3A_133 = vector.broadcast %while3A_116 : i32 to vector<16xi32>
        %add3A_134 = arith.addi %add3A_133, %masked_cumsum3A : vector<16xi32>
        %sub3A_135 = arith.subi %add3A_134, %select_n3A_130 : vector<16xi32>
        %sub3A_136 = arith.constant 400 : i32
        %sub3A_137 = vector.broadcast %sub3A_136 : i32 to vector<16xi32>
        %sub3A_138 = arith.subi %sub3A_137, %sub3A_135 : vector<16xi32>
        %max3A_139 = arith.constant 0 : i32
        %max3A_140 = vector.broadcast %max3A_139 : i32 to vector<16xi32>
        %max3A_141 = arith.maxsi %sub3A_138, %max3A_140 : vector<16xi32>
        %min3A_142 = arith.minsi %select_n3A_130, %max3A_141 : vector<16xi32>
        %mul3A_143 = arith.constant 16 : i32
        %mul3A_144 = arith.muli %while3A_115, %mul3A_143 : i32
        %swap3A_145 = arith.index_cast %mul3A_144 : i32 to index
        %swap3A_146 = tpu.vector_load %arg17[%swap3A_145] {strides = array<i32>} : memref<512xi32, #tpu.memory_space<vmem>>, vector<16xi32>,
        tpu.vector_store %arg17[%swap3A_145], %sub3A_135 {strides = array<i32>} : memref<512xi32, #tpu.memory_space<vmem>>, vector<16xi32>,
        %mul3A_147 = arith.constant 16 : i32
        %mul3A_148 = arith.muli %while3A_115, %mul3A_147 : i32
        %swap3A_149 = arith.index_cast %mul3A_148 : i32 to index
        %swap3A_150 = tpu.vector_load %arg18[%swap3A_149] {strides = array<i32>} : memref<512xi32, #tpu.memory_space<vmem>>, vector<16xi32>,
        tpu.vector_store %arg18[%swap3A_149], %gather3A {strides = array<i32>} : memref<512xi32, #tpu.memory_space<vmem>>, vector<16xi32>,
        %add3A_151 = arith.constant 15 : i32
        %add3A_152 = vector.broadcast %add3A_151 : i32 to vector<16xi32>
        %add3A_153 = arith.addi %min3A_142, %add3A_152 : vector<16xi32>
        %div3A_154 = arith.constant 16 : i32
        %div3A_155 = vector.broadcast %div3A_154 : i32 to vector<16xi32>
        %div3A_156 = arith.divsi %add3A_153, %div3A_155 : vector<16xi32>
        %mul3A_157 = arith.constant 16 : i32
        %mul3A_158 = arith.muli %while3A_115, %mul3A_157 : i32
        %swap3A_159 = arith.index_cast %mul3A_158 : i32 to index
        %swap3A_160 = tpu.vector_load %arg19[%swap3A_159] {strides = array<i32>} : memref<512xi32, #tpu.memory_space<vmem>>, vector<16xi32>,
        tpu.vector_store %arg19[%swap3A_159], %div3A_156 {strides = array<i32>} : memref<512xi32, #tpu.memory_space<vmem>>, vector<16xi32>,
        %reduce_max3A = arith.constant true
        %reduce_max3A_161 = vector.broadcast %reduce_max3A : i1 to vector<16xi1>
        %reduce_max3A_162 = arith.constant -2147483648 : i32
        %reduce_max3A_163 = vector.broadcast %reduce_max3A_162 : i32 to vector<16xi32>
        %reduce_max3A_164 = arith.xori %masked_cumsum3A, %reduce_max3A_163 : vector<16xi32>
        %reduce_max3A_165 = tpu.scan <max>, %reduce_max3A_164 masked %reduce_max3A_161 : vector<16xi32>, vector<16xi1> -> vector<16xi32>
        %reduce_max3A_166 = arith.xori %reduce_max3A_165, %reduce_max3A_163 : vector<16xi32>
        %reduce_max3A_167 = vector.extract %reduce_max3A_166[15] : i32 from vector<16xi32>
        %add3A_168 = arith.addi %while3A_116, %reduce_max3A_167 : i32
        scf.yield %add3A_168 : i32
      }
      %while3A_83 = arith.constant 1 : i32
      %while3A_84 = scf.for %while3A_115 = %while3A_80 to %while3A_76 step %while3A_83 iter_args(%while3A_116 = %while3A_82) -> (i32)  : i32 {
        %mul3A_117 = arith.constant 16 : i32
        %mul3A_118 = arith.muli %while3A_115, %mul3A_117 : i32
        %add3A_119 = vector.broadcast %mul3A_118 : i32 to vector<16xi32>
        %add3A_120 = arith.addi %add3A_119, %iota3A : vector<16xi32>
        %lt3A_121 = vector.broadcast %max3A_70 : i32 to vector<16xi32>
        %lt3A_122 = arith.cmpi slt, %add3A_120, %lt3A_121 : vector<16xi32>
        %mul3A_123 = arith.constant 16 : i32
        %mul3A_124 = arith.muli %while3A_115, %mul3A_123 : i32
        %get3A_125 = arith.index_cast %mul3A_124 : i32 to index
        %get3A_126 = tpu.vector_load %arg16[%get3A_125] {strides = array<i32>} : memref<512xi32, #tpu.memory_space<vmem>>, vector<16xi32>,
        %gather3A = tpu.vector_load_idx %arg14[%get3A_126] : memref<10000xi32, #tpu.memory_space<vmem>>[vector<16xi32>], vector<16xi32>,
        %gather3A_127 = tpu.vector_load_idx %arg15[%get3A_126] : memref<10000xi32, #tpu.memory_space<vmem>>[vector<16xi32>], vector<16xi32>,
        %sub3A = arith.subi %gather3A_127, %gather3A : vector<16xi32>
        %jit3A_128 = arith.constant 0 : i32
        %broadcast_in_dim3A_129 = vector.broadcast %jit3A_128 : i32 to vector<16xi32>
        %select_n3A_130 = arith.select %lt3A_122, %sub3A, %broadcast_in_dim3A_129 : vector<16xi1>, vector<16xi32>
        %broadcast_in_dim3A_131 = arith.constant true
        %broadcast_in_dim3A_132 = vector.broadcast %broadcast_in_dim3A_131 : i1 to vector<16xi1>
        %masked_cumsum3A = tpu.scan <sum>, %select_n3A_130 masked %broadcast_in_dim3A_132 : vector<16xi32>, vector<16xi1> -> vector<16xi32>
        %add3A_133 = vector.broadcast %while3A_116 : i32 to vector<16xi32>
        %add3A_134 = arith.addi %add3A_133, %masked_cumsum3A : vector<16xi32>
        %sub3A_135 = arith.subi %add3A_134, %select_n3A_130 : vector<16xi32>
        %sub3A_136 = arith.constant 400 : i32
        %sub3A_137 = vector.broadcast %sub3A_136 : i32 to vector<16xi32>
        %sub3A_138 = arith.subi %sub3A_137, %sub3A_135 : vector<16xi32>
        %max3A_139 = arith.constant 0 : i32
        %max3A_140 = vector.broadcast %max3A_139 : i32 to vector<16xi32>
        %max3A_141 = arith.maxsi %sub3A_138, %max3A_140 : vector<16xi32>
        %min3A_142 = arith.minsi %select_n3A_130, %max3A_141 : vector<16xi32>
        %mul3A_143 = arith.constant 16 : i32
        %mul3A_144 = arith.muli %while3A_115, %mul3A_143 : i32
        %swap3A_145 = arith.index_cast %mul3A_144 : i32 to index
        %swap3A_146 = tpu.vector_load %arg17[%swap3A_145] {strides = array<i32>} : memref<512xi32, #tpu.memory_space<vmem>>, vector<16xi32>,
        tpu.vector_store %arg17[%swap3A_145], %sub3A_135 {strides = array<i32>} : memref<512xi32, #tpu.memory_space<vmem>>, vector<16xi32>,
        %mul3A_147 = arith.constant 16 : i32
        %mul3A_148 = arith.muli %while3A_115, %mul3A_147 : i32
        %swap3A_149 = arith.index_cast %mul3A_148 : i32 to index
        %swap3A_150 = tpu.vector_load %arg18[%swap3A_149] {strides = array<i32>} : memref<512xi32, #tpu.memory_space<vmem>>, vector<16xi32>,
        tpu.vector_store %arg18[%swap3A_149], %gather3A {strides = array<i32>} : memref<512xi32, #tpu.memory_space<vmem>>, vector<16xi32>,
        %add3A_151 = arith.constant 15 : i32
        %add3A_152 = vector.broadcast %add3A_151 : i32 to vector<16xi32>
        %add3A_153 = arith.addi %min3A_142, %add3A_152 : vector<16xi32>
        %div3A_154 = arith.constant 16 : i32
        %div3A_155 = vector.broadcast %div3A_154 : i32 to vector<16xi32>
        %div3A_156 = arith.divsi %add3A_153, %div3A_155 : vector<16xi32>
        %mul3A_157 = arith.constant 16 : i32
        %mul3A_158 = arith.muli %while3A_115, %mul3A_157 : i32
        %swap3A_159 = arith.index_cast %mul3A_158 : i32 to index
        %swap3A_160 = tpu.vector_load %arg19[%swap3A_159] {strides = array<i32>} : memref<512xi32, #tpu.memory_space<vmem>>, vector<16xi32>,
        tpu.vector_store %arg19[%swap3A_159], %div3A_156 {strides = array<i32>} : memref<512xi32, #tpu.memory_space<vmem>>, vector<16xi32>,
        %reduce_max3A = arith.constant true
        %reduce_max3A_161 = vector.broadcast %reduce_max3A : i1 to vector<16xi1>
        %reduce_max3A_162 = arith.constant -2147483648 : i32
        %reduce_max3A_163 = vector.broadcast %reduce_max3A_162 : i32 to vector<16xi32>
        %reduce_max3A_164 = arith.xori %masked_cumsum3A, %reduce_max3A_163 : vector<16xi32>
        %reduce_max3A_165 = tpu.scan <max>, %reduce_max3A_164 masked %reduce_max3A_161 : vector<16xi32>, vector<16xi1> -> vector<16xi32>
        %reduce_max3A_166 = arith.xori %reduce_max3A_165, %reduce_max3A_163 : vector<16xi32>
        %reduce_max3A_167 = vector.extract %reduce_max3A_166[15] : i32 from vector<16xi32>
        %add3A_168 = arith.addi %while3A_116, %reduce_max3A_167 : i32
        scf.yield %add3A_168 : i32
      }
      %min3A = arith.constant 400 : i32
      %min3A_85 = arith.minsi %while3A_84, %min3A : i32
      %while3A_86 = arith.constant 0 : i32
      %while3A_87 = arith.constant 0 : i32
      %while3A_88 = arith.subi %max3A_70, %while3A_86 : i32
      %while3A_89 = arith.addi %while3A_86, %while3A_88 : i32
      %while3A_90 = arith.constant 1 : i32
      %while3A_91 = arith.divsi %while3A_88, %while3A_90 : i32
      %while3A_92 = arith.muli %while3A_91, %while3A_90 : i32
      %while3A_93 = arith.addi %while3A_86, %while3A_92 : i32
      %while3A_94 = arith.constant 1 : i32
      %while3A_95 = scf.for %while3A_115 = %while3A_86 to %while3A_93 step %while3A_94 iter_args(%while3A_116 = %while3A_87) -> (i32)  : i32 {
        %get3A_117 = arith.index_cast %while3A_115 : i32 to index
        %get3A_118 = tpu.vector_load %arg19[%get3A_117] {strides = array<i32>} : memref<512xi32, #tpu.memory_space<vmem>>, vector<16xi32>,
        %slice3A_119 = vector.extract_strided_slice %get3A_118 {offsets = [0], sizes = [1], strides = [1]} : vector<16xi32> to vector<1xi32>
        %squeeze3A_120 = vector.extract %slice3A_119[0] : i32 from vector<1xi32>
        %get3A_121 = arith.index_cast %while3A_115 : i32 to index
        %get3A_122 = tpu.vector_load %arg17[%get3A_121] {strides = array<i32>} : memref<512xi32, #tpu.memory_space<vmem>>, vector<16xi32>,
        %slice3A_123 = vector.extract_strided_slice %get3A_122 {offsets = [0], sizes = [1], strides = [1]} : vector<16xi32> to vector<1xi32>
        %squeeze3A_124 = vector.extract %slice3A_123[0] : i32 from vector<1xi32>
        %get3A_125 = arith.index_cast %while3A_115 : i32 to index
        %get3A_126 = tpu.vector_load %arg18[%get3A_125] {strides = array<i32>} : memref<512xi32, #tpu.memory_space<vmem>>, vector<16xi32>,
        %slice3A_127 = vector.extract_strided_slice %get3A_126 {offsets = [0], sizes = [1], strides = [1]} : vector<16xi32> to vector<1xi32>
        %squeeze3A_128 = vector.extract %slice3A_127[0] : i32 from vector<1xi32>
        %while3A_129 = arith.constant 0 : i32
        %while3A_130 = arith.subi %squeeze3A_120, %while3A_129 : i32
        %while3A_131 = arith.addi %while3A_129, %while3A_130 : i32
        %while3A_132 = arith.constant 1 : i32
        %while3A_133 = arith.divsi %while3A_130, %while3A_132 : i32
        %while3A_134 = arith.muli %while3A_133, %while3A_132 : i32
        %while3A_135 = arith.addi %while3A_129, %while3A_134 : i32
        %while3A_136 = arith.constant 1 : i32
        %while3A_137 = scf.for %while3A_140 = %while3A_129 to %while3A_135 step %while3A_136 iter_args(%while3A_141 = %while3A_116) -> (i32)  : i32 {
          %mul3A_142 = arith.constant 16 : i32
          %mul3A_143 = arith.muli %while3A_140, %mul3A_142 : i32
          %add3A_144 = arith.addi %squeeze3A_128, %mul3A_143 : i32
          %mul3A_145 = arith.constant 8 : i32
          %mul3A_146 = arith.muli %add3A_144, %mul3A_145 : i32
          %mul3A_147 = arith.constant 16 : i32
          %mul3A_148 = arith.muli %while3A_140, %mul3A_147 : i32
          %add3A_149 = arith.addi %squeeze3A_124, %mul3A_148 : i32
          %mul3A_150 = arith.constant 8 : i32
          %mul3A_151 = arith.muli %add3A_149, %mul3A_150 : i32
          %dma_start3A = tpu.memref_slice %arg20[%mul3A_151] : memref<4096xi32, #tpu.memory_space<vmem>> -> memref<128xi32, #tpu.memory_space<vmem>>
          %dma_start3A_152 = tpu.memref_slice %arg6[%mul3A_146] : memref<1280128xi32, #tpu.memory_space<hbm>> -> memref<128xi32, #tpu.memory_space<hbm>>
          %dma_start3A_153 = tpu.memref_slice %arg20[%mul3A_151] : memref<4096xi32, #tpu.memory_space<vmem>> -> memref<128xi32, #tpu.memory_space<vmem>>
          %dma_start3A_154 = tpu.memref_slice %arg6[%mul3A_146] : memref<1280128xi32, #tpu.memory_space<hbm>> -> memref<128xi32, #tpu.memory_space<hbm>>
          tpu.enqueue_dma source(%dma_start3A_154 : memref<128xi32, #tpu.memory_space<hbm>>) target(%dma_start3A_153 : memref<128xi32, #tpu.memory_space<vmem>>) target_semaphore(%arg28 : memref<!tpu.dma_semaphore, #tpu.memory_space<semaphore_mem>>)
          %add3A_155 = arith.constant 1 : i32
          %add3A_156 = arith.addi %while3A_141, %add3A_155 : i32
          scf.yield %add3A_156 : i32
        }
        %while3A_138 = arith.constant 1 : i32
        %while3A_139 = scf.for %while3A_140 = %while3A_135 to %while3A_131 step %while3A_138 iter_args(%while3A_141 = %while3A_137) -> (i32)  : i32 {
          %mul3A_142 = arith.constant 16 : i32
          %mul3A_143 = arith.muli %while3A_140, %mul3A_142 : i32
          %add3A_144 = arith.addi %squeeze3A_128, %mul3A_143 : i32
          %mul3A_145 = arith.constant 8 : i32
          %mul3A_146 = arith.muli %add3A_144, %mul3A_145 : i32
          %mul3A_147 = arith.constant 16 : i32
          %mul3A_148 = arith.muli %while3A_140, %mul3A_147 : i32
          %add3A_149 = arith.addi %squeeze3A_124, %mul3A_148 : i32
          %mul3A_150 = arith.constant 8 : i32
          %mul3A_151 = arith.muli %add3A_149, %mul3A_150 : i32
          %dma_start3A = tpu.memref_slice %arg20[%mul3A_151] : memref<4096xi32, #tpu.memory_space<vmem>> -> memref<128xi32, #tpu.memory_space<vmem>>
          %dma_start3A_152 = tpu.memref_slice %arg6[%mul3A_146] : memref<1280128xi32, #tpu.memory_space<hbm>> -> memref<128xi32, #tpu.memory_space<hbm>>
          %dma_start3A_153 = tpu.memref_slice %arg20[%mul3A_151] : memref<4096xi32, #tpu.memory_space<vmem>> -> memref<128xi32, #tpu.memory_space<vmem>>
          %dma_start3A_154 = tpu.memref_slice %arg6[%mul3A_146] : memref<1280128xi32, #tpu.memory_space<hbm>> -> memref<128xi32, #tpu.memory_space<hbm>>
          tpu.enqueue_dma source(%dma_start3A_154 : memref<128xi32, #tpu.memory_space<hbm>>) target(%dma_start3A_153 : memref<128xi32, #tpu.memory_space<vmem>>) target_semaphore(%arg28 : memref<!tpu.dma_semaphore, #tpu.memory_space<semaphore_mem>>)
          %add3A_155 = arith.constant 1 : i32
          %add3A_156 = arith.addi %while3A_141, %add3A_155 : i32
          scf.yield %add3A_156 : i32
        }
        scf.yield %while3A_139 : i32
      }
      %while3A_96 = arith.constant 1 : i32
      %while3A_97 = scf.for %while3A_115 = %while3A_93 to %while3A_89 step %while3A_96 iter_args(%while3A_116 = %while3A_95) -> (i32)  : i32 {
        %get3A_117 = arith.index_cast %while3A_115 : i32 to index
        %get3A_118 = tpu.vector_load %arg19[%get3A_117] {strides = array<i32>} : memref<512xi32, #tpu.memory_space<vmem>>, vector<16xi32>,
        %slice3A_119 = vector.extract_strided_slice %get3A_118 {offsets = [0], sizes = [1], strides = [1]} : vector<16xi32> to vector<1xi32>
        %squeeze3A_120 = vector.extract %slice3A_119[0] : i32 from vector<1xi32>
        %get3A_121 = arith.index_cast %while3A_115 : i32 to index
        %get3A_122 = tpu.vector_load %arg17[%get3A_121] {strides = array<i32>} : memref<512xi32, #tpu.memory_space<vmem>>, vector<16xi32>,
        %slice3A_123 = vector.extract_strided_slice %get3A_122 {offsets = [0], sizes = [1], strides = [1]} : vector<16xi32> to vector<1xi32>
        %squeeze3A_124 = vector.extract %slice3A_123[0] : i32 from vector<1xi32>
        %get3A_125 = arith.index_cast %while3A_115 : i32 to index
        %get3A_126 = tpu.vector_load %arg18[%get3A_125] {strides = array<i32>} : memref<512xi32, #tpu.memory_space<vmem>>, vector<16xi32>,
        %slice3A_127 = vector.extract_strided_slice %get3A_126 {offsets = [0], sizes = [1], strides = [1]} : vector<16xi32> to vector<1xi32>
        %squeeze3A_128 = vector.extract %slice3A_127[0] : i32 from vector<1xi32>
        %while3A_129 = arith.constant 0 : i32
        %while3A_130 = arith.subi %squeeze3A_120, %while3A_129 : i32
        %while3A_131 = arith.addi %while3A_129, %while3A_130 : i32
        %while3A_132 = arith.constant 1 : i32
        %while3A_133 = arith.divsi %while3A_130, %while3A_132 : i32
        %while3A_134 = arith.muli %while3A_133, %while3A_132 : i32
        %while3A_135 = arith.addi %while3A_129, %while3A_134 : i32
        %while3A_136 = arith.constant 1 : i32
        %while3A_137 = scf.for %while3A_140 = %while3A_129 to %while3A_135 step %while3A_136 iter_args(%while3A_141 = %while3A_116) -> (i32)  : i32 {
          %mul3A_142 = arith.constant 16 : i32
          %mul3A_143 = arith.muli %while3A_140, %mul3A_142 : i32
          %add3A_144 = arith.addi %squeeze3A_128, %mul3A_143 : i32
          %mul3A_145 = arith.constant 8 : i32
          %mul3A_146 = arith.muli %add3A_144, %mul3A_145 : i32
          %mul3A_147 = arith.constant 16 : i32
          %mul3A_148 = arith.muli %while3A_140, %mul3A_147 : i32
          %add3A_149 = arith.addi %squeeze3A_124, %mul3A_148 : i32
          %mul3A_150 = arith.constant 8 : i32
          %mul3A_151 = arith.muli %add3A_149, %mul3A_150 : i32
          %dma_start3A = tpu.memref_slice %arg20[%mul3A_151] : memref<4096xi32, #tpu.memory_space<vmem>> -> memref<128xi32, #tpu.memory_space<vmem>>
          %dma_start3A_152 = tpu.memref_slice %arg6[%mul3A_146] : memref<1280128xi32, #tpu.memory_space<hbm>> -> memref<128xi32, #tpu.memory_space<hbm>>
          %dma_start3A_153 = tpu.memref_slice %arg20[%mul3A_151] : memref<4096xi32, #tpu.memory_space<vmem>> -> memref<128xi32, #tpu.memory_space<vmem>>
          %dma_start3A_154 = tpu.memref_slice %arg6[%mul3A_146] : memref<1280128xi32, #tpu.memory_space<hbm>> -> memref<128xi32, #tpu.memory_space<hbm>>
          tpu.enqueue_dma source(%dma_start3A_154 : memref<128xi32, #tpu.memory_space<hbm>>) target(%dma_start3A_153 : memref<128xi32, #tpu.memory_space<vmem>>) target_semaphore(%arg28 : memref<!tpu.dma_semaphore, #tpu.memory_space<semaphore_mem>>)
          %add3A_155 = arith.constant 1 : i32
          %add3A_156 = arith.addi %while3A_141, %add3A_155 : i32
          scf.yield %add3A_156 : i32
        }
        %while3A_138 = arith.constant 1 : i32
        %while3A_139 = scf.for %while3A_140 = %while3A_135 to %while3A_131 step %while3A_138 iter_args(%while3A_141 = %while3A_137) -> (i32)  : i32 {
          %mul3A_142 = arith.constant 16 : i32
          %mul3A_143 = arith.muli %while3A_140, %mul3A_142 : i32
          %add3A_144 = arith.addi %squeeze3A_128, %mul3A_143 : i32
          %mul3A_145 = arith.constant 8 : i32
          %mul3A_146 = arith.muli %add3A_144, %mul3A_145 : i32
          %mul3A_147 = arith.constant 16 : i32
          %mul3A_148 = arith.muli %while3A_140, %mul3A_147 : i32
          %add3A_149 = arith.addi %squeeze3A_124, %mul3A_148 : i32
          %mul3A_150 = arith.constant 8 : i32
          %mul3A_151 = arith.muli %add3A_149, %mul3A_150 : i32
          %dma_start3A = tpu.memref_slice %arg20[%mul3A_151] : memref<4096xi32, #tpu.memory_space<vmem>> -> memref<128xi32, #tpu.memory_space<vmem>>
          %dma_start3A_152 = tpu.memref_slice %arg6[%mul3A_146] : memref<1280128xi32, #tpu.memory_space<hbm>> -> memref<128xi32, #tpu.memory_space<hbm>>
          %dma_start3A_153 = tpu.memref_slice %arg20[%mul3A_151] : memref<4096xi32, #tpu.memory_space<vmem>> -> memref<128xi32, #tpu.memory_space<vmem>>
          %dma_start3A_154 = tpu.memref_slice %arg6[%mul3A_146] : memref<1280128xi32, #tpu.memory_space<hbm>> -> memref<128xi32, #tpu.memory_space<hbm>>
          tpu.enqueue_dma source(%dma_start3A_154 : memref<128xi32, #tpu.memory_space<hbm>>) target(%dma_start3A_153 : memref<128xi32, #tpu.memory_space<vmem>>) target_semaphore(%arg28 : memref<!tpu.dma_semaphore, #tpu.memory_space<semaphore_mem>>)
          %add3A_155 = arith.constant 1 : i32
          %add3A_156 = arith.addi %while3A_141, %add3A_155 : i32
          scf.yield %add3A_156 : i32
        }
        scf.yield %while3A_139 : i32
      }
      %while3A_98 = arith.constant 0 : i32
      %while3A_99 = arith.constant 0 : i32
      %while3A_100 = arith.subi %while3A_97, %while3A_99 : i32
      %while3A_101 = arith.addi %while3A_99, %while3A_100 : i32
      %while3A_102 = arith.constant 1 : i32
      %while3A_103 = arith.divsi %while3A_100, %while3A_102 : i32
      %while3A_104 = arith.muli %while3A_103, %while3A_102 : i32
      %while3A_105 = arith.addi %while3A_99, %while3A_104 : i32
      %while3A_106 = arith.constant 1 : i32
      scf.for %while3A_115 = %while3A_99 to %while3A_105 step %while3A_106  : i32 {
        %dma_wait3A = arith.constant 0 : i32
        %dma_wait3A_116 = tpu.memref_slice %arg20[%dma_wait3A] : memref<4096xi32, #tpu.memory_space<vmem>> -> memref<128xi32, #tpu.memory_space<vmem>>
        %dma_wait3A_117 = arith.constant 0 : i32
        %dma_wait3A_118 = tpu.memref_slice %arg6[%dma_wait3A_117] : memref<1280128xi32, #tpu.memory_space<hbm>> -> memref<128xi32, #tpu.memory_space<hbm>>
        %dma_wait3A_119 = arith.constant 0 : i32
        %dma_wait3A_120 = tpu.memref_slice %arg20[%dma_wait3A_119] : memref<4096xi32, #tpu.memory_space<vmem>> -> memref<128xi32, #tpu.memory_space<vmem>>
        %dma_wait3A_121 = arith.constant 0 : i32
        %dma_wait3A_122 = tpu.memref_slice %arg6[%dma_wait3A_121] : memref<1280128xi32, #tpu.memory_space<hbm>> -> memref<128xi32, #tpu.memory_space<hbm>>
        tpu.wait_dma2 semaphore(%arg28 : memref<!tpu.dma_semaphore, #tpu.memory_space<semaphore_mem>>) src(%dma_wait3A_122 : memref<128xi32, #tpu.memory_space<hbm>>) dst(%dma_wait3A_120 : memref<128xi32, #tpu.memory_space<vmem>>)
      }
      %while3A_107 = arith.constant 1 : i32
      scf.for %while3A_115 = %while3A_105 to %while3A_101 step %while3A_107  : i32 {
        %dma_wait3A = arith.constant 0 : i32
        %dma_wait3A_116 = tpu.memref_slice %arg20[%dma_wait3A] : memref<4096xi32, #tpu.memory_space<vmem>> -> memref<128xi32, #tpu.memory_space<vmem>>
        %dma_wait3A_117 = arith.constant 0 : i32
        %dma_wait3A_118 = tpu.memref_slice %arg6[%dma_wait3A_117] : memref<1280128xi32, #tpu.memory_space<hbm>> -> memref<128xi32, #tpu.memory_space<hbm>>
        %dma_wait3A_119 = arith.constant 0 : i32
        %dma_wait3A_120 = tpu.memref_slice %arg20[%dma_wait3A_119] : memref<4096xi32, #tpu.memory_space<vmem>> -> memref<128xi32, #tpu.memory_space<vmem>>
        %dma_wait3A_121 = arith.constant 0 : i32
        %dma_wait3A_122 = tpu.memref_slice %arg6[%dma_wait3A_121] : memref<1280128xi32, #tpu.memory_space<hbm>> -> memref<128xi32, #tpu.memory_space<hbm>>
        tpu.wait_dma2 semaphore(%arg28 : memref<!tpu.dma_semaphore, #tpu.memory_space<semaphore_mem>>) src(%dma_wait3A_122 : memref<128xi32, #tpu.memory_space<hbm>>) dst(%dma_wait3A_120 : memref<128xi32, #tpu.memory_space<vmem>>)
      }
      %scan3A_108 = arith.constant 0 : i32
      %scan3A_109 = arith.constant 0 : i32
      %scan3A_110 = arith.constant 25 : i32
      %scan3A_111 = arith.addi %scan3A_109, %scan3A_110 : i32
      %scan3A_112 = arith.constant 1 : i32
      %scan3A_113 = scf.for %scan3A_115 = %scan3A_109 to %scan3A_111 step %scan3A_112 iter_args(%scan3A_116 = %scan3A_108) -> (i32)  : i32 {
        %mul3A_117 = arith.constant 16 : i32
        %mul3A_118 = arith.muli %scan3A_115, %mul3A_117 : i32
        %add3A_119 = vector.broadcast %mul3A_118 : i32 to vector<16xi32>
        %add3A_120 = arith.addi %add3A_119, %iota3A : vector<16xi32>
        %mul3A_121 = arith.constant 8 : i32
        %mul3A_122 = vector.broadcast %mul3A_121 : i32 to vector<16xi32>
        %mul3A_123 = arith.muli %add3A_120, %mul3A_122 : vector<16xi32>
        %gather3A = tpu.vector_load_idx %arg20[%mul3A_123] : memref<4096xi32, #tpu.memory_space<vmem>>[vector<16xi32>], vector<16xi32>,
        %jit3A_124 = arith.constant 0 : i32
        %jit3A_125 = arith.constant 9999 : i32
        %max3A_126 = vector.broadcast %jit3A_124 : i32 to vector<16xi32>
        %max3A_127 = arith.maxsi %max3A_126, %gather3A : vector<16xi32>
        %min3A_128 = vector.broadcast %jit3A_125 : i32 to vector<16xi32>
        %min3A_129 = arith.minsi %min3A_128, %max3A_127 : vector<16xi32>
        %add3A_130 = arith.constant 1 : i32
        %add3A_131 = vector.broadcast %add3A_130 : i32 to vector<16xi32>
        %add3A_132 = arith.addi %mul3A_123, %add3A_131 : vector<16xi32>
        %gather3A_133 = tpu.vector_load_idx %arg20[%add3A_132] : memref<4096xi32, #tpu.memory_space<vmem>>[vector<16xi32>], vector<16xi32>,
        %jit3A_134 = arith.constant 0 : i32
        %jit3A_135 = arith.constant 9999 : i32
        %max3A_136 = vector.broadcast %jit3A_134 : i32 to vector<16xi32>
        %max3A_137 = arith.maxsi %max3A_136, %gather3A_133 : vector<16xi32>
        %min3A_138 = vector.broadcast %jit3A_135 : i32 to vector<16xi32>
        %min3A_139 = arith.minsi %min3A_138, %max3A_137 : vector<16xi32>
        %add3A_140 = arith.constant 2 : i32
        %add3A_141 = vector.broadcast %add3A_140 : i32 to vector<16xi32>
        %add3A_142 = arith.addi %mul3A_123, %add3A_141 : vector<16xi32>
        %gather3A_143 = tpu.vector_load_idx %arg20[%add3A_142] : memref<4096xi32, #tpu.memory_space<vmem>>[vector<16xi32>], vector<16xi32>,
        %jit3A_144 = arith.constant 0 : i32
        %jit3A_145 = arith.constant 199 : i32
        %max3A_146 = vector.broadcast %jit3A_144 : i32 to vector<16xi32>
        %max3A_147 = arith.maxsi %max3A_146, %gather3A_143 : vector<16xi32>
        %min3A_148 = vector.broadcast %jit3A_145 : i32 to vector<16xi32>
        %min3A_149 = arith.minsi %min3A_148, %max3A_147 : vector<16xi32>
        %mul3A_150 = arith.constant 16 : i32
        %mul3A_151 = arith.muli %scan3A_115, %mul3A_150 : i32
        %swap3A_152 = arith.index_cast %mul3A_151 : i32 to index
        %swap3A_153 = tpu.vector_load %arg21[%swap3A_152] {strides = array<i32>} : memref<400xi32, #tpu.memory_space<vmem>>, vector<16xi32>,
        tpu.vector_store %arg21[%swap3A_152], %min3A_129 {strides = array<i32>} : memref<400xi32, #tpu.memory_space<vmem>>, vector<16xi32>,
        %mul3A_154 = arith.constant 16 : i32
        %mul3A_155 = arith.muli %scan3A_115, %mul3A_154 : i32
        %swap3A_156 = arith.index_cast %mul3A_155 : i32 to index
        %swap3A_157 = tpu.vector_load %arg22[%swap3A_156] {strides = array<i32>} : memref<400xi32, #tpu.memory_space<vmem>>, vector<16xi32>,
        tpu.vector_store %arg22[%swap3A_156], %min3A_139 {strides = array<i32>} : memref<400xi32, #tpu.memory_space<vmem>>, vector<16xi32>,
        %mul3A_158 = arith.constant 16 : i32
        %mul3A_159 = arith.muli %scan3A_115, %mul3A_158 : i32
        %swap3A_160 = arith.index_cast %mul3A_159 : i32 to index
        %swap3A_161 = tpu.vector_load %arg23[%swap3A_160] {strides = array<i32>} : memref<400xi32, #tpu.memory_space<vmem>>, vector<16xi32>,
        tpu.vector_store %arg23[%swap3A_160], %min3A_149 {strides = array<i32>} : memref<400xi32, #tpu.memory_space<vmem>>, vector<16xi32>,
        %gather3A_162 = tpu.vector_load_idx %arg13[%min3A_129] : memref<10000xf32, #tpu.memory_space<vmem>>[vector<16xi32>], vector<16xf32>,
        %mul3A_163 = arith.constant 16 : i32
        %mul3A_164 = arith.muli %scan3A_115, %mul3A_163 : i32
        %swap3A_165 = arith.index_cast %mul3A_164 : i32 to index
        %swap3A_166 = tpu.vector_load %arg25[%swap3A_165] {strides = array<i32>} : memref<400xf32, #tpu.memory_space<vmem>>, vector<16xf32>,
        tpu.vector_store %arg25[%swap3A_165], %gather3A_162 {strides = array<i32>} : memref<400xf32, #tpu.memory_space<vmem>>, vector<16xf32>,
        %min3A_167 = arith.constant 1.000000e+00 : f32
        %min3A_168 = vector.broadcast %min3A_167 : f32 to vector<16xf32>
        %min3A_169 = arith.minimumf %gather3A_162, %min3A_168 : vector<16xf32>
        %mul3A_170 = arith.constant 16 : i32
        %mul3A_171 = arith.muli %scan3A_115, %mul3A_170 : i32
        %swap3A_172 = arith.index_cast %mul3A_171 : i32 to index
        %swap3A_173 = tpu.vector_load %arg24[%swap3A_172] {strides = array<i32>} : memref<400xf32, #tpu.memory_space<vmem>>, vector<16xf32>,
        tpu.vector_store %arg24[%swap3A_172], %min3A_169 {strides = array<i32>} : memref<400xf32, #tpu.memory_space<vmem>>, vector<16xf32>,
        %mul3A_174 = arith.constant 16 : i32
        %mul3A_175 = arith.muli %scan3A_115, %mul3A_174 : i32
        %add3A_176 = vector.broadcast %mul3A_175 : i32 to vector<16xi32>
        %add3A_177 = arith.addi %add3A_176, %iota3A : vector<16xi32>
        %lt3A_178 = vector.broadcast %min3A_85 : i32 to vector<16xi32>
        %lt3A_179 = arith.cmpi slt, %add3A_177, %lt3A_178 : vector<16xi32>
        %convert_element_type3A_180 = arith.extui %lt3A_179 : vector<16xi1> to vector<16xi32>
        %convert_element_type3A_181 = arith.sitofp %convert_element_type3A_180 : vector<16xi32> to vector<16xf32>
        %mul3A_182 = arith.constant 16 : i32
        %mul3A_183 = arith.muli %scan3A_115, %mul3A_182 : i32
        %swap3A_184 = arith.index_cast %mul3A_183 : i32 to index
        %swap3A_185 = tpu.vector_load %arg27[%swap3A_184] {strides = array<i32>} : memref<400xf32, #tpu.memory_space<vmem>>, vector<16xf32>,
        tpu.vector_store %arg27[%swap3A_184], %convert_element_type3A_181 {strides = array<i32>} : memref<400xf32, #tpu.memory_space<vmem>>, vector<16xf32>,
        %scan3A_186 = arith.constant 0 : i32
        scf.yield %scan3A_186 : i32
      }
      %scan3A_114 = arith.constant 25 : i32
      "tpu.region"() ({
        %run_scoped3A = tpu.sem_alloc : memref<!tpu.dma_semaphore, #tpu.memory_space<semaphore_mem>>
        %dma_start3A = arith.constant 0 : i32
        %dma_start3A_115 = tpu.memref_slice %arg7[%add3A, %dma_start3A] : memref<16x400xi32, #tpu.memory_space<hbm>> -> memref<1x400xi32, #tpu.memory_space<hbm>>
        %dma_start3A_116 = tpu.memref_squeeze %dma_start3A_115 : memref<1x400xi32, #tpu.memory_space<hbm>> -> memref<400xi32, #tpu.memory_space<hbm>>
        %dma_start3A_117 = arith.constant 0 : i32
        %dma_start3A_118 = tpu.memref_slice %arg7[%add3A, %dma_start3A_117] : memref<16x400xi32, #tpu.memory_space<hbm>> -> memref<1x400xi32, #tpu.memory_space<hbm>>
        %dma_start3A_119 = tpu.memref_squeeze %dma_start3A_118 : memref<1x400xi32, #tpu.memory_space<hbm>> -> memref<400xi32, #tpu.memory_space<hbm>>
        tpu.enqueue_dma source(%arg21 : memref<400xi32, #tpu.memory_space<vmem>>) target(%dma_start3A_119 : memref<400xi32, #tpu.memory_space<hbm>>) target_semaphore(%run_scoped3A : memref<!tpu.dma_semaphore, #tpu.memory_space<semaphore_mem>>)
        %dma_wait3A = arith.constant 0 : i32
        %dma_wait3A_120 = tpu.memref_slice %arg7[%add3A, %dma_wait3A] : memref<16x400xi32, #tpu.memory_space<hbm>> -> memref<1x400xi32, #tpu.memory_space<hbm>>
        %dma_wait3A_121 = tpu.memref_squeeze %dma_wait3A_120 : memref<1x400xi32, #tpu.memory_space<hbm>> -> memref<400xi32, #tpu.memory_space<hbm>>
        %dma_wait3A_122 = arith.constant 0 : i32
        %dma_wait3A_123 = tpu.memref_slice %arg7[%add3A, %dma_wait3A_122] : memref<16x400xi32, #tpu.memory_space<hbm>> -> memref<1x400xi32, #tpu.memory_space<hbm>>
        %dma_wait3A_124 = tpu.memref_squeeze %dma_wait3A_123 : memref<1x400xi32, #tpu.memory_space<hbm>> -> memref<400xi32, #tpu.memory_space<hbm>>
        tpu.wait_dma2 semaphore(%run_scoped3A : memref<!tpu.dma_semaphore, #tpu.memory_space<semaphore_mem>>) src(%arg21 : memref<400xi32, #tpu.memory_space<vmem>>) dst(%dma_wait3A_124 : memref<400xi32, #tpu.memory_space<hbm>>)
        tpu.yield
      }) : () -> ()
      "tpu.region"() ({
        %run_scoped3A = tpu.sem_alloc : memref<!tpu.dma_semaphore, #tpu.memory_space<semaphore_mem>>
        %dma_start3A = arith.constant 0 : i32
        %dma_start3A_115 = tpu.memref_slice %arg8[%add3A, %dma_start3A] : memref<16x400xi32, #tpu.memory_space<hbm>> -> memref<1x400xi32, #tpu.memory_space<hbm>>
        %dma_start3A_116 = tpu.memref_squeeze %dma_start3A_115 : memref<1x400xi32, #tpu.memory_space<hbm>> -> memref<400xi32, #tpu.memory_space<hbm>>
        %dma_start3A_117 = arith.constant 0 : i32
        %dma_start3A_118 = tpu.memref_slice %arg8[%add3A, %dma_start3A_117] : memref<16x400xi32, #tpu.memory_space<hbm>> -> memref<1x400xi32, #tpu.memory_space<hbm>>
        %dma_start3A_119 = tpu.memref_squeeze %dma_start3A_118 : memref<1x400xi32, #tpu.memory_space<hbm>> -> memref<400xi32, #tpu.memory_space<hbm>>
        tpu.enqueue_dma source(%arg22 : memref<400xi32, #tpu.memory_space<vmem>>) target(%dma_start3A_119 : memref<400xi32, #tpu.memory_space<hbm>>) target_semaphore(%run_scoped3A : memref<!tpu.dma_semaphore, #tpu.memory_space<semaphore_mem>>)
        %dma_wait3A = arith.constant 0 : i32
        %dma_wait3A_120 = tpu.memref_slice %arg8[%add3A, %dma_wait3A] : memref<16x400xi32, #tpu.memory_space<hbm>> -> memref<1x400xi32, #tpu.memory_space<hbm>>
        %dma_wait3A_121 = tpu.memref_squeeze %dma_wait3A_120 : memref<1x400xi32, #tpu.memory_space<hbm>> -> memref<400xi32, #tpu.memory_space<hbm>>
        %dma_wait3A_122 = arith.constant 0 : i32
        %dma_wait3A_123 = tpu.memref_slice %arg8[%add3A, %dma_wait3A_122] : memref<16x400xi32, #tpu.memory_space<hbm>> -> memref<1x400xi32, #tpu.memory_space<hbm>>
        %dma_wait3A_124 = tpu.memref_squeeze %dma_wait3A_123 : memref<1x400xi32, #tpu.memory_space<hbm>> -> memref<400xi32, #tpu.memory_space<hbm>>
        tpu.wait_dma2 semaphore(%run_scoped3A : memref<!tpu.dma_semaphore, #tpu.memory_space<semaphore_mem>>) src(%arg22 : memref<400xi32, #tpu.memory_space<vmem>>) dst(%dma_wait3A_124 : memref<400xi32, #tpu.memory_space<hbm>>)
        tpu.yield
      }) : () -> ()
      "tpu.region"() ({
        %run_scoped3A = tpu.sem_alloc : memref<!tpu.dma_semaphore, #tpu.memory_space<semaphore_mem>>
        %dma_start3A = arith.constant 0 : i32
        %dma_start3A_115 = tpu.memref_slice %arg9[%add3A, %dma_start3A] : memref<16x400xi32, #tpu.memory_space<hbm>> -> memref<1x400xi32, #tpu.memory_space<hbm>>
        %dma_start3A_116 = tpu.memref_squeeze %dma_start3A_115 : memref<1x400xi32, #tpu.memory_space<hbm>> -> memref<400xi32, #tpu.memory_space<hbm>>
        %dma_start3A_117 = arith.constant 0 : i32
        %dma_start3A_118 = tpu.memref_slice %arg9[%add3A, %dma_start3A_117] : memref<16x400xi32, #tpu.memory_space<hbm>> -> memref<1x400xi32, #tpu.memory_space<hbm>>
        %dma_start3A_119 = tpu.memref_squeeze %dma_start3A_118 : memref<1x400xi32, #tpu.memory_space<hbm>> -> memref<400xi32, #tpu.memory_space<hbm>>
        tpu.enqueue_dma source(%arg23 : memref<400xi32, #tpu.memory_space<vmem>>) target(%dma_start3A_119 : memref<400xi32, #tpu.memory_space<hbm>>) target_semaphore(%run_scoped3A : memref<!tpu.dma_semaphore, #tpu.memory_space<semaphore_mem>>)
        %dma_wait3A = arith.constant 0 : i32
        %dma_wait3A_120 = tpu.memref_slice %arg9[%add3A, %dma_wait3A] : memref<16x400xi32, #tpu.memory_space<hbm>> -> memref<1x400xi32, #tpu.memory_space<hbm>>
        %dma_wait3A_121 = tpu.memref_squeeze %dma_wait3A_120 : memref<1x400xi32, #tpu.memory_space<hbm>> -> memref<400xi32, #tpu.memory_space<hbm>>
        %dma_wait3A_122 = arith.constant 0 : i32
        %dma_wait3A_123 = tpu.memref_slice %arg9[%add3A, %dma_wait3A_122] : memref<16x400xi32, #tpu.memory_space<hbm>> -> memref<1x400xi32, #tpu.memory_space<hbm>>
        %dma_wait3A_124 = tpu.memref_squeeze %dma_wait3A_123 : memref<1x400xi32, #tpu.memory_space<hbm>> -> memref<400xi32, #tpu.memory_space<hbm>>
        tpu.wait_dma2 semaphore(%run_scoped3A : memref<!tpu.dma_semaphore, #tpu.memory_space<semaphore_mem>>) src(%arg23 : memref<400xi32, #tpu.memory_space<vmem>>) dst(%dma_wait3A_124 : memref<400xi32, #tpu.memory_space<hbm>>)
        tpu.yield
      }) : () -> ()
      "tpu.region"() ({
        %run_scoped3A = tpu.sem_alloc : memref<!tpu.dma_semaphore, #tpu.memory_space<semaphore_mem>>
        %dma_start3A = arith.constant 0 : i32
        %dma_start3A_115 = tpu.memref_slice %arg10[%add3A, %dma_start3A] : memref<16x400xf32, #tpu.memory_space<hbm>> -> memref<1x400xf32, #tpu.memory_space<hbm>>
        %dma_start3A_116 = tpu.memref_squeeze %dma_start3A_115 : memref<1x400xf32, #tpu.memory_space<hbm>> -> memref<400xf32, #tpu.memory_space<hbm>>
        %dma_start3A_117 = arith.constant 0 : i32
        %dma_start3A_118 = tpu.memref_slice %arg10[%add3A, %dma_start3A_117] : memref<16x400xf32, #tpu.memory_space<hbm>> -> memref<1x400xf32, #tpu.memory_space<hbm>>
        %dma_start3A_119 = tpu.memref_squeeze %dma_start3A_118 : memref<1x400xf32, #tpu.memory_space<hbm>> -> memref<400xf32, #tpu.memory_space<hbm>>
        tpu.enqueue_dma source(%arg24 : memref<400xf32, #tpu.memory_space<vmem>>) target(%dma_start3A_119 : memref<400xf32, #tpu.memory_space<hbm>>) target_semaphore(%run_scoped3A : memref<!tpu.dma_semaphore, #tpu.memory_space<semaphore_mem>>)
        %dma_wait3A = arith.constant 0 : i32
        %dma_wait3A_120 = tpu.memref_slice %arg10[%add3A, %dma_wait3A] : memref<16x400xf32, #tpu.memory_space<hbm>> -> memref<1x400xf32, #tpu.memory_space<hbm>>
        %dma_wait3A_121 = tpu.memref_squeeze %dma_wait3A_120 : memref<1x400xf32, #tpu.memory_space<hbm>> -> memref<400xf32, #tpu.memory_space<hbm>>
        %dma_wait3A_122 = arith.constant 0 : i32
        %dma_wait3A_123 = tpu.memref_slice %arg10[%add3A, %dma_wait3A_122] : memref<16x400xf32, #tpu.memory_space<hbm>> -> memref<1x400xf32, #tpu.memory_space<hbm>>
        %dma_wait3A_124 = tpu.memref_squeeze %dma_wait3A_123 : memref<1x400xf32, #tpu.memory_space<hbm>> -> memref<400xf32, #tpu.memory_space<hbm>>
        tpu.wait_dma2 semaphore(%run_scoped3A : memref<!tpu.dma_semaphore, #tpu.memory_space<semaphore_mem>>) src(%arg24 : memref<400xf32, #tpu.memory_space<vmem>>) dst(%dma_wait3A_124 : memref<400xf32, #tpu.memory_space<hbm>>)
        tpu.yield
      }) : () -> ()
      "tpu.region"() ({
        %run_scoped3A = tpu.sem_alloc : memref<!tpu.dma_semaphore, #tpu.memory_space<semaphore_mem>>
        %dma_start3A = arith.constant 0 : i32
        %dma_start3A_115 = tpu.memref_slice %arg11[%add3A, %dma_start3A] : memref<16x400xf32, #tpu.memory_space<hbm>> -> memref<1x400xf32, #tpu.memory_space<hbm>>
        %dma_start3A_116 = tpu.memref_squeeze %dma_start3A_115 : memref<1x400xf32, #tpu.memory_space<hbm>> -> memref<400xf32, #tpu.memory_space<hbm>>
        %dma_start3A_117 = arith.constant 0 : i32
        %dma_start3A_118 = tpu.memref_slice %arg11[%add3A, %dma_start3A_117] : memref<16x400xf32, #tpu.memory_space<hbm>> -> memref<1x400xf32, #tpu.memory_space<hbm>>
        %dma_start3A_119 = tpu.memref_squeeze %dma_start3A_118 : memref<1x400xf32, #tpu.memory_space<hbm>> -> memref<400xf32, #tpu.memory_space<hbm>>
        tpu.enqueue_dma source(%arg25 : memref<400xf32, #tpu.memory_space<vmem>>) target(%dma_start3A_119 : memref<400xf32, #tpu.memory_space<hbm>>) target_semaphore(%run_scoped3A : memref<!tpu.dma_semaphore, #tpu.memory_space<semaphore_mem>>)
        %dma_wait3A = arith.constant 0 : i32
        %dma_wait3A_120 = tpu.memref_slice %arg11[%add3A, %dma_wait3A] : memref<16x400xf32, #tpu.memory_space<hbm>> -> memref<1x400xf32, #tpu.memory_space<hbm>>
        %dma_wait3A_121 = tpu.memref_squeeze %dma_wait3A_120 : memref<1x400xf32, #tpu.memory_space<hbm>> -> memref<400xf32, #tpu.memory_space<hbm>>
        %dma_wait3A_122 = arith.constant 0 : i32
        %dma_wait3A_123 = tpu.memref_slice %arg11[%add3A, %dma_wait3A_122] : memref<16x400xf32, #tpu.memory_space<hbm>> -> memref<1x400xf32, #tpu.memory_space<hbm>>
        %dma_wait3A_124 = tpu.memref_squeeze %dma_wait3A_123 : memref<1x400xf32, #tpu.memory_space<hbm>> -> memref<400xf32, #tpu.memory_space<hbm>>
        tpu.wait_dma2 semaphore(%run_scoped3A : memref<!tpu.dma_semaphore, #tpu.memory_space<semaphore_mem>>) src(%arg25 : memref<400xf32, #tpu.memory_space<vmem>>) dst(%dma_wait3A_124 : memref<400xf32, #tpu.memory_space<hbm>>)
        tpu.yield
      }) : () -> ()
      "tpu.region"() ({
        %run_scoped3A = tpu.sem_alloc : memref<!tpu.dma_semaphore, #tpu.memory_space<semaphore_mem>>
        %dma_start3A = arith.constant 0 : i32
        %dma_start3A_115 = tpu.memref_slice %arg12[%add3A, %dma_start3A] : memref<16x400xf32, #tpu.memory_space<hbm>> -> memref<1x400xf32, #tpu.memory_space<hbm>>
        %dma_start3A_116 = tpu.memref_squeeze %dma_start3A_115 : memref<1x400xf32, #tpu.memory_space<hbm>> -> memref<400xf32, #tpu.memory_space<hbm>>
        %dma_start3A_117 = arith.constant 0 : i32
        %dma_start3A_118 = tpu.memref_slice %arg12[%add3A, %dma_start3A_117] : memref<16x400xf32, #tpu.memory_space<hbm>> -> memref<1x400xf32, #tpu.memory_space<hbm>>
        %dma_start3A_119 = tpu.memref_squeeze %dma_start3A_118 : memref<1x400xf32, #tpu.memory_space<hbm>> -> memref<400xf32, #tpu.memory_space<hbm>>
        tpu.enqueue_dma source(%arg27 : memref<400xf32, #tpu.memory_space<vmem>>) target(%dma_start3A_119 : memref<400xf32, #tpu.memory_space<hbm>>) target_semaphore(%run_scoped3A : memref<!tpu.dma_semaphore, #tpu.memory_space<semaphore_mem>>)
        %dma_wait3A = arith.constant 0 : i32
        %dma_wait3A_120 = tpu.memref_slice %arg12[%add3A, %dma_wait3A] : memref<16x400xf32, #tpu.memory_space<hbm>> -> memref<1x400xf32, #tpu.memory_space<hbm>>
        %dma_wait3A_121 = tpu.memref_squeeze %dma_wait3A_120 : memref<1x400xf32, #tpu.memory_space<hbm>> -> memref<400xf32, #tpu.memory_space<hbm>>
        %dma_wait3A_122 = arith.constant 0 : i32
        %dma_wait3A_123 = tpu.memref_slice %arg12[%add3A, %dma_wait3A_122] : memref<16x400xf32, #tpu.memory_space<hbm>> -> memref<1x400xf32, #tpu.memory_space<hbm>>
        %dma_wait3A_124 = tpu.memref_squeeze %dma_wait3A_123 : memref<1x400xf32, #tpu.memory_space<hbm>> -> memref<400xf32, #tpu.memory_space<hbm>>
        tpu.wait_dma2 semaphore(%run_scoped3A : memref<!tpu.dma_semaphore, #tpu.memory_space<semaphore_mem>>) src(%arg27 : memref<400xf32, #tpu.memory_space<vmem>>) dst(%dma_wait3A_124 : memref<400xf32, #tpu.memory_space<hbm>>)
        tpu.yield
      }) : () -> ()
    } else {
    }
    return
  }
}

module attributes {stable_mosaic.version = 14 : i64} {
  func.func @_tc1_body(%arg0: i32, %arg1: memref<1x1x400xi32, #tpu.memory_space<vmem>>, %arg2: memref<1x1x400xf32, #tpu.memory_space<vmem>>, %arg3: memref<1x1x400xf32, #tpu.memory_space<vmem>>, %arg4: memref<1x1x200xf32, #tpu.memory_space<vmem>>, %arg5: memref<200x128xf32, #tpu.memory_space<vmem>>, %arg6: memref<128x384xf32, #tpu.memory_space<vmem>>, %arg7: memref<1x384xf32, #tpu.memory_space<vmem>>, %arg8: memref<1x384xf32, #tpu.memory_space<vmem>>, %arg9: memref<128x128xf32, #tpu.memory_space<vmem>>, %arg10: memref<1x128xf32, #tpu.memory_space<vmem>>, %arg11: memref<1x128xf32, #tpu.memory_space<vmem>>, %arg12: memref<1x1xf32, #tpu.memory_space<vmem>>, %arg13: memref<1x1x400xf32, #tpu.memory_space<vmem>>, %arg14: memref<1x400x128xf32, #tpu.memory_space<vmem>>) attributes {dimension_semantics = [#tpu.dimension_semantics<arbitrary>], iteration_bounds = array<i64: 16>, scalar_prefetch = 0 : i64, scratch_operands = 0 : i64, tpu.core_type = #tpu.core_type<tc>, window_params = [{transform_indices = @transform_0, window_bounds = array<i64: 1, 1, 400>}, {transform_indices = @transform_1, window_bounds = array<i64: 1, 1, 400>}, {transform_indices = @transform_2, window_bounds = array<i64: 1, 1, 400>}, {transform_indices = @transform_3, window_bounds = array<i64: 1, 1, 200>}, {pipeline_mode = #tpu.pipeline_mode<synchronous>, transform_indices = @transform_4, window_bounds = array<i64: 200, 128>}, {pipeline_mode = #tpu.pipeline_mode<synchronous>, transform_indices = @transform_5, window_bounds = array<i64: 128, 384>}, {pipeline_mode = #tpu.pipeline_mode<synchronous>, transform_indices = @transform_6, window_bounds = array<i64: 1, 384>}, {pipeline_mode = #tpu.pipeline_mode<synchronous>, transform_indices = @transform_7, window_bounds = array<i64: 1, 384>}, {pipeline_mode = #tpu.pipeline_mode<synchronous>, transform_indices = @transform_8, window_bounds = array<i64: 128, 128>}, {pipeline_mode = #tpu.pipeline_mode<synchronous>, transform_indices = @transform_9, window_bounds = array<i64: 1, 128>}, {pipeline_mode = #tpu.pipeline_mode<synchronous>, transform_indices = @transform_10, window_bounds = array<i64: 1, 128>}, {pipeline_mode = #tpu.pipeline_mode<synchronous>, transform_indices = @transform_11, window_bounds = array<i64: 1, 1>}, {transform_indices = @transform_12, window_bounds = array<i64: 1, 1, 400>}, {transform_indices = @transform_13, window_bounds = array<i64: 1, 400, 128>}]} {
    %get3A = arith.constant 0 : index
    %get3A_0 = arith.constant 0 : index
    %get3A_1 = arith.constant 0 : index
    %get3A_2 = vector.load %arg1[%get3A, %get3A_0, %get3A_1] : memref<1x1x400xi32, #tpu.memory_space<vmem>>, vector<1x1x400xi32>
    %get3A_3 = vector.shape_cast %get3A_2 : vector<1x1x400xi32> to vector<400xi32>
    %broadcast_in_dim3A = vector.shape_cast %get3A_3 : vector<400xi32> to vector<400x1xi32>
    %iota3A = tpu.iota {dimensions = array<i32: 1>} : vector<400x200xi32>
    %eq3A = vector.broadcast %broadcast_in_dim3A : vector<400x1xi32> to vector<400x200xi32>
    %eq3A_4 = arith.cmpi eq, %eq3A, %iota3A : vector<400x200xi32>
    %convert_element_type3A = arith.extui %eq3A_4 : vector<400x200xi1> to vector<400x200xi32>
    %convert_element_type3A_5 = arith.sitofp %convert_element_type3A : vector<400x200xi32> to vector<400x200xf32>
    %get3A_6 = arith.constant 0 : index
    %get3A_7 = arith.constant 0 : index
    %get3A_8 = vector.load %arg5[%get3A_6, %get3A_7] : memref<200x128xf32, #tpu.memory_space<vmem>>, vector<200x128xf32>
    %dot_general3A = arith.constant dense<0.000000e+00> : vector<400x128xf32>
    %dot_general3A_9 = tpu.matmul %convert_element_type3A_5, %get3A_8, %dot_general3A {dimension_numbers = #tpu.dot_dimension_numbers<[1], [0], [0], [1], [0, 0, 1, 1], [], []>, transpose_lhs_hint = false} : vector<400x200xf32>, vector<200x128xf32>, vector<400x128xf32> -> vector<400x128xf32>
    %get3A_10 = arith.constant 0 : index
    %get3A_11 = arith.constant 0 : index
    %get3A_12 = vector.load %arg6[%get3A_10, %get3A_11] : memref<128x384xf32, #tpu.memory_space<vmem>>, vector<128x384xf32>
    %dot_general3A_13 = arith.constant dense<0.000000e+00> : vector<400x384xf32>
    %dot_general3A_14 = tpu.matmul %dot_general3A_9, %get3A_12, %dot_general3A_13 {dimension_numbers = #tpu.dot_dimension_numbers<[1], [0], [0], [1], [0, 0, 1, 1], [], []>, transpose_lhs_hint = false} : vector<400x128xf32>, vector<128x384xf32>, vector<400x384xf32> -> vector<400x384xf32>
    %get3A_15 = arith.constant 0 : index
    %get3A_16 = arith.constant 0 : index
    %get3A_17 = vector.load %arg7[%get3A_15, %get3A_16] : memref<1x384xf32, #tpu.memory_space<vmem>>, vector<1x384xf32>
    %add3A = vector.broadcast %get3A_17 : vector<1x384xf32> to vector<400x384xf32>
    %add3A_18 = arith.addf %dot_general3A_14, %add3A : vector<400x384xf32>
    %get3A_19 = arith.constant 0 : index
    %get3A_20 = arith.constant 0 : index
    %get3A_21 = vector.load %arg8[%get3A_19, %get3A_20] : memref<1x384xf32, #tpu.memory_space<vmem>>, vector<1x384xf32>
    %broadcast_in_dim3A_22 = vector.shape_cast %get3A_21 : vector<1x384xf32> to vector<1x384xf32>
    %broadcast_in_dim3A_23 = vector.broadcast %broadcast_in_dim3A_22 : vector<1x384xf32> to vector<400x384xf32>
    %slice3A = vector.extract_strided_slice %add3A_18 {offsets = [0, 0], sizes = [400, 128], strides = [1, 1]} : vector<400x384xf32> to vector<400x128xf32>
    %slice3A_24 = vector.extract_strided_slice %add3A_18 {offsets = [0, 128], sizes = [400, 128], strides = [1, 1]} : vector<400x384xf32> to vector<400x128xf32>
    %slice3A_25 = vector.extract_strided_slice %add3A_18 {offsets = [0, 256], sizes = [400, 128], strides = [1, 1]} : vector<400x384xf32> to vector<400x128xf32>
    %slice3A_26 = vector.extract_strided_slice %broadcast_in_dim3A_23 {offsets = [0, 0], sizes = [400, 128], strides = [1, 1]} : vector<400x384xf32> to vector<400x128xf32>
    %slice3A_27 = vector.extract_strided_slice %broadcast_in_dim3A_23 {offsets = [0, 128], sizes = [400, 128], strides = [1, 1]} : vector<400x384xf32> to vector<400x128xf32>
    %slice3A_28 = vector.extract_strided_slice %broadcast_in_dim3A_23 {offsets = [0, 256], sizes = [400, 128], strides = [1, 1]} : vector<400x384xf32> to vector<400x128xf32>
    %add3A_29 = arith.addf %slice3A, %slice3A_26 : vector<400x128xf32>
    %logistic3A = arith.negf %add3A_29 : vector<400x128xf32>
    %logistic3A_30 = math.exp %logistic3A : vector<400x128xf32>
    %logistic3A_31 = arith.constant 1.000000e+00 : f32
    %logistic3A_32 = vector.broadcast %logistic3A_31 : f32 to vector<400x128xf32>
    %logistic3A_33 = arith.addf %logistic3A_32, %logistic3A_30 : vector<400x128xf32>
    %logistic3A_34 = arith.divf %logistic3A_32, %logistic3A_33 : vector<400x128xf32>
    %add3A_35 = arith.addf %slice3A_24, %slice3A_27 : vector<400x128xf32>
    %logistic3A_36 = arith.negf %add3A_35 : vector<400x128xf32>
    %logistic3A_37 = math.exp %logistic3A_36 : vector<400x128xf32>
    %logistic3A_38 = arith.constant 1.000000e+00 : f32
    %logistic3A_39 = vector.broadcast %logistic3A_38 : f32 to vector<400x128xf32>
    %logistic3A_40 = arith.addf %logistic3A_39, %logistic3A_37 : vector<400x128xf32>
    %logistic3A_41 = arith.divf %logistic3A_39, %logistic3A_40 : vector<400x128xf32>
    %mul3A = arith.mulf %logistic3A_34, %slice3A_28 : vector<400x128xf32>
    %add3A_42 = arith.addf %slice3A_25, %mul3A : vector<400x128xf32>
    %tanh3A = math.tanh %add3A_42 : vector<400x128xf32>
    %sub3A = arith.constant 1.000000e+00 : f32
    %sub3A_43 = vector.broadcast %sub3A : f32 to vector<400x128xf32>
    %sub3A_44 = arith.subf %sub3A_43, %logistic3A_41 : vector<400x128xf32>
    %mul3A_45 = arith.mulf %sub3A_44, %tanh3A : vector<400x128xf32>
    %get3A_46 = arith.constant 0 : index
    %get3A_47 = arith.constant 0 : index
    %get3A_48 = arith.constant 0 : index
    %get3A_49 = vector.load %arg4[%get3A_46, %get3A_47, %get3A_48] : memref<1x1x200xf32, #tpu.memory_space<vmem>>, vector<1x1x200xf32>
    %get3A_50 = vector.shape_cast %get3A_49 : vector<1x1x200xf32> to vector<1x200xf32>
    %get3A_51 = arith.constant 0 : index
    %get3A_52 = arith.constant 0 : index
    %get3A_53 = vector.load %arg5[%get3A_51, %get3A_52] : memref<200x128xf32, #tpu.memory_space<vmem>>, vector<200x128xf32>
    %dot_general3A_54 = arith.constant dense<0.000000e+00> : vector<1x128xf32>
    %dot_general3A_55 = tpu.matmul %get3A_50, %get3A_53, %dot_general3A_54 {dimension_numbers = #tpu.dot_dimension_numbers<[1], [0], [0], [1], [0, 0, 1, 1], [], []>, transpose_lhs_hint = false} : vector<1x200xf32>, vector<200x128xf32>, vector<1x128xf32> -> vector<1x128xf32>
    %get3A_56 = arith.constant 0 : index
    %get3A_57 = arith.constant 0 : index
    %get3A_58 = vector.load %arg9[%get3A_56, %get3A_57] : memref<128x128xf32, #tpu.memory_space<vmem>>, vector<128x128xf32>
    %dot_general3A_59 = arith.constant dense<0.000000e+00> : vector<1x128xf32>
    %dot_general3A_60 = tpu.matmul %dot_general3A_55, %get3A_58, %dot_general3A_59 {dimension_numbers = #tpu.dot_dimension_numbers<[1], [0], [0], [1], [0, 0, 1, 1], [], []>, transpose_lhs_hint = false} : vector<1x128xf32>, vector<128x128xf32>, vector<1x128xf32> -> vector<1x128xf32>
    %get3A_61 = arith.constant 0 : index
    %get3A_62 = arith.constant 0 : index
    %get3A_63 = vector.load %arg10[%get3A_61, %get3A_62] : memref<1x128xf32, #tpu.memory_space<vmem>>, vector<1x128xf32>
    %add3A_64 = arith.addf %dot_general3A_60, %get3A_63 : vector<1x128xf32>
    %tanh3A_65 = math.tanh %add3A_64 : vector<1x128xf32>
    %mul3A_66 = vector.broadcast %tanh3A_65 : vector<1x128xf32> to vector<400x128xf32>
    %mul3A_67 = arith.mulf %mul3A_45, %mul3A_66 : vector<400x128xf32>
    %get3A_68 = arith.constant 0 : index
    %get3A_69 = arith.constant 0 : index
    %get3A_70 = vector.load %arg11[%get3A_68, %get3A_69] : memref<1x128xf32, #tpu.memory_space<vmem>>, vector<1x128xf32>
    %mul3A_71 = vector.broadcast %get3A_70 : vector<1x128xf32> to vector<400x128xf32>
    %mul3A_72 = arith.mulf %mul3A_67, %mul3A_71 : vector<400x128xf32>
    %reduce_sum3A = arith.constant dense<0.000000e+00> : vector<400xf32>
    %reduce_sum3A_73 = vector.multi_reduction <add>, %mul3A_72, %reduce_sum3A [1] : vector<400x128xf32> to vector<400xf32>
    %get3A_74 = arith.constant 0 : index
    %get3A_75 = arith.constant 0 : index
    %get3A_76 = vector.load %arg12[%get3A_74, %get3A_75] : memref<1x1xf32, #tpu.memory_space<vmem>>, vector<1x1xf32>
    %get3A_77 = vector.extract %get3A_76[0, 0] : f32 from vector<1x1xf32>
    %add3A_78 = vector.broadcast %get3A_77 : f32 to vector<400xf32>
    %add3A_79 = arith.addf %reduce_sum3A_73, %add3A_78 : vector<400xf32>
    %logistic3A_80 = arith.negf %add3A_79 : vector<400xf32>
    %logistic3A_81 = math.exp %logistic3A_80 : vector<400xf32>
    %logistic3A_82 = arith.constant 1.000000e+00 : f32
    %logistic3A_83 = vector.broadcast %logistic3A_82 : f32 to vector<400xf32>
    %logistic3A_84 = arith.addf %logistic3A_83, %logistic3A_81 : vector<400xf32>
    %logistic3A_85 = arith.divf %logistic3A_83, %logistic3A_84 : vector<400xf32>
    %get3A_86 = arith.constant 0 : index
    %get3A_87 = arith.constant 0 : index
    %get3A_88 = arith.constant 0 : index
    %get3A_89 = vector.load %arg2[%get3A_86, %get3A_87, %get3A_88] : memref<1x1x400xf32, #tpu.memory_space<vmem>>, vector<1x1x400xf32>
    %get3A_90 = vector.shape_cast %get3A_89 : vector<1x1x400xf32> to vector<400xf32>
    %mul3A_91 = arith.mulf %get3A_90, %logistic3A_85 : vector<400xf32>
    %get3A_92 = arith.constant 0 : index
    %get3A_93 = arith.constant 0 : index
    %get3A_94 = arith.constant 0 : index
    %get3A_95 = vector.load %arg3[%get3A_92, %get3A_93, %get3A_94] : memref<1x1x400xf32, #tpu.memory_space<vmem>>, vector<1x1x400xf32>
    %get3A_96 = vector.shape_cast %get3A_95 : vector<1x1x400xf32> to vector<400xf32>
    %mul3A_97 = arith.mulf %mul3A_91, %get3A_96 : vector<400xf32>
    %swap3A = arith.constant 0 : index
    %swap3A_98 = arith.constant 0 : index
    %swap3A_99 = arith.constant 0 : index
    %swap3A_100 = vector.load %arg13[%swap3A, %swap3A_98, %swap3A_99] : memref<1x1x400xf32, #tpu.memory_space<vmem>>, vector<1x1x400xf32>
    %swap3A_101 = vector.shape_cast %swap3A_100 : vector<1x1x400xf32> to vector<400xf32>
    %swap3A_102 = vector.shape_cast %mul3A_97 : vector<400xf32> to vector<1x1x400xf32>
    tpu.vector_store %arg13[%swap3A, %swap3A_98, %swap3A_99], %swap3A_102 {strides = array<i32>} : memref<1x1x400xf32, #tpu.memory_space<vmem>>, vector<1x1x400xf32>,
    %broadcast_in_dim3A_103 = vector.shape_cast %mul3A_97 : vector<400xf32> to vector<400x1xf32>
    %mul3A_104 = vector.broadcast %broadcast_in_dim3A_103 : vector<400x1xf32> to vector<400x128xf32>
    %mul3A_105 = arith.mulf %mul3A_45, %mul3A_104 : vector<400x128xf32>
    %swap3A_106 = arith.constant 0 : index
    %swap3A_107 = arith.constant 0 : index
    %swap3A_108 = arith.constant 0 : index
    %swap3A_109 = vector.load %arg14[%swap3A_106, %swap3A_107, %swap3A_108] : memref<1x400x128xf32, #tpu.memory_space<vmem>>, vector<1x400x128xf32>
    %swap3A_110 = vector.shape_cast %swap3A_109 : vector<1x400x128xf32> to vector<400x128xf32>
    %swap3A_111 = vector.shape_cast %mul3A_105 : vector<400x128xf32> to vector<1x400x128xf32>
    tpu.vector_store %arg14[%swap3A_106, %swap3A_107, %swap3A_108], %swap3A_111 {strides = array<i32>} : memref<1x400x128xf32, #tpu.memory_space<vmem>>, vector<1x400x128xf32>,
    return
  }
  func.func @transform_0(%arg0: i32) -> (i32, i32, i32) {
    %c0_i32 = arith.constant 0 : i32
    %c0_i32_0 = arith.constant 0 : i32
    %c0_i32_1 = arith.constant 0 : i32
    return %arg0, %c0_i32, %c0_i32_0 : i32, i32, i32
  }
  func.func @transform_1(%arg0: i32) -> (i32, i32, i32) {
    %c0_i32 = arith.constant 0 : i32
    %c0_i32_0 = arith.constant 0 : i32
    %c0_i32_1 = arith.constant 0 : i32
    return %arg0, %c0_i32, %c0_i32_0 : i32, i32, i32
  }
  func.func @transform_2(%arg0: i32) -> (i32, i32, i32) {
    %c0_i32 = arith.constant 0 : i32
    %c0_i32_0 = arith.constant 0 : i32
    %c0_i32_1 = arith.constant 0 : i32
    return %arg0, %c0_i32, %c0_i32_0 : i32, i32, i32
  }
  func.func @transform_3(%arg0: i32) -> (i32, i32, i32) {
    %c0_i32 = arith.constant 0 : i32
    %c0_i32_0 = arith.constant 0 : i32
    %c0_i32_1 = arith.constant 0 : i32
    return %arg0, %c0_i32, %c0_i32_0 : i32, i32, i32
  }
  func.func @transform_4(%arg0: i32) -> (i32, i32) {
    %c0_i32 = arith.constant 0 : i32
    %c0_i32_0 = arith.constant 0 : i32
    %c0_i32_1 = arith.constant 0 : i32
    return %c0_i32, %c0_i32_0 : i32, i32
  }
  func.func @transform_5(%arg0: i32) -> (i32, i32) {
    %c0_i32 = arith.constant 0 : i32
    %c0_i32_0 = arith.constant 0 : i32
    %c0_i32_1 = arith.constant 0 : i32
    return %c0_i32, %c0_i32_0 : i32, i32
  }
  func.func @transform_6(%arg0: i32) -> (i32, i32) {
    %c0_i32 = arith.constant 0 : i32
    %c0_i32_0 = arith.constant 0 : i32
    %c0_i32_1 = arith.constant 0 : i32
    return %c0_i32, %c0_i32_0 : i32, i32
  }
  func.func @transform_7(%arg0: i32) -> (i32, i32) {
    %c0_i32 = arith.constant 0 : i32
    %c0_i32_0 = arith.constant 0 : i32
    %c0_i32_1 = arith.constant 0 : i32
    return %c0_i32, %c0_i32_0 : i32, i32
  }
  func.func @transform_8(%arg0: i32) -> (i32, i32) {
    %c0_i32 = arith.constant 0 : i32
    %c0_i32_0 = arith.constant 0 : i32
    %c0_i32_1 = arith.constant 0 : i32
    return %c0_i32, %c0_i32_0 : i32, i32
  }
  func.func @transform_9(%arg0: i32) -> (i32, i32) {
    %c0_i32 = arith.constant 0 : i32
    %c0_i32_0 = arith.constant 0 : i32
    %c0_i32_1 = arith.constant 0 : i32
    return %c0_i32, %c0_i32_0 : i32, i32
  }
  func.func @transform_10(%arg0: i32) -> (i32, i32) {
    %c0_i32 = arith.constant 0 : i32
    %c0_i32_0 = arith.constant 0 : i32
    %c0_i32_1 = arith.constant 0 : i32
    return %c0_i32, %c0_i32_0 : i32, i32
  }
  func.func @transform_11(%arg0: i32) -> (i32, i32) {
    %c0_i32 = arith.constant 0 : i32
    %c0_i32_0 = arith.constant 0 : i32
    %c0_i32_1 = arith.constant 0 : i32
    return %c0_i32, %c0_i32_0 : i32, i32
  }
  func.func @transform_12(%arg0: i32) -> (i32, i32, i32) {
    %c0_i32 = arith.constant 0 : i32
    %c0_i32_0 = arith.constant 0 : i32
    %c0_i32_1 = arith.constant 0 : i32
    return %arg0, %c0_i32, %c0_i32_0 : i32, i32, i32
  }
  func.func @transform_13(%arg0: i32) -> (i32, i32, i32) {
    %c0_i32 = arith.constant 0 : i32
    %c0_i32_0 = arith.constant 0 : i32
    %c0_i32_1 = arith.constant 0 : i32
    return %arg0, %c0_i32, %c0_i32_0 : i32, i32, i32
  }
}

module attributes {stable_mosaic.version = 14 : i64} {
  func.func @_tc2_body(%arg0: i32, %arg1: memref<1x1x400xi32, #tpu.memory_space<vmem>>, %arg2: memref<1x1x400xi32, #tpu.memory_space<vmem>>, %arg3: memref<1x1x400xf32, #tpu.memory_space<vmem>>, %arg4: memref<1x1x400xf32, #tpu.memory_space<vmem>>, %arg5: memref<1x1x400xf32, #tpu.memory_space<vmem>>, %arg6: memref<1x1x400xi32, #tpu.memory_space<vmem>>, %arg7: memref<1x400x128xf32, #tpu.memory_space<vmem>>, %arg8: memref<1x1x200xf32, #tpu.memory_space<vmem>>, %arg9: memref<200x128xf32, #tpu.memory_space<vmem>>, %arg10: memref<128x384xf32, #tpu.memory_space<vmem>>, %arg11: memref<128x384xf32, #tpu.memory_space<vmem>>, %arg12: memref<1x384xf32, #tpu.memory_space<vmem>>, %arg13: memref<1x384xf32, #tpu.memory_space<vmem>>, %arg14: memref<128x128xf32, #tpu.memory_space<vmem>>, %arg15: memref<1x128xf32, #tpu.memory_space<vmem>>, %arg16: memref<1x128xf32, #tpu.memory_space<vmem>>, %arg17: memref<1x1xf32, #tpu.memory_space<vmem>>, %arg18: memref<1x1x400xf32, #tpu.memory_space<vmem>>) attributes {dimension_semantics = [#tpu.dimension_semantics<arbitrary>], iteration_bounds = array<i64: 16>, scalar_prefetch = 0 : i64, scratch_operands = 0 : i64, tpu.core_type = #tpu.core_type<tc>, window_params = [{transform_indices = @transform_0, window_bounds = array<i64: 1, 1, 400>}, {transform_indices = @transform_1, window_bounds = array<i64: 1, 1, 400>}, {transform_indices = @transform_2, window_bounds = array<i64: 1, 1, 400>}, {transform_indices = @transform_3, window_bounds = array<i64: 1, 1, 400>}, {transform_indices = @transform_4, window_bounds = array<i64: 1, 1, 400>}, {transform_indices = @transform_5, window_bounds = array<i64: 1, 1, 400>}, {transform_indices = @transform_6, window_bounds = array<i64: 1, 400, 128>}, {transform_indices = @transform_7, window_bounds = array<i64: 1, 1, 200>}, {pipeline_mode = #tpu.pipeline_mode<synchronous>, transform_indices = @transform_8, window_bounds = array<i64: 200, 128>}, {pipeline_mode = #tpu.pipeline_mode<synchronous>, transform_indices = @transform_9, window_bounds = array<i64: 128, 384>}, {pipeline_mode = #tpu.pipeline_mode<synchronous>, transform_indices = @transform_10, window_bounds = array<i64: 128, 384>}, {pipeline_mode = #tpu.pipeline_mode<synchronous>, transform_indices = @transform_11, window_bounds = array<i64: 1, 384>}, {pipeline_mode = #tpu.pipeline_mode<synchronous>, transform_indices = @transform_12, window_bounds = array<i64: 1, 384>}, {pipeline_mode = #tpu.pipeline_mode<synchronous>, transform_indices = @transform_13, window_bounds = array<i64: 128, 128>}, {pipeline_mode = #tpu.pipeline_mode<synchronous>, transform_indices = @transform_14, window_bounds = array<i64: 1, 128>}, {pipeline_mode = #tpu.pipeline_mode<synchronous>, transform_indices = @transform_15, window_bounds = array<i64: 1, 128>}, {pipeline_mode = #tpu.pipeline_mode<synchronous>, transform_indices = @transform_16, window_bounds = array<i64: 1, 1>}, {transform_indices = @transform_17, window_bounds = array<i64: 1, 1, 400>}]} {
    %get3A = arith.constant 0 : index
    %get3A_0 = arith.constant 0 : index
    %get3A_1 = arith.constant 0 : index
    %get3A_2 = vector.load %arg1[%get3A, %get3A_0, %get3A_1] : memref<1x1x400xi32, #tpu.memory_space<vmem>>, vector<1x1x400xi32>
    %get3A_3 = vector.shape_cast %get3A_2 : vector<1x1x400xi32> to vector<400xi32>
    %broadcast_in_dim3A = vector.shape_cast %get3A_3 : vector<400xi32> to vector<400x1xi32>
    %iota3A = tpu.iota {dimensions = array<i32: 1>} : vector<400x200xi32>
    %eq3A = vector.broadcast %broadcast_in_dim3A : vector<400x1xi32> to vector<400x200xi32>
    %eq3A_4 = arith.cmpi eq, %eq3A, %iota3A : vector<400x200xi32>
    %convert_element_type3A = arith.extui %eq3A_4 : vector<400x200xi1> to vector<400x200xi32>
    %convert_element_type3A_5 = arith.sitofp %convert_element_type3A : vector<400x200xi32> to vector<400x200xf32>
    %get3A_6 = arith.constant 0 : index
    %get3A_7 = arith.constant 0 : index
    %get3A_8 = vector.load %arg9[%get3A_6, %get3A_7] : memref<200x128xf32, #tpu.memory_space<vmem>>, vector<200x128xf32>
    %dot_general3A = arith.constant dense<0.000000e+00> : vector<400x128xf32>
    %dot_general3A_9 = tpu.matmul %convert_element_type3A_5, %get3A_8, %dot_general3A {dimension_numbers = #tpu.dot_dimension_numbers<[1], [0], [0], [1], [0, 0, 1, 1], [], []>, transpose_lhs_hint = false} : vector<400x200xf32>, vector<200x128xf32>, vector<400x128xf32> -> vector<400x128xf32>
    %get3A_10 = arith.constant 0 : index
    %get3A_11 = arith.constant 0 : index
    %get3A_12 = vector.load %arg10[%get3A_10, %get3A_11] : memref<128x384xf32, #tpu.memory_space<vmem>>, vector<128x384xf32>
    %dot_general3A_13 = arith.constant dense<0.000000e+00> : vector<400x384xf32>
    %dot_general3A_14 = tpu.matmul %dot_general3A_9, %get3A_12, %dot_general3A_13 {dimension_numbers = #tpu.dot_dimension_numbers<[1], [0], [0], [1], [0, 0, 1, 1], [], []>, transpose_lhs_hint = false} : vector<400x128xf32>, vector<128x384xf32>, vector<400x384xf32> -> vector<400x384xf32>
    %get3A_15 = arith.constant 0 : index
    %get3A_16 = arith.constant 0 : index
    %get3A_17 = vector.load %arg12[%get3A_15, %get3A_16] : memref<1x384xf32, #tpu.memory_space<vmem>>, vector<1x384xf32>
    %add3A = vector.broadcast %get3A_17 : vector<1x384xf32> to vector<400x384xf32>
    %add3A_18 = arith.addf %dot_general3A_14, %add3A : vector<400x384xf32>
    %get3A_19 = arith.constant 0 : index
    %get3A_20 = arith.constant 0 : index
    %get3A_21 = arith.constant 0 : index
    %get3A_22 = vector.load %arg2[%get3A_19, %get3A_20, %get3A_21] : memref<1x1x400xi32, #tpu.memory_space<vmem>>, vector<1x1x400xi32>
    %get3A_23 = vector.shape_cast %get3A_22 : vector<1x1x400xi32> to vector<400xi32>
    %broadcast_in_dim3A_24 = vector.shape_cast %get3A_23 : vector<400xi32> to vector<400x1xi32>
    %get3A_25 = arith.constant 0 : index
    %get3A_26 = arith.constant 0 : index
    %get3A_27 = arith.constant 0 : index
    %get3A_28 = vector.load %arg6[%get3A_25, %get3A_26, %get3A_27] : memref<1x1x400xi32, #tpu.memory_space<vmem>>, vector<1x1x400xi32>
    %get3A_29 = vector.shape_cast %get3A_28 : vector<1x1x400xi32> to vector<400xi32>
    %broadcast_in_dim3A_30 = vector.shape_cast %get3A_29 : vector<400xi32> to vector<1x400xi32>
    %eq3A_31 = vector.broadcast %broadcast_in_dim3A_24 : vector<400x1xi32> to vector<400x400xi32>
    %eq3A_32 = vector.broadcast %broadcast_in_dim3A_30 : vector<1x400xi32> to vector<400x400xi32>
    %eq3A_33 = arith.cmpi eq, %eq3A_31, %eq3A_32 : vector<400x400xi32>
    %convert_element_type3A_34 = arith.extui %eq3A_33 : vector<400x400xi1> to vector<400x400xi32>
    %convert_element_type3A_35 = arith.sitofp %convert_element_type3A_34 : vector<400x400xi32> to vector<400x400xf32>
    %get3A_36 = arith.constant 0 : index
    %get3A_37 = arith.constant 0 : index
    %get3A_38 = arith.constant 0 : index
    %get3A_39 = vector.load %arg7[%get3A_36, %get3A_37, %get3A_38] : memref<1x400x128xf32, #tpu.memory_space<vmem>>, vector<1x400x128xf32>
    %get3A_40 = vector.shape_cast %get3A_39 : vector<1x400x128xf32> to vector<400x128xf32>
    %dot_general3A_41 = arith.constant dense<0.000000e+00> : vector<400x128xf32>
    %dot_general3A_42 = tpu.matmul %convert_element_type3A_35, %get3A_40, %dot_general3A_41 {dimension_numbers = #tpu.dot_dimension_numbers<[1], [0], [0], [1], [0, 0, 1, 1], [], []>, transpose_lhs_hint = false} : vector<400x400xf32>, vector<400x128xf32>, vector<400x128xf32> -> vector<400x128xf32>
    %get3A_43 = arith.constant 0 : index
    %get3A_44 = arith.constant 0 : index
    %get3A_45 = arith.constant 0 : index
    %get3A_46 = vector.load %arg4[%get3A_43, %get3A_44, %get3A_45] : memref<1x1x400xf32, #tpu.memory_space<vmem>>, vector<1x1x400xf32>
    %get3A_47 = vector.shape_cast %get3A_46 : vector<1x1x400xf32> to vector<400xf32>
    %broadcast_in_dim3A_48 = vector.shape_cast %get3A_47 : vector<400xf32> to vector<400x1xf32>
    %add3A_49 = arith.constant 9.99999997E-7 : f32
    %add3A_50 = vector.broadcast %add3A_49 : f32 to vector<400x1xf32>
    %add3A_51 = arith.addf %broadcast_in_dim3A_48, %add3A_50 : vector<400x1xf32>
    %div3A = vector.broadcast %add3A_51 : vector<400x1xf32> to vector<400x128xf32>
    %div3A_52 = arith.divf %dot_general3A_42, %div3A : vector<400x128xf32>
    %get3A_53 = arith.constant 0 : index
    %get3A_54 = arith.constant 0 : index
    %get3A_55 = vector.load %arg11[%get3A_53, %get3A_54] : memref<128x384xf32, #tpu.memory_space<vmem>>, vector<128x384xf32>
    %dot_general3A_56 = arith.constant dense<0.000000e+00> : vector<400x384xf32>
    %dot_general3A_57 = tpu.matmul %div3A_52, %get3A_55, %dot_general3A_56 {dimension_numbers = #tpu.dot_dimension_numbers<[1], [0], [0], [1], [0, 0, 1, 1], [], []>, transpose_lhs_hint = false} : vector<400x128xf32>, vector<128x384xf32>, vector<400x384xf32> -> vector<400x384xf32>
    %get3A_58 = arith.constant 0 : index
    %get3A_59 = arith.constant 0 : index
    %get3A_60 = vector.load %arg13[%get3A_58, %get3A_59] : memref<1x384xf32, #tpu.memory_space<vmem>>, vector<1x384xf32>
    %add3A_61 = vector.broadcast %get3A_60 : vector<1x384xf32> to vector<400x384xf32>
    %add3A_62 = arith.addf %dot_general3A_57, %add3A_61 : vector<400x384xf32>
    %slice3A = vector.extract_strided_slice %add3A_18 {offsets = [0, 0], sizes = [400, 128], strides = [1, 1]} : vector<400x384xf32> to vector<400x128xf32>
    %slice3A_63 = vector.extract_strided_slice %add3A_18 {offsets = [0, 128], sizes = [400, 128], strides = [1, 1]} : vector<400x384xf32> to vector<400x128xf32>
    %slice3A_64 = vector.extract_strided_slice %add3A_18 {offsets = [0, 256], sizes = [400, 128], strides = [1, 1]} : vector<400x384xf32> to vector<400x128xf32>
    %slice3A_65 = vector.extract_strided_slice %add3A_62 {offsets = [0, 0], sizes = [400, 128], strides = [1, 1]} : vector<400x384xf32> to vector<400x128xf32>
    %slice3A_66 = vector.extract_strided_slice %add3A_62 {offsets = [0, 128], sizes = [400, 128], strides = [1, 1]} : vector<400x384xf32> to vector<400x128xf32>
    %slice3A_67 = vector.extract_strided_slice %add3A_62 {offsets = [0, 256], sizes = [400, 128], strides = [1, 1]} : vector<400x384xf32> to vector<400x128xf32>
    %add3A_68 = arith.addf %slice3A, %slice3A_65 : vector<400x128xf32>
    %logistic3A = arith.negf %add3A_68 : vector<400x128xf32>
    %logistic3A_69 = math.exp %logistic3A : vector<400x128xf32>
    %logistic3A_70 = arith.constant 1.000000e+00 : f32
    %logistic3A_71 = vector.broadcast %logistic3A_70 : f32 to vector<400x128xf32>
    %logistic3A_72 = arith.addf %logistic3A_71, %logistic3A_69 : vector<400x128xf32>
    %logistic3A_73 = arith.divf %logistic3A_71, %logistic3A_72 : vector<400x128xf32>
    %add3A_74 = arith.addf %slice3A_63, %slice3A_66 : vector<400x128xf32>
    %logistic3A_75 = arith.negf %add3A_74 : vector<400x128xf32>
    %logistic3A_76 = math.exp %logistic3A_75 : vector<400x128xf32>
    %logistic3A_77 = arith.constant 1.000000e+00 : f32
    %logistic3A_78 = vector.broadcast %logistic3A_77 : f32 to vector<400x128xf32>
    %logistic3A_79 = arith.addf %logistic3A_78, %logistic3A_76 : vector<400x128xf32>
    %logistic3A_80 = arith.divf %logistic3A_78, %logistic3A_79 : vector<400x128xf32>
    %mul3A = arith.mulf %logistic3A_73, %slice3A_67 : vector<400x128xf32>
    %add3A_81 = arith.addf %slice3A_64, %mul3A : vector<400x128xf32>
    %tanh3A = math.tanh %add3A_81 : vector<400x128xf32>
    %sub3A = arith.constant 1.000000e+00 : f32
    %sub3A_82 = vector.broadcast %sub3A : f32 to vector<400x128xf32>
    %sub3A_83 = arith.subf %sub3A_82, %logistic3A_80 : vector<400x128xf32>
    %mul3A_84 = arith.mulf %sub3A_83, %tanh3A : vector<400x128xf32>
    %mul3A_85 = arith.mulf %logistic3A_80, %div3A_52 : vector<400x128xf32>
    %add3A_86 = arith.addf %mul3A_84, %mul3A_85 : vector<400x128xf32>
    %get3A_87 = arith.constant 0 : index
    %get3A_88 = arith.constant 0 : index
    %get3A_89 = arith.constant 0 : index
    %get3A_90 = vector.load %arg8[%get3A_87, %get3A_88, %get3A_89] : memref<1x1x200xf32, #tpu.memory_space<vmem>>, vector<1x1x200xf32>
    %get3A_91 = vector.shape_cast %get3A_90 : vector<1x1x200xf32> to vector<1x200xf32>
    %get3A_92 = arith.constant 0 : index
    %get3A_93 = arith.constant 0 : index
    %get3A_94 = vector.load %arg9[%get3A_92, %get3A_93] : memref<200x128xf32, #tpu.memory_space<vmem>>, vector<200x128xf32>
    %dot_general3A_95 = arith.constant dense<0.000000e+00> : vector<1x128xf32>
    %dot_general3A_96 = tpu.matmul %get3A_91, %get3A_94, %dot_general3A_95 {dimension_numbers = #tpu.dot_dimension_numbers<[1], [0], [0], [1], [0, 0, 1, 1], [], []>, transpose_lhs_hint = false} : vector<1x200xf32>, vector<200x128xf32>, vector<1x128xf32> -> vector<1x128xf32>
    %get3A_97 = arith.constant 0 : index
    %get3A_98 = arith.constant 0 : index
    %get3A_99 = vector.load %arg14[%get3A_97, %get3A_98] : memref<128x128xf32, #tpu.memory_space<vmem>>, vector<128x128xf32>
    %dot_general3A_100 = arith.constant dense<0.000000e+00> : vector<1x128xf32>
    %dot_general3A_101 = tpu.matmul %dot_general3A_96, %get3A_99, %dot_general3A_100 {dimension_numbers = #tpu.dot_dimension_numbers<[1], [0], [0], [1], [0, 0, 1, 1], [], []>, transpose_lhs_hint = false} : vector<1x128xf32>, vector<128x128xf32>, vector<1x128xf32> -> vector<1x128xf32>
    %get3A_102 = arith.constant 0 : index
    %get3A_103 = arith.constant 0 : index
    %get3A_104 = vector.load %arg15[%get3A_102, %get3A_103] : memref<1x128xf32, #tpu.memory_space<vmem>>, vector<1x128xf32>
    %add3A_105 = arith.addf %dot_general3A_101, %get3A_104 : vector<1x128xf32>
    %tanh3A_106 = math.tanh %add3A_105 : vector<1x128xf32>
    %mul3A_107 = vector.broadcast %tanh3A_106 : vector<1x128xf32> to vector<400x128xf32>
    %mul3A_108 = arith.mulf %add3A_86, %mul3A_107 : vector<400x128xf32>
    %get3A_109 = arith.constant 0 : index
    %get3A_110 = arith.constant 0 : index
    %get3A_111 = vector.load %arg16[%get3A_109, %get3A_110] : memref<1x128xf32, #tpu.memory_space<vmem>>, vector<1x128xf32>
    %mul3A_112 = vector.broadcast %get3A_111 : vector<1x128xf32> to vector<400x128xf32>
    %mul3A_113 = arith.mulf %mul3A_108, %mul3A_112 : vector<400x128xf32>
    %reduce_sum3A = arith.constant dense<0.000000e+00> : vector<400xf32>
    %reduce_sum3A_114 = vector.multi_reduction <add>, %mul3A_113, %reduce_sum3A [1] : vector<400x128xf32> to vector<400xf32>
    %get3A_115 = arith.constant 0 : index
    %get3A_116 = arith.constant 0 : index
    %get3A_117 = vector.load %arg17[%get3A_115, %get3A_116] : memref<1x1xf32, #tpu.memory_space<vmem>>, vector<1x1xf32>
    %get3A_118 = vector.extract %get3A_117[0, 0] : f32 from vector<1x1xf32>
    %add3A_119 = vector.broadcast %get3A_118 : f32 to vector<400xf32>
    %add3A_120 = arith.addf %reduce_sum3A_114, %add3A_119 : vector<400xf32>
    %logistic3A_121 = arith.negf %add3A_120 : vector<400xf32>
    %logistic3A_122 = math.exp %logistic3A_121 : vector<400xf32>
    %logistic3A_123 = arith.constant 1.000000e+00 : f32
    %logistic3A_124 = vector.broadcast %logistic3A_123 : f32 to vector<400xf32>
    %logistic3A_125 = arith.addf %logistic3A_124, %logistic3A_122 : vector<400xf32>
    %logistic3A_126 = arith.divf %logistic3A_124, %logistic3A_125 : vector<400xf32>
    %get3A_127 = arith.constant 0 : index
    %get3A_128 = arith.constant 0 : index
    %get3A_129 = arith.constant 0 : index
    %get3A_130 = vector.load %arg3[%get3A_127, %get3A_128, %get3A_129] : memref<1x1x400xf32, #tpu.memory_space<vmem>>, vector<1x1x400xf32>
    %get3A_131 = vector.shape_cast %get3A_130 : vector<1x1x400xf32> to vector<400xf32>
    %mul3A_132 = arith.mulf %get3A_131, %logistic3A_126 : vector<400xf32>
    %get3A_133 = arith.constant 0 : index
    %get3A_134 = arith.constant 0 : index
    %get3A_135 = arith.constant 0 : index
    %get3A_136 = vector.load %arg5[%get3A_133, %get3A_134, %get3A_135] : memref<1x1x400xf32, #tpu.memory_space<vmem>>, vector<1x1x400xf32>
    %get3A_137 = vector.shape_cast %get3A_136 : vector<1x1x400xf32> to vector<400xf32>
    %mul3A_138 = arith.mulf %mul3A_132, %get3A_137 : vector<400xf32>
    %swap3A = arith.constant 0 : index
    %swap3A_139 = arith.constant 0 : index
    %swap3A_140 = arith.constant 0 : index
    %swap3A_141 = vector.load %arg18[%swap3A, %swap3A_139, %swap3A_140] : memref<1x1x400xf32, #tpu.memory_space<vmem>>, vector<1x1x400xf32>
    %swap3A_142 = vector.shape_cast %swap3A_141 : vector<1x1x400xf32> to vector<400xf32>
    %swap3A_143 = vector.shape_cast %mul3A_138 : vector<400xf32> to vector<1x1x400xf32>
    tpu.vector_store %arg18[%swap3A, %swap3A_139, %swap3A_140], %swap3A_143 {strides = array<i32>} : memref<1x1x400xf32, #tpu.memory_space<vmem>>, vector<1x1x400xf32>,
    return
  }
  func.func @transform_0(%arg0: i32) -> (i32, i32, i32) {
    %c0_i32 = arith.constant 0 : i32
    %c0_i32_0 = arith.constant 0 : i32
    %c0_i32_1 = arith.constant 0 : i32
    return %arg0, %c0_i32, %c0_i32_0 : i32, i32, i32
  }
  func.func @transform_1(%arg0: i32) -> (i32, i32, i32) {
    %c0_i32 = arith.constant 0 : i32
    %c0_i32_0 = arith.constant 0 : i32
    %c0_i32_1 = arith.constant 0 : i32
    return %arg0, %c0_i32, %c0_i32_0 : i32, i32, i32
  }
  func.func @transform_2(%arg0: i32) -> (i32, i32, i32) {
    %c0_i32 = arith.constant 0 : i32
    %c0_i32_0 = arith.constant 0 : i32
    %c0_i32_1 = arith.constant 0 : i32
    return %arg0, %c0_i32, %c0_i32_0 : i32, i32, i32
  }
  func.func @transform_3(%arg0: i32) -> (i32, i32, i32) {
    %c0_i32 = arith.constant 0 : i32
    %c0_i32_0 = arith.constant 0 : i32
    %c0_i32_1 = arith.constant 0 : i32
    return %arg0, %c0_i32, %c0_i32_0 : i32, i32, i32
  }
  func.func @transform_4(%arg0: i32) -> (i32, i32, i32) {
    %c0_i32 = arith.constant 0 : i32
    %c0_i32_0 = arith.constant 0 : i32
    %c0_i32_1 = arith.constant 0 : i32
    return %arg0, %c0_i32, %c0_i32_0 : i32, i32, i32
  }
  func.func @transform_5(%arg0: i32) -> (i32, i32, i32) {
    %c0_i32 = arith.constant 0 : i32
    %c0_i32_0 = arith.constant 0 : i32
    %c0_i32_1 = arith.constant 0 : i32
    return %arg0, %c0_i32, %c0_i32_0 : i32, i32, i32
  }
  func.func @transform_6(%arg0: i32) -> (i32, i32, i32) {
    %c0_i32 = arith.constant 0 : i32
    %c0_i32_0 = arith.constant 0 : i32
    %c0_i32_1 = arith.constant 0 : i32
    return %arg0, %c0_i32, %c0_i32_0 : i32, i32, i32
  }
  func.func @transform_7(%arg0: i32) -> (i32, i32, i32) {
    %c0_i32 = arith.constant 0 : i32
    %c0_i32_0 = arith.constant 0 : i32
    %c0_i32_1 = arith.constant 0 : i32
    return %arg0, %c0_i32, %c0_i32_0 : i32, i32, i32
  }
  func.func @transform_8(%arg0: i32) -> (i32, i32) {
    %c0_i32 = arith.constant 0 : i32
    %c0_i32_0 = arith.constant 0 : i32
    %c0_i32_1 = arith.constant 0 : i32
    return %c0_i32, %c0_i32_0 : i32, i32
  }
  func.func @transform_9(%arg0: i32) -> (i32, i32) {
    %c0_i32 = arith.constant 0 : i32
    %c0_i32_0 = arith.constant 0 : i32
    %c0_i32_1 = arith.constant 0 : i32
    return %c0_i32, %c0_i32_0 : i32, i32
  }
  func.func @transform_10(%arg0: i32) -> (i32, i32) {
    %c0_i32 = arith.constant 0 : i32
    %c0_i32_0 = arith.constant 0 : i32
    %c0_i32_1 = arith.constant 0 : i32
    return %c0_i32, %c0_i32_0 : i32, i32
  }
  func.func @transform_11(%arg0: i32) -> (i32, i32) {
    %c0_i32 = arith.constant 0 : i32
    %c0_i32_0 = arith.constant 0 : i32
    %c0_i32_1 = arith.constant 0 : i32
    return %c0_i32, %c0_i32_0 : i32, i32
  }
  func.func @transform_12(%arg0: i32) -> (i32, i32) {
    %c0_i32 = arith.constant 0 : i32
    %c0_i32_0 = arith.constant 0 : i32
    %c0_i32_1 = arith.constant 0 : i32
    return %c0_i32, %c0_i32_0 : i32, i32
  }
  func.func @transform_13(%arg0: i32) -> (i32, i32) {
    %c0_i32 = arith.constant 0 : i32
    %c0_i32_0 = arith.constant 0 : i32
    %c0_i32_1 = arith.constant 0 : i32
    return %c0_i32, %c0_i32_0 : i32, i32
  }
  func.func @transform_14(%arg0: i32) -> (i32, i32) {
    %c0_i32 = arith.constant 0 : i32
    %c0_i32_0 = arith.constant 0 : i32
    %c0_i32_1 = arith.constant 0 : i32
    return %c0_i32, %c0_i32_0 : i32, i32
  }
  func.func @transform_15(%arg0: i32) -> (i32, i32) {
    %c0_i32 = arith.constant 0 : i32
    %c0_i32_0 = arith.constant 0 : i32
    %c0_i32_1 = arith.constant 0 : i32
    return %c0_i32, %c0_i32_0 : i32, i32
  }
  func.func @transform_16(%arg0: i32) -> (i32, i32) {
    %c0_i32 = arith.constant 0 : i32
    %c0_i32_0 = arith.constant 0 : i32
    %c0_i32_1 = arith.constant 0 : i32
    return %c0_i32, %c0_i32_0 : i32, i32
  }
  func.func @transform_17(%arg0: i32) -> (i32, i32, i32) {
    %c0_i32 = arith.constant 0 : i32
    %c0_i32_0 = arith.constant 0 : i32
    %c0_i32_1 = arith.constant 0 : i32
    return %arg0, %c0_i32, %c0_i32_0 : i32, i32, i32
  }
}

</mosaic_0001>

<sc_bundles>
// kernel: kernel.10.cloned.1.call-start
scs
__scs_entry_jumppad:
0x0: {  	(pc) =	sbr.rel $0x88, $3  }
0x1: {  	(tag) =	ssettag $0x0;
	lr =	simm.s32 $0x1  }
0x2: {  	[smem:$0x3F94] =	sst lr;
	_ =	strace $0xD0000000  }
0x3: {  	_ = 	snop  }
0x4: {  	_ = 	snop  }
0x5: {  	_ = 	snop  }
0x6: {  	_ = 	snop  }
0x7: {  	_ = 	snop  }
__scs_overlays_trampoline_lowered:
0x8: {  	[smem:$0x3FA3] =	sst s0  }
0x9: {  	[smem:$0x3FA4] =	sst s1  }
0xa: {  	[smem:$0x3FA5] =	sst s2  }
0xb: {  	[smem:$0x3FA6] =	sst s3  }
0xc: {  	[smem:$0x3FA7] =	sst s4  }
0xd: {  	[smem:$0x3FA8] =	sst s5  }
0xe: {  	[smem:$0x3FA9] =	sst s6  }
0xf: {  	[smem:$0x3FAA] =	sst s7  }
0x10: {  	[smem:$0x3FAB] =	sst s8  }
0x11: {  	[smem:$0x3FAC] =	sst s9;
	s0 =	simm.s32 @!p0 $0x0  }
0x12: {  	s1 =	sld [smem:$0x3F92];
	s0 =	simm.s32 @p0 $0x1  }
0x13: {  	[smem:$0x3FAD] =	sst s0;
	s0 =	simm.s32 @!p1 $0x0  }
0x14: {  	s2 =	sld [smem:$0x3F91];
	s0 =	simm.s32 @p1 $0x1  }
0x15: {  	[smem:$0x3FAE] =	sst s0;
	s0 =	simm.s32 @!p2 $0x0  }
0x16: {  	s3 =	sld [smem:$0x3FDB];
	s0 =	simm.s32 @p2 $0x1  }
0x17: {  	s4 =	simm.s32 $0x1BF5;
	[smem:$0x3FB0] =	sst s0  }
0x18: {  	s0 =	sld [smem:$0x3F93];
	_ =	swait.ge [sflag:s4], $0x0  }
0x19: {  	s7 =	sld [smem:$0x3F94]  }
0x1a: {  	s8 =	sadd.s32 $0xFFFFE003, lr  }
0x1b: {  	s9 =	sadd.s32 $0xFFFFFEF7, lr;
	s5 =	simm.s32 $0xFFFFFFFF;
	p2 =	slt.u32 s8, $0xFFFFF086  }
0x1c: {  	p1 =	slt.u32 s9, $0xF7A;
	s5 =	simm.s32 @!p2 $0x0  }
0x1d: {  	s5 =	simm.s32 @p1 $0x1;
	p0 =	seq.s32 s7, s2  }
0x1e: {  	s7 =	smul.u32 @!p0 $0xF7A, s2;
	p2 =	seq.s32 @!p0 s5, $0x0  }
0x1f: {  	s9 =	smul.u32 $0xF7A, s1;
	s8 =	simm.s32 @!p0 $0x1BF5;
	p2 =	por !p2, p0  }
0x20: {  	[sflag:s8] =	ssyncset.s32 @!p0 $0xFFFFF086;
	s6 =	sadd.s32 @!p0 s3, s7;
	s7 =	simm.s32 @!p0 $0x108  }
0x21: {  	s3 =	sadd.s32 s3, s9;
	s6 =	sadd.s32 @!p0 $0x88, s6;
	s7 =	simm.s32 @p2 $0x1082  }
0x22: {  	[simem:s7], [sflag:s8] =	dma.local @!p0 [hbm:s6], $0xF7A  }
0x23: {  	s9 =	sor.u32 $0xD0000000, s2;
	s6 =	simm.s32 $0x108;
	_ =	swait.ge @!p0 [sflag:s8], $0x0  }
0x24: {  	s3 =	sadd.s32 $0x88, s3;
	s6 =	simm.s32 @!p1 $0x1082;
	[sflag:s4] =	ssyncset.s32 $0xFFFFF086  }
0x25: {  	[simem:s6], [sflag:s4] =	dma.local [hbm:s3], $0xF7A  }
0x26: {  	[smem:$0x3F94] =	sst s1;
	(tag) =	ssettag s2;
	_ =	strace s9  }
0x27: {  	s1 =	sld [smem:$0x3FA4]  }
0x28: {  	s2 =	sld [smem:$0x3FA5]  }
0x29: {  	s4 =	sld [smem:$0x3FA7]  }
0x2a: {  	p0 =	seq.s32 s5, $0x0;
	s5 =	sld [smem:$0x3FA8]  }
0x2b: {  	s6 =	sld [smem:$0x3FA9]  }
0x2c: {  	s7 =	sld [smem:$0x3FAA]  }
0x2d: {  	s3 =	simm.s32 $0x108;
	s8 =	sld [smem:$0x3FAB]  }
0x2e: {  	s3 =	simm.s32 @!p0 $0x1082;
	s9 =	sld [smem:$0x3FAC]  }
0x2f: {  	lr =	sadd.s32 s0, s3;
	s0 =	sld [smem:$0x3FA3]  }
0x30: {  	s3 =	sld [smem:$0x3FA6]  }
0x31: {  	[smem:$0x3FAF] =	sst s10  }
0x32: {  	s10 =	sld [smem:$0x3FAD];
	_ =	sdelay $0x3  }
0x33: {  	p0 =	seq.s32 s10, $0x1;
	s10 =	sld [smem:$0x3FAF];
	_ =	sdelay $0x3  }
0x34: {  	[smem:$0x3FAF] =	sst s10  }
0x35: {  	s10 =	sld [smem:$0x3FAE];
	_ =	sdelay $0x3  }
0x36: {  	p1 =	seq.s32 s10, $0x1;
	s10 =	sld [smem:$0x3FAF];
	_ =	sdelay $0x3  }
0x37: {  	[smem:$0x3FAF] =	sst s10  }
0x38: {  	s10 =	sld [smem:$0x3FB0]  }
0x39: {  	_ = 	snop;
	(pc) =	sbr.ind lr, $3  }
0x3a: {  	_ = 	snop  }
0x3b: {  	_ = 	snop  }
0x3c: {  	p2 =	seq.s32 s10, $0x1;
	s10 =	sld [smem:$0x3FAF]  }
0x3d: {  	_ =	shalt  }
0x3e: {  	_ =	shalt  }
0x3f: {  	_ =	shalt  }
0x40: {  	_ =	shalt  }
0x41: {  	_ =	shalt  }
0x42: {  	_ =	shalt  }
0x43: {  	_ =	shalt  }
0x44: {  	_ =	shalt  }
0x45: {  	_ =	shalt  }
0x46: {  	_ =	shalt  }
0x47: {  	_ =	shalt  }
0x48: {  	_ =	shalt  }
0x49: {  	_ =	shalt  }
0x4a: {  	_ =	shalt  }
0x4b: {  	_ =	shalt  }
0x4c: {  	_ =	shalt  }
0x4d: {  	_ =	shalt  }
0x4e: {  	_ =	shalt  }
0x4f: {  	_ =	shalt  }
0x50: {  	_ =	shalt  }
0x51: {  	_ =	shalt  }
0x52: {  	_ =	shalt  }
0x53: {  	_ =	shalt  }
0x54: {  	_ =	shalt  }
0x55: {  	_ =	shalt  }
0x56: {  	_ =	shalt  }
0x57: {  	_ =	shalt  }
0x58: {  	_ =	shalt  }
0x59: {  	_ =	shalt  }
0x5a: {  	_ =	shalt  }
0x5b: {  	_ =	shalt  }
0x5c: {  	_ =	shalt  }
0x5d: {  	_ =	shalt  }
0x5e: {  	_ =	shalt  }
0x5f: {  	_ =	shalt  }
0x60: {  	_ =	shalt  }
0x61: {  	_ =	shalt  }
0x62: {  	_ =	shalt  }
0x63: {  	_ =	shalt  }
0x64: {  	_ =	shalt  }
0x65: {  	_ =	shalt  }
0x66: {  	_ =	shalt  }
0x67: {  	_ =	shalt  }
0x68: {  	_ =	shalt  }
0x69: {  	_ =	shalt  }
0x6a: {  	_ =	shalt  }
0x6b: {  	_ =	shalt  }
0x6c: {  	_ =	shalt  }
0x6d: {  	_ =	shalt  }
0x6e: {  	_ =	shalt  }
0x6f: {  	_ =	shalt  }
0x70: {  	_ =	shalt  }
0x71: {  	_ =	shalt  }
0x72: {  	_ =	shalt  }
0x73: {  	_ =	shalt  }
0x74: {  	_ =	shalt  }
0x75: {  	_ =	shalt  }
0x76: {  	_ =	shalt  }
0x77: {  	_ =	shalt  }
0x78: {  	_ =	shalt  }
0x79: {  	_ =	shalt  }
0x7a: {  	_ =	shalt  }
0x7b: {  	_ =	shalt  }
0x7c: {  	_ =	shalt  }
0x7d: {  	_ =	shalt  }
0x7e: {  	_ =	shalt  }
0x7f: {  	_ =	shalt  }
0x80: {  	_ =	shalt  }
0x81: {  	_ =	shalt  }
0x82: {  	_ =	shalt  }
0x83: {  	_ =	shalt  }
0x84: {  	_ =	shalt  }
0x85: {  	_ =	shalt  }
0x86: {  	_ =	shalt  }
0x87: {  	_ =	shalt  }
.Lfunc_end0:
.L_simem_size_0:
called_computation.1_lowered:
.L_overlay_start_0:
0x88: {  	s2 =	sld [smem:$0x3FD9]  }
0x89: {  	s3 =	sld [smem:$0x3FFE];
	_ =	sdelay $0x1  }
0x8a: {  	s1 =	srdreg.scid  }
0x8b: {  	s0 =	sand.u32 $0x1, s1  }
0x8c: {  	s17 =	sshll.u32 s0, $0xA;
	s2 =	sadd.s32 s3, s2  }
0x8d: {  	s2 =	sadd.s32 s2, s17  }
0x8e: {  	[smem:$0x3FBB] =	sst s2  }
0x8f: {  	_ = 	snop  }
0x90: {  	s2 =	sld [smem:$0x3FD0];
	(tm) =	ssettm $0x1  }
0x91: {  	s18 =	sld [smem:$0x3FFB];
	_ =	sdelay $0x3  }
0x92: {  	_ =	strace s18  }
0x93: {  	s3 =	sld [smem:$0x3FFC];
	_ =	sdelay $0x3  }
0x94: {  	_ =	strace s3  }
0x95: {  	s3 =	sld [smem:$0x3FFD];
	_ =	sdelay $0x3  }
0x96: {  	_ =	strace s3  }
0x97: {  	_ =	strace $0x8FFFFFFF  }
0x98: {  	s19 =	sld [smem:$0x3FDB];
	_ =	sdelay $0x1  }
0x99: {  	s4 =	simm.s32 $_scs_section_size  }
0x9a: {  	s5 =	simm.s32 $_size__tile_overlayer_lowered;
	s6 =	simm.s32 $_tile_overlayer_lowered  }
0x9b: {  	s22 =	simm.s32 $0x1BFF;
	s21 =	sshll.u32 s6, $0x1;
	s3 =	sadd.s32 s4, s19  }
0x9c: {  	s7 =	simm.s32 $0x0;
	s20 =	sshll.u32 s5, $0x1;
	s5 =	sadd.s32 s21, s3  }
0x9d: {  	[timem:s7], [sflag:s22] =	dma.local [hbm:s5], s20  }
0x9e: {  	_ =	swait.ge [sflag:s22], s20  }
0x9f: {  	s4 =	ssub.s32 $0x0, s20;
	[sflag:s22] =	ssyncset.done $0x0  }
0xa0: {  	[sflag:s22] =	ssyncadd.s32 s4;
	_ =	sdelay $0x1  }
0xa1: {  	s23 =	simm.s32 $0x1B8B  }
0xa2: {  	_ =	swait.ge [sflag:s23], $0x1  }
0xa3: {  	[sflag:s23] =	ssyncset.done $0x0  }
0xa4: {  	s25 =	simm.s32 $0x1B8E;
	s24 =	sld [smem:$0x3FFE];
	[sflag:s23] =	ssyncadd.s32 $0xFFFFFFFF  }
0xa5: {  	s26 =	simm.s32 $execute0_lowered;
	[smem:$0x3FD2] =	sst s25  }
0xa6: {  	s5 =	sshll.u32 s26, $0x1;
	_ =	strace $0x80000049;
	[dreg:$0x1] =	wrdreg $0xFFFFFFFF  }
0xa7: {  	s28 =	simm.s32 $_size_execute0_lowered;
	s3 =	sadd.s32 s3, s5;
	[dreg:$0x0] =	wrdreg $0x0  }
0xa8: {  	s5 =	sshll.u32 s28, $0x1;
	[dreg:$0x2] =	wrdreg s3  }
0xa9: {  	[dreg:$0x3] =	wrdreg s5  }
0xaa: {  	[dreg:$0x4] =	wrdreg $0xC0  }
0xab: {  	_ =	task [dreg:s7], $0x5FFFF  }
0xac: {  	[dreg:$0x1] =	wrdreg $0xFFFFFFFF  }
0xad: {  	[dreg:$0x0] =	wrdreg $0x60  }
0xae: {  	[dreg:$0x2] =	wrdreg s24  }
0xaf: {  	[dreg:$0x3] =	wrdreg s2  }
0xb0: {  	[dreg:$0x4] =	wrdreg $0x9  }
0xb1: {  	_ =	task.clear_ibuf [dreg:s7], $0x5FFFF;
	_ =	strace $0x90000049  }
0xb2: {  	s29 =	simm.s32 $0x9;
	_ =	strace $0x8000004B  }
0xb3: {  	_ =	swait.ge [sflag:s29], $0x1  }
0xb4: {  	[sflag:s29] =	ssyncadd.s32 $0xFFFFFFFF  }
0xb5: {  	_ =	strace $0x9000004B  }
0xb6: {  	_ =	sfence  }
0xb7: {  	s30 =	sld [smem:$0x0];
	_ =	sdelay $0x2  }
0xb8: {  	s31 =	sshll.u32 s1, $0xD;
	s1 =	sshrl.u32 s1, $0x2  }
0xb9: {  	s3 =	sand.u32 $0x4000, s31;
	s1 =	sadd.s32 s1, s30  }
0xba: {  	s0 =	sor.u32 s3, s0;
	s1 =	sshll.u32 s1, $0x11  }
0xbb: {  	s0 =	sor.u32 s1, s0  }
0xbc: {  	s0 =	sadd.s32 $0x8F2B, s0  }
0xbd: {  	[sflag:s0] =	ssyncadd.remote.s32 $0x1  }
0xbe: {  	_ =	sfence.sel $0xFFFF  }
0xbf: {  	[dreg:$0x0] =	wrdreg $0xFFFFFFFF;
	(pc) =	sbr.abs _section_cstart, $3  }
0xc0: {  	[dreg:$0x1] =	wrdreg $0xFFFFFFFF  }
0xc1: {  	_ =	task.clear_ibuf [dreg:s7], $0x2FFFF;
	_ =	strace $0x9FFFFFFF  }
0xc2: {  	(tm) =	ssettm $0x7FFFFFFF  }
0xc3: {  	_ =	shalt  }
tec
execute0_lowered:
.L_overlay_start_1:
0x0: {  	(tag) =	ssettag $0x1  }
0x1: {  	s1 =	stileid.u32  }
0x2: {  	p0 =	sgt.u32 s1, $0x7  }
.Ltmp0:
0x3: {  	_ = 	snop;
	(pc) =	sbr.rel @p0 .LBB2_36-.Ltmp0, $4  }
0x4: {  	_ = 	snop  }
0x5: {  	s3 =	simm.s32 $0x0  }
0x6: {  	[smem:$0x7FF] =	sst s3  }
0x7: {  	s0 =	rddreg [dreg:$0x0];
	_ =	strace $0x8000004A  }
0x8: {  	s1 =	srdreg.scid;
	s4 =	stileid.u32;
	s26 =	sadd.s32 $0x2AC00, s0  }
0x9: {  	s28 =	sadd.s32 $0x2400, s0;
	s15 =	simm.s32 $0x2780;
	s16 =	simm.s32 $0x4F00  }
0xa: {  	s17 =	simm.s32 $0x80;
	s18 =	simm.s32 $0x400;
	s20 =	simm.s32 $0x2  }
0xb: {  	s22 =	simm.s32 $0x1;
	s23 =	simm.s32 $0x7E80;
	s31 =	simm.s32 $0x0  }
0xc: {  	s1 =	sand.u32 $0x1, s1;
	s2 =	sshll.u32 s4, $0x5;
	s4 =	sshll.u32 s4, $0x7  }
0xd: {  	[dreg:$0x3] =	wrdreg s28;
	s5 =	sshll.u32 s1, $0x4;
	s2 =	sand.u32 $0x60, s2  }
0xe: {  	s4 =	sand.u32 $0x200, s4;
	s30 =	ssub.s32 $0x2, s1;
	s2 =	sor.u32 s5, s2  }
0xf: {  	s5 =	sadd.s32 $0x2A00, s0;
	s1 =	sshrl.u32 s30, $0x1;
	s2 =	sor.u32 s4, s2  }
0x10: {  	s6 =	sadd.s32 s2, s0;
	s0 =	ssub.s32 s30, s1;
	s13 =	sadd.s32 s26, s2  }
0x11: {  	s29 =	sadd.s32 $0x29C00, s6;
	s7 =	sadd.s32 $0x2A400, s6;
	s8 =	sadd.s32 $0x2BA00, s6  }
0x12: {  	v0 =	vimm.f32 $0.0e+00;
	v1 =	vlaneseq.u32;
	s9 =	sadd.s32 $0x2A000, s6;
	s10 =	sadd.s32 $0x2A800, s6;
	s11 =	sadd.s32 $0x2B200, s6  }
0x13: {  	v4 =	vimm.s32 $0x0;
	v2 =	vor.u32 $0x80000000, v1;
	v3 =	vmul.u32 $0xFFFFFFFF, v1;
	s12 =	sadd.s32 $0x2B600, s6;
	s14 =	smax.u32 s0, $0x1;
	[dreg:$0x4] =	wrdreg s29  }
.LBB2_2:
0x14: {  	s0 =	simm.s32 $0x0;
	s1 =	rddreg [dreg:$0x3]  }
0x15: {  	[tilespmem:s15], [sflag:$0x1] =	stream.linear.gather [hbm4b:s1+s0], $0x2780, $0x38;
	[tilespmem:$0x9E80] =	vst v63  }
0x16: {  	s26 =	rddreg [dreg:$0x1]  }
0x17: {  	[tilespmem:s16], [sflag:$0x1] =	stream.linear.gather [hbm4b:s26+s0], $0x2780, $0x38;
	[tilespmem:$0x9E80] =	vst v63  }
0x18: {  	s28 =	simm.s32 $0x9C80  }
0x19: {  	[tilespmem:s28], [sflag:$0x2] =	stream.strided.gather [hbm4b:s13+s17], $0x200, s18, s17, $0x38;
	[tilespmem:$0x9E80] =	vst v63  }
0x1a: {  	_ =	swait.ge [sflag:s20], $0x200  }
0x1b: {  	[sflag:s20] =	ssyncset.done $0x0  }
0x1c: {  	s30 =	simm.s32 $0x9880;
	s29 =	rddreg [dreg:$0x4];
	[sflag:s20] =	ssyncadd.s32 $0xFFFFFE00  }
0x1d: {  	[tilespmem:s30], [sflag:$0x2] =	stream.strided.gather [hbm4b:s29+s17], $0x200, s18, s17, $0x38;
	[tilespmem:$0x9E80] =	vst v63  }
0x1e: {  	_ =	swait.ge [sflag:s20], $0x200  }
0x1f: {  	[sflag:s20] =	ssyncset.done $0x0  }
0x20: {  	s1 =	simm.s32 $0x140;
	s0 =	simm.s32 $0x0;
	[sflag:s20] =	ssyncadd.s32 $0xFFFFFE00  }
.LBB2_3:
0x21: {  	p0 =	sne.s32 s1, $0x9B00;
	[tilespmem:s0+$0x40] =	vst v0;
	s2 =	smov.u32 s1;
	s1 =	sadd.s32 $0x140, s1  }
.Ltmp1:
0x22: {  	[tilespmem:s0+$0x30] =	vst v0;
	(pc) =	sbr.rel @p0 .LBB2_3-.Ltmp1, $4  }
0x23: {  	[tilespmem:s0+$0x20] =	vst v0  }
0x24: {  	[tilespmem:s0+$0x0] =	vst v0  }
0x25: {  	[tilespmem:s0+$0x10] =	vst v0  }
0x26: {  	s0 =	sshra.s32 s2, $0x2  }
0x27: {  	[tilespmem:s0+$0x40] =	vst v0  }
0x28: {  	[tilespmem:s0+$0x30] =	vst v0  }
0x29: {  	[tilespmem:s0+$0x20] =	vst v0  }
0x2a: {  	[tilespmem:s0+$0x0] =	vst v0  }
0x2b: {  	[tilespmem:s0+$0x10] =	vst v0;
	s1 =	simm.s32 $0x0;
	s0 =	simm.s32 $0x40  }
.LBB2_5:
0x2c: {  	p0 =	sne.s32 s0, $0x600;
	v5 =	vld [tilespmem:s1+$0x9C80];
	_ =	sdelay $0x2  }
0x2d: {  	v6 =	vld [tilespmem:s1+$0x9880]  }
.Ltmp2:
0x2e: {  	(pc) =	sbr.rel @p0 .LBB2_5-.Ltmp2, $2  }
0x2f: {  	_ =	sdelay $0x2  }
0x30: {  	s1 =	sshra.s32 s0, $0x2;
	s0 =	sadd.s32 $0x40, s0;
	[tilespmem:v5+s3+$0x0] =	vst.idx.add.f32.msk $0xffff, v6  }
0x31: {  	v5 =	vld [tilespmem:s1+$0x9C80];
	_ =	sdelay $0x2  }
0x32: {  	v6 =	vld [tilespmem:s1+$0x9880];
	_ =	sdelay $0x4  }
0x33: {  	[tilespmem:v5+s3+$0x0] =	vst.idx.add.f32.msk $0xffff, v6  }
0x34: {  	_ =	swait.ge [sflag:s22], $0x2780  }
0x35: {  	[sflag:s22] =	ssyncset.done $0x0  }
0x36: {  	[sflag:s22] =	ssyncadd.s32 $0xFFFFD880  }
0x37: {  	_ =	swait.ge [sflag:s22], $0x2780  }
0x38: {  	[sflag:s22] =	ssyncset.done $0x0  }
0x39: {  	v5 =	vimm.s32 $0x0;
	[sflag:s22] =	ssyncadd.s32 $0xFFFFD880  }
0x3a: {  	[tilespmem:$0x7680] =	vst v5  }
0x3b: {  	[tilespmem:$0x7690] =	vst v5  }
0x3c: {  	[tilespmem:$0x76A0] =	vst v5  }
0x3d: {  	[tilespmem:$0x76B0] =	vst v5  }
0x3e: {  	[tilespmem:$0x76C0] =	vst v5  }
0x3f: {  	[tilespmem:$0x76D0] =	vst v5  }
0x40: {  	[tilespmem:$0x76E0] =	vst v5  }
0x41: {  	[tilespmem:$0x76F0] =	vst v5  }
0x42: {  	[tilespmem:$0x7700] =	vst v5  }
0x43: {  	[tilespmem:$0x7710] =	vst v5  }
0x44: {  	[tilespmem:$0x7720] =	vst v5  }
0x45: {  	[tilespmem:$0x7730] =	vst v5  }
0x46: {  	[tilespmem:$0x7740] =	vst v5  }
0x47: {  	[tilespmem:$0x7750] =	vst v5  }
0x48: {  	[tilespmem:$0x7760] =	vst v5  }
0x49: {  	[tilespmem:$0x7770] =	vst v5  }
0x4a: {  	[tilespmem:$0x7780] =	vst v5  }
0x4b: {  	[tilespmem:$0x7790] =	vst v5  }
0x4c: {  	[tilespmem:$0x77A0] =	vst v5  }
0x4d: {  	[tilespmem:$0x77B0] =	vst v5  }
0x4e: {  	[tilespmem:$0x77C0] =	vst v5  }
0x4f: {  	[tilespmem:$0x77D0] =	vst v5  }
0x50: {  	[tilespmem:$0x77E0] =	vst v5  }
0x51: {  	[tilespmem:$0x77F0] =	vst v5  }
0x52: {  	[tilespmem:$0x7800] =	vst v5  }
0x53: {  	[tilespmem:$0x7810] =	vst v5  }
0x54: {  	[tilespmem:$0x7820] =	vst v5  }
0x55: {  	v6 =	vld [tilespmem:$0x0];
	[tilespmem:$0x7830] =	vst v5  }
0x56: {  	[tilespmem:$0x7840] =	vst v5  }
.Ltmp3:
0x57: {  	[tilespmem:$0x7850] =	vst v5;
	(pc) =	sbr.rel .LBB2_7-.Ltmp3, $4  }
0x58: {  	[tilespmem:$0x7860] =	vst v5  }
0x59: {  	vm0 =	veq.s32 v1, $0x0;
	[tilespmem:$0x7870] =	vst v5  }
0x5a: {  	s0 =	simm.s32 $0x0;
	[tilespmem:$0x7C80] =	vst v5;
	v6 =	vsel vm0, $0xBF800000, v6  }
0x5b: {  	s1 =	simm.s32 $0x0;
	s2 =	simm.s32 $0x0;
	s19 =	simm.s32 $0x0;
	[tilespmem:$0x0] =	vst v6  }
.LBB2_11:
0x5c: {  	s19 =	sadd.s32 $0x1, s19  }
0x5d: {  	p0 =	sne.s32 s19, $0x4E  }
.Ltmp4:
0x5e: {  	_ = 	snop;
	(pc) =	sbr.rel @!p0 .LBB2_12-.Ltmp4, $2  }
0x5f: {  	_ =	sdelay $0x2  }
0x60: {  	s2 =	sadd.s32 $0x80, s2;
	s1 =	sadd.s32 $0x80, s1  }
.LBB2_7:
0x61: {  	s4 =	sshll.u32 s19, $0x7  }
0x62: {  	s4 =	sand.u32 $0x3FFFFF80, s4  }
0x63: {  	v6 =	vld [tilespmem:s4+$0x0]  }
0x64: {  	v7 =	vld [tilespmem:s4+$0x10]  }
0x65: {  	v8 =	vld [tilespmem:s4+$0x20]  }
0x66: {  	v9 =	vld [tilespmem:s4+$0x30]  }
0x67: {  	v10 =	vld [tilespmem:s4+$0x40]  }
0x68: {  	v11 =	vld [tilespmem:s4+$0x50]  }
0x69: {  	vm0 =	vgt.f32 v6, $6.999999880e-01;
	vm1 =	vgt.f32 v7, $6.999999880e-01;
	v6 =	vld [tilespmem:s4+$0x60]  }
0x6a: {  	vm2 =	vgt.f32 v8, $6.999999880e-01;
	v7 =	vld [tilespmem:s4+$0x70];
	vm0 =	vmor vm0, vm1  }
0x6b: {  	vm11 =	vgt.f32 v9, $6.999999880e-01;
	vm0 =	vmor vm0, vm2  }
0x6c: {  	vm12 =	vgt.f32 v10, $6.999999880e-01;
	vm0 =	vmor vm0, vm11  }
0x6d: {  	vm13 =	vgt.f32 v11, $6.999999880e-01;
	vm0 =	vmor vm0, vm12  }
0x6e: {  	vm14 =	vgt.f32 v6, $6.999999880e-01;
	vm0 =	vmor vm0, vm13  }
0x6f: {  	vm15 =	vgt.f32 v7, $6.999999880e-01;
	vm0 =	vmor vm0, vm14  }
0x70: {  	vm0 =	vmor vm0, vm15  }
0x71: {  	v6 =	vsel vm0, $0x3F800000, v0  }
0x72: {  	(xrf0) =	vmax.scan.msk.f32 $0xffff, v6;
	_ =	sdelay $0x5  }
0x73: {  	v6, _, _ =	vpop (xrf0)  }
0x74: {  	(v2sf) =	vpush v6, $0xF;
	_ =	sdelay $0xe  }
0x75: {  	s30 =	spop (v2sf)  }
0x76: {  	p0 =	sgt.f32 s30, $0.0e+00  }
.Ltmp5:
0x77: {  	_ = 	snop;
	(pc) =	sbr.rel @!p0 .LBB2_11-.Ltmp5, $1  }
0x78: {  	_ =	sdelay $0x3  }
0x79: {  	s4 =	sshra.s32 s0, $0x2  }
0x7a: {  	s4 =	sadd.s32 s4, s2  }
0x7b: {  	v6 =	vld [tilespmem:s4+$0x0];
	_ =	sdelay $0x4  }
0x7c: {  	vm0 =	vgt.f32 v6, $6.999999880e-01  }
0x7d: {  	v7 =	vsel vm0, $0x3F800000, v0  }
0x7e: {  	(xrf0) =	vmax.scan.msk.f32 $0xffff, v7;
	_ =	sdelay $0x5  }
0x7f: {  	v7, _, _ =	vpop (xrf0)  }
0x80: {  	(v2sf) =	vpush v7, $0xF;
	_ =	sdelay $0xe  }
0x81: {  	s30 =	spop (v2sf)  }
0x82: {  	p1 =	sgt.f32 s30, $0.0e+00;
	_ =	sdelay $0x1  }
0x83: {  	vm0 =	vgt.f32 @p1 v6, $6.999999880e-01;
	v6 =	vimm.s32 @p1 $0x0  }
0x84: {  	v6 =	vsel @p1 vm0, $0x1, v6  }
0x85: {  	(xrf0) =	vadd.scan.msk.s32 @p1 $0xffff, v6;
	_ =	sdelay $0x4  }
0x86: {  	v6 =	vbroadcast @p1 v5, $0x0  }
0x87: {  	v7, _, _ =	vpop @p1 (xrf0)  }
0x88: {  	v7 =	vadd.s32 @p1 v6, v7  }
0x89: {  	v7 =	vadd.s32 @p1 $0xFFFFFFFF, v7;
	_ =	sdelay $0x2  }
0x8a: {  	v9 =	vlaneseq.u32 @p1;
	v8 =	vmpcnt.ones.xlane @p1 vm0  }
0x8b: {  	s21 =	sadd.s32 $0x40, s0;
	s4 =	smov.u32 s1;
	s6 =	simm.s32 @p1 $0x7680;
	v9 =	vor.u32 @p1 s1, v9  }
.LBB2_9:
0x8c: {  	s24 =	sshra.s32 s21, $0x2;
	[tilespmem:v7+s6+$0x0] =	vst.idx.msk @p1 vm0, v9;
	v6 =	vadd.s32 @p1 v8, v6  }
0x8d: {  	s21 =	sadd.s32 $0x40, s21;
	s6 =	sadd.s32 s24, s2;
	[tilespmem:$0x7C80] =	vst @p1 v6;
	v5 =	vpsel p1, v6, v5  }
0x8e: {  	p0 =	sne.s32 s21, $0x200;
	v6 =	vld [tilespmem:s6+$0x0];
	_ =	sdelay $0x4  }
0x8f: {  	vm0 =	vgt.f32 v6, $6.999999880e-01  }
0x90: {  	v7 =	vsel vm0, $0x3F800000, v0  }
0x91: {  	(xrf0) =	vmax.scan.msk.f32 $0xffff, v7;
	_ =	sdelay $0x5  }
0x92: {  	v7, _, _ =	vpop (xrf0)  }
0x93: {  	(v2sf) =	vpush v7, $0xF;
	_ =	sdelay $0xe  }
0x94: {  	s6 =	spop (v2sf)  }
0x95: {  	p1 =	sgt.f32 s6, $0.0e+00;
	_ =	sdelay $0x1  }
0x96: {  	vm0 =	vgt.f32 @p1 v6, $6.999999880e-01;
	v6 =	vimm.s32 @p1 $0x0  }
0x97: {  	v6 =	vsel @p1 vm0, $0x1, v6  }
0x98: {  	(xrf0) =	vadd.scan.msk.s32 @p1 $0xffff, v6;
	_ =	sdelay $0x4  }
0x99: {  	v6 =	vbroadcast @p1 v5, $0x0  }
0x9a: {  	v7, _, _ =	vpop @p1 (xrf0)  }
0x9b: {  	v7 =	vadd.s32 @p1 v6, v7  }
.Ltmp6:
0x9c: {  	v7 =	vadd.s32 @p1 $0xFFFFFFFF, v7;
	(pc) =	sbr.rel @p0 .LBB2_9-.Ltmp6, $3  }
0x9d: {  	_ =	sdelay $0x1  }
0x9e: {  	s4 =	sadd.s32 $0x10, s4;
	v9 =	vlaneseq.u32 @p1;
	v8 =	vmpcnt.ones.xlane @p1 vm0  }
0x9f: {  	s6 =	simm.s32 @p1 $0x7680;
	v9 =	vor.u32 @p1 s4, v9  }
0xa0: {  	_ =	sdelay $0x1  }
.Ltmp7:
0xa1: {  	_ = 	snop;
	(pc) =	sbr.rel .LBB2_11-.Ltmp7, $3  }
0xa2: {  	_ =	sdelay $0x1  }
0xa3: {  	[tilespmem:v7+s6+$0x0] =	vst.idx.msk @p1 vm0, v9;
	v6 =	vadd.s32 @p1 v8, v6  }
0xa4: {  	[tilespmem:$0x7C80] =	vst @p1 v6;
	v5 =	vpsel p1, v6, v5  }
.LBB2_12:
0xa5: {  	v6 =	vld [tilespmem:$0x2700];
	_ =	sdelay $0x4  }
0xa6: {  	vm0 =	vgt.f32 v6, $6.999999880e-01  }
0xa7: {  	v7 =	vsel vm0, $0x3F800000, v0  }
0xa8: {  	(xrf0) =	vmax.scan.msk.f32 $0xffff, v7;
	_ =	sdelay $0x5  }
0xa9: {  	v7, _, _ =	vpop (xrf0)  }
0xaa: {  	(v2sf) =	vpush v7, $0xF;
	_ =	sdelay $0xe  }
0xab: {  	s0 =	spop (v2sf)  }
0xac: {  	p0 =	sgt.f32 s0, $0.0e+00;
	_ =	sdelay $0x1  }
0xad: {  	vm0 =	vgt.f32 @p0 v6, $6.999999880e-01  }
0xae: {  	v7 =	vbroadcast @p0 v5, $0x0;
	v6 =	vmpcnt.ones.xlane @p0 vm0;
	_ =	sdelay $0x1  }
0xaf: {  	v6 =	vadd.s32 @p0 v6, v7  }
0xb0: {  	v5 =	vpsel p0, v6, v5  }
0xb1: {  	(v2sf) =	vpush v5, $0x0;
	_ =	sdelay $0x4  }
0xb2: {  	v5 =	vimm.s32 @p0 $0x0  }
0xb3: {  	v5 =	vsel @p0 vm0, $0x1, v5  }
0xb4: {  	(xrf0) =	vadd.scan.msk.s32 @p0 $0xffff, v5;
	_ =	sdelay $0x5  }
0xb5: {  	v5, _, _ =	vpop @p0 (xrf0)  }
0xb6: {  	v5 =	vadd.s32 @p0 v7, v5  }
0xb7: {  	v5 =	vadd.s32 @p0 $0xFFFFFFFF, v5;
	s0 =	spop (v2sf)  }
0xb8: {  	p1 =	sne.s32 s0, $0x0  }
.Ltmp8:
0xb9: {  	_ = 	snop;
	(pc) =	sbr.rel @p1 .LBB2_16-.Ltmp8, $4  }
0xba: {  	v7 =	vlaneseq.u32 @p0  }
0xbb: {  	s1 =	simm.s32 @p0 $0x7680;
	v7 =	vor.u32 @p0 $0x2700, v7  }
0xbc: {  	[tilespmem:v5+s1+$0x0] =	vst.idx.msk @p0 vm0, v7  }
0xbd: {  	[tilespmem:$0x7C80] =	vst @p0 v6  }
0xbe: {  	s1 =	simm.s32 $0x0  }
0xbf: {  	v5 =	vld [tilespmem:s1+$0x0];
	_ =	sdelay $0x4  }
0xc0: {  	(xrf0) =	vmax.scan.msk.f32 $0xffff, v5;
	_ =	sdelay $0x3  }
0xc1: {  	s2 =	simm.s32 $0x10  }
0xc2: {  	v6 =	vld [tilespmem:s2+$0x0]  }
0xc3: {  	v7, _, _ =	vpop (xrf0)  }
0xc4: {  	v9 =	vbroadcast v7, $0xF  }
0xc5: {  	s4 =	simm.s32 $0x20  }
0xc6: {  	v8 =	vld [tilespmem:s4+$0x0];
	vm0 =	veq.f32 v5, v9;
	v5 =	vor.u32 s1, v2  }
0xc7: {  	(xrf0) =	vmax.scan.msk.f32 $0xffff, v6;
	v5 =	vnsel vm0, $0xC0000000, v5  }
0xc8: {  	(xrf0) =	vmin.scan.msk.u32 $0xffff, v5;
	_ =	sdelay $0x2  }
0xc9: {  	(xrf0) =	vmax.scan.msk.f32 $0xffff, v8;
	_ =	sdelay $0x1  }
0xca: {  	(v2sf) =	vpush v7, $0xF;
	v5, _, _ =	vpop (xrf0)  }
0xcb: {  	v7 =	vbroadcast v5, $0xF;
	(v2sf) =	vpush v5, $0xF;
	v5, _, _ =	vpop (xrf0)  }
0xcc: {  	s6 =	simm.s32 $0x30;
	(v2sf) =	vpush v5, $0xF  }
0xcd: {  	v61 =	vld [tilespmem:s6+$0x0]  }
0xce: {  	s25 =	simm.s32 $0x40;
	vm12 =	veq.f32 v6, v7;
	v6, _, _ =	vpop (xrf0)  }
0xcf: {  	v7 =	vld [tilespmem:s25+$0x0];
	v5 =	vor.u32 s2, v2;
	v10 =	vbroadcast v6, $0xF  }
0xd0: {  	v5 =	vnsel vm12, $0xC0000000, v5  }
0xd1: {  	(xrf0) =	vmin.scan.msk.u32 $0xffff, v5;
	v5 =	vor.u32 s4, v2;
	vm13 =	veq.f32 v8, v10  }
0xd2: {  	(xrf0) =	vmax.scan.msk.f32 $0xffff, v61;
	v5 =	vnsel vm13, $0xC0000000, v5  }
0xd3: {  	(v2sf) =	vpush v6, $0xF;
	(xrf0) =	vmin.scan.msk.u32 $0xffff, v5  }
0xd4: {  	(xrf0) =	vmax.scan.msk.f32 $0xffff, v7;
	_ =	sdelay $0x2  }
0xd5: {  	v6, _, _ =	vpop (xrf0)  }
0xd6: {  	v8, _, _ =	vpop (xrf0);
	(v2sf) =	vpush v6, $0xF  }
0xd7: {  	s4 =	spop (v2sf);
	(v2sf) =	vpush v8, $0xF;
	v11, _, _ =	vpop (xrf0)  }
0xd8: {  	s21 =	simm.s32 $0x50;
	s19 =	spop (v2sf);
	v12, _, _ =	vpop (xrf0);
	(v2sf) =	vpush v11, $0xF  }
0xd9: {  	v5 =	vld [tilespmem:s21+$0x0];
	v62 =	vbroadcast v8, $0xF;
	s30 =	spop (v2sf);
	(v2sf) =	vpush v12, $0xF;
	_ =	sdelay $0x1  }
0xda: {  	v6 =	vor.u32 s6, v2;
	vm14 =	veq.f32 v61, v62  }
0xdb: {  	v6 =	vnsel vm14, $0xC0000000, v6  }
0xdc: {  	v63 =	vbroadcast v12, $0xF;
	(xrf0) =	vmin.scan.msk.u32 $0xffff, v6  }
0xdd: {  	s24 =	simm.s32 $0x60;
	s1 =	simm.f32 $-3.000000010e+38;
	(xrf0) =	vmax.scan.msk.f32 $0xffff, v5  }
0xde: {  	s29 =	simm.s32 $0x70;
	s26 =	simm.s32 $0x60;
	p0 =	sgt.f32 s4, s1;
	v6 =	vld [tilespmem:s24+$0x0];
	vm15 =	veq.f32 v7, v63;
	v7 =	vor.u32 s25, v2  }
0xdf: {  	s2 =	simm.s32 $0x1;
	v7 =	vnsel vm15, $0xC0000000, v7;
	s25 =	spop (v2sf);
	s28 =	sxor.u32 $0x80000000, s30  }
.LBB2_14:
0xe0: {  	s1 =	smov.u32 @p0 s4  }
0xe1: {  	s2 =	smov.u32 @p0 s28;
	s6 =	smov.u32 s29;
	s30 =	sadd.s32 $0x10, s29  }
0xe2: {  	(xrf0) =	vmin.scan.msk.u32 $0xffff, v7;
	v7, _, _ =	vpop (xrf0);
	s4 =	smov.u32 s19;
	s19 =	smov.u32 s25;
	p1 =	sne.s32 s29, $0x2700  }
.Ltmp9:
0xe3: {  	s24 =	sadd.s32 $0x10, s24;
	(xrf0) =	vmax.scan.msk.f32 $0xffff, v6;
	v8, _, _ =	vpop (xrf0);
	(v2sf) =	vpush v7, $0xF;
	v7 =	vmov v6;
	(pc) =	sbr.rel @p1 .LBB2_14-.Ltmp9, $4  }
0xe4: {  	v6 =	vld [tilespmem:s24+$0x0];
	v9 =	vbroadcast v8, $0xF;
	(v2sf) =	vpush v8, $0xF  }
0xe5: {  	p0 =	sgt.f32 s4, s1  }
0xe6: {  	s29 =	smov.u32 s30;
	v8 =	vor.u32 s21, v2;
	s21 =	smov.u32 s26;
	vm0 =	veq.f32 v5, v9;
	s28 =	spop (v2sf);
	v5 =	vmov v7  }
0xe7: {  	s26 =	smov.u32 s6;
	v7 =	vnsel vm0, $0xC0000000, v8;
	s25 =	spop (v2sf);
	s28 =	sxor.u32 $0x80000000, s28  }
0xe8: {  	(xrf0) =	vmin.scan.msk.u32 $0xffff, v7  }
0xe9: {  	(xrf0) =	vmax.scan.msk.f32 $0xffff, v6;
	_ =	sdelay $0x2  }
0xea: {  	v7, _, _ =	vpop (xrf0)  }
0xeb: {  	v8, _, _ =	vpop (xrf0)  }
0xec: {  	v9, _, _ =	vpop (xrf0)  }
0xed: {  	v10 =	vbroadcast v8, $0xF;
	v11, _, _ =	vpop (xrf0)  }
0xee: {  	v12 =	vbroadcast v11, $0xF  }
0xef: {  	vm0 =	veq.f32 v5, v10;
	v5 =	vor.u32 s21, v2  }
0xf0: {  	v5 =	vnsel vm0, $0xC0000000, v5;
	vm15 =	veq.f32 v6, v12;
	v6 =	vor.u32 s26, v2  }
0xf1: {  	(xrf0) =	vmin.scan.msk.u32 $0xffff, v5;
	v5 =	vnsel vm15, $0xC0000000, v6  }
0xf2: {  	(xrf0) =	vmin.scan.msk.u32 $0xffff, v5;
	_ =	sdelay $0x1  }
0xf3: {  	(v2sf) =	vpush v7, $0xF  }
0xf4: {  	(v2sf) =	vpush v8, $0xF  }
0xf5: {  	(v2sf) =	vpush v9, $0xF  }
0xf6: {  	(v2sf) =	vpush v11, $0xF;
	v5, _, _ =	vpop (xrf0)  }
0xf7: {  	s1 =	smov.u32 @p0 s4;
	(v2sf) =	vpush v5, $0xF;
	v5, _, _ =	vpop (xrf0)  }
0xf8: {  	p1 =	sgt.f32 s19, s1;
	(v2sf) =	vpush v5, $0xF;
	_ =	sdelay $0x1  }
0xf9: {  	s1 =	smov.u32 @p1 s19  }
0xfa: {  	p2 =	sgt.f32 s25, s1  }
0xfb: {  	s19 =	spop (v2sf)  }
0xfc: {  	s6 =	spop (v2sf);
	s1 =	smov.u32 @p2 s25  }
0xfd: {  	p3 =	sgt.f32 s6, s1  }
0xfe: {  	s24 =	spop (v2sf)  }
0xff: {  	s1 =	smov.u32 @p3 s6;
	s21 =	spop (v2sf)  }
0x100: {  	s2 =	smov.u32 @p0 s28;
	s4 =	sxor.u32 $0x80000000, s19;
	p0 =	sgt.f32 s21, s1  }
0x101: {  	s2 =	smov.u32 @p1 s4;
	s4 =	sxor.u32 $0x80000000, s24;
	s25 =	spop (v2sf)  }
0x102: {  	s2 =	smov.u32 @p2 s4;
	s1 =	smov.u32 @p0 s21;
	s4 =	spop (v2sf)  }
0x103: {  	s6 =	sxor.u32 $0x80000000, s25;
	p1 =	sgt.f32 s4, s1;
	s26 =	spop (v2sf)  }
0x104: {  	s2 =	smov.u32 @p3 s6;
	s6 =	sxor.u32 $0x80000000, s26;
	s28 =	spop (v2sf)  }
0x105: {  	s1 =	smov.u32 @p1 s4;
	s2 =	smov.u32 @p0 s6;
	s29 =	spop (v2sf)  }
0x106: {  	p0 =	sgt.f32 s28, s1;
	s4 =	sxor.u32 $0x80000000, s29;
	s30 =	spop (v2sf)  }
0x107: {  	s2 =	smov.u32 @p1 s4;
	s1 =	sxor.u32 $0x80000000, s30  }
0x108: {  	s2 =	smov.u32 @p0 s1  }
0x109: {  	v5 =	vmov s2  }
0x10a: {  	[tilespmem:$0x7680] =	vst v5  }
.LBB2_16:
0x10b: {  	p0 =	sgt.s32 s0, $0x1  }
0x10c: {  	s0 =	simm.s32 @!p0 $0x1  }
0x10d: {  	s2 =	sadd.s32 $0xF, s0  }
0x10e: {  	p0 =	slt.s32 s2, $0x10  }
.Ltmp10:
0x10f: {  	_ = 	snop;
	(pc) =	sbr.rel @p0 .LBB2_23-.Ltmp10, $2  }
0x110: {  	_ =	sdelay $0x2  }
0x111: {  	s1 =	simm.s32 $0x0;
	s19 =	simm.s32 $0x0  }
0x112: {  	s4 =	simm.s32 $0x7680  }
0x113: {  	s29 =	sshra.s32 s2, $0x1F;
	v7 =	vld [tilespmem:s4+$0x0]  }
0x114: {  	s4 =	sshrl.u32 s29, $0x1C  }
0x115: {  	s30 =	sadd.s32 s4, s2  }
0x116: {  	s4 =	sshra.s32 s30, $0x4  }
0x117: {  	p1 =	sne.s32 s4, $0x1  }
.Ltmp11:
0x118: {  	_ = 	snop;
	(pc) =	sbr.rel @!p1 .LBB2_18-.Ltmp11, $3  }
0x119: {  	_ =	sdelay $0x1  }
0x11a: {  	s19 =	simm.s32 $0x7880;
	s21 =	simm.s32 $0x7C80;
	s24 =	simm.s32 $0x0;
	v6 =	vld.idx.msk [tilespmem:v7+s15+$0x0], $0xffff  }
0x11b: {  	v5 =	vadd.s32 s0, v3;
	p0 =	por $0x0, $0x0;
	s2 =	simm.s32 $0x7A80;
	s4 =	sadd.s32 $0xFFFFFFFF, s4;
	v7 =	vld.idx.msk [tilespmem:v7+s16+$0x0], $0xffff  }
0x11c: {  	_ =	sdelay $0x2  }
0x11d: {  	v8 =	vmov s24  }
0x11e: {  	vm0 =	vlt.s32 v8, v5;
	v7 =	vsub.s32 v7, v6  }
0x11f: {  	v7 =	vnsel vm0, $0x0, v7  }
0x120: {  	(xrf0) =	vadd.scan.msk.s32 $0xffff, v7;
	_ =	sdelay $0x5  }
0x121: {  	v8, _, _ =	vpop (xrf0)  }
0x122: {  	v62 =	vsub.s32 s24, v7;
	v9 =	vxor.u32 $0x80000000, v8  }
0x123: {  	v8 =	vadd.s32 v8, v62;
	(xrf0) =	vmax.scan.msk.u32 $0xffff, v9  }
0x124: {  	v9 =	vsub.s32 $0x190, v8  }
0x125: {  	vm15 =	vgt.s32 v9, $0x0  }
0x126: {  	v9 =	vnsel vm15, $0x0, v9  }
0x127: {  	vm0 =	vlt.s32 v7, v9  }
0x128: {  	v7 =	vsel vm0, v7, v9  }
0x129: {  	v7 =	vadd.s32 $0xF, v7;
	v10, _, _ =	vpop (xrf0)  }
0x12a: {  	v63 =	vshra.s32 v7, $0x1F;
	(v2sf) =	vpush v10, $0xF  }
0x12b: {  	v9 =	vshrl.u32 v63, $0x1C  }
0x12c: {  	[tilespmem:s19+$0x0] =	vst v8;
	v7 =	vadd.s32 v9, v7  }
0x12d: {  	[tilespmem:s2+$0x0] =	vst v6;
	v6 =	vshra.s32 v7, $0x4  }
0x12e: {  	s30 =	simm.s32 $0x7690;
	[tilespmem:s21+$0x0] =	vst v6  }
0x12f: {  	v7 =	vld [tilespmem:s30+$0x0];
	_ =	sdelay $0x4  }
0x130: {  	p1 =	sne.s32 s4, $0x1  }
.Ltmp12:
0x131: {  	_ = 	snop;
	(pc) =	sbr.rel @!p1 .LBB2_20-.Ltmp12, $4  }
0x132: {  	_ = 	snop  }
0x133: {  	s4 =	sadd.s32 $0xFFFFFFFF, s4;
	s29 =	simm.s32 $0x10;
	v6 =	vld.idx.msk [tilespmem:v7+s15+$0x0], $0xffff  }
0x134: {  	p0 =	por $0x1, $0x1;
	s28 =	simm.s32 $0x0;
	s25 =	simm.s32 $0x7880;
	v7 =	vld.idx.msk [tilespmem:v7+s16+$0x0], $0xffff  }
0x135: {  	s26 =	simm.s32 $0x7A80;
	s21 =	simm.s32 $0x7C90;
	s6 =	spop (v2sf)  }
.LBB2_21:
0x136: {  	s6 =	sadd.s32 s6, s28;
	s25 =	sadd.s32 $0x10, s25;
	s26 =	sadd.s32 $0x10, s26  }
0x137: {  	p1 =	sne.s32 s4, $0x1;
	s4 =	sadd.s32 $0xFFFFFFFF, s4;
	v8 =	vmov s29;
	s28 =	sadd.s32 $0x80000000, s6  }
0x138: {  	vm0 =	vlt.s32 v8, v5  }
0x139: {  	v7 =	vsub.s32 v7, v6  }
0x13a: {  	v7 =	vnsel vm0, $0x0, v7  }
0x13b: {  	(xrf0) =	vadd.scan.msk.s32 $0xffff, v7;
	_ =	sdelay $0x5  }
0x13c: {  	v8 =	vsub.s32 s28, v7;
	v9, _, _ =	vpop (xrf0)  }
0x13d: {  	v8 =	vadd.s32 v9, v8;
	v9 =	vxor.u32 $0x80000000, v9  }
0x13e: {  	v10 =	vsub.s32 $0x190, v8;
	[tilespmem:s25+$0x0] =	vst v8;
	(xrf0) =	vmax.scan.msk.u32 $0xffff, v9  }
0x13f: {  	vm0 =	vgt.s32 v10, $0x0;
	[tilespmem:s26+$0x0] =	vst v6  }
0x140: {  	v6 =	vnsel vm0, $0x0, v10  }
0x141: {  	vm0 =	vlt.s32 v7, v6  }
0x142: {  	v6 =	vsel vm0, v7, v6  }
0x143: {  	v6 =	vadd.s32 $0xF, v6  }
0x144: {  	v7 =	vshra.s32 v6, $0x1F;
	v8, _, _ =	vpop (xrf0)  }
0x145: {  	v7 =	vshrl.u32 v7, $0x1C;
	(v2sf) =	vpush v8, $0xF  }
0x146: {  	v6 =	vadd.s32 v7, v6  }
0x147: {  	v6 =	vshra.s32 v6, $0x4  }
0x148: {  	s30 =	sadd.s32 $0x10, s30;
	[tilespmem:s21+$0x0] =	vst v6  }
0x149: {  	v7 =	vld [tilespmem:s30+$0x0];
	_ =	sdelay $0x6  }
.Ltmp13:
0x14a: {  	(pc) =	sbr.rel @p1 .LBB2_21-.Ltmp13, $3  }
0x14b: {  	v6 =	vld.idx.msk [tilespmem:v7+s15+$0x0], $0xffff  }
0x14c: {  	v7 =	vld.idx.msk [tilespmem:v7+s16+$0x0], $0xffff;
	_ =	sdelay $0x1  }
0x14d: {  	s29 =	sadd.s32 $0x10, s29;
	s21 =	sadd.s32 $0x10, s21;
	s6 =	spop (v2sf)  }
.LBB2_22:
0x14e: {  	_ = 	snop  }
0x14f: {  	v8 =	vmov s29  }
0x150: {  	vm0 =	vlt.s32 v8, v5;
	v5 =	vsub.s32 v7, v6  }
0x151: {  	v5 =	vnsel vm0, $0x0, v5  }
0x152: {  	(xrf0) =	vadd.scan.msk.s32 $0xffff, v5;
	_ =	sdelay $0x5  }
0x153: {  	v7, _, _ =	vpop (xrf0)  }
0x154: {  	v61 =	vxor.u32 $0x80000000, v7  }
0x155: {  	(xrf0) =	vmax.scan.msk.u32 $0xffff, v61;
	_ =	sdelay $0x5  }
0x156: {  	v8, _, _ =	vpop (xrf0)  }
0x157: {  	(v2sf) =	vpush v8, $0xF;
	_ =	sdelay $0x3  }
0x158: {  	s4 =	sadd.s32 @p0 s6, s28  }
0x159: {  	s4 =	sadd.s32 @p0 $0x80000000, s4  }
0x15a: {  	s24 =	smov.u32 @p0 s4  }
0x15b: {  	v62 =	vsub.s32 s24, v5  }
0x15c: {  	v7 =	vadd.s32 v7, v62  }
0x15d: {  	v8 =	vsub.s32 $0x190, v7  }
0x15e: {  	vm15 =	vgt.s32 v8, $0x0  }
0x15f: {  	v8 =	vnsel vm15, $0x0, v8  }
0x160: {  	vm0 =	vlt.s32 v5, v8  }
0x161: {  	v5 =	vsel vm0, v5, v8  }
0x162: {  	v5 =	vadd.s32 $0xF, v5  }
0x163: {  	s4 =	sadd.s32 @p0 $0x10, s25;
	v63 =	vshra.s32 v5, $0x1F;
	s29 =	spop (v2sf)  }
0x164: {  	s25 =	sadd.s32 @p0 $0x10, s26;
	s19 =	smov.u32 @p0 s4;
	v8 =	vshrl.u32 v63, $0x1C;
	s30 =	sadd.s32 s29, s24  }
0x165: {  	s2 =	smov.u32 @p0 s25;
	[tilespmem:s19+$0x0] =	vst v7;
	v5 =	vadd.s32 v8, v5;
	s19 =	sadd.s32 $0x80000000, s30  }
0x166: {  	[tilespmem:s2+$0x0] =	vst v6;
	v5 =	vshra.s32 v5, $0x4;
	p0 =	slt.s32 s19, $0x190  }
0x167: {  	[tilespmem:s21+$0x0] =	vst v5;
	s19 =	simm.s32 @!p0 $0x190  }
.LBB2_23:
.Ltmp14:
0x168: {  	(pc) =	sbr.rel .LBB2_24-.Ltmp14, $2  }
0x169: {  	_ =	sdelay $0x2  }
0x16a: {  	s2 =	simm.s32 $0x0  }
.LBB2_27:
0x16b: {  	s1 =	sadd.s32 s21, s4  }
.LBB2_28:
0x16c: {  	s2 =	sadd.s32 $0x1, s2  }
0x16d: {  	p0 =	seq.s32 s2, s0  }
.Ltmp15:
0x16e: {  	_ = 	snop;
	(pc) =	sbr.rel @p0 .LBB2_29-.Ltmp15, $1  }
0x16f: {  	_ =	sdelay $0x3  }
.LBB2_24:
0x170: {  	v5 =	vld [tilespmem:s2+$0x7C80];
	_ =	sdelay $0x4  }
0x171: {  	v6 =	vld [tilespmem:s2+$0x7880];
	(v2sf) =	vpush v5, $0x0  }
0x172: {  	v7 =	vld [tilespmem:s2+$0x7A80];
	_ =	sdelay $0x3  }
0x173: {  	(v2sf) =	vpush v6, $0x0  }
0x174: {  	(v2sf) =	vpush v7, $0x0;
	_ =	sdelay $0x8  }
0x175: {  	s4 =	spop (v2sf)  }
0x176: {  	p0 =	slt.s32 s4, $0x1  }
.Ltmp16:
0x177: {  	_ = 	snop;
	(pc) =	sbr.rel @p0 .LBB2_28-.Ltmp16, $3  }
0x178: {  	_ =	sdelay $0x1  }
0x179: {  	s6 =	spop (v2sf)  }
0x17a: {  	s21 =	smov.u32 s1;
	s24 =	spop (v2sf)  }
0x17b: {  	p0 =	sne.s32 s4, $0x1  }
.Ltmp17:
0x17c: {  	s1 =	sshll.u32 s6, $0x5;
	(pc) =	sbr.rel @!p0 .LBB2_27-.Ltmp17, $4  }
0x17d: {  	s30 =	sand.u32 $0x1FFFFFFF, s24;
	s1 =	sshra.s32 s1, $0x2  }
0x17e: {  	s6 =	sadd.s32 s5, s30;
	s1 =	sadd.s32 $0x7E80, s1  }
0x17f: {  	[tilespmem:s1], [sflag:$0x1] =	stream.linear.gather [hbm4b:s6+s3], $0x80, $0x38;
	[tilespmem:$0x9E80] =	vst v63  }
0x180: {  	s24 =	sadd.s32 $0x10, s24;
	s6 =	sadd.s32 $0xFFFFFFFF, s4  }
.LBB2_26:
0x181: {  	s25 =	sand.u32 $0x1FFFFFFF, s24;
	p0 =	sne.s32 s6, $0x1;
	s6 =	sadd.s32 $0xFFFFFFFF, s6  }
.Ltmp18:
0x182: {  	s1 =	sadd.s32 $0x80, s1;
	s25 =	sadd.s32 s5, s25;
	(pc) =	sbr.rel @p0 .LBB2_26-.Ltmp18, $3  }
0x183: {  	[tilespmem:s1], [sflag:$0x1] =	stream.linear.gather [hbm4b:s25+s3], $0x80, $0x38;
	[tilespmem:$0x9E80] =	vst v63  }
0x184: {  	_ =	sdelay $0x1  }
0x185: {  	s24 =	sadd.s32 $0x10, s24  }
.Ltmp19:
0x186: {  	_ = 	snop;
	(pc) =	sbr.rel .LBB2_27-.Ltmp19, $1  }
0x187: {  	_ =	sdelay $0x3  }
.LBB2_29:
0x188: {  	p0 =	slt.s32 s1, $0x1  }
.Ltmp20:
0x189: {  	_ = 	snop;
	(pc) =	sbr.rel @p0 .LBB2_33-.Ltmp20, $1  }
0x18a: {  	_ =	sdelay $0x3  }
0x18b: {  	p0 =	sgt.s32 s4, $0x0  }
0x18c: {  	s4 =	simm.s32 @!p0 $0x0  }
0x18d: {  	s0 =	sadd.s32 s4, s21  }
0x18e: {  	p0 =	seq.s32 s0, $0x1  }
.Ltmp21:
0x18f: {  	_ = 	snop;
	(pc) =	sbr.rel @p0 .LBB2_32-.Ltmp21, $3  }
0x190: {  	_ =	sdelay $0x1  }
0x191: {  	_ =	swait.ge [sflag:s22], $0x80  }
0x192: {  	[sflag:s22] =	ssyncset.done $0x0;
	s0 =	sadd.s32 $0xFFFFFFFF, s0  }
.LBB2_31:
0x193: {  	p0 =	seq.s32 s0, $0x1;
	s0 =	sadd.s32 $0xFFFFFFFF, s0;
	[sflag:s22] =	ssyncadd.s32 $0xFFFFFF80  }
.Ltmp22:
0x194: {  	(pc) =	sbr.rel @!p0 .LBB2_31-.Ltmp22, $3  }
0x195: {  	_ =	sdelay $0x1  }
0x196: {  	_ =	swait.ge [sflag:s22], $0x80  }
0x197: {  	[sflag:s22] =	ssyncset.done $0x0  }
.LBB2_32:
0x198: {  	[sflag:s22] =	ssyncadd.s32 $0xFFFFFF80  }
.LBB2_33:
0x199: {  	s21 =	simm.s32 $0x0  }
0x19a: {  	v6 =	vor.u32 s21, v1  }
0x19b: {  	v7 =	vshll.u32 v6, $0x3;
	_ =	sdelay $0x1  }
0x19c: {  	v8 =	vor.u32 $0x1, v7  }
0x19d: {  	v9 =	vor.u32 $0x2, v7;
	_ =	sdelay $0x1  }
0x19e: {  	v7 =	vld.idx.msk [tilespmem:v7+s23+$0x0], $0xffff;
	_ =	sdelay $0x1  }
0x19f: {  	v8 =	vld.idx.msk [tilespmem:v8+s23+$0x0], $0xffff  }
0x1a0: {  	v9 =	vld.idx.msk [tilespmem:v9+s23+$0x0], $0xffff;
	_ =	sdelay $0x1  }
0x1a1: {  	vm0 =	vgt.s32 v7, $0x0  }
0x1a2: {  	v7 =	vnsel vm0, $0x0, v7  }
0x1a3: {  	vm0 =	vgt.s32 v8, $0x0;
	v7 =	vmin.u32 v7, $0x270F  }
0x1a4: {  	s1 =	simm.s32 $0x8E80;
	v8 =	vnsel vm0, $0x0, v8;
	vm0 =	vgt.s32 v9, $0x0  }
0x1a5: {  	s0 =	simm.s32 $0x9080;
	v8 =	vmin.u32 v8, $0x270F;
	v9 =	vnsel vm0, $0x0, v9;
	[tilespmem:s1+$0x0] =	vst v7  }
0x1a6: {  	s6 =	simm.s32 $0x9280;
	v9 =	vmin.u32 v9, $0xC7;
	[tilespmem:s0+$0x0] =	vst v8  }
0x1a7: {  	[tilespmem:s6+$0x0] =	vst v9  }
0x1a8: {  	v8 =	vld.idx.msk [tilespmem:v7+s3+$0x0], $0xffff;
	_ =	sdelay $0x1  }
0x1a9: {  	v5 =	vmov s19;
	s30 =	simm.s32 $0x10  }
0x1aa: {  	vm0 =	vlt.s32 v6, v5;
	v7 =	vor.u32 s30, v1  }
0x1ab: {  	s29 =	simm.s32 $0x9680;
	s4 =	simm.s32 $0x9480;
	vm0 =	vmmov vm0;
	v6 =	vshll.u32 v7, $0x3  }
0x1ac: {  	s2 =	simm.s32 $0x9A80;
	s19 =	simm.s32 $0x9A90;
	s24 =	simm.s32 $0x9290;
	vm1 =	vlt.s32 v7, v5;
	v7 =	vor.u32 $0x1, v6;
	[tilespmem:s29+$0x0] =	vst v8;
	v9 =	vmin.f32 v8, $1.000000000e+00  }
0x1ad: {  	s21 =	simm.s32 $0x9490;
	s6 =	simm.s32 $0x20;
	v8 =	vor.u32 $0x2, v6;
	[tilespmem:s4+$0x0] =	vst v9;
	v9 =	vsel vm0, $0x3F800000, v4;
	s4 =	simm.s32 $0x9690;
	vm0 =	vmmov vm1  }
.LBB2_34:
0x1ae: {  	s1 =	sadd.s32 $0x10, s1;
	s0 =	sadd.s32 $0x10, s0  }
0x1af: {  	[tilespmem:s2+$0x0] =	vst v9;
	s25 =	smov.u32 s6;
	s26 =	sadd.s32 $0x10, s6;
	s2 =	smov.u32 s19  }
0x1b0: {  	p0 =	sne.s32 s6, $0x180;
	v6 =	vld.idx.msk [tilespmem:v6+s23+$0x0], $0xffff;
	_ =	sdelay $0x1  }
0x1b1: {  	v7 =	vld.idx.msk [tilespmem:v7+s23+$0x0], $0xffff  }
0x1b2: {  	v8 =	vld.idx.msk [tilespmem:v8+s23+$0x0], $0xffff;
	_ =	sdelay $0x2  }
0x1b3: {  	vm1 =	vgt.s32 v6, $0x0  }
0x1b4: {  	v6 =	vnsel vm1, $0x0, v6  }
0x1b5: {  	v6 =	vmin.u32 v6, $0x270F;
	vm1 =	vgt.s32 v7, $0x0  }
0x1b6: {  	v7 =	vnsel vm1, $0x0, v7;
	vm1 =	vgt.s32 v8, $0x0  }
0x1b7: {  	v7 =	vmin.u32 v7, $0x270F;
	v8 =	vnsel vm1, $0x0, v8;
	[tilespmem:s1+$0x0] =	vst v6  }
0x1b8: {  	v8 =	vmin.u32 v8, $0xC7;
	[tilespmem:s0+$0x0] =	vst v7  }
0x1b9: {  	[tilespmem:s24+$0x0] =	vst v8  }
0x1ba: {  	v9 =	vld.idx.msk [tilespmem:v6+s3+$0x0], $0xffff;
	_ =	sdelay $0x2  }
.Ltmp23:
0x1bb: {  	v7 =	vor.u32 s25, v1;
	(pc) =	sbr.rel @p0 .LBB2_34-.Ltmp23, $4  }
0x1bc: {  	vm1 =	vlt.s32 v7, v5;
	v6 =	vshll.u32 v7, $0x3  }
0x1bd: {  	v7 =	vor.u32 $0x1, v6;
	v8 =	vor.u32 $0x2, v6  }
0x1be: {  	s19 =	sadd.s32 $0x10, s19;
	s6 =	smov.u32 s26;
	[tilespmem:s4+$0x0] =	vst v9;
	v9 =	vmin.f32 v9, $1.000000000e+00  }
0x1bf: {  	s24 =	sadd.s32 $0x10, s24;
	s4 =	sadd.s32 $0x10, s4;
	[tilespmem:s21+$0x0] =	vst v9;
	v9 =	vsel vm0, $0x3F800000, v4;
	s21 =	sadd.s32 $0x10, s21;
	vm0 =	vmmov vm1  }
0x1c0: {  	_ =	sdelay $0x2  }
0x1c1: {  	[tilespmem:s2+$0x0] =	vst v9  }
0x1c2: {  	v5 =	vld.idx.msk [tilespmem:v6+s23+$0x0], $0xffff;
	_ =	sdelay $0x1  }
0x1c3: {  	v6 =	vld.idx.msk [tilespmem:v7+s23+$0x0], $0xffff  }
0x1c4: {  	v7 =	vld.idx.msk [tilespmem:v8+s23+$0x0], $0xffff;
	_ =	sdelay $0x1  }
0x1c5: {  	vm1 =	vgt.s32 v5, $0x0  }
0x1c6: {  	v5 =	vnsel vm1, $0x0, v5  }
0x1c7: {  	vm14 =	vgt.s32 v6, $0x0;
	v5 =	vmin.u32 v5, $0x270F  }
0x1c8: {  	s1 =	sadd.s32 $0x10, s1;
	vm15 =	vgt.s32 v7, $0x0;
	v6 =	vnsel vm14, $0x0, v6  }
0x1c9: {  	s0 =	sadd.s32 $0x10, s0;
	v7 =	vnsel vm15, $0x0, v7;
	v6 =	vmin.u32 v6, $0x270F;
	[tilespmem:s1+$0x0] =	vst v5  }
0x1ca: {  	v7 =	vmin.u32 v7, $0xC7;
	[tilespmem:s0+$0x0] =	vst v6  }
0x1cb: {  	[tilespmem:s24+$0x0] =	vst v7  }
0x1cc: {  	v5 =	vld.idx.msk [tilespmem:v5+s3+$0x0], $0xffff;
	_ =	sdelay $0x4  }
0x1cd: {  	[tilespmem:s4+$0x0] =	vst v5;
	v5 =	vmin.f32 v5, $1.000000000e+00  }
0x1ce: {  	[tilespmem:s21+$0x0] =	vst v5;
	v5 =	vsel vm0, $0x3F800000, v4  }
0x1cf: {  	s24 =	simm.s32 $0x8E80;
	[tilespmem:s19+$0x0] =	vst v5  }
0x1d0: {  	[hbm4b:s7+s17] =	stream.strided.scatter [tilespmem:s24], [sflag:$0x2], $0x200, s18, s17, $0x38;
	[tilespmem:$0x9E80] =	vst v63  }
0x1d1: {  	_ =	swait.ge [sflag:s20], $0x200  }
0x1d2: {  	[sflag:s20] =	ssyncset.done $0x0  }
0x1d3: {  	s25 =	simm.s32 $0x9080;
	[sflag:s20] =	ssyncadd.s32 $0xFFFFFE00  }
0x1d4: {  	[hbm4b:s8+s17] =	stream.strided.scatter [tilespmem:s25], [sflag:$0x2], $0x200, s18, s17, $0x38;
	[tilespmem:$0x9E80] =	vst v63  }
0x1d5: {  	_ =	swait.ge [sflag:s20], $0x200  }
0x1d6: {  	[sflag:s20] =	ssyncset.done $0x0  }
0x1d7: {  	s26 =	simm.s32 $0x9280;
	[sflag:s20] =	ssyncadd.s32 $0xFFFFFE00  }
0x1d8: {  	[hbm4b:s9+s17] =	stream.strided.scatter [tilespmem:s26], [sflag:$0x2], $0x200, s18, s17, $0x38;
	[tilespmem:$0x9E80] =	vst v63  }
0x1d9: {  	_ =	swait.ge [sflag:s20], $0x200  }
0x1da: {  	[sflag:s20] =	ssyncset.done $0x0  }
0x1db: {  	s28 =	simm.s32 $0x9480;
	[sflag:s20] =	ssyncadd.s32 $0xFFFFFE00  }
0x1dc: {  	[hbm4b:s10+s17] =	stream.strided.scatter [tilespmem:s28], [sflag:$0x2], $0x200, s18, s17, $0x38;
	[tilespmem:$0x9E80] =	vst v63  }
0x1dd: {  	_ =	swait.ge [sflag:s20], $0x200  }
0x1de: {  	[sflag:s20] =	ssyncset.done $0x0  }
0x1df: {  	s29 =	simm.s32 $0x9680;
	[sflag:s20] =	ssyncadd.s32 $0xFFFFFE00  }
0x1e0: {  	[hbm4b:s11+s17] =	stream.strided.scatter [tilespmem:s29], [sflag:$0x2], $0x200, s18, s17, $0x38;
	[tilespmem:$0x9E80] =	vst v63  }
0x1e1: {  	_ =	swait.ge [sflag:s20], $0x200  }
0x1e2: {  	s31 =	sadd.s32 $0x1, s31;
	[sflag:s20] =	ssyncset.done $0x0  }
0x1e3: {  	s30 =	simm.s32 $0x9A80;
	p0 =	sne.s32 s31, s14;
	[sflag:s20] =	ssyncadd.s32 $0xFFFFFE00  }
0x1e4: {  	[hbm4b:s12+s17] =	stream.strided.scatter [tilespmem:s30], [sflag:$0x2], $0x200, s18, s17, $0x38;
	[tilespmem:$0x9E80] =	vst v63  }
.Ltmp24:
0x1e5: {  	_ = 	snop;
	(pc) =	sbr.rel @p0 .LBB2_2-.Ltmp24, $4  }
.Ltmp25:
0x1e6: {  	_ = 	snop;
	(pc) =	sbr.rel @!p0 .LBB2_36-.Ltmp25, $4  }
0x1e7: {  	_ =	swait.ge [sflag:s20], $0x200  }
0x1e8: {  	[sflag:s20] =	ssyncset.done $0x0  }
0x1e9: {  	[sflag:s20] =	ssyncadd.s32 $0xFFFFFE00  }
0x1ea: {  	_ = 	snop  }
.LBB2_18:
.Ltmp26:
0x1eb: {  	(pc) =	sbr.rel .LBB2_22-.Ltmp26, $3  }
0x1ec: {  	_ =	sdelay $0x1  }
0x1ed: {  	s28 =	simm.s32 $0x0  }
0x1ee: {  	s25 =	simm.s32 $0x7880;
	s26 =	simm.s32 $0x7A80;
	s29 =	simm.s32 $0x0  }
.LBB2_20:
.Ltmp27:
0x1ef: {  	(pc) =	sbr.rel .LBB2_22-.Ltmp27, $2  }
0x1f0: {  	_ =	sdelay $0x2  }
0x1f1: {  	s28 =	simm.s32 $0x0;
	s25 =	simm.s32 $0x7880;
	s26 =	simm.s32 $0x7A80  }
.LBB2_36:
0x1f2: {  	_ =	sfence.sel $0x180000  }
0x1f3: {  	[bflag:$0x0] =	sbarrier.arrive $0xFFFF  }
0x1f4: {  	_ =	strace $0x9000004A  }
0x1f5: {  	s0 =	stileid.u32;
	[bflag:$0x2] =	sbarrier.arrive $0xFFFF  }
0x1f6: {  	p0 =	sne.s32 s0, $0x0;
	s0 =	rddreg [dreg:$0x2]  }
0x1f7: {  	s0 =	sadd.s32 @!p0 $0x100000, s0  }
0x1f8: {  	[sflag:s0] =	ssyncadd.tile.s32 @!p0 $0x1;
	_ =	shalt  }
.Lfunc_end2:
_tile_overlayer_lowered:
.L_overlay_start_2:
0x1f9: {  	(tag) =	ssettag $0x2  }
0x1fa: {  	s0 =	rddreg [dreg:$0x0];
	s2 =	stileid.u32  }
0x1fb: {  	s1 =	rddreg [dreg:$0x1];
	p0 =	sne.s32 s2, $0x0  }
0x1fc: {  	s3 =	rddreg [dreg:$0x2];
	[bflag:$0x3] =	sbarrier.arrive $0xFFFF;
	s2 =	simm.s32 @!p0 $0x1C02  }
0x1fd: {  	[timem:s3], [sflag:s2] =	dma.local @!p0 [hbm:s0], s1  }
0x1fe: {  	s0 =	simm.s32 @!p0 $0x2  }
0x1ff: {  	_ =	swait.ge @!p0 [sflag:s0], s1  }
0x200: {  	s1 =	ssub.s32 @!p0 $0x0, s1;
	[sflag:s0] =	ssyncset.done @!p0 $0x0  }
0x201: {  	[sflag:s0] =	ssyncadd.s32 @!p0 s1  }
0x202: {  	[bflag:$0x3] =	sbarrier.arrive $0xFFFF  }
0x203: {  	_ =	shalt  }

// kernel: kernel.13.cloned.1.call-start
scs
__scs_entry_jumppad:
0x0: {  	(pc) =	sbr.rel $0x88, $3  }
0x1: {  	(tag) =	ssettag $0x0;
	lr =	simm.s32 $0x1  }
0x2: {  	[smem:$0x3F94] =	sst lr;
	_ =	strace $0xD0000000  }
0x3: {  	_ = 	snop  }
0x4: {  	_ = 	snop  }
0x5: {  	_ = 	snop  }
0x6: {  	_ = 	snop  }
0x7: {  	_ = 	snop  }
__scs_overlays_trampoline_lowered:
0x8: {  	[smem:$0x3FA3] =	sst s0  }
0x9: {  	[smem:$0x3FA4] =	sst s1  }
0xa: {  	[smem:$0x3FA5] =	sst s2  }
0xb: {  	[smem:$0x3FA6] =	sst s3  }
0xc: {  	[smem:$0x3FA7] =	sst s4  }
0xd: {  	[smem:$0x3FA8] =	sst s5  }
0xe: {  	[smem:$0x3FA9] =	sst s6  }
0xf: {  	[smem:$0x3FAA] =	sst s7  }
0x10: {  	[smem:$0x3FAB] =	sst s8  }
0x11: {  	[smem:$0x3FAC] =	sst s9;
	s0 =	simm.s32 @!p0 $0x0  }
0x12: {  	s1 =	sld [smem:$0x3F92];
	s0 =	simm.s32 @p0 $0x1  }
0x13: {  	[smem:$0x3FAD] =	sst s0;
	s0 =	simm.s32 @!p1 $0x0  }
0x14: {  	s2 =	sld [smem:$0x3F91];
	s0 =	simm.s32 @p1 $0x1  }
0x15: {  	[smem:$0x3FAE] =	sst s0;
	s0 =	simm.s32 @!p2 $0x0  }
0x16: {  	s3 =	sld [smem:$0x3FDB];
	s0 =	simm.s32 @p2 $0x1  }
0x17: {  	s4 =	simm.s32 $0x1BF5;
	[smem:$0x3FB0] =	sst s0  }
0x18: {  	s0 =	sld [smem:$0x3F93];
	_ =	swait.ge [sflag:s4], $0x0  }
0x19: {  	s7 =	sld [smem:$0x3F94]  }
0x1a: {  	s8 =	sadd.s32 $0xFFFFE003, lr  }
0x1b: {  	s9 =	sadd.s32 $0xFFFFFEF7, lr;
	s5 =	simm.s32 $0xFFFFFFFF;
	p2 =	slt.u32 s8, $0xFFFFF086  }
0x1c: {  	p1 =	slt.u32 s9, $0xF7A;
	s5 =	simm.s32 @!p2 $0x0  }
0x1d: {  	s5 =	simm.s32 @p1 $0x1;
	p0 =	seq.s32 s7, s2  }
0x1e: {  	s7 =	smul.u32 @!p0 $0xF7A, s2;
	p2 =	seq.s32 @!p0 s5, $0x0  }
0x1f: {  	s9 =	smul.u32 $0xF7A, s1;
	s8 =	simm.s32 @!p0 $0x1BF5;
	p2 =	por !p2, p0  }
0x20: {  	[sflag:s8] =	ssyncset.s32 @!p0 $0xFFFFF086;
	s6 =	sadd.s32 @!p0 s3, s7;
	s7 =	simm.s32 @!p0 $0x108  }
0x21: {  	s3 =	sadd.s32 s3, s9;
	s6 =	sadd.s32 @!p0 $0x88, s6;
	s7 =	simm.s32 @p2 $0x1082  }
0x22: {  	[simem:s7], [sflag:s8] =	dma.local @!p0 [hbm:s6], $0xF7A  }
0x23: {  	s9 =	sor.u32 $0xD0000000, s2;
	s6 =	simm.s32 $0x108;
	_ =	swait.ge @!p0 [sflag:s8], $0x0  }
0x24: {  	s3 =	sadd.s32 $0x88, s3;
	s6 =	simm.s32 @!p1 $0x1082;
	[sflag:s4] =	ssyncset.s32 $0xFFFFF086  }
0x25: {  	[simem:s6], [sflag:s4] =	dma.local [hbm:s3], $0xF7A  }
0x26: {  	[smem:$0x3F94] =	sst s1;
	(tag) =	ssettag s2;
	_ =	strace s9  }
0x27: {  	s1 =	sld [smem:$0x3FA4]  }
0x28: {  	s2 =	sld [smem:$0x3FA5]  }
0x29: {  	s4 =	sld [smem:$0x3FA7]  }
0x2a: {  	p0 =	seq.s32 s5, $0x0;
	s5 =	sld [smem:$0x3FA8]  }
0x2b: {  	s6 =	sld [smem:$0x3FA9]  }
0x2c: {  	s7 =	sld [smem:$0x3FAA]  }
0x2d: {  	s3 =	simm.s32 $0x108;
	s8 =	sld [smem:$0x3FAB]  }
0x2e: {  	s3 =	simm.s32 @!p0 $0x1082;
	s9 =	sld [smem:$0x3FAC]  }
0x2f: {  	lr =	sadd.s32 s0, s3;
	s0 =	sld [smem:$0x3FA3]  }
0x30: {  	s3 =	sld [smem:$0x3FA6]  }
0x31: {  	[smem:$0x3FAF] =	sst s10  }
0x32: {  	s10 =	sld [smem:$0x3FAD];
	_ =	sdelay $0x3  }
0x33: {  	p0 =	seq.s32 s10, $0x1;
	s10 =	sld [smem:$0x3FAF];
	_ =	sdelay $0x3  }
0x34: {  	[smem:$0x3FAF] =	sst s10  }
0x35: {  	s10 =	sld [smem:$0x3FAE];
	_ =	sdelay $0x3  }
0x36: {  	p1 =	seq.s32 s10, $0x1;
	s10 =	sld [smem:$0x3FAF];
	_ =	sdelay $0x3  }
0x37: {  	[smem:$0x3FAF] =	sst s10  }
0x38: {  	s10 =	sld [smem:$0x3FB0]  }
0x39: {  	_ = 	snop;
	(pc) =	sbr.ind lr, $3  }
0x3a: {  	_ = 	snop  }
0x3b: {  	_ = 	snop  }
0x3c: {  	p2 =	seq.s32 s10, $0x1;
	s10 =	sld [smem:$0x3FAF]  }
0x3d: {  	_ =	shalt  }
0x3e: {  	_ =	shalt  }
0x3f: {  	_ =	shalt  }
0x40: {  	_ =	shalt  }
0x41: {  	_ =	shalt  }
0x42: {  	_ =	shalt  }
0x43: {  	_ =	shalt  }
0x44: {  	_ =	shalt  }
0x45: {  	_ =	shalt  }
0x46: {  	_ =	shalt  }
0x47: {  	_ =	shalt  }
0x48: {  	_ =	shalt  }
0x49: {  	_ =	shalt  }
0x4a: {  	_ =	shalt  }
0x4b: {  	_ =	shalt  }
0x4c: {  	_ =	shalt  }
0x4d: {  	_ =	shalt  }
0x4e: {  	_ =	shalt  }
0x4f: {  	_ =	shalt  }
0x50: {  	_ =	shalt  }
0x51: {  	_ =	shalt  }
0x52: {  	_ =	shalt  }
0x53: {  	_ =	shalt  }
0x54: {  	_ =	shalt  }
0x55: {  	_ =	shalt  }
0x56: {  	_ =	shalt  }
0x57: {  	_ =	shalt  }
0x58: {  	_ =	shalt  }
0x59: {  	_ =	shalt  }
0x5a: {  	_ =	shalt  }
0x5b: {  	_ =	shalt  }
0x5c: {  	_ =	shalt  }
0x5d: {  	_ =	shalt  }
0x5e: {  	_ =	shalt  }
0x5f: {  	_ =	shalt  }
0x60: {  	_ =	shalt  }
0x61: {  	_ =	shalt  }
0x62: {  	_ =	shalt  }
0x63: {  	_ =	shalt  }
0x64: {  	_ =	shalt  }
0x65: {  	_ =	shalt  }
0x66: {  	_ =	shalt  }
0x67: {  	_ =	shalt  }
0x68: {  	_ =	shalt  }
0x69: {  	_ =	shalt  }
0x6a: {  	_ =	shalt  }
0x6b: {  	_ =	shalt  }
0x6c: {  	_ =	shalt  }
0x6d: {  	_ =	shalt  }
0x6e: {  	_ =	shalt  }
0x6f: {  	_ =	shalt  }
0x70: {  	_ =	shalt  }
0x71: {  	_ =	shalt  }
0x72: {  	_ =	shalt  }
0x73: {  	_ =	shalt  }
0x74: {  	_ =	shalt  }
0x75: {  	_ =	shalt  }
0x76: {  	_ =	shalt  }
0x77: {  	_ =	shalt  }
0x78: {  	_ =	shalt  }
0x79: {  	_ =	shalt  }
0x7a: {  	_ =	shalt  }
0x7b: {  	_ =	shalt  }
0x7c: {  	_ =	shalt  }
0x7d: {  	_ =	shalt  }
0x7e: {  	_ =	shalt  }
0x7f: {  	_ =	shalt  }
0x80: {  	_ =	shalt  }
0x81: {  	_ =	shalt  }
0x82: {  	_ =	shalt  }
0x83: {  	_ =	shalt  }
0x84: {  	_ =	shalt  }
0x85: {  	_ =	shalt  }
0x86: {  	_ =	shalt  }
0x87: {  	_ =	shalt  }
.Lfunc_end0:
.L_simem_size_0:
called_computation.2_lowered:
.L_overlay_start_0:
0x88: {  	s2 =	sld [smem:$0x3FD9]  }
0x89: {  	s3 =	sld [smem:$0x3FFE];
	_ =	sdelay $0x1  }
0x8a: {  	s1 =	srdreg.scid  }
0x8b: {  	s0 =	sand.u32 $0x1, s1  }
0x8c: {  	s17 =	sshll.u32 s0, $0xA;
	s2 =	sadd.s32 s3, s2  }
0x8d: {  	s2 =	sadd.s32 s2, s17  }
0x8e: {  	[smem:$0x3FBB] =	sst s2  }
0x8f: {  	_ = 	snop  }
0x90: {  	s2 =	sld [smem:$0x3FD0];
	(tm) =	ssettm $0x1  }
0x91: {  	s18 =	sld [smem:$0x3FFB];
	_ =	sdelay $0x3  }
0x92: {  	_ =	strace s18  }
0x93: {  	s3 =	sld [smem:$0x3FFC];
	_ =	sdelay $0x3  }
0x94: {  	_ =	strace s3  }
0x95: {  	s3 =	sld [smem:$0x3FFD];
	_ =	sdelay $0x3  }
0x96: {  	_ =	strace s3  }
0x97: {  	_ =	strace $0x8FFFFFFF  }
0x98: {  	s19 =	sld [smem:$0x3FDB];
	_ =	sdelay $0x1  }
0x99: {  	s4 =	simm.s32 $_scs_section_size  }
0x9a: {  	s5 =	simm.s32 $_size__tile_overlayer_lowered;
	s6 =	simm.s32 $_tile_overlayer_lowered  }
0x9b: {  	s22 =	simm.s32 $0x1BFF;
	s21 =	sshll.u32 s6, $0x1;
	s3 =	sadd.s32 s4, s19  }
0x9c: {  	s7 =	simm.s32 $0x0;
	s20 =	sshll.u32 s5, $0x1;
	s5 =	sadd.s32 s21, s3  }
0x9d: {  	[timem:s7], [sflag:s22] =	dma.local [hbm:s5], s20  }
0x9e: {  	_ =	swait.ge [sflag:s22], s20  }
0x9f: {  	s4 =	ssub.s32 $0x0, s20;
	[sflag:s22] =	ssyncset.done $0x0  }
0xa0: {  	[sflag:s22] =	ssyncadd.s32 s4;
	_ =	sdelay $0x1  }
0xa1: {  	s23 =	simm.s32 $0x1B8B  }
0xa2: {  	_ =	swait.ge [sflag:s23], $0x1  }
0xa3: {  	[sflag:s23] =	ssyncset.done $0x0  }
0xa4: {  	s25 =	simm.s32 $0x1B8E;
	s24 =	sld [smem:$0x3FFE];
	[sflag:s23] =	ssyncadd.s32 $0xFFFFFFFF  }
0xa5: {  	s26 =	simm.s32 $execute0_lowered;
	[smem:$0x3FD2] =	sst s25  }
0xa6: {  	s5 =	sshll.u32 s26, $0x1;
	_ =	strace $0x8000004C;
	[dreg:$0x1] =	wrdreg $0xFFFFFFFF  }
0xa7: {  	s28 =	simm.s32 $_size_execute0_lowered;
	s3 =	sadd.s32 s3, s5;
	[dreg:$0x0] =	wrdreg $0x0  }
0xa8: {  	s5 =	sshll.u32 s28, $0x1;
	[dreg:$0x2] =	wrdreg s3  }
0xa9: {  	[dreg:$0x3] =	wrdreg s5  }
0xaa: {  	[dreg:$0x4] =	wrdreg $0xC0  }
0xab: {  	_ =	task [dreg:s7], $0x5FFFF  }
0xac: {  	[dreg:$0x1] =	wrdreg $0xFFFFFFFF  }
0xad: {  	[dreg:$0x0] =	wrdreg $0x60  }
0xae: {  	[dreg:$0x2] =	wrdreg s24  }
0xaf: {  	[dreg:$0x3] =	wrdreg s2  }
0xb0: {  	[dreg:$0x4] =	wrdreg $0x9  }
0xb1: {  	_ =	task.clear_ibuf [dreg:s7], $0x5FFFF;
	_ =	strace $0x9000004C  }
0xb2: {  	s29 =	simm.s32 $0x9;
	_ =	strace $0x8000004E  }
0xb3: {  	_ =	swait.ge [sflag:s29], $0x1  }
0xb4: {  	[sflag:s29] =	ssyncadd.s32 $0xFFFFFFFF  }
0xb5: {  	_ =	strace $0x9000004E  }
0xb6: {  	_ =	sfence  }
0xb7: {  	s30 =	sld [smem:$0x0];
	_ =	sdelay $0x2  }
0xb8: {  	s31 =	sshll.u32 s1, $0xD;
	s1 =	sshrl.u32 s1, $0x2  }
0xb9: {  	s3 =	sand.u32 $0x4000, s31;
	s1 =	sadd.s32 s1, s30  }
0xba: {  	s0 =	sor.u32 s3, s0;
	s1 =	sshll.u32 s1, $0x11  }
0xbb: {  	s0 =	sor.u32 s1, s0  }
0xbc: {  	s0 =	sadd.s32 $0x8F2B, s0  }
0xbd: {  	[sflag:s0] =	ssyncadd.remote.s32 $0x1  }
0xbe: {  	_ =	sfence.sel $0xFFFF  }
0xbf: {  	[dreg:$0x0] =	wrdreg $0xFFFFFFFF;
	(pc) =	sbr.abs _section_cstart, $3  }
0xc0: {  	[dreg:$0x1] =	wrdreg $0xFFFFFFFF  }
0xc1: {  	_ =	task.clear_ibuf [dreg:s7], $0x2FFFF;
	_ =	strace $0x9FFFFFFF  }
0xc2: {  	(tm) =	ssettm $0x7FFFFFFF  }
0xc3: {  	_ =	shalt  }
tec
execute0_lowered:
.L_overlay_start_1:
0x0: {  	(tag) =	ssettag $0x1  }
0x1: {  	s1 =	stileid.u32  }
0x2: {  	p0 =	sgt.u32 s1, $0x7  }
.Ltmp0:
0x3: {  	_ = 	snop;
	(pc) =	sbr.rel @p0 .LBB2_9-.Ltmp0, $4  }
0x4: {  	s3 =	rddreg [dreg:$0x0]  }
0x5: {  	s4 =	rddreg [dreg:$0x1];
	s2 =	simm.s32 $0x0  }
0x6: {  	[smem:$0x7FF] =	sst s2  }
0x7: {  	s0 =	rddreg [dreg:$0x2];
	_ =	strace $0x8000004D  }
0x8: {  	s5 =	srdreg.scid  }
0x9: {  	s6 =	sshll.u32 s1, $0x8;
	s7 =	sshrl.u32 s1, $0x2;
	s9 =	sadd.s32 $0x2BA00, s3  }
0xa: {  	s10 =	simm.s32 $0x1;
	s5 =	sand.u32 $0x1, s5;
	s6 =	sand.u32 $0x300, s6  }
0xb: {  	s29 =	sshll.u32 s7, $0xC;
	s7 =	smul.u32 $0x13C00, s7;
	s8 =	sshll.u32 s5, $0x7  }
0xc: {  	s11 =	simm.s32 $0x2980;
	s12 =	simm.s32 $0x0;
	s6 =	sor.u32 s8, s6  }
0xd: {  	s5 =	ssub.s32 $0x2, s5;
	s8 =	sor.u32 s29, s6;
	s6 =	sor.u32 s7, s6  }
0xe: {  	s31 =	sshrl.u32 s5, $0x1;
	s8 =	sshrl.u32 s8, $0x3;
	s6 =	sshrl.u32 s6, $0x3  }
0xf: {  	s7 =	ssub.s32 s5, s31;
	s30 =	sadd.s32 s8, s3;
	s4 =	sadd.s32 s4, s6  }
0x10: {  	s5 =	sadd.s32 s9, s8;
	s6 =	smax.u32 s7, $0x1;
	s7 =	simm.s32 $0x80  }
0x11: {  	v0 =	vimm.f32 $0.0e+00;
	s8 =	simm.s32 $0x400;
	s9 =	simm.s32 $0x2780;
	s3 =	sadd.s32 $0x2400, s30  }
.LBB2_2:
0x12: {  	[tilespmem:s9], [sflag:$0x1] =	stream.strided.gather [hbm4b:s5+s7], $0x200, s8, s7, $0x38;
	[tilespmem:$0x2B80] =	vst v63  }
0x13: {  	_ =	swait.ge [sflag:s10], $0x200  }
0x14: {  	[sflag:s10] =	ssyncset.done $0x0  }
0x15: {  	[sflag:s10] =	ssyncadd.s32 $0xFFFFFE00  }
0x16: {  	[tilespmem:s11], [sflag:$0x1] =	stream.strided.gather [hbm4b:s3+s7], $0x200, s8, s7, $0x38;
	[tilespmem:$0x2B80] =	vst v63  }
0x17: {  	_ =	swait.ge [sflag:s10], $0x200  }
0x18: {  	[sflag:s10] =	ssyncset.done $0x0  }
0x19: {  	s14 =	simm.s32 $0x140;
	s13 =	simm.s32 $0x0;
	[sflag:s10] =	ssyncadd.s32 $0xFFFFFE00  }
.LBB2_3:
0x1a: {  	p0 =	sne.s32 s14, $0x9B00;
	[tilespmem:s13+$0x40] =	vst v0;
	s15 =	smov.u32 s14;
	s14 =	sadd.s32 $0x140, s14  }
.Ltmp1:
0x1b: {  	[tilespmem:s13+$0x30] =	vst v0;
	(pc) =	sbr.rel @p0 .LBB2_3-.Ltmp1, $4  }
0x1c: {  	[tilespmem:s13+$0x20] =	vst v0  }
0x1d: {  	[tilespmem:s13+$0x0] =	vst v0  }
0x1e: {  	[tilespmem:s13+$0x10] =	vst v0  }
0x1f: {  	s13 =	sshra.s32 s15, $0x2  }
0x20: {  	[tilespmem:s13+$0x40] =	vst v0  }
0x21: {  	[tilespmem:s13+$0x30] =	vst v0  }
0x22: {  	[tilespmem:s13+$0x20] =	vst v0  }
0x23: {  	[tilespmem:s13+$0x0] =	vst v0  }
0x24: {  	[tilespmem:s13+$0x10] =	vst v0;
	s14 =	simm.s32 $0x0;
	s13 =	simm.s32 $0x40  }
.LBB2_5:
0x25: {  	p0 =	sne.s32 s13, $0x600;
	v1 =	vld [tilespmem:s14+$0x2780];
	_ =	sdelay $0x2  }
0x26: {  	v2 =	vld [tilespmem:s14+$0x2980]  }
.Ltmp2:
0x27: {  	(pc) =	sbr.rel @p0 .LBB2_5-.Ltmp2, $3  }
0x28: {  	_ =	sdelay $0x1  }
0x29: {  	s15 =	simm.s32 $0x0  }
0x2a: {  	s14 =	sshra.s32 s13, $0x2;
	s13 =	sadd.s32 $0x40, s13;
	[tilespmem:v1+s15+$0x0] =	vst.idx.add.f32.msk $0xffff, v2  }
0x2b: {  	v1 =	vld [tilespmem:s14+$0x2780];
	_ =	sdelay $0x2  }
0x2c: {  	v2 =	vld [tilespmem:s14+$0x2980];
	_ =	sdelay $0x4  }
0x2d: {  	s13 =	simm.s32 $0x0;
	[tilespmem:v1+s15+$0x0] =	vst.idx.add.f32.msk $0xffff, v2  }
0x2e: {  	v4 =	vld [tilespmem:s13+$0x0]  }
0x2f: {  	v3 =	vld [tilespmem:s13+$0x10]  }
0x30: {  	v2 =	vld [tilespmem:s13+$0x20]  }
0x31: {  	s14 =	simm.s32 $0x140;
	v1 =	vld [tilespmem:s13+$0x30]  }
.LBB2_7:
0x32: {  	p0 =	sne.s32 s14, $0x9B00;
	v5 =	vld [tilespmem:s13+$0x40]  }
0x33: {  	v4 =	vmin.f32 v4, $1.000000000e+00  }
.Ltmp3:
0x34: {  	s15 =	sshra.s32 s14, $0x2;
	[tilespmem:s13+$0x0] =	vst v4;
	v3 =	vmin.f32 v3, $1.000000000e+00;
	(pc) =	sbr.rel @p0 .LBB2_7-.Ltmp3, $4  }
0x35: {  	v4 =	vld [tilespmem:s15+$0x0];
	[tilespmem:s13+$0x10] =	vst v3;
	v2 =	vmin.f32 v2, $1.000000000e+00  }
0x36: {  	v3 =	vld [tilespmem:s15+$0x10];
	[tilespmem:s13+$0x20] =	vst v2;
	v1 =	vmin.f32 v1, $1.000000000e+00  }
0x37: {  	v2 =	vld [tilespmem:s15+$0x20];
	[tilespmem:s13+$0x30] =	vst v1;
	v5 =	vmin.f32 v5, $1.000000000e+00  }
0x38: {  	s14 =	sadd.s32 $0x140, s14;
	v1 =	vld [tilespmem:s15+$0x30];
	[tilespmem:s13+$0x40] =	vst v5;
	s13 =	smov.u32 s15  }
0x39: {  	v5 =	vld [tilespmem:s13+$0x40]  }
0x3a: {  	v4 =	vmin.f32 v4, $1.000000000e+00  }
0x3b: {  	[tilespmem:s13+$0x0] =	vst v4;
	v3 =	vmin.f32 v3, $1.000000000e+00  }
0x3c: {  	[tilespmem:s13+$0x10] =	vst v3;
	v2 =	vmin.f32 v2, $1.000000000e+00  }
0x3d: {  	s12 =	sadd.s32 $0x1, s12;
	[tilespmem:s13+$0x20] =	vst v2;
	v1 =	vmin.f32 v1, $1.000000000e+00  }
0x3e: {  	p0 =	sne.s32 s12, s6;
	[tilespmem:s13+$0x30] =	vst v1;
	v1 =	vmin.f32 v5, $1.000000000e+00  }
.Ltmp4:
0x3f: {  	[tilespmem:s13+$0x40] =	vst v1;
	(pc) =	sbr.rel @p0 .LBB2_2-.Ltmp4, $4  }
0x40: {  	[hbm4b:s4+s7] =	stream.strided.scatter [tilespmem:s2], [sflag:$0x1], $0x2780, s8, s7, $0x38;
	[tilespmem:$0x2B80] =	vst v63  }
0x41: {  	_ =	swait.ge [sflag:s10], $0x2780  }
0x42: {  	[sflag:s10] =	ssyncset.done $0x0  }
0x43: {  	[sflag:s10] =	ssyncadd.s32 $0xFFFFD880  }
.LBB2_9:
0x44: {  	_ =	sfence.sel $0x180000  }
0x45: {  	[bflag:$0x0] =	sbarrier.arrive $0xFFFF  }
0x46: {  	p0 =	sne.s32 s1, $0x0;
	_ =	strace $0x9000004D  }
0x47: {  	s0 =	sadd.s32 @!p0 $0x100000, s0;
	[bflag:$0x2] =	sbarrier.arrive $0xFFFF  }
0x48: {  	[sflag:s0] =	ssyncadd.tile.s32 @!p0 $0x1;
	_ =	shalt  }
.Lfunc_end2:
_tile_overlayer_lowered:
.L_overlay_start_2:
0x49: {  	(tag) =	ssettag $0x2  }
0x4a: {  	s0 =	rddreg [dreg:$0x0];
	s2 =	stileid.u32  }
0x4b: {  	s1 =	rddreg [dreg:$0x1];
	p0 =	sne.s32 s2, $0x0  }
0x4c: {  	s3 =	rddreg [dreg:$0x2];
	[bflag:$0x3] =	sbarrier.arrive $0xFFFF;
	s2 =	simm.s32 @!p0 $0x1C01  }
0x4d: {  	[timem:s3], [sflag:s2] =	dma.local @!p0 [hbm:s0], s1  }
0x4e: {  	s0 =	simm.s32 @!p0 $0x1  }
0x4f: {  	_ =	swait.ge @!p0 [sflag:s0], s1  }
0x50: {  	s1 =	ssub.s32 @!p0 $0x0, s1;
	[sflag:s0] =	ssyncset.done @!p0 $0x0  }
0x51: {  	[sflag:s0] =	ssyncadd.s32 @!p0 s1  }
0x52: {  	[bflag:$0x3] =	sbarrier.arrive $0xFFFF  }
0x53: {  	_ =	shalt  }

// kernel: kernel.7.cloned.1.call-start
scs
__scs_entry_jumppad:
0x0: {  	(pc) =	sbr.rel $0x88, $3  }
0x1: {  	(tag) =	ssettag $0x0;
	lr =	simm.s32 $0x1  }
0x2: {  	[smem:$0x3F94] =	sst lr;
	_ =	strace $0xD0000000  }
0x3: {  	_ = 	snop  }
0x4: {  	_ = 	snop  }
0x5: {  	_ = 	snop  }
0x6: {  	_ = 	snop  }
0x7: {  	_ = 	snop  }
__scs_overlays_trampoline_lowered:
0x8: {  	[smem:$0x3FA3] =	sst s0  }
0x9: {  	[smem:$0x3FA4] =	sst s1  }
0xa: {  	[smem:$0x3FA5] =	sst s2  }
0xb: {  	[smem:$0x3FA6] =	sst s3  }
0xc: {  	[smem:$0x3FA7] =	sst s4  }
0xd: {  	[smem:$0x3FA8] =	sst s5  }
0xe: {  	[smem:$0x3FA9] =	sst s6  }
0xf: {  	[smem:$0x3FAA] =	sst s7  }
0x10: {  	[smem:$0x3FAB] =	sst s8  }
0x11: {  	[smem:$0x3FAC] =	sst s9;
	s0 =	simm.s32 @!p0 $0x0  }
0x12: {  	s1 =	sld [smem:$0x3F92];
	s0 =	simm.s32 @p0 $0x1  }
0x13: {  	[smem:$0x3FAD] =	sst s0;
	s0 =	simm.s32 @!p1 $0x0  }
0x14: {  	s2 =	sld [smem:$0x3F91];
	s0 =	simm.s32 @p1 $0x1  }
0x15: {  	[smem:$0x3FAE] =	sst s0;
	s0 =	simm.s32 @!p2 $0x0  }
0x16: {  	s3 =	sld [smem:$0x3FDB];
	s0 =	simm.s32 @p2 $0x1  }
0x17: {  	s4 =	simm.s32 $0x1BF5;
	[smem:$0x3FB0] =	sst s0  }
0x18: {  	s0 =	sld [smem:$0x3F93];
	_ =	swait.ge [sflag:s4], $0x0  }
0x19: {  	s7 =	sld [smem:$0x3F94]  }
0x1a: {  	s8 =	sadd.s32 $0xFFFFE003, lr  }
0x1b: {  	s9 =	sadd.s32 $0xFFFFFEF7, lr;
	s5 =	simm.s32 $0xFFFFFFFF;
	p2 =	slt.u32 s8, $0xFFFFF086  }
0x1c: {  	p1 =	slt.u32 s9, $0xF7A;
	s5 =	simm.s32 @!p2 $0x0  }
0x1d: {  	s5 =	simm.s32 @p1 $0x1;
	p0 =	seq.s32 s7, s2  }
0x1e: {  	s7 =	smul.u32 @!p0 $0xF7A, s2;
	p2 =	seq.s32 @!p0 s5, $0x0  }
0x1f: {  	s9 =	smul.u32 $0xF7A, s1;
	s8 =	simm.s32 @!p0 $0x1BF5;
	p2 =	por !p2, p0  }
0x20: {  	[sflag:s8] =	ssyncset.s32 @!p0 $0xFFFFF086;
	s6 =	sadd.s32 @!p0 s3, s7;
	s7 =	simm.s32 @!p0 $0x108  }
0x21: {  	s3 =	sadd.s32 s3, s9;
	s6 =	sadd.s32 @!p0 $0x88, s6;
	s7 =	simm.s32 @p2 $0x1082  }
0x22: {  	[simem:s7], [sflag:s8] =	dma.local @!p0 [hbm:s6], $0xF7A  }
0x23: {  	s9 =	sor.u32 $0xD0000000, s2;
	s6 =	simm.s32 $0x108;
	_ =	swait.ge @!p0 [sflag:s8], $0x0  }
0x24: {  	s3 =	sadd.s32 $0x88, s3;
	s6 =	simm.s32 @!p1 $0x1082;
	[sflag:s4] =	ssyncset.s32 $0xFFFFF086  }
0x25: {  	[simem:s6], [sflag:s4] =	dma.local [hbm:s3], $0xF7A  }
0x26: {  	[smem:$0x3F94] =	sst s1;
	(tag) =	ssettag s2;
	_ =	strace s9  }
0x27: {  	s1 =	sld [smem:$0x3FA4]  }
0x28: {  	s2 =	sld [smem:$0x3FA5]  }
0x29: {  	s4 =	sld [smem:$0x3FA7]  }
0x2a: {  	p0 =	seq.s32 s5, $0x0;
	s5 =	sld [smem:$0x3FA8]  }
0x2b: {  	s6 =	sld [smem:$0x3FA9]  }
0x2c: {  	s7 =	sld [smem:$0x3FAA]  }
0x2d: {  	s3 =	simm.s32 $0x108;
	s8 =	sld [smem:$0x3FAB]  }
0x2e: {  	s3 =	simm.s32 @!p0 $0x1082;
	s9 =	sld [smem:$0x3FAC]  }
0x2f: {  	lr =	sadd.s32 s0, s3;
	s0 =	sld [smem:$0x3FA3]  }
0x30: {  	s3 =	sld [smem:$0x3FA6]  }
0x31: {  	[smem:$0x3FAF] =	sst s10  }
0x32: {  	s10 =	sld [smem:$0x3FAD];
	_ =	sdelay $0x3  }
0x33: {  	p0 =	seq.s32 s10, $0x1;
	s10 =	sld [smem:$0x3FAF];
	_ =	sdelay $0x3  }
0x34: {  	[smem:$0x3FAF] =	sst s10  }
0x35: {  	s10 =	sld [smem:$0x3FAE];
	_ =	sdelay $0x3  }
0x36: {  	p1 =	seq.s32 s10, $0x1;
	s10 =	sld [smem:$0x3FAF];
	_ =	sdelay $0x3  }
0x37: {  	[smem:$0x3FAF] =	sst s10  }
0x38: {  	s10 =	sld [smem:$0x3FB0]  }
0x39: {  	_ = 	snop;
	(pc) =	sbr.ind lr, $3  }
0x3a: {  	_ = 	snop  }
0x3b: {  	_ = 	snop  }
0x3c: {  	p2 =	seq.s32 s10, $0x1;
	s10 =	sld [smem:$0x3FAF]  }
0x3d: {  	_ =	shalt  }
0x3e: {  	_ =	shalt  }
0x3f: {  	_ =	shalt  }
0x40: {  	_ =	shalt  }
0x41: {  	_ =	shalt  }
0x42: {  	_ =	shalt  }
0x43: {  	_ =	shalt  }
0x44: {  	_ =	shalt  }
0x45: {  	_ =	shalt  }
0x46: {  	_ =	shalt  }
0x47: {  	_ =	shalt  }
0x48: {  	_ =	shalt  }
0x49: {  	_ =	shalt  }
0x4a: {  	_ =	shalt  }
0x4b: {  	_ =	shalt  }
0x4c: {  	_ =	shalt  }
0x4d: {  	_ =	shalt  }
0x4e: {  	_ =	shalt  }
0x4f: {  	_ =	shalt  }
0x50: {  	_ =	shalt  }
0x51: {  	_ =	shalt  }
0x52: {  	_ =	shalt  }
0x53: {  	_ =	shalt  }
0x54: {  	_ =	shalt  }
0x55: {  	_ =	shalt  }
0x56: {  	_ =	shalt  }
0x57: {  	_ =	shalt  }
0x58: {  	_ =	shalt  }
0x59: {  	_ =	shalt  }
0x5a: {  	_ =	shalt  }
0x5b: {  	_ =	shalt  }
0x5c: {  	_ =	shalt  }
0x5d: {  	_ =	shalt  }
0x5e: {  	_ =	shalt  }
0x5f: {  	_ =	shalt  }
0x60: {  	_ =	shalt  }
0x61: {  	_ =	shalt  }
0x62: {  	_ =	shalt  }
0x63: {  	_ =	shalt  }
0x64: {  	_ =	shalt  }
0x65: {  	_ =	shalt  }
0x66: {  	_ =	shalt  }
0x67: {  	_ =	shalt  }
0x68: {  	_ =	shalt  }
0x69: {  	_ =	shalt  }
0x6a: {  	_ =	shalt  }
0x6b: {  	_ =	shalt  }
0x6c: {  	_ =	shalt  }
0x6d: {  	_ =	shalt  }
0x6e: {  	_ =	shalt  }
0x6f: {  	_ =	shalt  }
0x70: {  	_ =	shalt  }
0x71: {  	_ =	shalt  }
0x72: {  	_ =	shalt  }
0x73: {  	_ =	shalt  }
0x74: {  	_ =	shalt  }
0x75: {  	_ =	shalt  }
0x76: {  	_ =	shalt  }
0x77: {  	_ =	shalt  }
0x78: {  	_ =	shalt  }
0x79: {  	_ =	shalt  }
0x7a: {  	_ =	shalt  }
0x7b: {  	_ =	shalt  }
0x7c: {  	_ =	shalt  }
0x7d: {  	_ =	shalt  }
0x7e: {  	_ =	shalt  }
0x7f: {  	_ =	shalt  }
0x80: {  	_ =	shalt  }
0x81: {  	_ =	shalt  }
0x82: {  	_ =	shalt  }
0x83: {  	_ =	shalt  }
0x84: {  	_ =	shalt  }
0x85: {  	_ =	shalt  }
0x86: {  	_ =	shalt  }
0x87: {  	_ =	shalt  }
.Lfunc_end0:
.L_simem_size_0:
called_computation_lowered:
.L_overlay_start_0:
0x88: {  	s2 =	sld [smem:$0x3FD9]  }
0x89: {  	s3 =	sld [smem:$0x3FFE];
	_ =	sdelay $0x1  }
0x8a: {  	s1 =	srdreg.scid  }
0x8b: {  	s0 =	sand.u32 $0x1, s1  }
0x8c: {  	s17 =	sshll.u32 s0, $0xA;
	s2 =	sadd.s32 s3, s2  }
0x8d: {  	s2 =	sadd.s32 s2, s17  }
0x8e: {  	[smem:$0x3FBB] =	sst s2  }
0x8f: {  	_ = 	snop  }
0x90: {  	s2 =	sld [smem:$0x3FC9]  }
0x91: {  	s18 =	sld [smem:$0x3FD0];
	(tm) =	ssettm $0x1  }
0x92: {  	s4 =	sld [smem:$0x3FFB];
	_ =	sdelay $0x3  }
0x93: {  	_ =	strace s4  }
0x94: {  	s4 =	sld [smem:$0x3FFC];
	_ =	sdelay $0x3  }
0x95: {  	_ =	strace s4  }
0x96: {  	s4 =	sld [smem:$0x3FFD];
	_ =	sdelay $0x3  }
0x97: {  	_ =	strace s4  }
0x98: {  	_ =	strace $0x8FFFFFFF  }
0x99: {  	s19 =	sld [smem:$0x3FDB];
	_ =	sdelay $0x1  }
0x9a: {  	s5 =	simm.s32 $_scs_section_size  }
0x9b: {  	s6 =	simm.s32 $_size__tile_overlayer_lowered;
	s7 =	simm.s32 $_tile_overlayer_lowered  }
0x9c: {  	s22 =	simm.s32 $0x1BFF;
	s21 =	sshll.u32 s7, $0x1;
	s4 =	sadd.s32 s5, s19  }
0x9d: {  	s8 =	simm.s32 $0x0;
	s20 =	sshll.u32 s6, $0x1;
	s6 =	sadd.s32 s21, s4  }
0x9e: {  	[timem:s8], [sflag:s22] =	dma.local [hbm:s6], s20  }
0x9f: {  	_ =	swait.ge [sflag:s22], s20  }
0xa0: {  	s5 =	ssub.s32 $0x0, s20;
	[sflag:s22] =	ssyncset.done $0x0  }
0xa1: {  	[sflag:s22] =	ssyncadd.s32 s5;
	_ =	sdelay $0x1  }
0xa2: {  	s23 =	simm.s32 $0x1B8B  }
0xa3: {  	_ =	swait.ge [sflag:s23], $0x1  }
0xa4: {  	[sflag:s23] =	ssyncset.done $0x0  }
0xa5: {  	s25 =	simm.s32 $0x1B8E;
	s24 =	sld [smem:$0x3FFE];
	[sflag:s23] =	ssyncadd.s32 $0xFFFFFFFF  }
0xa6: {  	s26 =	simm.s32 $execute0_lowered;
	[smem:$0x3FD2] =	sst s25  }
0xa7: {  	s6 =	sshll.u32 s26, $0x1;
	_ =	strace $0x80000046;
	[dreg:$0x1] =	wrdreg $0xFFFFFFFF  }
0xa8: {  	s28 =	simm.s32 $_size_execute0_lowered;
	s4 =	sadd.s32 s4, s6;
	[dreg:$0x0] =	wrdreg $0x0  }
0xa9: {  	s6 =	sshll.u32 s28, $0x1;
	[dreg:$0x2] =	wrdreg s4  }
0xaa: {  	[dreg:$0x3] =	wrdreg s6  }
0xab: {  	[dreg:$0x4] =	wrdreg $0xC0  }
0xac: {  	_ =	task [dreg:s8], $0x5FFFF  }
0xad: {  	[dreg:$0x1] =	wrdreg $0xFFFFFFFF  }
0xae: {  	[dreg:$0x0] =	wrdreg $0x60  }
0xaf: {  	[dreg:$0x2] =	wrdreg s2  }
0xb0: {  	[dreg:$0x3] =	wrdreg s24  }
0xb1: {  	[dreg:$0x4] =	wrdreg s18  }
0xb2: {  	[dreg:$0x5] =	wrdreg $0x9  }
0xb3: {  	_ =	task.clear_ibuf [dreg:s8], $0x6FFFF;
	_ =	strace $0x90000046  }
0xb4: {  	s29 =	simm.s32 $0x9;
	_ =	strace $0x80000048  }
0xb5: {  	_ =	swait.ge [sflag:s29], $0x1  }
0xb6: {  	[sflag:s29] =	ssyncadd.s32 $0xFFFFFFFF  }
0xb7: {  	_ =	strace $0x90000048  }
0xb8: {  	_ =	sfence  }
0xb9: {  	s30 =	sld [smem:$0x0];
	_ =	sdelay $0x2  }
0xba: {  	s31 =	sshll.u32 s1, $0xD;
	s1 =	sshrl.u32 s1, $0x2  }
0xbb: {  	s3 =	sand.u32 $0x4000, s31;
	s1 =	sadd.s32 s1, s30  }
0xbc: {  	s0 =	sor.u32 s3, s0;
	s1 =	sshll.u32 s1, $0x11  }
0xbd: {  	s0 =	sor.u32 s1, s0  }
0xbe: {  	s0 =	sadd.s32 $0x8F2B, s0  }
0xbf: {  	[sflag:s0] =	ssyncadd.remote.s32 $0x1  }
0xc0: {  	_ =	sfence.sel $0xFFFF  }
0xc1: {  	[dreg:$0x0] =	wrdreg $0xFFFFFFFF;
	(pc) =	sbr.abs _section_cstart, $3  }
0xc2: {  	[dreg:$0x1] =	wrdreg $0xFFFFFFFF  }
0xc3: {  	_ =	task.clear_ibuf [dreg:s8], $0x2FFFF;
	_ =	strace $0x9FFFFFFF  }
0xc4: {  	(tm) =	ssettm $0x7FFFFFFF  }
0xc5: {  	_ =	shalt  }
tec
execute0_lowered:
.L_overlay_start_1:
0x0: {  	(tag) =	ssettag $0x1  }
0x1: {  	s2 =	stileid.u32  }
0x2: {  	p0 =	sgt.u32 s2, $0x7  }
.Ltmp0:
0x3: {  	_ = 	snop;
	(pc) =	sbr.rel @p0 .LBB2_32-.Ltmp0, $4  }
0x4: {  	_ = 	snop  }
0x5: {  	s0 =	rddreg [dreg:$0x0];
	s3 =	simm.s32 $0x0  }
0x6: {  	[smem:$0x7FF] =	sst s3  }
0x7: {  	s1 =	rddreg [dreg:$0x1];
	_ =	strace $0x80000047  }
0x8: {  	s2 =	srdreg.scid;
	s5 =	stileid.u32  }
0x9: {  	s13 =	simm.s32 $0x2780;
	s14 =	simm.s32 $0x4F00;
	s15 =	simm.s32 $0x80  }
0xa: {  	s16 =	simm.s32 $0x400;
	s17 =	simm.s32 $0x2;
	s18 =	simm.s32 $0x1  }
0xb: {  	s19 =	simm.s32 $0x7E80;
	s2 =	sand.u32 $0x1, s2;
	s4 =	sshll.u32 s5, $0x8  }
0xc: {  	s7 =	sshrl.u32 s5, $0x2;
	s28 =	sshll.u32 s2, $0x7;
	s4 =	sand.u32 $0x300, s4  }
0xd: {  	s25 =	simm.s32 $0x0;
	s29 =	sshll.u32 s7, $0xC;
	s10 =	sor.u32 s28, s4  }
0xe: {  	s5 =	sadd.s32 $0x2A00, s1;
	s2 =	ssub.s32 $0x2, s2;
	s4 =	sor.u32 s29, s10  }
0xf: {  	s31 =	smul.u32 $0x13C00, s7;
	s12 =	sshrl.u32 s2, $0x1;
	s30 =	sshrl.u32 s4, $0x3  }
0x10: {  	s2 =	ssub.s32 s2, s12;
	s4 =	sadd.s32 $0x2400, s1;
	s11 =	sadd.s32 s30, s1  }
0x11: {  	s12 =	smax.u32 s2, $0x1;
	s1 =	sor.u32 s31, s10;
	s6 =	sadd.s32 $0x29C00, s11  }
0x12: {  	v0 =	vlaneseq.u32;
	v1 =	vimm.f32 $0.0e+00;
	s7 =	sadd.s32 $0x2AC00, s11;
	s8 =	sadd.s32 $0x2A000, s11;
	s1 =	sshrl.u32 s1, $0x3  }
0x13: {  	v4 =	vimm.s32 $0x0;
	v2 =	vor.u32 $0x80000000, v0;
	v3 =	vmul.u32 $0xFFFFFFFF, v0;
	s9 =	sadd.s32 $0x2A400, s11;
	s10 =	sadd.s32 $0x2A800, s11;
	s11 =	sadd.s32 s0, s1  }
.LBB2_2:
0x14: {  	s26 =	simm.s32 $0x0  }
0x15: {  	[tilespmem:s13], [sflag:$0x1] =	stream.linear.gather [hbm4b:s4+s26], $0x2780, $0x38;
	[tilespmem:$0x9880] =	vst v63  }
0x16: {  	s0 =	rddreg [dreg:$0x2]  }
0x17: {  	[tilespmem:s14], [sflag:$0x1] =	stream.linear.gather [hbm4b:s0+s26], $0x2780, $0x38;
	[tilespmem:$0x9880] =	vst v63  }
0x18: {  	_ = 	snop  }
0x19: {  	[tilespmem:s26], [sflag:$0x2] =	stream.strided.gather [hbm4b:s11+s15], $0x2780, s16, s15, $0x38;
	[tilespmem:$0x9880] =	vst v63  }
0x1a: {  	_ =	swait.ge [sflag:s17], $0x2780  }
0x1b: {  	[sflag:s17] =	ssyncset.done $0x0  }
0x1c: {  	[sflag:s17] =	ssyncadd.s32 $0xFFFFD880  }
0x1d: {  	_ =	swait.ge [sflag:s18], $0x2780  }
0x1e: {  	[sflag:s18] =	ssyncset.done $0x0  }
0x1f: {  	[sflag:s18] =	ssyncadd.s32 $0xFFFFD880  }
0x20: {  	_ =	swait.ge [sflag:s18], $0x2780  }
0x21: {  	[sflag:s18] =	ssyncset.done $0x0  }
0x22: {  	[sflag:s18] =	ssyncadd.s32 $0xFFFFD880  }
0x23: {  	[tilespmem:$0x7680] =	vst v4  }
0x24: {  	[tilespmem:$0x7690] =	vst v4  }
0x25: {  	[tilespmem:$0x76A0] =	vst v4  }
0x26: {  	[tilespmem:$0x76B0] =	vst v4  }
0x27: {  	[tilespmem:$0x76C0] =	vst v4  }
0x28: {  	[tilespmem:$0x76D0] =	vst v4  }
0x29: {  	[tilespmem:$0x76E0] =	vst v4  }
0x2a: {  	[tilespmem:$0x76F0] =	vst v4  }
0x2b: {  	[tilespmem:$0x7700] =	vst v4  }
0x2c: {  	[tilespmem:$0x7710] =	vst v4  }
0x2d: {  	[tilespmem:$0x7720] =	vst v4  }
0x2e: {  	[tilespmem:$0x7730] =	vst v4  }
0x2f: {  	[tilespmem:$0x7740] =	vst v4  }
0x30: {  	[tilespmem:$0x7750] =	vst v4  }
0x31: {  	[tilespmem:$0x7760] =	vst v4  }
0x32: {  	[tilespmem:$0x7770] =	vst v4  }
0x33: {  	[tilespmem:$0x7780] =	vst v4  }
0x34: {  	[tilespmem:$0x7790] =	vst v4  }
0x35: {  	[tilespmem:$0x77A0] =	vst v4  }
0x36: {  	[tilespmem:$0x77B0] =	vst v4  }
0x37: {  	[tilespmem:$0x77C0] =	vst v4  }
0x38: {  	[tilespmem:$0x77D0] =	vst v4  }
0x39: {  	[tilespmem:$0x77E0] =	vst v4  }
0x3a: {  	[tilespmem:$0x77F0] =	vst v4  }
0x3b: {  	[tilespmem:$0x7800] =	vst v4  }
0x3c: {  	[tilespmem:$0x7810] =	vst v4  }
0x3d: {  	[tilespmem:$0x7820] =	vst v4  }
0x3e: {  	v5 =	vld [tilespmem:$0x0];
	[tilespmem:$0x7830] =	vst v4  }
0x3f: {  	[tilespmem:$0x7840] =	vst v4  }
.Ltmp1:
0x40: {  	[tilespmem:$0x7850] =	vst v4;
	(pc) =	sbr.rel .LBB2_3-.Ltmp1, $4  }
0x41: {  	[tilespmem:$0x7860] =	vst v4  }
0x42: {  	vm0 =	veq.s32 v0, $0x0;
	[tilespmem:$0x7870] =	vst v4  }
0x43: {  	[tilespmem:$0x7C80] =	vst v4;
	v5 =	vsel vm0, $0xBF800000, v5  }
0x44: {  	s28 =	simm.s32 $0x0;
	s29 =	simm.s32 $0x0;
	s0 =	simm.s32 $0x0;
	[tilespmem:$0x0] =	vst v5;
	v5 =	vimm.s32 $0x0  }
.LBB2_7:
0x45: {  	s29 =	sadd.s32 $0x1, s29  }
0x46: {  	p0 =	sne.s32 s29, $0x4E  }
.Ltmp2:
0x47: {  	_ = 	snop;
	(pc) =	sbr.rel @!p0 .LBB2_8-.Ltmp2, $2  }
0x48: {  	_ =	sdelay $0x2  }
0x49: {  	s28 =	sadd.s32 $0x80, s28;
	s0 =	sadd.s32 $0x80, s0  }
.LBB2_3:
0x4a: {  	s1 =	sshll.u32 s29, $0x7  }
0x4b: {  	s1 =	sand.u32 $0x3FFFFF80, s1  }
0x4c: {  	v6 =	vld [tilespmem:s1+$0x0]  }
0x4d: {  	v7 =	vld [tilespmem:s1+$0x10]  }
0x4e: {  	v8 =	vld [tilespmem:s1+$0x20]  }
0x4f: {  	v9 =	vld [tilespmem:s1+$0x30]  }
0x50: {  	v10 =	vld [tilespmem:s1+$0x40]  }
0x51: {  	v11 =	vld [tilespmem:s1+$0x50]  }
0x52: {  	vm0 =	vgt.f32 v6, $6.999999880e-01;
	vm1 =	vgt.f32 v7, $6.999999880e-01;
	v6 =	vld [tilespmem:s1+$0x60]  }
0x53: {  	vm2 =	vgt.f32 v8, $6.999999880e-01;
	v7 =	vld [tilespmem:s1+$0x70];
	vm0 =	vmor vm0, vm1  }
0x54: {  	vm11 =	vgt.f32 v9, $6.999999880e-01;
	vm0 =	vmor vm0, vm2  }
0x55: {  	vm12 =	vgt.f32 v10, $6.999999880e-01;
	vm0 =	vmor vm0, vm11  }
0x56: {  	vm13 =	vgt.f32 v11, $6.999999880e-01;
	vm0 =	vmor vm0, vm12  }
0x57: {  	vm14 =	vgt.f32 v6, $6.999999880e-01;
	vm0 =	vmor vm0, vm13  }
0x58: {  	vm15 =	vgt.f32 v7, $6.999999880e-01;
	vm0 =	vmor vm0, vm14  }
0x59: {  	vm0 =	vmor vm0, vm15  }
0x5a: {  	v6 =	vsel vm0, $0x3F800000, v1  }
0x5b: {  	(xrf0) =	vmax.scan.msk.f32 $0xffff, v6;
	_ =	sdelay $0x5  }
0x5c: {  	v6, _, _ =	vpop (xrf0)  }
0x5d: {  	(v2sf) =	vpush v6, $0xF;
	_ =	sdelay $0xe  }
0x5e: {  	s31 =	spop (v2sf)  }
0x5f: {  	p0 =	sgt.f32 s31, $0.0e+00  }
.Ltmp3:
0x60: {  	_ = 	snop;
	(pc) =	sbr.rel @!p0 .LBB2_7-.Ltmp3, $1  }
0x61: {  	_ =	sdelay $0x3  }
0x62: {  	s1 =	sshra.s32 s26, $0x2  }
0x63: {  	s1 =	sadd.s32 s1, s28  }
0x64: {  	v6 =	vld [tilespmem:s1+$0x0];
	_ =	sdelay $0x4  }
0x65: {  	vm0 =	vgt.f32 v6, $6.999999880e-01  }
0x66: {  	v7 =	vsel vm0, $0x3F800000, v1  }
0x67: {  	(xrf0) =	vmax.scan.msk.f32 $0xffff, v7;
	_ =	sdelay $0x5  }
0x68: {  	v7, _, _ =	vpop (xrf0)  }
0x69: {  	(v2sf) =	vpush v7, $0xF;
	_ =	sdelay $0xe  }
0x6a: {  	s31 =	spop (v2sf)  }
0x6b: {  	p1 =	sgt.f32 s31, $0.0e+00;
	_ =	sdelay $0x1  }
0x6c: {  	vm0 =	vgt.f32 @p1 v6, $6.999999880e-01;
	v6 =	vimm.s32 @p1 $0x0  }
0x6d: {  	v6 =	vsel @p1 vm0, $0x1, v6  }
0x6e: {  	(xrf0) =	vadd.scan.msk.s32 @p1 $0xffff, v6;
	_ =	sdelay $0x4  }
0x6f: {  	v6 =	vbroadcast @p1 v5, $0x0  }
0x70: {  	v7, _, _ =	vpop @p1 (xrf0)  }
0x71: {  	v7 =	vadd.s32 @p1 v6, v7  }
0x72: {  	v7 =	vadd.s32 @p1 $0xFFFFFFFF, v7;
	_ =	sdelay $0x2  }
0x73: {  	v9 =	vlaneseq.u32 @p1;
	v8 =	vmpcnt.ones.xlane @p1 vm0  }
0x74: {  	s2 =	smov.u32 s0;
	s1 =	sadd.s32 $0x40, s26;
	s20 =	simm.s32 @p1 $0x7680;
	v9 =	vor.u32 @p1 s0, v9  }
.LBB2_5:
0x75: {  	s21 =	sshra.s32 s1, $0x2;
	[tilespmem:v7+s20+$0x0] =	vst.idx.msk @p1 vm0, v9;
	v6 =	vadd.s32 @p1 v8, v6  }
0x76: {  	s1 =	sadd.s32 $0x40, s1;
	s20 =	sadd.s32 s21, s28;
	[tilespmem:$0x7C80] =	vst @p1 v6;
	v5 =	vpsel p1, v6, v5  }
0x77: {  	p0 =	sne.s32 s1, $0x200;
	v6 =	vld [tilespmem:s20+$0x0];
	_ =	sdelay $0x4  }
0x78: {  	vm0 =	vgt.f32 v6, $6.999999880e-01  }
0x79: {  	v7 =	vsel vm0, $0x3F800000, v1  }
0x7a: {  	(xrf0) =	vmax.scan.msk.f32 $0xffff, v7;
	_ =	sdelay $0x5  }
0x7b: {  	v7, _, _ =	vpop (xrf0)  }
0x7c: {  	(v2sf) =	vpush v7, $0xF;
	_ =	sdelay $0xe  }
0x7d: {  	s20 =	spop (v2sf)  }
0x7e: {  	p1 =	sgt.f32 s20, $0.0e+00;
	_ =	sdelay $0x1  }
0x7f: {  	vm0 =	vgt.f32 @p1 v6, $6.999999880e-01;
	v6 =	vimm.s32 @p1 $0x0  }
0x80: {  	v6 =	vsel @p1 vm0, $0x1, v6  }
0x81: {  	(xrf0) =	vadd.scan.msk.s32 @p1 $0xffff, v6;
	_ =	sdelay $0x4  }
0x82: {  	v6 =	vbroadcast @p1 v5, $0x0  }
0x83: {  	v7, _, _ =	vpop @p1 (xrf0)  }
0x84: {  	v7 =	vadd.s32 @p1 v6, v7  }
.Ltmp4:
0x85: {  	v7 =	vadd.s32 @p1 $0xFFFFFFFF, v7;
	(pc) =	sbr.rel @p0 .LBB2_5-.Ltmp4, $3  }
0x86: {  	_ =	sdelay $0x1  }
0x87: {  	s2 =	sadd.s32 $0x10, s2;
	v9 =	vlaneseq.u32 @p1;
	v8 =	vmpcnt.ones.xlane @p1 vm0  }
0x88: {  	s20 =	simm.s32 @p1 $0x7680;
	v9 =	vor.u32 @p1 s2, v9  }
0x89: {  	_ =	sdelay $0x1  }
.Ltmp5:
0x8a: {  	_ = 	snop;
	(pc) =	sbr.rel .LBB2_7-.Ltmp5, $3  }
0x8b: {  	_ =	sdelay $0x1  }
0x8c: {  	[tilespmem:v7+s20+$0x0] =	vst.idx.msk @p1 vm0, v9;
	v6 =	vadd.s32 @p1 v8, v6  }
0x8d: {  	[tilespmem:$0x7C80] =	vst @p1 v6;
	v5 =	vpsel p1, v6, v5  }
.LBB2_8:
0x8e: {  	v6 =	vld [tilespmem:$0x2700];
	_ =	sdelay $0x4  }
0x8f: {  	vm0 =	vgt.f32 v6, $6.999999880e-01  }
0x90: {  	v7 =	vsel vm0, $0x3F800000, v1  }
0x91: {  	(xrf0) =	vmax.scan.msk.f32 $0xffff, v7;
	_ =	sdelay $0x5  }
0x92: {  	v7, _, _ =	vpop (xrf0)  }
0x93: {  	(v2sf) =	vpush v7, $0xF;
	_ =	sdelay $0xe  }
0x94: {  	s0 =	spop (v2sf)  }
0x95: {  	p0 =	sgt.f32 s0, $0.0e+00;
	_ =	sdelay $0x1  }
0x96: {  	vm0 =	vgt.f32 @p0 v6, $6.999999880e-01  }
0x97: {  	v7 =	vbroadcast @p0 v5, $0x0;
	v6 =	vmpcnt.ones.xlane @p0 vm0;
	_ =	sdelay $0x1  }
0x98: {  	v6 =	vadd.s32 @p0 v6, v7  }
0x99: {  	v5 =	vpsel p0, v6, v5  }
0x9a: {  	(v2sf) =	vpush v5, $0x0;
	_ =	sdelay $0x4  }
0x9b: {  	v5 =	vimm.s32 @p0 $0x0  }
0x9c: {  	v5 =	vsel @p0 vm0, $0x1, v5  }
0x9d: {  	(xrf0) =	vadd.scan.msk.s32 @p0 $0xffff, v5;
	_ =	sdelay $0x5  }
0x9e: {  	v5, _, _ =	vpop @p0 (xrf0)  }
0x9f: {  	v5 =	vadd.s32 @p0 v7, v5  }
0xa0: {  	v5 =	vadd.s32 @p0 $0xFFFFFFFF, v5;
	s26 =	spop (v2sf)  }
0xa1: {  	p1 =	sne.s32 s26, $0x0  }
.Ltmp6:
0xa2: {  	_ = 	snop;
	(pc) =	sbr.rel @p1 .LBB2_12-.Ltmp6, $4  }
0xa3: {  	v7 =	vlaneseq.u32 @p0  }
0xa4: {  	s0 =	simm.s32 @p0 $0x7680;
	v7 =	vor.u32 @p0 $0x2700, v7  }
0xa5: {  	[tilespmem:v5+s0+$0x0] =	vst.idx.msk @p0 vm0, v7  }
0xa6: {  	[tilespmem:$0x7C80] =	vst @p0 v6  }
0xa7: {  	s0 =	simm.s32 $0x0  }
0xa8: {  	v5 =	vld [tilespmem:s0+$0x0];
	_ =	sdelay $0x4  }
0xa9: {  	(xrf0) =	vmax.scan.msk.f32 $0xffff, v5;
	_ =	sdelay $0x3  }
0xaa: {  	s1 =	simm.s32 $0x10  }
0xab: {  	v6 =	vld [tilespmem:s1+$0x0]  }
0xac: {  	v7, _, _ =	vpop (xrf0)  }
0xad: {  	v9 =	vbroadcast v7, $0xF  }
0xae: {  	s2 =	simm.s32 $0x20  }
0xaf: {  	v8 =	vld [tilespmem:s2+$0x0];
	vm0 =	veq.f32 v5, v9;
	v5 =	vor.u32 s0, v2  }
0xb0: {  	(xrf0) =	vmax.scan.msk.f32 $0xffff, v6;
	v5 =	vnsel vm0, $0xC0000000, v5  }
0xb1: {  	(xrf0) =	vmin.scan.msk.u32 $0xffff, v5;
	_ =	sdelay $0x2  }
0xb2: {  	(xrf0) =	vmax.scan.msk.f32 $0xffff, v8;
	_ =	sdelay $0x1  }
0xb3: {  	(v2sf) =	vpush v7, $0xF;
	v5, _, _ =	vpop (xrf0)  }
0xb4: {  	v7 =	vbroadcast v5, $0xF;
	(v2sf) =	vpush v5, $0xF;
	v5, _, _ =	vpop (xrf0)  }
0xb5: {  	s21 =	simm.s32 $0x30;
	(v2sf) =	vpush v5, $0xF  }
0xb6: {  	v61 =	vld [tilespmem:s21+$0x0]  }
0xb7: {  	s22 =	simm.s32 $0x40;
	vm12 =	veq.f32 v6, v7;
	v6, _, _ =	vpop (xrf0)  }
0xb8: {  	v7 =	vld [tilespmem:s22+$0x0];
	v5 =	vor.u32 s1, v2;
	v10 =	vbroadcast v6, $0xF  }
0xb9: {  	v5 =	vnsel vm12, $0xC0000000, v5  }
0xba: {  	(xrf0) =	vmin.scan.msk.u32 $0xffff, v5;
	v5 =	vor.u32 s2, v2;
	vm13 =	veq.f32 v8, v10  }
0xbb: {  	(xrf0) =	vmax.scan.msk.f32 $0xffff, v61;
	v5 =	vnsel vm13, $0xC0000000, v5  }
0xbc: {  	(v2sf) =	vpush v6, $0xF;
	(xrf0) =	vmin.scan.msk.u32 $0xffff, v5  }
0xbd: {  	(xrf0) =	vmax.scan.msk.f32 $0xffff, v7;
	_ =	sdelay $0x2  }
0xbe: {  	v6, _, _ =	vpop (xrf0)  }
0xbf: {  	v8, _, _ =	vpop (xrf0);
	(v2sf) =	vpush v6, $0xF  }
0xc0: {  	s1 =	spop (v2sf);
	(v2sf) =	vpush v8, $0xF;
	v11, _, _ =	vpop (xrf0)  }
0xc1: {  	s20 =	simm.s32 $0x50;
	s2 =	spop (v2sf);
	v12, _, _ =	vpop (xrf0);
	(v2sf) =	vpush v11, $0xF  }
0xc2: {  	v5 =	vld [tilespmem:s20+$0x0];
	v62 =	vbroadcast v8, $0xF;
	s23 =	spop (v2sf);
	(v2sf) =	vpush v12, $0xF;
	_ =	sdelay $0x1  }
0xc3: {  	v6 =	vor.u32 s21, v2;
	vm14 =	veq.f32 v61, v62  }
0xc4: {  	v6 =	vnsel vm14, $0xC0000000, v6  }
0xc5: {  	v63 =	vbroadcast v12, $0xF;
	(xrf0) =	vmin.scan.msk.u32 $0xffff, v6  }
0xc6: {  	s0 =	simm.f32 $-3.000000010e+38;
	s21 =	simm.s32 $0x60;
	(xrf0) =	vmax.scan.msk.f32 $0xffff, v5  }
0xc7: {  	s28 =	simm.s32 $0x1;
	s30 =	simm.s32 $0x70;
	p0 =	sgt.f32 s1, s0;
	v6 =	vld [tilespmem:s21+$0x0];
	vm15 =	veq.f32 v7, v63;
	v7 =	vor.u32 s22, v2  }
0xc8: {  	v7 =	vnsel vm15, $0xC0000000, v7;
	s22 =	spop (v2sf);
	s29 =	sxor.u32 $0x80000000, s23;
	s23 =	simm.s32 $0x60  }
.LBB2_10:
0xc9: {  	s0 =	smov.u32 @p0 s1  }
0xca: {  	s28 =	smov.u32 @p0 s29;
	s24 =	smov.u32 s30;
	s31 =	sadd.s32 $0x10, s30  }
0xcb: {  	(xrf0) =	vmin.scan.msk.u32 $0xffff, v7;
	v7, _, _ =	vpop (xrf0);
	s1 =	smov.u32 s2;
	s2 =	smov.u32 s22;
	p1 =	sne.s32 s30, $0x2700  }
.Ltmp7:
0xcc: {  	s21 =	sadd.s32 $0x10, s21;
	(xrf0) =	vmax.scan.msk.f32 $0xffff, v6;
	v8, _, _ =	vpop (xrf0);
	(v2sf) =	vpush v7, $0xF;
	v7 =	vmov v6;
	(pc) =	sbr.rel @p1 .LBB2_10-.Ltmp7, $4  }
0xcd: {  	v6 =	vld [tilespmem:s21+$0x0];
	v9 =	vbroadcast v8, $0xF;
	(v2sf) =	vpush v8, $0xF  }
0xce: {  	p0 =	sgt.f32 s1, s0  }
0xcf: {  	s30 =	smov.u32 s31;
	v8 =	vor.u32 s20, v2;
	s20 =	smov.u32 s23;
	vm0 =	veq.f32 v5, v9;
	s29 =	spop (v2sf);
	v5 =	vmov v7  }
0xd0: {  	s23 =	smov.u32 s24;
	v7 =	vnsel vm0, $0xC0000000, v8;
	s22 =	spop (v2sf);
	s29 =	sxor.u32 $0x80000000, s29  }
0xd1: {  	(xrf0) =	vmin.scan.msk.u32 $0xffff, v7  }
0xd2: {  	(xrf0) =	vmax.scan.msk.f32 $0xffff, v6;
	_ =	sdelay $0x2  }
0xd3: {  	v7, _, _ =	vpop (xrf0)  }
0xd4: {  	v8, _, _ =	vpop (xrf0)  }
0xd5: {  	v9, _, _ =	vpop (xrf0)  }
0xd6: {  	v10 =	vbroadcast v8, $0xF;
	v11, _, _ =	vpop (xrf0)  }
0xd7: {  	v12 =	vbroadcast v11, $0xF  }
0xd8: {  	vm0 =	veq.f32 v5, v10;
	v5 =	vor.u32 s20, v2  }
0xd9: {  	v5 =	vnsel vm0, $0xC0000000, v5;
	vm15 =	veq.f32 v6, v12;
	v6 =	vor.u32 s23, v2  }
0xda: {  	(xrf0) =	vmin.scan.msk.u32 $0xffff, v5;
	v5 =	vnsel vm15, $0xC0000000, v6  }
0xdb: {  	(xrf0) =	vmin.scan.msk.u32 $0xffff, v5;
	_ =	sdelay $0x1  }
0xdc: {  	(v2sf) =	vpush v7, $0xF  }
0xdd: {  	(v2sf) =	vpush v8, $0xF  }
0xde: {  	(v2sf) =	vpush v9, $0xF  }
0xdf: {  	(v2sf) =	vpush v11, $0xF;
	v5, _, _ =	vpop (xrf0)  }
0xe0: {  	s0 =	smov.u32 @p0 s1;
	(v2sf) =	vpush v5, $0xF;
	v5, _, _ =	vpop (xrf0)  }
0xe1: {  	p1 =	sgt.f32 s2, s0;
	(v2sf) =	vpush v5, $0xF;
	_ =	sdelay $0x1  }
0xe2: {  	s0 =	smov.u32 @p1 s2  }
0xe3: {  	p2 =	sgt.f32 s22, s0  }
0xe4: {  	s20 =	spop (v2sf)  }
0xe5: {  	s2 =	spop (v2sf);
	s0 =	smov.u32 @p2 s22  }
0xe6: {  	p3 =	sgt.f32 s2, s0  }
0xe7: {  	s22 =	spop (v2sf)  }
0xe8: {  	s0 =	smov.u32 @p3 s2;
	s21 =	spop (v2sf)  }
0xe9: {  	s28 =	smov.u32 @p0 s29;
	s1 =	sxor.u32 $0x80000000, s20;
	p0 =	sgt.f32 s21, s0  }
0xea: {  	s28 =	smov.u32 @p1 s1;
	s1 =	sxor.u32 $0x80000000, s22;
	s23 =	spop (v2sf)  }
0xeb: {  	s28 =	smov.u32 @p2 s1;
	s0 =	smov.u32 @p0 s21;
	s1 =	spop (v2sf)  }
0xec: {  	s2 =	sxor.u32 $0x80000000, s23;
	p1 =	sgt.f32 s1, s0;
	s24 =	spop (v2sf)  }
0xed: {  	s28 =	smov.u32 @p3 s2;
	s2 =	sxor.u32 $0x80000000, s24;
	s29 =	spop (v2sf)  }
0xee: {  	s0 =	smov.u32 @p1 s1;
	s28 =	smov.u32 @p0 s2;
	s30 =	spop (v2sf)  }
0xef: {  	p0 =	sgt.f32 s29, s0;
	s1 =	sxor.u32 $0x80000000, s30;
	s31 =	spop (v2sf)  }
0xf0: {  	s28 =	smov.u32 @p1 s1;
	s0 =	sxor.u32 $0x80000000, s31  }
0xf1: {  	s28 =	smov.u32 @p0 s0  }
0xf2: {  	v5 =	vmov s28  }
0xf3: {  	[tilespmem:$0x7680] =	vst v5  }
.LBB2_12:
0xf4: {  	p0 =	sgt.s32 s26, $0x1  }
0xf5: {  	s26 =	simm.s32 @!p0 $0x1  }
0xf6: {  	s0 =	sadd.s32 $0xF, s26  }
0xf7: {  	p0 =	slt.s32 s0, $0x10  }
.Ltmp8:
0xf8: {  	_ = 	snop;
	(pc) =	sbr.rel @p0 .LBB2_19-.Ltmp8, $2  }
0xf9: {  	_ =	sdelay $0x2  }
0xfa: {  	s28 =	simm.s32 $0x0;
	s1 =	simm.s32 $0x0  }
0xfb: {  	s1 =	simm.s32 $0x7680  }
0xfc: {  	s23 =	sshra.s32 s0, $0x1F;
	v7 =	vld [tilespmem:s1+$0x0]  }
0xfd: {  	s1 =	sshrl.u32 s23, $0x1C  }
0xfe: {  	s24 =	sadd.s32 s1, s0  }
0xff: {  	s1 =	sshra.s32 s24, $0x4  }
0x100: {  	p1 =	sne.s32 s1, $0x1  }
.Ltmp9:
0x101: {  	_ = 	snop;
	(pc) =	sbr.rel @!p1 .LBB2_14-.Ltmp9, $3  }
0x102: {  	_ =	sdelay $0x1  }
0x103: {  	s30 =	simm.s32 $0x7880;
	s29 =	simm.s32 $0x7A80;
	s31 =	simm.s32 $0x7C80;
	v6 =	vld.idx.msk [tilespmem:v7+s13+$0x0], $0xffff  }
0x104: {  	v5 =	vadd.s32 s26, v3;
	p0 =	por $0x0, $0x0;
	s0 =	simm.s32 $0x0;
	s1 =	sadd.s32 $0xFFFFFFFF, s1;
	v7 =	vld.idx.msk [tilespmem:v7+s14+$0x0], $0xffff  }
0x105: {  	_ =	sdelay $0x2  }
0x106: {  	v8 =	vmov s0  }
0x107: {  	vm0 =	vlt.s32 v8, v5;
	v7 =	vsub.s32 v7, v6  }
0x108: {  	v7 =	vnsel vm0, $0x0, v7  }
0x109: {  	(xrf0) =	vadd.scan.msk.s32 $0xffff, v7;
	_ =	sdelay $0x5  }
0x10a: {  	v8, _, _ =	vpop (xrf0)  }
0x10b: {  	v62 =	vsub.s32 s0, v7;
	v9 =	vxor.u32 $0x80000000, v8  }
0x10c: {  	v8 =	vadd.s32 v8, v62;
	(xrf0) =	vmax.scan.msk.u32 $0xffff, v9  }
0x10d: {  	v9 =	vsub.s32 $0x190, v8  }
0x10e: {  	vm15 =	vgt.s32 v9, $0x0  }
0x10f: {  	v9 =	vnsel vm15, $0x0, v9  }
0x110: {  	vm0 =	vlt.s32 v7, v9  }
0x111: {  	v7 =	vsel vm0, v7, v9  }
0x112: {  	v7 =	vadd.s32 $0xF, v7;
	v10, _, _ =	vpop (xrf0)  }
0x113: {  	v63 =	vshra.s32 v7, $0x1F;
	(v2sf) =	vpush v10, $0xF  }
0x114: {  	v9 =	vshrl.u32 v63, $0x1C  }
0x115: {  	[tilespmem:s30+$0x0] =	vst v8;
	v7 =	vadd.s32 v9, v7  }
0x116: {  	[tilespmem:s29+$0x0] =	vst v6;
	v6 =	vshra.s32 v7, $0x4  }
0x117: {  	s22 =	simm.s32 $0x7690;
	[tilespmem:s31+$0x0] =	vst v6  }
0x118: {  	v7 =	vld [tilespmem:s22+$0x0];
	_ =	sdelay $0x4  }
0x119: {  	p1 =	sne.s32 s1, $0x1  }
.Ltmp10:
0x11a: {  	_ = 	snop;
	(pc) =	sbr.rel @!p1 .LBB2_16-.Ltmp10, $4  }
0x11b: {  	_ = 	snop  }
0x11c: {  	s23 =	sadd.s32 $0xFFFFFFFF, s1;
	s21 =	simm.s32 $0x10;
	v6 =	vld.idx.msk [tilespmem:v7+s13+$0x0], $0xffff  }
0x11d: {  	p0 =	por $0x1, $0x1;
	s20 =	simm.s32 $0x0;
	s1 =	simm.s32 $0x7880;
	v7 =	vld.idx.msk [tilespmem:v7+s14+$0x0], $0xffff  }
0x11e: {  	s2 =	simm.s32 $0x7A80;
	s31 =	simm.s32 $0x7C90;
	s24 =	spop (v2sf)  }
.LBB2_17:
0x11f: {  	s20 =	sadd.s32 s24, s20;
	s1 =	sadd.s32 $0x10, s1;
	s2 =	sadd.s32 $0x10, s2  }
0x120: {  	p1 =	sne.s32 s23, $0x1;
	s23 =	sadd.s32 $0xFFFFFFFF, s23;
	v8 =	vmov s21;
	s20 =	sadd.s32 $0x80000000, s20  }
0x121: {  	vm0 =	vlt.s32 v8, v5  }
0x122: {  	v7 =	vsub.s32 v7, v6  }
0x123: {  	v7 =	vnsel vm0, $0x0, v7  }
0x124: {  	(xrf0) =	vadd.scan.msk.s32 $0xffff, v7;
	_ =	sdelay $0x5  }
0x125: {  	v8 =	vsub.s32 s20, v7;
	v9, _, _ =	vpop (xrf0)  }
0x126: {  	v8 =	vadd.s32 v9, v8;
	v9 =	vxor.u32 $0x80000000, v9  }
0x127: {  	v10 =	vsub.s32 $0x190, v8;
	[tilespmem:s1+$0x0] =	vst v8;
	(xrf0) =	vmax.scan.msk.u32 $0xffff, v9  }
0x128: {  	vm0 =	vgt.s32 v10, $0x0;
	[tilespmem:s2+$0x0] =	vst v6  }
0x129: {  	v6 =	vnsel vm0, $0x0, v10  }
0x12a: {  	vm0 =	vlt.s32 v7, v6  }
0x12b: {  	v6 =	vsel vm0, v7, v6  }
0x12c: {  	v6 =	vadd.s32 $0xF, v6  }
0x12d: {  	v7 =	vshra.s32 v6, $0x1F;
	v8, _, _ =	vpop (xrf0)  }
0x12e: {  	v7 =	vshrl.u32 v7, $0x1C;
	(v2sf) =	vpush v8, $0xF  }
0x12f: {  	v6 =	vadd.s32 v7, v6  }
0x130: {  	v6 =	vshra.s32 v6, $0x4  }
0x131: {  	s22 =	sadd.s32 $0x10, s22;
	[tilespmem:s31+$0x0] =	vst v6  }
0x132: {  	v7 =	vld [tilespmem:s22+$0x0];
	_ =	sdelay $0x6  }
.Ltmp11:
0x133: {  	(pc) =	sbr.rel @p1 .LBB2_17-.Ltmp11, $3  }
0x134: {  	v6 =	vld.idx.msk [tilespmem:v7+s13+$0x0], $0xffff  }
0x135: {  	v7 =	vld.idx.msk [tilespmem:v7+s14+$0x0], $0xffff;
	_ =	sdelay $0x1  }
0x136: {  	s21 =	sadd.s32 $0x10, s21;
	s31 =	sadd.s32 $0x10, s31;
	s24 =	spop (v2sf)  }
.LBB2_18:
0x137: {  	_ = 	snop  }
0x138: {  	v8 =	vmov s21  }
0x139: {  	vm0 =	vlt.s32 v8, v5;
	v5 =	vsub.s32 v7, v6  }
0x13a: {  	v5 =	vnsel vm0, $0x0, v5  }
0x13b: {  	(xrf0) =	vadd.scan.msk.s32 $0xffff, v5;
	_ =	sdelay $0x5  }
0x13c: {  	v7, _, _ =	vpop (xrf0)  }
0x13d: {  	v61 =	vxor.u32 $0x80000000, v7  }
0x13e: {  	(xrf0) =	vmax.scan.msk.u32 $0xffff, v61;
	_ =	sdelay $0x5  }
0x13f: {  	v8, _, _ =	vpop (xrf0)  }
0x140: {  	(v2sf) =	vpush v8, $0xF;
	_ =	sdelay $0x3  }
0x141: {  	s20 =	sadd.s32 @p0 s24, s20  }
0x142: {  	s20 =	sadd.s32 @p0 $0x80000000, s20  }
0x143: {  	s0 =	smov.u32 @p0 s20  }
0x144: {  	v62 =	vsub.s32 s0, v5  }
0x145: {  	v7 =	vadd.s32 v7, v62  }
0x146: {  	v8 =	vsub.s32 $0x190, v7  }
0x147: {  	vm15 =	vgt.s32 v8, $0x0  }
0x148: {  	v8 =	vnsel vm15, $0x0, v8  }
0x149: {  	vm0 =	vlt.s32 v5, v8  }
0x14a: {  	v5 =	vsel vm0, v5, v8  }
0x14b: {  	v5 =	vadd.s32 $0xF, v5  }
0x14c: {  	s1 =	sadd.s32 @p0 $0x10, s1;
	v63 =	vshra.s32 v5, $0x1F;
	s24 =	spop (v2sf)  }
0x14d: {  	s2 =	sadd.s32 @p0 $0x10, s2;
	s30 =	smov.u32 @p0 s1;
	v8 =	vshrl.u32 v63, $0x1C;
	s0 =	sadd.s32 s24, s0  }
0x14e: {  	s29 =	smov.u32 @p0 s2;
	[tilespmem:s30+$0x0] =	vst v7;
	v5 =	vadd.s32 v8, v5;
	s1 =	sadd.s32 $0x80000000, s0  }
0x14f: {  	[tilespmem:s29+$0x0] =	vst v6;
	v5 =	vshra.s32 v5, $0x4;
	p0 =	slt.s32 s1, $0x190  }
0x150: {  	[tilespmem:s31+$0x0] =	vst v5;
	s1 =	simm.s32 @!p0 $0x190  }
.LBB2_19:
.Ltmp12:
0x151: {  	(pc) =	sbr.rel .LBB2_20-.Ltmp12, $2  }
0x152: {  	_ =	sdelay $0x2  }
0x153: {  	s0 =	simm.s32 $0x0  }
.LBB2_23:
0x154: {  	s28 =	sadd.s32 s20, s2  }
.LBB2_24:
0x155: {  	s0 =	sadd.s32 $0x1, s0  }
0x156: {  	p0 =	seq.s32 s0, s26  }
.Ltmp13:
0x157: {  	_ = 	snop;
	(pc) =	sbr.rel @p0 .LBB2_25-.Ltmp13, $1  }
0x158: {  	_ =	sdelay $0x3  }
.LBB2_20:
0x159: {  	v5 =	vld [tilespmem:s0+$0x7C80];
	_ =	sdelay $0x4  }
0x15a: {  	v6 =	vld [tilespmem:s0+$0x7880];
	(v2sf) =	vpush v5, $0x0  }
0x15b: {  	v7 =	vld [tilespmem:s0+$0x7A80];
	_ =	sdelay $0x3  }
0x15c: {  	(v2sf) =	vpush v6, $0x0  }
0x15d: {  	(v2sf) =	vpush v7, $0x0;
	_ =	sdelay $0x8  }
0x15e: {  	s2 =	spop (v2sf)  }
0x15f: {  	p0 =	slt.s32 s2, $0x1  }
.Ltmp14:
0x160: {  	_ = 	snop;
	(pc) =	sbr.rel @p0 .LBB2_24-.Ltmp14, $3  }
0x161: {  	_ =	sdelay $0x1  }
0x162: {  	s21 =	spop (v2sf)  }
0x163: {  	s20 =	smov.u32 s28;
	s23 =	spop (v2sf)  }
0x164: {  	p0 =	sne.s32 s2, $0x1  }
.Ltmp15:
0x165: {  	s21 =	sshll.u32 s21, $0x5;
	(pc) =	sbr.rel @!p0 .LBB2_23-.Ltmp15, $4  }
0x166: {  	s22 =	sand.u32 $0x1FFFFFFF, s23;
	s21 =	sshra.s32 s21, $0x2  }
0x167: {  	s22 =	sadd.s32 s5, s22;
	s21 =	sadd.s32 $0x7E80, s21  }
0x168: {  	[tilespmem:s21], [sflag:$0x1] =	stream.linear.gather [hbm4b:s22+s3], $0x80, $0x38;
	[tilespmem:$0x9880] =	vst v63  }
0x169: {  	s23 =	sadd.s32 $0x10, s23;
	s22 =	sadd.s32 $0xFFFFFFFF, s2  }
.LBB2_22:
0x16a: {  	s24 =	sand.u32 $0x1FFFFFFF, s23;
	p0 =	sne.s32 s22, $0x1;
	s22 =	sadd.s32 $0xFFFFFFFF, s22  }
.Ltmp16:
0x16b: {  	s21 =	sadd.s32 $0x80, s21;
	s24 =	sadd.s32 s5, s24;
	(pc) =	sbr.rel @p0 .LBB2_22-.Ltmp16, $3  }
0x16c: {  	[tilespmem:s21], [sflag:$0x1] =	stream.linear.gather [hbm4b:s24+s3], $0x80, $0x38;
	[tilespmem:$0x9880] =	vst v63  }
0x16d: {  	_ =	sdelay $0x1  }
0x16e: {  	s23 =	sadd.s32 $0x10, s23  }
.Ltmp17:
0x16f: {  	_ = 	snop;
	(pc) =	sbr.rel .LBB2_23-.Ltmp17, $1  }
0x170: {  	_ =	sdelay $0x3  }
.LBB2_25:
0x171: {  	p0 =	slt.s32 s28, $0x1  }
.Ltmp18:
0x172: {  	_ = 	snop;
	(pc) =	sbr.rel @p0 .LBB2_29-.Ltmp18, $1  }
0x173: {  	_ =	sdelay $0x3  }
0x174: {  	p0 =	sgt.s32 s2, $0x0  }
0x175: {  	s2 =	simm.s32 @!p0 $0x0  }
0x176: {  	s0 =	sadd.s32 s2, s20  }
0x177: {  	p0 =	seq.s32 s0, $0x1  }
.Ltmp19:
0x178: {  	_ = 	snop;
	(pc) =	sbr.rel @p0 .LBB2_28-.Ltmp19, $3  }
0x179: {  	_ =	sdelay $0x1  }
0x17a: {  	_ =	swait.ge [sflag:s18], $0x80  }
0x17b: {  	[sflag:s18] =	ssyncset.done $0x0;
	s0 =	sadd.s32 $0xFFFFFFFF, s0  }
.LBB2_27:
0x17c: {  	p0 =	seq.s32 s0, $0x1;
	s0 =	sadd.s32 $0xFFFFFFFF, s0;
	[sflag:s18] =	ssyncadd.s32 $0xFFFFFF80  }
.Ltmp20:
0x17d: {  	(pc) =	sbr.rel @!p0 .LBB2_27-.Ltmp20, $3  }
0x17e: {  	_ =	sdelay $0x1  }
0x17f: {  	_ =	swait.ge [sflag:s18], $0x80  }
0x180: {  	[sflag:s18] =	ssyncset.done $0x0  }
.LBB2_28:
0x181: {  	[sflag:s18] =	ssyncadd.s32 $0xFFFFFF80  }
.LBB2_29:
0x182: {  	s21 =	simm.s32 $0x0  }
0x183: {  	v6 =	vor.u32 s21, v0  }
0x184: {  	v7 =	vshll.u32 v6, $0x3;
	_ =	sdelay $0x1  }
0x185: {  	v8 =	vor.u32 $0x1, v7  }
0x186: {  	v9 =	vor.u32 $0x2, v7;
	_ =	sdelay $0x1  }
0x187: {  	v7 =	vld.idx.msk [tilespmem:v7+s19+$0x0], $0xffff;
	_ =	sdelay $0x1  }
0x188: {  	v8 =	vld.idx.msk [tilespmem:v8+s19+$0x0], $0xffff  }
0x189: {  	v9 =	vld.idx.msk [tilespmem:v9+s19+$0x0], $0xffff;
	_ =	sdelay $0x1  }
0x18a: {  	vm0 =	vgt.s32 v7, $0x0  }
0x18b: {  	v7 =	vnsel vm0, $0x0, v7  }
0x18c: {  	vm0 =	vgt.s32 v8, $0x0;
	v7 =	vmin.u32 v7, $0x270F  }
0x18d: {  	s26 =	simm.s32 $0x8E80;
	v8 =	vnsel vm0, $0x0, v8;
	vm0 =	vgt.s32 v9, $0x0  }
0x18e: {  	s0 =	simm.s32 $0x9080;
	v8 =	vmin.u32 v8, $0x270F;
	v9 =	vnsel vm0, $0x0, v9;
	[tilespmem:s26+$0x0] =	vst v7  }
0x18f: {  	s20 =	simm.s32 $0x9280;
	v9 =	vmin.u32 v9, $0xC7;
	[tilespmem:s0+$0x0] =	vst v8  }
0x190: {  	[tilespmem:s20+$0x0] =	vst v9  }
0x191: {  	v9 =	vld.idx.msk [tilespmem:v7+s3+$0x0], $0xffff  }
0x192: {  	s31 =	simm.s32 $0x10  }
0x193: {  	v5 =	vmov s1;
	v7 =	vor.u32 s31, v0  }
0x194: {  	vm0 =	vlt.s32 v6, v5;
	v6 =	vshll.u32 v7, $0x3  }
0x195: {  	s2 =	simm.s32 $0x9480;
	s1 =	simm.s32 $0x9680;
	s22 =	simm.s32 $0x20;
	vm0 =	vmmov vm0;
	vm1 =	vlt.s32 v7, v5;
	v8 =	vor.u32 $0x1, v6  }
0x196: {  	s21 =	simm.s32 $0x9290;
	s20 =	simm.s32 $0x9490;
	v7 =	vor.u32 $0x2, v6;
	[tilespmem:s2+$0x0] =	vst v9;
	v9 =	vsel vm0, $0x3F800000, v4;
	s2 =	simm.s32 $0x9690;
	vm0 =	vmmov vm1  }
.LBB2_30:
0x197: {  	s26 =	sadd.s32 $0x10, s26;
	s0 =	sadd.s32 $0x10, s0  }
0x198: {  	[tilespmem:s1+$0x0] =	vst v9;
	s23 =	smov.u32 s22;
	s24 =	sadd.s32 $0x10, s22;
	s1 =	smov.u32 s2  }
0x199: {  	p0 =	sne.s32 s22, $0x180;
	v6 =	vld.idx.msk [tilespmem:v6+s19+$0x0], $0xffff;
	_ =	sdelay $0x1  }
0x19a: {  	v8 =	vld.idx.msk [tilespmem:v8+s19+$0x0], $0xffff  }
0x19b: {  	v7 =	vld.idx.msk [tilespmem:v7+s19+$0x0], $0xffff;
	_ =	sdelay $0x2  }
0x19c: {  	vm1 =	vgt.s32 v6, $0x0  }
0x19d: {  	v6 =	vnsel vm1, $0x0, v6  }
0x19e: {  	v6 =	vmin.u32 v6, $0x270F;
	vm1 =	vgt.s32 v8, $0x0  }
0x19f: {  	v8 =	vnsel vm1, $0x0, v8;
	vm1 =	vgt.s32 v7, $0x0  }
0x1a0: {  	v8 =	vmin.u32 v8, $0x270F;
	v7 =	vnsel vm1, $0x0, v7;
	[tilespmem:s26+$0x0] =	vst v6  }
0x1a1: {  	v7 =	vmin.u32 v7, $0xC7;
	[tilespmem:s0+$0x0] =	vst v8  }
0x1a2: {  	[tilespmem:s21+$0x0] =	vst v7  }
0x1a3: {  	v9 =	vld.idx.msk [tilespmem:v6+s3+$0x0], $0xffff;
	_ =	sdelay $0x1  }
.Ltmp21:
0x1a4: {  	v7 =	vor.u32 s23, v0;
	(pc) =	sbr.rel @p0 .LBB2_30-.Ltmp21, $4  }
0x1a5: {  	v6 =	vshll.u32 v7, $0x3;
	vm1 =	vlt.s32 v7, v5  }
0x1a6: {  	v8 =	vor.u32 $0x1, v6;
	v7 =	vor.u32 $0x2, v6  }
0x1a7: {  	s2 =	sadd.s32 $0x10, s2  }
0x1a8: {  	s22 =	smov.u32 s24;
	s21 =	sadd.s32 $0x10, s21;
	[tilespmem:s20+$0x0] =	vst v9;
	v9 =	vsel vm0, $0x3F800000, v4;
	s20 =	sadd.s32 $0x10, s20;
	vm0 =	vmmov vm1  }
0x1a9: {  	_ =	sdelay $0x2  }
0x1aa: {  	[tilespmem:s1+$0x0] =	vst v9  }
0x1ab: {  	v5 =	vld.idx.msk [tilespmem:v6+s19+$0x0], $0xffff;
	_ =	sdelay $0x1  }
0x1ac: {  	v6 =	vld.idx.msk [tilespmem:v8+s19+$0x0], $0xffff  }
0x1ad: {  	v7 =	vld.idx.msk [tilespmem:v7+s19+$0x0], $0xffff;
	_ =	sdelay $0x1  }
0x1ae: {  	vm1 =	vgt.s32 v5, $0x0  }
0x1af: {  	v5 =	vnsel vm1, $0x0, v5  }
0x1b0: {  	vm14 =	vgt.s32 v6, $0x0;
	v5 =	vmin.u32 v5, $0x270F  }
0x1b1: {  	s24 =	sadd.s32 $0x10, s26;
	vm15 =	vgt.s32 v7, $0x0;
	v6 =	vnsel vm14, $0x0, v6  }
0x1b2: {  	s0 =	sadd.s32 $0x10, s0;
	v7 =	vnsel vm15, $0x0, v7;
	v6 =	vmin.u32 v6, $0x270F;
	[tilespmem:s24+$0x0] =	vst v5  }
0x1b3: {  	v7 =	vmin.u32 v7, $0xC7;
	[tilespmem:s0+$0x0] =	vst v6  }
0x1b4: {  	[tilespmem:s21+$0x0] =	vst v7  }
0x1b5: {  	v5 =	vld.idx.msk [tilespmem:v5+s3+$0x0], $0xffff;
	_ =	sdelay $0x4  }
0x1b6: {  	[tilespmem:s20+$0x0] =	vst v5;
	v5 =	vsel vm0, $0x3F800000, v4  }
0x1b7: {  	s26 =	simm.s32 $0x8E80;
	[tilespmem:s2+$0x0] =	vst v5  }
0x1b8: {  	[hbm4b:s6+s15] =	stream.strided.scatter [tilespmem:s26], [sflag:$0x2], $0x200, s16, s15, $0x38;
	[tilespmem:$0x9880] =	vst v63  }
0x1b9: {  	_ =	swait.ge [sflag:s17], $0x200  }
0x1ba: {  	[sflag:s17] =	ssyncset.done $0x0  }
0x1bb: {  	s28 =	simm.s32 $0x9080;
	[sflag:s17] =	ssyncadd.s32 $0xFFFFFE00  }
0x1bc: {  	[hbm4b:s7+s15] =	stream.strided.scatter [tilespmem:s28], [sflag:$0x2], $0x200, s16, s15, $0x38;
	[tilespmem:$0x9880] =	vst v63  }
0x1bd: {  	_ =	swait.ge [sflag:s17], $0x200  }
0x1be: {  	[sflag:s17] =	ssyncset.done $0x0  }
0x1bf: {  	s29 =	simm.s32 $0x9280;
	[sflag:s17] =	ssyncadd.s32 $0xFFFFFE00  }
0x1c0: {  	[hbm4b:s8+s15] =	stream.strided.scatter [tilespmem:s29], [sflag:$0x2], $0x200, s16, s15, $0x38;
	[tilespmem:$0x9880] =	vst v63  }
0x1c1: {  	_ =	swait.ge [sflag:s17], $0x200  }
0x1c2: {  	[sflag:s17] =	ssyncset.done $0x0  }
0x1c3: {  	s30 =	simm.s32 $0x9480;
	[sflag:s17] =	ssyncadd.s32 $0xFFFFFE00  }
0x1c4: {  	[hbm4b:s9+s15] =	stream.strided.scatter [tilespmem:s30], [sflag:$0x2], $0x200, s16, s15, $0x38;
	[tilespmem:$0x9880] =	vst v63  }
0x1c5: {  	_ =	swait.ge [sflag:s17], $0x200  }
0x1c6: {  	s25 =	sadd.s32 $0x1, s25;
	[sflag:s17] =	ssyncset.done $0x0  }
0x1c7: {  	s31 =	simm.s32 $0x9680;
	p0 =	sne.s32 s25, s12;
	[sflag:s17] =	ssyncadd.s32 $0xFFFFFE00  }
0x1c8: {  	[hbm4b:s10+s15] =	stream.strided.scatter [tilespmem:s31], [sflag:$0x2], $0x200, s16, s15, $0x38;
	[tilespmem:$0x9880] =	vst v63  }
.Ltmp22:
0x1c9: {  	_ = 	snop;
	(pc) =	sbr.rel @p0 .LBB2_2-.Ltmp22, $4  }
.Ltmp23:
0x1ca: {  	_ = 	snop;
	(pc) =	sbr.rel @!p0 .LBB2_32-.Ltmp23, $4  }
0x1cb: {  	_ =	swait.ge [sflag:s17], $0x200  }
0x1cc: {  	[sflag:s17] =	ssyncset.done $0x0  }
0x1cd: {  	[sflag:s17] =	ssyncadd.s32 $0xFFFFFE00  }
0x1ce: {  	_ = 	snop  }
.LBB2_14:
.Ltmp24:
0x1cf: {  	(pc) =	sbr.rel .LBB2_18-.Ltmp24, $3  }
0x1d0: {  	_ =	sdelay $0x1  }
0x1d1: {  	s20 =	simm.s32 $0x0  }
0x1d2: {  	s1 =	simm.s32 $0x7880;
	s2 =	simm.s32 $0x7A80;
	s21 =	simm.s32 $0x0  }
.LBB2_16:
.Ltmp25:
0x1d3: {  	(pc) =	sbr.rel .LBB2_18-.Ltmp25, $2  }
0x1d4: {  	_ =	sdelay $0x2  }
0x1d5: {  	s20 =	simm.s32 $0x0;
	s1 =	simm.s32 $0x7880;
	s2 =	simm.s32 $0x7A80  }
.LBB2_32:
0x1d6: {  	_ =	sfence.sel $0x180000  }
0x1d7: {  	[bflag:$0x0] =	sbarrier.arrive $0xFFFF  }
0x1d8: {  	_ =	strace $0x90000047  }
0x1d9: {  	s0 =	stileid.u32;
	[bflag:$0x2] =	sbarrier.arrive $0xFFFF  }
0x1da: {  	p0 =	sne.s32 s0, $0x0;
	s0 =	rddreg [dreg:$0x3]  }
0x1db: {  	s0 =	sadd.s32 @!p0 $0x100000, s0  }
0x1dc: {  	[sflag:s0] =	ssyncadd.tile.s32 @!p0 $0x1;
	_ =	shalt  }
.Lfunc_end2:
_tile_overlayer_lowered:
.L_overlay_start_2:
0x1dd: {  	(tag) =	ssettag $0x2  }
0x1de: {  	s0 =	rddreg [dreg:$0x0];
	s2 =	stileid.u32  }
0x1df: {  	s1 =	rddreg [dreg:$0x1];
	p0 =	sne.s32 s2, $0x0  }
0x1e0: {  	s3 =	rddreg [dreg:$0x2];
	[bflag:$0x3] =	sbarrier.arrive $0xFFFF;
	s2 =	simm.s32 @!p0 $0x1C02  }
0x1e1: {  	[timem:s3], [sflag:s2] =	dma.local @!p0 [hbm:s0], s1  }
0x1e2: {  	s0 =	simm.s32 @!p0 $0x2  }
0x1e3: {  	_ =	swait.ge @!p0 [sflag:s0], s1  }
0x1e4: {  	s1 =	ssub.s32 @!p0 $0x0, s1;
	[sflag:s0] =	ssyncset.done @!p0 $0x0  }
0x1e5: {  	[sflag:s0] =	ssyncadd.s32 @!p0 s1  }
0x1e6: {  	[bflag:$0x3] =	sbarrier.arrive $0xFFFF  }
0x1e7: {  	_ =	shalt  }

</sc_bundles>
